<compile_context>
chip_gen: v7x
topology: tpu7x:2x2x1
jax: 0.10.2.dev20260603
libtpu: 0.0.44.dev20260713+nightly
codegen_flags: <defaults>
</compile_context>

<pallas_src>
import jax
import jax.numpy as jnp
from jax import lax
from jax.experimental import pallas as pl
from jax.experimental.pallas import tpu as pltpu
from jax.experimental.pallas import tpu_sc as plsc

V = 100000
F = 200000
NC = 2
NS = 16
NW = NC * NS
CHUNK = 128
FP = 204800
CPW = FP // (NW * CHUNK)
VP = 100352
TPS = VP // NS
NBUF = 2


def _sc_body(faces_ref, verts_ref, zeros_ref, part_ref,
             tabx, taby, tabz, accx, accy, accz,
             idx_v, g_v, fn_v, gsem, ssem):
    c = lax.axis_index("c")
    s = lax.axis_index("s")
    wid = c * NS + s
    base = s * TPS

    sl = pl.ds(base, TPS)
    stage = [
        pltpu.make_async_copy(verts_ref.at[0, 0, sl], tabx.at[sl], ssem.at[0]),
        pltpu.make_async_copy(verts_ref.at[1, 0, sl], taby.at[sl], ssem.at[0]),
        pltpu.make_async_copy(verts_ref.at[2, 0, sl], tabz.at[sl], ssem.at[0]),
        pltpu.make_async_copy(zeros_ref, accx.at[sl], ssem.at[0]),
        pltpu.make_async_copy(zeros_ref, accy.at[sl], ssem.at[0]),
        pltpu.make_async_copy(zeros_ref, accz.at[sl], ssem.at[0]),
    ] + [
        pltpu.make_async_copy(faces_ref.at[d, wid], idx_v.at[d], ssem.at[1])
        for d in range(3)
    ]
    for cp in stage:
        cp.start()
    for cp in stage:
        cp.wait()

    plsc.subcore_barrier()

    tabs = (tabx, taby, tabz)
    accs = (accx, accy, accz)

    def gather_cps(j, p):
        cps = []
        for k in range(3):
            idx = idx_v.at[k, j, 0]
            for d in range(3):
                cps.append(pltpu.make_async_copy(
                    tabs[d].at[idx], g_v.at[p, k * 3 + d], gsem.at[p]))
        return cps

    def scatter_cps(j, p):
        cps = []
        for k in range(3):
            idx = idx_v.at[k, j, 0]
            for d in range(3):
                cps.append(pltpu.make_async_copy(
                    fn_v.at[p, d], accs[d].at[idx], ssem.at[p]))
        return cps

    def compute(p):
        for i in range(CHUNK // 16):
            t = pl.ds(16 * i, 16)
            ax = g_v[p, 0, t]
            ay = g_v[p, 1, t]
            az = g_v[p, 2, t]
            bx = g_v[p, 3, t]
            by = g_v[p, 4, t]
            bz = g_v[p, 5, t]
            cx = g_v[p, 6, t]
            cy = g_v[p, 7, t]
            cz = g_v[p, 8, t]
            e0x = bx - ax
            e0y = by - ay
            e0z = bz - az
            e1x = cx - ax
            e1y = cy - ay
            e1z = cz - az
            fn_v[p, 0, t] = e0y * e1z - e0z * e1y
            fn_v[p, 1, t] = e0z * e1x - e0x * e1z
            fn_v[p, 2, t] = e0x * e1y - e0y * e1x

    for jj in range(NBUF - 1):
        for cp in gather_cps(jj, jj):
            cp.start()

    @pl.loop(0, CPW // NBUF)
    def _round(i):
        for half in range(NBUF):
            j = NBUF * i + half
            p = half

            @pl.when(j + NBUF - 1 < CPW)
            def _fire_next_gathers(j=j, p=p):
                for cp in gather_cps(j + NBUF - 1, (p + NBUF - 1) % NBUF):
                    cp.start()

            for cp in gather_cps(j, p):
                cp.wait()

            @pl.when(j >= NBUF)
            def _drain_prev_scatters(j=j, p=p):
                for cp in scatter_cps(j, p):
                    cp.wait()

            compute(p)
            for cp in scatter_cps(j, p):
                cp.start(add=True)

    for jj in range(NBUF):
        for cp in scatter_cps(CPW - NBUF + jj, jj):
            cp.wait()

    plsc.subcore_barrier()

    out_cps = [
        pltpu.make_async_copy(accx.at[sl], part_ref.at[c, 0, 0, sl], gsem.at[0]),
        pltpu.make_async_copy(accy.at[sl], part_ref.at[c, 1, 0, sl], gsem.at[0]),
        pltpu.make_async_copy(accz.at[sl], part_ref.at[c, 2, 0, sl], gsem.at[0]),
    ]
    for cp in out_cps:
        cp.start()
    for cp in out_cps:
        cp.wait()


def _tc_finish_body(p_ref, o_ref):
    p = p_ref[...]
    vn = p[0] + p[1]
    sq = jnp.sum(vn * vn, axis=0, keepdims=True)
    norm = jnp.sqrt(sq)
    normalized = vn / jnp.maximum(norm, 1e-12)
    mask = sq > 1e-20
    default = jnp.where(
        lax.broadcasted_iota(jnp.int32, (3, 1), 0) == 2, 1.0, 0.0
    ).astype(jnp.float32)
    o_ref[...] = jnp.where(mask, normalized, default)


@jax.jit
def kernel(verts, faces):
    vertsT = jnp.zeros((3, 1, VP), jnp.float32).at[:, 0, :V].set(
        jnp.transpose(verts)
    )
    facesT = jnp.transpose(faces).astype(jnp.int32)
    facesP = jnp.concatenate(
        [facesT, jnp.zeros((3, FP - F), jnp.int32)], axis=1
    ).reshape(3, NW, CPW, 1, CHUNK)
    zeros = jnp.zeros((TPS,), jnp.float32)

    mesh = plsc.VectorSubcoreMesh(
        core_axis_name="c", subcore_axis_name="s",
        num_cores=NC, num_subcores=NS,
    )
    partial = pl.kernel(
        _sc_body,
        out_type=jax.ShapeDtypeStruct((NC, 3, 1, VP), jnp.float32),
        mesh=mesh,
        scratch_types=[
            pltpu.VMEM_SHARED((VP,), jnp.float32),
            pltpu.VMEM_SHARED((VP,), jnp.float32),
            pltpu.VMEM_SHARED((VP,), jnp.float32),
            pltpu.VMEM_SHARED((VP,), jnp.float32),
            pltpu.VMEM_SHARED((VP,), jnp.float32),
            pltpu.VMEM_SHARED((VP,), jnp.float32),
            pltpu.VMEM((3, CPW, 1, CHUNK), jnp.int32),
            pltpu.VMEM((NBUF, 9, CHUNK), jnp.float32),
            pltpu.VMEM((NBUF, 3, CHUNK), jnp.float32),
            pltpu.SemaphoreType.DMA((NBUF,)),
            pltpu.SemaphoreType.DMA((NBUF,)),
        ],
    )(facesP, vertsT, zeros)
    partial = partial.reshape(NC, 3, VP)

    B = 2048
    out = pl.pallas_call(
        _tc_finish_body,
        grid=(VP // B,),
        in_specs=[pl.BlockSpec((NC, 3, B), lambda i: (0, 0, i))],
        out_specs=pl.BlockSpec((3, B), lambda i: (0, i)),
        out_shape=jax.ShapeDtypeStruct((3, VP), jnp.float32),
    )(partial)

    return jnp.transpose(out[:, :V])

# --- scband reference (transcript-rebuilt; emitter-appended) ---
"""Pipeline reference for scband-smplxvoxel-skinning-36369783063220 (READ-ONLY COPY).

The authoritative reference and input builder live on the scoring server;
editing this copy changes nothing except your own understanding.
"""

import jax, jax.numpy as jnp
import numpy as np

N_VERTS = 100000
N_FACES = 200000


def setup_inputs(seed: int = 0) -> dict:
    key = jax.random.key(seed)
    k1, k2 = jax.random.split(key)
    verts = jax.random.normal(k1, (N_VERTS, 3), dtype=jnp.float32)
    faces = jax.random.randint(k2, (N_FACES, 3), 0, N_VERTS, dtype=jnp.int32)
    return {"verts": verts, "faces": faces}


def reference(verts, faces):
    # Faithful translation of SMPLXVoxelSkinning.compute_verts_normal
    i0 = faces[:, 0]
    i1 = faces[:, 1]
    i2 = faces[:, 2]
    v0 = verts[i0]
    v1 = verts[i1]
    v2 = verts[i2]
    face_normals = jnp.cross(v1 - v0, v2 - v0)
    vn = jnp.zeros_like(verts)
    for idx in (i0, i1, i2):
        # scatter_add_ over vertex ids (segment reduce)
        vn = vn.at[idx].add(face_normals)
    sq = jnp.sum(vn * vn, axis=-1)
    mask = sq > 1e-20
    # F.normalize(vn, dim=-1): vn / max(||vn||, eps), eps=1e-12
    norm = jnp.linalg.norm(vn, axis=-1, keepdims=True)
    normalized = vn / jnp.maximum(norm, 1e-12)
    default = jnp.array([0.0, 0.0, 1.0], dtype=vn.dtype)
    out = jnp.where(mask[:, None], normalized, default)
    return out

if __name__ == "__main__":
    import jax
    _d = setup_inputs()
    print(jax.jit(kernel)(*tuple(_d.values())))

</pallas_src>

<mosaic_0001>
#map = affine_map<(d0, d1) -> (0, 0, 0, 0, 0)>
#map1 = affine_map<(d0, d1) -> (0, 0, 0)>
#map2 = affine_map<(d0, d1) -> (0)>
#map3 = affine_map<(d0, d1) -> (0, 0, 0, 0)>
module attributes {stable_mosaic.version = 14 : i64} {
  func.func @_sc_body(%arg0: i32, %arg1: i32, %arg2: memref<3x32x50x1x128xi32, #tpu.memory_space<hbm>>, %arg3: memref<3x1x100352xf32, #tpu.memory_space<hbm>>, %arg4: memref<6272xf32, #tpu.memory_space<hbm>>, %arg5: memref<2x3x1x100352xf32, #tpu.memory_space<hbm>>, %arg6: memref<100352xf32, #tpu.memory_space<vmem_shared>>, %arg7: memref<100352xf32, #tpu.memory_space<vmem_shared>>, %arg8: memref<100352xf32, #tpu.memory_space<vmem_shared>>, %arg9: memref<100352xf32, #tpu.memory_space<vmem_shared>>, %arg10: memref<100352xf32, #tpu.memory_space<vmem_shared>>, %arg11: memref<100352xf32, #tpu.memory_space<vmem_shared>>, %arg12: memref<3x50x1x128xi32, #tpu.memory_space<vmem>>, %arg13: memref<2x9x128xf32, #tpu.memory_space<vmem>>, %arg14: memref<2x3x128xf32, #tpu.memory_space<vmem>>, %arg15: memref<2x!tpu.dma_semaphore, #tpu.memory_space<semaphore_mem>>, %arg16: memref<2x!tpu.dma_semaphore, #tpu.memory_space<semaphore_mem>>) attributes {dimension_semantics = [#tpu.dimension_semantics<core_parallel>, #tpu.dimension_semantics<subcore_parallel>], iteration_bounds = array<i64: 2, 16>, scalar_prefetch = 0 : i64, scratch_operands = 11 : i64, tpu.core_type = #tpu.core_type<sc_vector_subcore>, window_params = [{transform_indices = #map}, {transform_indices = #map1}, {transform_indices = #map2}, {transform_indices = #map3}]} {
    %mul3A = arith.constant 16 : i32
    %mul3A_0 = arith.muli %arg0, %mul3A : i32
    %add3A = arith.addi %mul3A_0, %arg1 : i32
    %mul3A_1 = arith.constant 6272 : i32
    %mul3A_2 = arith.muli %arg1, %mul3A_1 : i32
    %dma_start3A = arith.constant 0 : i32
    %dma_start3A_3 = arith.constant 0 : i32
    %dma_start3A_4 = arith.constant 0 : i32
    %dma_start3A_5 = tpu.memref_slice %arg16[%dma_start3A_4] : memref<2x!tpu.dma_semaphore, #tpu.memory_space<semaphore_mem>> -> memref<1x!tpu.dma_semaphore, #tpu.memory_space<semaphore_mem>>
    %dma_start3A_6 = tpu.memref_squeeze %dma_start3A_5 : memref<1x!tpu.dma_semaphore, #tpu.memory_space<semaphore_mem>> -> memref<!tpu.dma_semaphore, #tpu.memory_space<semaphore_mem>>
    %dma_start3A_7 = tpu.memref_slice %arg6[%mul3A_2] : memref<100352xf32, #tpu.memory_space<vmem_shared>> -> memref<6272xf32, #tpu.memory_space<vmem_shared>>
    %dma_start3A_8 = tpu.memref_slice %arg3[%dma_start3A, %dma_start3A_3, %mul3A_2] : memref<3x1x100352xf32, #tpu.memory_space<hbm>> -> memref<1x1x6272xf32, #tpu.memory_space<hbm>>
    %dma_start3A_9 = tpu.memref_squeeze %dma_start3A_8 : memref<1x1x6272xf32, #tpu.memory_space<hbm>> -> memref<6272xf32, #tpu.memory_space<hbm>>
    tpu.enqueue_dma source(%dma_start3A_9 : memref<6272xf32, #tpu.memory_space<hbm>>) target(%dma_start3A_7 : memref<6272xf32, #tpu.memory_space<vmem_shared>>) target_semaphore(%dma_start3A_6 : memref<!tpu.dma_semaphore, #tpu.memory_space<semaphore_mem>>)
    %dma_start3A_10 = arith.constant 1 : i32
    %dma_start3A_11 = arith.constant 0 : i32
    %dma_start3A_12 = arith.constant 0 : i32
    %dma_start3A_13 = tpu.memref_slice %arg16[%dma_start3A_12] : memref<2x!tpu.dma_semaphore, #tpu.memory_space<semaphore_mem>> -> memref<1x!tpu.dma_semaphore, #tpu.memory_space<semaphore_mem>>
    %dma_start3A_14 = tpu.memref_squeeze %dma_start3A_13 : memref<1x!tpu.dma_semaphore, #tpu.memory_space<semaphore_mem>> -> memref<!tpu.dma_semaphore, #tpu.memory_space<semaphore_mem>>
    %dma_start3A_15 = tpu.memref_slice %arg7[%mul3A_2] : memref<100352xf32, #tpu.memory_space<vmem_shared>> -> memref<6272xf32, #tpu.memory_space<vmem_shared>>
    %dma_start3A_16 = tpu.memref_slice %arg3[%dma_start3A_10, %dma_start3A_11, %mul3A_2] : memref<3x1x100352xf32, #tpu.memory_space<hbm>> -> memref<1x1x6272xf32, #tpu.memory_space<hbm>>
    %dma_start3A_17 = tpu.memref_squeeze %dma_start3A_16 : memref<1x1x6272xf32, #tpu.memory_space<hbm>> -> memref<6272xf32, #tpu.memory_space<hbm>>
    tpu.enqueue_dma source(%dma_start3A_17 : memref<6272xf32, #tpu.memory_space<hbm>>) target(%dma_start3A_15 : memref<6272xf32, #tpu.memory_space<vmem_shared>>) target_semaphore(%dma_start3A_14 : memref<!tpu.dma_semaphore, #tpu.memory_space<semaphore_mem>>)
    %dma_start3A_18 = arith.constant 2 : i32
    %dma_start3A_19 = arith.constant 0 : i32
    %dma_start3A_20 = arith.constant 0 : i32
    %dma_start3A_21 = tpu.memref_slice %arg16[%dma_start3A_20] : memref<2x!tpu.dma_semaphore, #tpu.memory_space<semaphore_mem>> -> memref<1x!tpu.dma_semaphore, #tpu.memory_space<semaphore_mem>>
    %dma_start3A_22 = tpu.memref_squeeze %dma_start3A_21 : memref<1x!tpu.dma_semaphore, #tpu.memory_space<semaphore_mem>> -> memref<!tpu.dma_semaphore, #tpu.memory_space<semaphore_mem>>
    %dma_start3A_23 = tpu.memref_slice %arg8[%mul3A_2] : memref<100352xf32, #tpu.memory_space<vmem_shared>> -> memref<6272xf32, #tpu.memory_space<vmem_shared>>
    %dma_start3A_24 = tpu.memref_slice %arg3[%dma_start3A_18, %dma_start3A_19, %mul3A_2] : memref<3x1x100352xf32, #tpu.memory_space<hbm>> -> memref<1x1x6272xf32, #tpu.memory_space<hbm>>
    %dma_start3A_25 = tpu.memref_squeeze %dma_start3A_24 : memref<1x1x6272xf32, #tpu.memory_space<hbm>> -> memref<6272xf32, #tpu.memory_space<hbm>>
    tpu.enqueue_dma source(%dma_start3A_25 : memref<6272xf32, #tpu.memory_space<hbm>>) target(%dma_start3A_23 : memref<6272xf32, #tpu.memory_space<vmem_shared>>) target_semaphore(%dma_start3A_22 : memref<!tpu.dma_semaphore, #tpu.memory_space<semaphore_mem>>)
    %dma_start3A_26 = arith.constant 0 : i32
    %dma_start3A_27 = tpu.memref_slice %arg16[%dma_start3A_26] : memref<2x!tpu.dma_semaphore, #tpu.memory_space<semaphore_mem>> -> memref<1x!tpu.dma_semaphore, #tpu.memory_space<semaphore_mem>>
    %dma_start3A_28 = tpu.memref_squeeze %dma_start3A_27 : memref<1x!tpu.dma_semaphore, #tpu.memory_space<semaphore_mem>> -> memref<!tpu.dma_semaphore, #tpu.memory_space<semaphore_mem>>
    %dma_start3A_29 = tpu.memref_slice %arg9[%mul3A_2] : memref<100352xf32, #tpu.memory_space<vmem_shared>> -> memref<6272xf32, #tpu.memory_space<vmem_shared>>
    tpu.enqueue_dma source(%arg4 : memref<6272xf32, #tpu.memory_space<hbm>>) target(%dma_start3A_29 : memref<6272xf32, #tpu.memory_space<vmem_shared>>) target_semaphore(%dma_start3A_28 : memref<!tpu.dma_semaphore, #tpu.memory_space<semaphore_mem>>)
    %dma_start3A_30 = arith.constant 0 : i32
    %dma_start3A_31 = tpu.memref_slice %arg16[%dma_start3A_30] : memref<2x!tpu.dma_semaphore, #tpu.memory_space<semaphore_mem>> -> memref<1x!tpu.dma_semaphore, #tpu.memory_space<semaphore_mem>>
    %dma_start3A_32 = tpu.memref_squeeze %dma_start3A_31 : memref<1x!tpu.dma_semaphore, #tpu.memory_space<semaphore_mem>> -> memref<!tpu.dma_semaphore, #tpu.memory_space<semaphore_mem>>
    %dma_start3A_33 = tpu.memref_slice %arg10[%mul3A_2] : memref<100352xf32, #tpu.memory_space<vmem_shared>> -> memref<6272xf32, #tpu.memory_space<vmem_shared>>
    tpu.enqueue_dma source(%arg4 : memref<6272xf32, #tpu.memory_space<hbm>>) target(%dma_start3A_33 : memref<6272xf32, #tpu.memory_space<vmem_shared>>) target_semaphore(%dma_start3A_32 : memref<!tpu.dma_semaphore, #tpu.memory_space<semaphore_mem>>)
    %dma_start3A_34 = arith.constant 0 : i32
    %dma_start3A_35 = tpu.memref_slice %arg16[%dma_start3A_34] : memref<2x!tpu.dma_semaphore, #tpu.memory_space<semaphore_mem>> -> memref<1x!tpu.dma_semaphore, #tpu.memory_space<semaphore_mem>>
    %dma_start3A_36 = tpu.memref_squeeze %dma_start3A_35 : memref<1x!tpu.dma_semaphore, #tpu.memory_space<semaphore_mem>> -> memref<!tpu.dma_semaphore, #tpu.memory_space<semaphore_mem>>
    %dma_start3A_37 = tpu.memref_slice %arg11[%mul3A_2] : memref<100352xf32, #tpu.memory_space<vmem_shared>> -> memref<6272xf32, #tpu.memory_space<vmem_shared>>
    tpu.enqueue_dma source(%arg4 : memref<6272xf32, #tpu.memory_space<hbm>>) target(%dma_start3A_37 : memref<6272xf32, #tpu.memory_space<vmem_shared>>) target_semaphore(%dma_start3A_36 : memref<!tpu.dma_semaphore, #tpu.memory_space<semaphore_mem>>)
    %dma_start3A_38 = arith.constant 0 : i32
    %dma_start3A_39 = arith.constant 0 : i32
    %dma_start3A_40 = arith.constant 1 : i32
    %dma_start3A_41 = arith.constant 0 : i32
    %dma_start3A_42 = arith.constant 0 : i32
    %dma_start3A_43 = arith.constant 0 : i32
    %dma_start3A_44 = tpu.memref_slice %arg12[%dma_start3A_39, %dma_start3A_41, %dma_start3A_42, %dma_start3A_43] : memref<3x50x1x128xi32, #tpu.memory_space<vmem>> -> memref<1x50x1x128xi32, #tpu.memory_space<vmem>>
    %dma_start3A_45 = tpu.memref_squeeze %dma_start3A_44 : memref<1x50x1x128xi32, #tpu.memory_space<vmem>> -> memref<50x1x128xi32, #tpu.memory_space<vmem>>
    %dma_start3A_46 = arith.constant 0 : i32
    %dma_start3A_47 = arith.constant 0 : i32
    %dma_start3A_48 = arith.constant 0 : i32
    %dma_start3A_49 = tpu.memref_slice %arg2[%dma_start3A_38, %add3A, %dma_start3A_46, %dma_start3A_47, %dma_start3A_48] : memref<3x32x50x1x128xi32, #tpu.memory_space<hbm>> -> memref<1x1x50x1x128xi32, #tpu.memory_space<hbm>>
    %dma_start3A_50 = tpu.memref_squeeze %dma_start3A_49 : memref<1x1x50x1x128xi32, #tpu.memory_space<hbm>> -> memref<50x1x128xi32, #tpu.memory_space<hbm>>
    %dma_start3A_51 = tpu.memref_slice %arg16[%dma_start3A_40] : memref<2x!tpu.dma_semaphore, #tpu.memory_space<semaphore_mem>> -> memref<1x!tpu.dma_semaphore, #tpu.memory_space<semaphore_mem>>
    %dma_start3A_52 = tpu.memref_squeeze %dma_start3A_51 : memref<1x!tpu.dma_semaphore, #tpu.memory_space<semaphore_mem>> -> memref<!tpu.dma_semaphore, #tpu.memory_space<semaphore_mem>>
    %dma_start3A_53 = arith.constant 0 : i32
    %dma_start3A_54 = arith.constant 0 : i32
    %dma_start3A_55 = arith.constant 0 : i32
    %dma_start3A_56 = tpu.memref_slice %arg12[%dma_start3A_39, %dma_start3A_53, %dma_start3A_54, %dma_start3A_55] : memref<3x50x1x128xi32, #tpu.memory_space<vmem>> -> memref<1x50x1x128xi32, #tpu.memory_space<vmem>>
    %dma_start3A_57 = tpu.memref_squeeze %dma_start3A_56 : memref<1x50x1x128xi32, #tpu.memory_space<vmem>> -> memref<50x1x128xi32, #tpu.memory_space<vmem>>
    %dma_start3A_58 = arith.constant 0 : i32
    %dma_start3A_59 = arith.constant 0 : i32
    %dma_start3A_60 = arith.constant 0 : i32
    %dma_start3A_61 = tpu.memref_slice %arg2[%dma_start3A_38, %add3A, %dma_start3A_58, %dma_start3A_59, %dma_start3A_60] : memref<3x32x50x1x128xi32, #tpu.memory_space<hbm>> -> memref<1x1x50x1x128xi32, #tpu.memory_space<hbm>>
    %dma_start3A_62 = tpu.memref_squeeze %dma_start3A_61 : memref<1x1x50x1x128xi32, #tpu.memory_space<hbm>> -> memref<50x1x128xi32, #tpu.memory_space<hbm>>
    tpu.enqueue_dma source(%dma_start3A_62 : memref<50x1x128xi32, #tpu.memory_space<hbm>>) target(%dma_start3A_57 : memref<50x1x128xi32, #tpu.memory_space<vmem>>) target_semaphore(%dma_start3A_52 : memref<!tpu.dma_semaphore, #tpu.memory_space<semaphore_mem>>)
    %dma_start3A_63 = arith.constant 1 : i32
    %dma_start3A_64 = arith.constant 1 : i32
    %dma_start3A_65 = arith.constant 1 : i32
    %dma_start3A_66 = arith.constant 0 : i32
    %dma_start3A_67 = arith.constant 0 : i32
    %dma_start3A_68 = arith.constant 0 : i32
    %dma_start3A_69 = tpu.memref_slice %arg12[%dma_start3A_64, %dma_start3A_66, %dma_start3A_67, %dma_start3A_68] : memref<3x50x1x128xi32, #tpu.memory_space<vmem>> -> memref<1x50x1x128xi32, #tpu.memory_space<vmem>>
    %dma_start3A_70 = tpu.memref_squeeze %dma_start3A_69 : memref<1x50x1x128xi32, #tpu.memory_space<vmem>> -> memref<50x1x128xi32, #tpu.memory_space<vmem>>
    %dma_start3A_71 = arith.constant 0 : i32
    %dma_start3A_72 = arith.constant 0 : i32
    %dma_start3A_73 = arith.constant 0 : i32
    %dma_start3A_74 = tpu.memref_slice %arg2[%dma_start3A_63, %add3A, %dma_start3A_71, %dma_start3A_72, %dma_start3A_73] : memref<3x32x50x1x128xi32, #tpu.memory_space<hbm>> -> memref<1x1x50x1x128xi32, #tpu.memory_space<hbm>>
    %dma_start3A_75 = tpu.memref_squeeze %dma_start3A_74 : memref<1x1x50x1x128xi32, #tpu.memory_space<hbm>> -> memref<50x1x128xi32, #tpu.memory_space<hbm>>
    %dma_start3A_76 = tpu.memref_slice %arg16[%dma_start3A_65] : memref<2x!tpu.dma_semaphore, #tpu.memory_space<semaphore_mem>> -> memref<1x!tpu.dma_semaphore, #tpu.memory_space<semaphore_mem>>
    %dma_start3A_77 = tpu.memref_squeeze %dma_start3A_76 : memref<1x!tpu.dma_semaphore, #tpu.memory_space<semaphore_mem>> -> memref<!tpu.dma_semaphore, #tpu.memory_space<semaphore_mem>>
    %dma_start3A_78 = arith.constant 0 : i32
    %dma_start3A_79 = arith.constant 0 : i32
    %dma_start3A_80 = arith.constant 0 : i32
    %dma_start3A_81 = tpu.memref_slice %arg12[%dma_start3A_64, %dma_start3A_78, %dma_start3A_79, %dma_start3A_80] : memref<3x50x1x128xi32, #tpu.memory_space<vmem>> -> memref<1x50x1x128xi32, #tpu.memory_space<vmem>>
    %dma_start3A_82 = tpu.memref_squeeze %dma_start3A_81 : memref<1x50x1x128xi32, #tpu.memory_space<vmem>> -> memref<50x1x128xi32, #tpu.memory_space<vmem>>
    %dma_start3A_83 = arith.constant 0 : i32
    %dma_start3A_84 = arith.constant 0 : i32
    %dma_start3A_85 = arith.constant 0 : i32
    %dma_start3A_86 = tpu.memref_slice %arg2[%dma_start3A_63, %add3A, %dma_start3A_83, %dma_start3A_84, %dma_start3A_85] : memref<3x32x50x1x128xi32, #tpu.memory_space<hbm>> -> memref<1x1x50x1x128xi32, #tpu.memory_space<hbm>>
    %dma_start3A_87 = tpu.memref_squeeze %dma_start3A_86 : memref<1x1x50x1x128xi32, #tpu.memory_space<hbm>> -> memref<50x1x128xi32, #tpu.memory_space<hbm>>
    tpu.enqueue_dma source(%dma_start3A_87 : memref<50x1x128xi32, #tpu.memory_space<hbm>>) target(%dma_start3A_82 : memref<50x1x128xi32, #tpu.memory_space<vmem>>) target_semaphore(%dma_start3A_77 : memref<!tpu.dma_semaphore, #tpu.memory_space<semaphore_mem>>)
    %dma_start3A_88 = arith.constant 2 : i32
    %dma_start3A_89 = arith.constant 2 : i32
    %dma_start3A_90 = arith.constant 1 : i32
    %dma_start3A_91 = arith.constant 0 : i32
    %dma_start3A_92 = arith.constant 0 : i32
    %dma_start3A_93 = arith.constant 0 : i32
    %dma_start3A_94 = tpu.memref_slice %arg12[%dma_start3A_89, %dma_start3A_91, %dma_start3A_92, %dma_start3A_93] : memref<3x50x1x128xi32, #tpu.memory_space<vmem>> -> memref<1x50x1x128xi32, #tpu.memory_space<vmem>>
    %dma_start3A_95 = tpu.memref_squeeze %dma_start3A_94 : memref<1x50x1x128xi32, #tpu.memory_space<vmem>> -> memref<50x1x128xi32, #tpu.memory_space<vmem>>
    %dma_start3A_96 = arith.constant 0 : i32
    %dma_start3A_97 = arith.constant 0 : i32
    %dma_start3A_98 = arith.constant 0 : i32
    %dma_start3A_99 = tpu.memref_slice %arg2[%dma_start3A_88, %add3A, %dma_start3A_96, %dma_start3A_97, %dma_start3A_98] : memref<3x32x50x1x128xi32, #tpu.memory_space<hbm>> -> memref<1x1x50x1x128xi32, #tpu.memory_space<hbm>>
    %dma_start3A_100 = tpu.memref_squeeze %dma_start3A_99 : memref<1x1x50x1x128xi32, #tpu.memory_space<hbm>> -> memref<50x1x128xi32, #tpu.memory_space<hbm>>
    %dma_start3A_101 = tpu.memref_slice %arg16[%dma_start3A_90] : memref<2x!tpu.dma_semaphore, #tpu.memory_space<semaphore_mem>> -> memref<1x!tpu.dma_semaphore, #tpu.memory_space<semaphore_mem>>
    %dma_start3A_102 = tpu.memref_squeeze %dma_start3A_101 : memref<1x!tpu.dma_semaphore, #tpu.memory_space<semaphore_mem>> -> memref<!tpu.dma_semaphore, #tpu.memory_space<semaphore_mem>>
    %dma_start3A_103 = arith.constant 0 : i32
    %dma_start3A_104 = arith.constant 0 : i32
    %dma_start3A_105 = arith.constant 0 : i32
    %dma_start3A_106 = tpu.memref_slice %arg12[%dma_start3A_89, %dma_start3A_103, %dma_start3A_104, %dma_start3A_105] : memref<3x50x1x128xi32, #tpu.memory_space<vmem>> -> memref<1x50x1x128xi32, #tpu.memory_space<vmem>>
    %dma_start3A_107 = tpu.memref_squeeze %dma_start3A_106 : memref<1x50x1x128xi32, #tpu.memory_space<vmem>> -> memref<50x1x128xi32, #tpu.memory_space<vmem>>
    %dma_start3A_108 = arith.constant 0 : i32
    %dma_start3A_109 = arith.constant 0 : i32
    %dma_start3A_110 = arith.constant 0 : i32
    %dma_start3A_111 = tpu.memref_slice %arg2[%dma_start3A_88, %add3A, %dma_start3A_108, %dma_start3A_109, %dma_start3A_110] : memref<3x32x50x1x128xi32, #tpu.memory_space<hbm>> -> memref<1x1x50x1x128xi32, #tpu.memory_space<hbm>>
    %dma_start3A_112 = tpu.memref_squeeze %dma_start3A_111 : memref<1x1x50x1x128xi32, #tpu.memory_space<hbm>> -> memref<50x1x128xi32, #tpu.memory_space<hbm>>
    tpu.enqueue_dma source(%dma_start3A_112 : memref<50x1x128xi32, #tpu.memory_space<hbm>>) target(%dma_start3A_107 : memref<50x1x128xi32, #tpu.memory_space<vmem>>) target_semaphore(%dma_start3A_102 : memref<!tpu.dma_semaphore, #tpu.memory_space<semaphore_mem>>)
    %dma_wait3A = arith.constant 0 : i32
    %dma_wait3A_113 = arith.constant 0 : i32
    %dma_wait3A_114 = arith.constant 0 : i32
    %dma_wait3A_115 = tpu.memref_slice %arg16[%dma_wait3A_114] : memref<2x!tpu.dma_semaphore, #tpu.memory_space<semaphore_mem>> -> memref<1x!tpu.dma_semaphore, #tpu.memory_space<semaphore_mem>>
    %dma_wait3A_116 = tpu.memref_squeeze %dma_wait3A_115 : memref<1x!tpu.dma_semaphore, #tpu.memory_space<semaphore_mem>> -> memref<!tpu.dma_semaphore, #tpu.memory_space<semaphore_mem>>
    %dma_wait3A_117 = tpu.memref_slice %arg6[%mul3A_2] : memref<100352xf32, #tpu.memory_space<vmem_shared>> -> memref<6272xf32, #tpu.memory_space<vmem_shared>>
    %dma_wait3A_118 = tpu.memref_slice %arg3[%dma_wait3A, %dma_wait3A_113, %mul3A_2] : memref<3x1x100352xf32, #tpu.memory_space<hbm>> -> memref<1x1x6272xf32, #tpu.memory_space<hbm>>
    %dma_wait3A_119 = tpu.memref_squeeze %dma_wait3A_118 : memref<1x1x6272xf32, #tpu.memory_space<hbm>> -> memref<6272xf32, #tpu.memory_space<hbm>>
    tpu.wait_dma2 semaphore(%dma_wait3A_116 : memref<!tpu.dma_semaphore, #tpu.memory_space<semaphore_mem>>) src(%dma_wait3A_119 : memref<6272xf32, #tpu.memory_space<hbm>>) dst(%dma_wait3A_117 : memref<6272xf32, #tpu.memory_space<vmem_shared>>)
    %dma_wait3A_120 = arith.constant 1 : i32
    %dma_wait3A_121 = arith.constant 0 : i32
    %dma_wait3A_122 = arith.constant 0 : i32
    %dma_wait3A_123 = tpu.memref_slice %arg16[%dma_wait3A_122] : memref<2x!tpu.dma_semaphore, #tpu.memory_space<semaphore_mem>> -> memref<1x!tpu.dma_semaphore, #tpu.memory_space<semaphore_mem>>
    %dma_wait3A_124 = tpu.memref_squeeze %dma_wait3A_123 : memref<1x!tpu.dma_semaphore, #tpu.memory_space<semaphore_mem>> -> memref<!tpu.dma_semaphore, #tpu.memory_space<semaphore_mem>>
    %dma_wait3A_125 = tpu.memref_slice %arg7[%mul3A_2] : memref<100352xf32, #tpu.memory_space<vmem_shared>> -> memref<6272xf32, #tpu.memory_space<vmem_shared>>
    %dma_wait3A_126 = tpu.memref_slice %arg3[%dma_wait3A_120, %dma_wait3A_121, %mul3A_2] : memref<3x1x100352xf32, #tpu.memory_space<hbm>> -> memref<1x1x6272xf32, #tpu.memory_space<hbm>>
    %dma_wait3A_127 = tpu.memref_squeeze %dma_wait3A_126 : memref<1x1x6272xf32, #tpu.memory_space<hbm>> -> memref<6272xf32, #tpu.memory_space<hbm>>
    tpu.wait_dma2 semaphore(%dma_wait3A_124 : memref<!tpu.dma_semaphore, #tpu.memory_space<semaphore_mem>>) src(%dma_wait3A_127 : memref<6272xf32, #tpu.memory_space<hbm>>) dst(%dma_wait3A_125 : memref<6272xf32, #tpu.memory_space<vmem_shared>>)
    %dma_wait3A_128 = arith.constant 2 : i32
    %dma_wait3A_129 = arith.constant 0 : i32
    %dma_wait3A_130 = arith.constant 0 : i32
    %dma_wait3A_131 = tpu.memref_slice %arg16[%dma_wait3A_130] : memref<2x!tpu.dma_semaphore, #tpu.memory_space<semaphore_mem>> -> memref<1x!tpu.dma_semaphore, #tpu.memory_space<semaphore_mem>>
    %dma_wait3A_132 = tpu.memref_squeeze %dma_wait3A_131 : memref<1x!tpu.dma_semaphore, #tpu.memory_space<semaphore_mem>> -> memref<!tpu.dma_semaphore, #tpu.memory_space<semaphore_mem>>
    %dma_wait3A_133 = tpu.memref_slice %arg8[%mul3A_2] : memref<100352xf32, #tpu.memory_space<vmem_shared>> -> memref<6272xf32, #tpu.memory_space<vmem_shared>>
    %dma_wait3A_134 = tpu.memref_slice %arg3[%dma_wait3A_128, %dma_wait3A_129, %mul3A_2] : memref<3x1x100352xf32, #tpu.memory_space<hbm>> -> memref<1x1x6272xf32, #tpu.memory_space<hbm>>
    %dma_wait3A_135 = tpu.memref_squeeze %dma_wait3A_134 : memref<1x1x6272xf32, #tpu.memory_space<hbm>> -> memref<6272xf32, #tpu.memory_space<hbm>>
    tpu.wait_dma2 semaphore(%dma_wait3A_132 : memref<!tpu.dma_semaphore, #tpu.memory_space<semaphore_mem>>) src(%dma_wait3A_135 : memref<6272xf32, #tpu.memory_space<hbm>>) dst(%dma_wait3A_133 : memref<6272xf32, #tpu.memory_space<vmem_shared>>)
    %dma_wait3A_136 = arith.constant 0 : i32
    %dma_wait3A_137 = tpu.memref_slice %arg16[%dma_wait3A_136] : memref<2x!tpu.dma_semaphore, #tpu.memory_space<semaphore_mem>> -> memref<1x!tpu.dma_semaphore, #tpu.memory_space<semaphore_mem>>
    %dma_wait3A_138 = tpu.memref_squeeze %dma_wait3A_137 : memref<1x!tpu.dma_semaphore, #tpu.memory_space<semaphore_mem>> -> memref<!tpu.dma_semaphore, #tpu.memory_space<semaphore_mem>>
    %dma_wait3A_139 = tpu.memref_slice %arg9[%mul3A_2] : memref<100352xf32, #tpu.memory_space<vmem_shared>> -> memref<6272xf32, #tpu.memory_space<vmem_shared>>
    tpu.wait_dma2 semaphore(%dma_wait3A_138 : memref<!tpu.dma_semaphore, #tpu.memory_space<semaphore_mem>>) src(%arg4 : memref<6272xf32, #tpu.memory_space<hbm>>) dst(%dma_wait3A_139 : memref<6272xf32, #tpu.memory_space<vmem_shared>>)
    %dma_wait3A_140 = arith.constant 0 : i32
    %dma_wait3A_141 = tpu.memref_slice %arg16[%dma_wait3A_140] : memref<2x!tpu.dma_semaphore, #tpu.memory_space<semaphore_mem>> -> memref<1x!tpu.dma_semaphore, #tpu.memory_space<semaphore_mem>>
    %dma_wait3A_142 = tpu.memref_squeeze %dma_wait3A_141 : memref<1x!tpu.dma_semaphore, #tpu.memory_space<semaphore_mem>> -> memref<!tpu.dma_semaphore, #tpu.memory_space<semaphore_mem>>
    %dma_wait3A_143 = tpu.memref_slice %arg10[%mul3A_2] : memref<100352xf32, #tpu.memory_space<vmem_shared>> -> memref<6272xf32, #tpu.memory_space<vmem_shared>>
    tpu.wait_dma2 semaphore(%dma_wait3A_142 : memref<!tpu.dma_semaphore, #tpu.memory_space<semaphore_mem>>) src(%arg4 : memref<6272xf32, #tpu.memory_space<hbm>>) dst(%dma_wait3A_143 : memref<6272xf32, #tpu.memory_space<vmem_shared>>)
    %dma_wait3A_144 = arith.constant 0 : i32
    %dma_wait3A_145 = tpu.memref_slice %arg16[%dma_wait3A_144] : memref<2x!tpu.dma_semaphore, #tpu.memory_space<semaphore_mem>> -> memref<1x!tpu.dma_semaphore, #tpu.memory_space<semaphore_mem>>
    %dma_wait3A_146 = tpu.memref_squeeze %dma_wait3A_145 : memref<1x!tpu.dma_semaphore, #tpu.memory_space<semaphore_mem>> -> memref<!tpu.dma_semaphore, #tpu.memory_space<semaphore_mem>>
    %dma_wait3A_147 = tpu.memref_slice %arg11[%mul3A_2] : memref<100352xf32, #tpu.memory_space<vmem_shared>> -> memref<6272xf32, #tpu.memory_space<vmem_shared>>
    tpu.wait_dma2 semaphore(%dma_wait3A_146 : memref<!tpu.dma_semaphore, #tpu.memory_space<semaphore_mem>>) src(%arg4 : memref<6272xf32, #tpu.memory_space<hbm>>) dst(%dma_wait3A_147 : memref<6272xf32, #tpu.memory_space<vmem_shared>>)
    %dma_wait3A_148 = arith.constant 0 : i32
    %dma_wait3A_149 = arith.constant 0 : i32
    %dma_wait3A_150 = arith.constant 1 : i32
    %dma_wait3A_151 = arith.constant 0 : i32
    %dma_wait3A_152 = arith.constant 0 : i32
    %dma_wait3A_153 = arith.constant 0 : i32
    %dma_wait3A_154 = tpu.memref_slice %arg12[%dma_wait3A_149, %dma_wait3A_151, %dma_wait3A_152, %dma_wait3A_153] : memref<3x50x1x128xi32, #tpu.memory_space<vmem>> -> memref<1x50x1x128xi32, #tpu.memory_space<vmem>>
    %dma_wait3A_155 = tpu.memref_squeeze %dma_wait3A_154 : memref<1x50x1x128xi32, #tpu.memory_space<vmem>> -> memref<50x1x128xi32, #tpu.memory_space<vmem>>
    %dma_wait3A_156 = arith.constant 0 : i32
    %dma_wait3A_157 = arith.constant 0 : i32
    %dma_wait3A_158 = arith.constant 0 : i32
    %dma_wait3A_159 = tpu.memref_slice %arg2[%dma_wait3A_148, %add3A, %dma_wait3A_156, %dma_wait3A_157, %dma_wait3A_158] : memref<3x32x50x1x128xi32, #tpu.memory_space<hbm>> -> memref<1x1x50x1x128xi32, #tpu.memory_space<hbm>>
    %dma_wait3A_160 = tpu.memref_squeeze %dma_wait3A_159 : memref<1x1x50x1x128xi32, #tpu.memory_space<hbm>> -> memref<50x1x128xi32, #tpu.memory_space<hbm>>
    %dma_wait3A_161 = tpu.memref_slice %arg16[%dma_wait3A_150] : memref<2x!tpu.dma_semaphore, #tpu.memory_space<semaphore_mem>> -> memref<1x!tpu.dma_semaphore, #tpu.memory_space<semaphore_mem>>
    %dma_wait3A_162 = tpu.memref_squeeze %dma_wait3A_161 : memref<1x!tpu.dma_semaphore, #tpu.memory_space<semaphore_mem>> -> memref<!tpu.dma_semaphore, #tpu.memory_space<semaphore_mem>>
    %dma_wait3A_163 = arith.constant 0 : i32
    %dma_wait3A_164 = arith.constant 0 : i32
    %dma_wait3A_165 = arith.constant 0 : i32
    %dma_wait3A_166 = tpu.memref_slice %arg12[%dma_wait3A_149, %dma_wait3A_163, %dma_wait3A_164, %dma_wait3A_165] : memref<3x50x1x128xi32, #tpu.memory_space<vmem>> -> memref<1x50x1x128xi32, #tpu.memory_space<vmem>>
    %dma_wait3A_167 = tpu.memref_squeeze %dma_wait3A_166 : memref<1x50x1x128xi32, #tpu.memory_space<vmem>> -> memref<50x1x128xi32, #tpu.memory_space<vmem>>
    %dma_wait3A_168 = arith.constant 0 : i32
    %dma_wait3A_169 = arith.constant 0 : i32
    %dma_wait3A_170 = arith.constant 0 : i32
    %dma_wait3A_171 = tpu.memref_slice %arg2[%dma_wait3A_148, %add3A, %dma_wait3A_168, %dma_wait3A_169, %dma_wait3A_170] : memref<3x32x50x1x128xi32, #tpu.memory_space<hbm>> -> memref<1x1x50x1x128xi32, #tpu.memory_space<hbm>>
    %dma_wait3A_172 = tpu.memref_squeeze %dma_wait3A_171 : memref<1x1x50x1x128xi32, #tpu.memory_space<hbm>> -> memref<50x1x128xi32, #tpu.memory_space<hbm>>
    tpu.wait_dma2 semaphore(%dma_wait3A_162 : memref<!tpu.dma_semaphore, #tpu.memory_space<semaphore_mem>>) src(%dma_wait3A_172 : memref<50x1x128xi32, #tpu.memory_space<hbm>>) dst(%dma_wait3A_167 : memref<50x1x128xi32, #tpu.memory_space<vmem>>)
    %dma_wait3A_173 = arith.constant 1 : i32
    %dma_wait3A_174 = arith.constant 1 : i32
    %dma_wait3A_175 = arith.constant 1 : i32
    %dma_wait3A_176 = arith.constant 0 : i32
    %dma_wait3A_177 = arith.constant 0 : i32
    %dma_wait3A_178 = arith.constant 0 : i32
    %dma_wait3A_179 = tpu.memref_slice %arg12[%dma_wait3A_174, %dma_wait3A_176, %dma_wait3A_177, %dma_wait3A_178] : memref<3x50x1x128xi32, #tpu.memory_space<vmem>> -> memref<1x50x1x128xi32, #tpu.memory_space<vmem>>
    %dma_wait3A_180 = tpu.memref_squeeze %dma_wait3A_179 : memref<1x50x1x128xi32, #tpu.memory_space<vmem>> -> memref<50x1x128xi32, #tpu.memory_space<vmem>>
    %dma_wait3A_181 = arith.constant 0 : i32
    %dma_wait3A_182 = arith.constant 0 : i32
    %dma_wait3A_183 = arith.constant 0 : i32
    %dma_wait3A_184 = tpu.memref_slice %arg2[%dma_wait3A_173, %add3A, %dma_wait3A_181, %dma_wait3A_182, %dma_wait3A_183] : memref<3x32x50x1x128xi32, #tpu.memory_space<hbm>> -> memref<1x1x50x1x128xi32, #tpu.memory_space<hbm>>
    %dma_wait3A_185 = tpu.memref_squeeze %dma_wait3A_184 : memref<1x1x50x1x128xi32, #tpu.memory_space<hbm>> -> memref<50x1x128xi32, #tpu.memory_space<hbm>>
    %dma_wait3A_186 = tpu.memref_slice %arg16[%dma_wait3A_175] : memref<2x!tpu.dma_semaphore, #tpu.memory_space<semaphore_mem>> -> memref<1x!tpu.dma_semaphore, #tpu.memory_space<semaphore_mem>>
    %dma_wait3A_187 = tpu.memref_squeeze %dma_wait3A_186 : memref<1x!tpu.dma_semaphore, #tpu.memory_space<semaphore_mem>> -> memref<!tpu.dma_semaphore, #tpu.memory_space<semaphore_mem>>
    %dma_wait3A_188 = arith.constant 0 : i32
    %dma_wait3A_189 = arith.constant 0 : i32
    %dma_wait3A_190 = arith.constant 0 : i32
    %dma_wait3A_191 = tpu.memref_slice %arg12[%dma_wait3A_174, %dma_wait3A_188, %dma_wait3A_189, %dma_wait3A_190] : memref<3x50x1x128xi32, #tpu.memory_space<vmem>> -> memref<1x50x1x128xi32, #tpu.memory_space<vmem>>
    %dma_wait3A_192 = tpu.memref_squeeze %dma_wait3A_191 : memref<1x50x1x128xi32, #tpu.memory_space<vmem>> -> memref<50x1x128xi32, #tpu.memory_space<vmem>>
    %dma_wait3A_193 = arith.constant 0 : i32
    %dma_wait3A_194 = arith.constant 0 : i32
    %dma_wait3A_195 = arith.constant 0 : i32
    %dma_wait3A_196 = tpu.memref_slice %arg2[%dma_wait3A_173, %add3A, %dma_wait3A_193, %dma_wait3A_194, %dma_wait3A_195] : memref<3x32x50x1x128xi32, #tpu.memory_space<hbm>> -> memref<1x1x50x1x128xi32, #tpu.memory_space<hbm>>
    %dma_wait3A_197 = tpu.memref_squeeze %dma_wait3A_196 : memref<1x1x50x1x128xi32, #tpu.memory_space<hbm>> -> memref<50x1x128xi32, #tpu.memory_space<hbm>>
    tpu.wait_dma2 semaphore(%dma_wait3A_187 : memref<!tpu.dma_semaphore, #tpu.memory_space<semaphore_mem>>) src(%dma_wait3A_197 : memref<50x1x128xi32, #tpu.memory_space<hbm>>) dst(%dma_wait3A_192 : memref<50x1x128xi32, #tpu.memory_space<vmem>>)
    %dma_wait3A_198 = arith.constant 2 : i32
    %dma_wait3A_199 = arith.constant 2 : i32
    %dma_wait3A_200 = arith.constant 1 : i32
    %dma_wait3A_201 = arith.constant 0 : i32
    %dma_wait3A_202 = arith.constant 0 : i32
    %dma_wait3A_203 = arith.constant 0 : i32
    %dma_wait3A_204 = tpu.memref_slice %arg12[%dma_wait3A_199, %dma_wait3A_201, %dma_wait3A_202, %dma_wait3A_203] : memref<3x50x1x128xi32, #tpu.memory_space<vmem>> -> memref<1x50x1x128xi32, #tpu.memory_space<vmem>>
    %dma_wait3A_205 = tpu.memref_squeeze %dma_wait3A_204 : memref<1x50x1x128xi32, #tpu.memory_space<vmem>> -> memref<50x1x128xi32, #tpu.memory_space<vmem>>
    %dma_wait3A_206 = arith.constant 0 : i32
    %dma_wait3A_207 = arith.constant 0 : i32
    %dma_wait3A_208 = arith.constant 0 : i32
    %dma_wait3A_209 = tpu.memref_slice %arg2[%dma_wait3A_198, %add3A, %dma_wait3A_206, %dma_wait3A_207, %dma_wait3A_208] : memref<3x32x50x1x128xi32, #tpu.memory_space<hbm>> -> memref<1x1x50x1x128xi32, #tpu.memory_space<hbm>>
    %dma_wait3A_210 = tpu.memref_squeeze %dma_wait3A_209 : memref<1x1x50x1x128xi32, #tpu.memory_space<hbm>> -> memref<50x1x128xi32, #tpu.memory_space<hbm>>
    %dma_wait3A_211 = tpu.memref_slice %arg16[%dma_wait3A_200] : memref<2x!tpu.dma_semaphore, #tpu.memory_space<semaphore_mem>> -> memref<1x!tpu.dma_semaphore, #tpu.memory_space<semaphore_mem>>
    %dma_wait3A_212 = tpu.memref_squeeze %dma_wait3A_211 : memref<1x!tpu.dma_semaphore, #tpu.memory_space<semaphore_mem>> -> memref<!tpu.dma_semaphore, #tpu.memory_space<semaphore_mem>>
    %dma_wait3A_213 = arith.constant 0 : i32
    %dma_wait3A_214 = arith.constant 0 : i32
    %dma_wait3A_215 = arith.constant 0 : i32
    %dma_wait3A_216 = tpu.memref_slice %arg12[%dma_wait3A_199, %dma_wait3A_213, %dma_wait3A_214, %dma_wait3A_215] : memref<3x50x1x128xi32, #tpu.memory_space<vmem>> -> memref<1x50x1x128xi32, #tpu.memory_space<vmem>>
    %dma_wait3A_217 = tpu.memref_squeeze %dma_wait3A_216 : memref<1x50x1x128xi32, #tpu.memory_space<vmem>> -> memref<50x1x128xi32, #tpu.memory_space<vmem>>
    %dma_wait3A_218 = arith.constant 0 : i32
    %dma_wait3A_219 = arith.constant 0 : i32
    %dma_wait3A_220 = arith.constant 0 : i32
    %dma_wait3A_221 = tpu.memref_slice %arg2[%dma_wait3A_198, %add3A, %dma_wait3A_218, %dma_wait3A_219, %dma_wait3A_220] : memref<3x32x50x1x128xi32, #tpu.memory_space<hbm>> -> memref<1x1x50x1x128xi32, #tpu.memory_space<hbm>>
    %dma_wait3A_222 = tpu.memref_squeeze %dma_wait3A_221 : memref<1x1x50x1x128xi32, #tpu.memory_space<hbm>> -> memref<50x1x128xi32, #tpu.memory_space<hbm>>
    tpu.wait_dma2 semaphore(%dma_wait3A_212 : memref<!tpu.dma_semaphore, #tpu.memory_space<semaphore_mem>>) src(%dma_wait3A_222 : memref<50x1x128xi32, #tpu.memory_space<hbm>>) dst(%dma_wait3A_217 : memref<50x1x128xi32, #tpu.memory_space<vmem>>)
    %barrier3A = arith.constant 0 : index
    tpu.barrier barrier_id(%barrier3A)
    %dma_start3A_223 = arith.constant 0 : i32
    %dma_start3A_224 = arith.constant 0 : i32
    %dma_start3A_225 = arith.constant 0 : i32
    %dma_start3A_226 = arith.constant 0 : i32
    %dma_start3A_227 = arith.constant 0 : i32
    %dma_start3A_228 = arith.constant 0 : i32
    %dma_start3A_229 = arith.constant 0 : i32
    %dma_start3A_230 = tpu.memref_slice %arg13[%dma_start3A_226, %dma_start3A_227, %dma_start3A_229] : memref<2x9x128xf32, #tpu.memory_space<vmem>> -> memref<1x1x128xf32, #tpu.memory_space<vmem>>
    %dma_start3A_231 = tpu.memref_squeeze %dma_start3A_230 : memref<1x1x128xf32, #tpu.memory_space<vmem>> -> memref<128xf32, #tpu.memory_space<vmem>>
    %dma_start3A_232 = arith.constant 0 : i32
    %dma_start3A_233 = tpu.memref_slice %arg12[%dma_start3A_223, %dma_start3A_224, %dma_start3A_225, %dma_start3A_232] : memref<3x50x1x128xi32, #tpu.memory_space<vmem>> -> memref<1x1x1x128xi32, #tpu.memory_space<vmem>>
    %dma_start3A_234 = tpu.memref_squeeze %dma_start3A_233 : memref<1x1x1x128xi32, #tpu.memory_space<vmem>> -> memref<128xi32, #tpu.memory_space<vmem>>
    %dma_start3A_235 = arith.constant 0 : i32
    %dma_start3A_236 = tpu.memref_slice %arg6[%dma_start3A_235] : memref<100352xf32, #tpu.memory_space<vmem_shared>> -> memref<100352xf32, #tpu.memory_space<vmem_shared>>
    %dma_start3A_237 = tpu.memref_slice %arg15[%dma_start3A_228] : memref<2x!tpu.dma_semaphore, #tpu.memory_space<semaphore_mem>> -> memref<1x!tpu.dma_semaphore, #tpu.memory_space<semaphore_mem>>
    %dma_start3A_238 = tpu.memref_squeeze %dma_start3A_237 : memref<1x!tpu.dma_semaphore, #tpu.memory_space<semaphore_mem>> -> memref<!tpu.dma_semaphore, #tpu.memory_space<semaphore_mem>>
    tpu.enqueue_indirect_dma source(%dma_start3A_236 : memref<100352xf32, #tpu.memory_space<vmem_shared>>) target(%dma_start3A_231 : memref<128xf32, #tpu.memory_space<vmem>>) offsets(%dma_start3A_234 : memref<128xi32, #tpu.memory_space<vmem>>) semaphore(%dma_start3A_238 : memref<!tpu.dma_semaphore, #tpu.memory_space<semaphore_mem>>)
    %dma_start3A_239 = arith.constant 0 : i32
    %dma_start3A_240 = arith.constant 0 : i32
    %dma_start3A_241 = arith.constant 0 : i32
    %dma_start3A_242 = arith.constant 0 : i32
    %dma_start3A_243 = arith.constant 1 : i32
    %dma_start3A_244 = arith.constant 0 : i32
    %dma_start3A_245 = arith.constant 0 : i32
    %dma_start3A_246 = tpu.memref_slice %arg13[%dma_start3A_242, %dma_start3A_243, %dma_start3A_245] : memref<2x9x128xf32, #tpu.memory_space<vmem>> -> memref<1x1x128xf32, #tpu.memory_space<vmem>>
    %dma_start3A_247 = tpu.memref_squeeze %dma_start3A_246 : memref<1x1x128xf32, #tpu.memory_space<vmem>> -> memref<128xf32, #tpu.memory_space<vmem>>
    %dma_start3A_248 = arith.constant 0 : i32
    %dma_start3A_249 = tpu.memref_slice %arg12[%dma_start3A_239, %dma_start3A_240, %dma_start3A_241, %dma_start3A_248] : memref<3x50x1x128xi32, #tpu.memory_space<vmem>> -> memref<1x1x1x128xi32, #tpu.memory_space<vmem>>
    %dma_start3A_250 = tpu.memref_squeeze %dma_start3A_249 : memref<1x1x1x128xi32, #tpu.memory_space<vmem>> -> memref<128xi32, #tpu.memory_space<vmem>>
    %dma_start3A_251 = arith.constant 0 : i32
    %dma_start3A_252 = tpu.memref_slice %arg7[%dma_start3A_251] : memref<100352xf32, #tpu.memory_space<vmem_shared>> -> memref<100352xf32, #tpu.memory_space<vmem_shared>>
    %dma_start3A_253 = tpu.memref_slice %arg15[%dma_start3A_244] : memref<2x!tpu.dma_semaphore, #tpu.memory_space<semaphore_mem>> -> memref<1x!tpu.dma_semaphore, #tpu.memory_space<semaphore_mem>>
    %dma_start3A_254 = tpu.memref_squeeze %dma_start3A_253 : memref<1x!tpu.dma_semaphore, #tpu.memory_space<semaphore_mem>> -> memref<!tpu.dma_semaphore, #tpu.memory_space<semaphore_mem>>
    tpu.enqueue_indirect_dma source(%dma_start3A_252 : memref<100352xf32, #tpu.memory_space<vmem_shared>>) target(%dma_start3A_247 : memref<128xf32, #tpu.memory_space<vmem>>) offsets(%dma_start3A_250 : memref<128xi32, #tpu.memory_space<vmem>>) semaphore(%dma_start3A_254 : memref<!tpu.dma_semaphore, #tpu.memory_space<semaphore_mem>>)
    %dma_start3A_255 = arith.constant 0 : i32
    %dma_start3A_256 = arith.constant 0 : i32
    %dma_start3A_257 = arith.constant 0 : i32
    %dma_start3A_258 = arith.constant 0 : i32
    %dma_start3A_259 = arith.constant 2 : i32
    %dma_start3A_260 = arith.constant 0 : i32
    %dma_start3A_261 = arith.constant 0 : i32
    %dma_start3A_262 = tpu.memref_slice %arg13[%dma_start3A_258, %dma_start3A_259, %dma_start3A_261] : memref<2x9x128xf32, #tpu.memory_space<vmem>> -> memref<1x1x128xf32, #tpu.memory_space<vmem>>
    %dma_start3A_263 = tpu.memref_squeeze %dma_start3A_262 : memref<1x1x128xf32, #tpu.memory_space<vmem>> -> memref<128xf32, #tpu.memory_space<vmem>>
    %dma_start3A_264 = arith.constant 0 : i32
    %dma_start3A_265 = tpu.memref_slice %arg12[%dma_start3A_255, %dma_start3A_256, %dma_start3A_257, %dma_start3A_264] : memref<3x50x1x128xi32, #tpu.memory_space<vmem>> -> memref<1x1x1x128xi32, #tpu.memory_space<vmem>>
    %dma_start3A_266 = tpu.memref_squeeze %dma_start3A_265 : memref<1x1x1x128xi32, #tpu.memory_space<vmem>> -> memref<128xi32, #tpu.memory_space<vmem>>
    %dma_start3A_267 = arith.constant 0 : i32
    %dma_start3A_268 = tpu.memref_slice %arg8[%dma_start3A_267] : memref<100352xf32, #tpu.memory_space<vmem_shared>> -> memref<100352xf32, #tpu.memory_space<vmem_shared>>
    %dma_start3A_269 = tpu.memref_slice %arg15[%dma_start3A_260] : memref<2x!tpu.dma_semaphore, #tpu.memory_space<semaphore_mem>> -> memref<1x!tpu.dma_semaphore, #tpu.memory_space<semaphore_mem>>
    %dma_start3A_270 = tpu.memref_squeeze %dma_start3A_269 : memref<1x!tpu.dma_semaphore, #tpu.memory_space<semaphore_mem>> -> memref<!tpu.dma_semaphore, #tpu.memory_space<semaphore_mem>>
    tpu.enqueue_indirect_dma source(%dma_start3A_268 : memref<100352xf32, #tpu.memory_space<vmem_shared>>) target(%dma_start3A_263 : memref<128xf32, #tpu.memory_space<vmem>>) offsets(%dma_start3A_266 : memref<128xi32, #tpu.memory_space<vmem>>) semaphore(%dma_start3A_270 : memref<!tpu.dma_semaphore, #tpu.memory_space<semaphore_mem>>)
    %dma_start3A_271 = arith.constant 1 : i32
    %dma_start3A_272 = arith.constant 0 : i32
    %dma_start3A_273 = arith.constant 0 : i32
    %dma_start3A_274 = arith.constant 0 : i32
    %dma_start3A_275 = arith.constant 3 : i32
    %dma_start3A_276 = arith.constant 0 : i32
    %dma_start3A_277 = arith.constant 0 : i32
    %dma_start3A_278 = tpu.memref_slice %arg13[%dma_start3A_274, %dma_start3A_275, %dma_start3A_277] : memref<2x9x128xf32, #tpu.memory_space<vmem>> -> memref<1x1x128xf32, #tpu.memory_space<vmem>>
    %dma_start3A_279 = tpu.memref_squeeze %dma_start3A_278 : memref<1x1x128xf32, #tpu.memory_space<vmem>> -> memref<128xf32, #tpu.memory_space<vmem>>
    %dma_start3A_280 = arith.constant 0 : i32
    %dma_start3A_281 = tpu.memref_slice %arg12[%dma_start3A_271, %dma_start3A_272, %dma_start3A_273, %dma_start3A_280] : memref<3x50x1x128xi32, #tpu.memory_space<vmem>> -> memref<1x1x1x128xi32, #tpu.memory_space<vmem>>
    %dma_start3A_282 = tpu.memref_squeeze %dma_start3A_281 : memref<1x1x1x128xi32, #tpu.memory_space<vmem>> -> memref<128xi32, #tpu.memory_space<vmem>>
    %dma_start3A_283 = arith.constant 0 : i32
    %dma_start3A_284 = tpu.memref_slice %arg6[%dma_start3A_283] : memref<100352xf32, #tpu.memory_space<vmem_shared>> -> memref<100352xf32, #tpu.memory_space<vmem_shared>>
    %dma_start3A_285 = tpu.memref_slice %arg15[%dma_start3A_276] : memref<2x!tpu.dma_semaphore, #tpu.memory_space<semaphore_mem>> -> memref<1x!tpu.dma_semaphore, #tpu.memory_space<semaphore_mem>>
    %dma_start3A_286 = tpu.memref_squeeze %dma_start3A_285 : memref<1x!tpu.dma_semaphore, #tpu.memory_space<semaphore_mem>> -> memref<!tpu.dma_semaphore, #tpu.memory_space<semaphore_mem>>
    tpu.enqueue_indirect_dma source(%dma_start3A_284 : memref<100352xf32, #tpu.memory_space<vmem_shared>>) target(%dma_start3A_279 : memref<128xf32, #tpu.memory_space<vmem>>) offsets(%dma_start3A_282 : memref<128xi32, #tpu.memory_space<vmem>>) semaphore(%dma_start3A_286 : memref<!tpu.dma_semaphore, #tpu.memory_space<semaphore_mem>>)
    %dma_start3A_287 = arith.constant 1 : i32
    %dma_start3A_288 = arith.constant 0 : i32
    %dma_start3A_289 = arith.constant 0 : i32
    %dma_start3A_290 = arith.constant 0 : i32
    %dma_start3A_291 = arith.constant 4 : i32
    %dma_start3A_292 = arith.constant 0 : i32
    %dma_start3A_293 = arith.constant 0 : i32
    %dma_start3A_294 = tpu.memref_slice %arg13[%dma_start3A_290, %dma_start3A_291, %dma_start3A_293] : memref<2x9x128xf32, #tpu.memory_space<vmem>> -> memref<1x1x128xf32, #tpu.memory_space<vmem>>
    %dma_start3A_295 = tpu.memref_squeeze %dma_start3A_294 : memref<1x1x128xf32, #tpu.memory_space<vmem>> -> memref<128xf32, #tpu.memory_space<vmem>>
    %dma_start3A_296 = arith.constant 0 : i32
    %dma_start3A_297 = tpu.memref_slice %arg12[%dma_start3A_287, %dma_start3A_288, %dma_start3A_289, %dma_start3A_296] : memref<3x50x1x128xi32, #tpu.memory_space<vmem>> -> memref<1x1x1x128xi32, #tpu.memory_space<vmem>>
    %dma_start3A_298 = tpu.memref_squeeze %dma_start3A_297 : memref<1x1x1x128xi32, #tpu.memory_space<vmem>> -> memref<128xi32, #tpu.memory_space<vmem>>
    %dma_start3A_299 = arith.constant 0 : i32
    %dma_start3A_300 = tpu.memref_slice %arg7[%dma_start3A_299] : memref<100352xf32, #tpu.memory_space<vmem_shared>> -> memref<100352xf32, #tpu.memory_space<vmem_shared>>
    %dma_start3A_301 = tpu.memref_slice %arg15[%dma_start3A_292] : memref<2x!tpu.dma_semaphore, #tpu.memory_space<semaphore_mem>> -> memref<1x!tpu.dma_semaphore, #tpu.memory_space<semaphore_mem>>
    %dma_start3A_302 = tpu.memref_squeeze %dma_start3A_301 : memref<1x!tpu.dma_semaphore, #tpu.memory_space<semaphore_mem>> -> memref<!tpu.dma_semaphore, #tpu.memory_space<semaphore_mem>>
    tpu.enqueue_indirect_dma source(%dma_start3A_300 : memref<100352xf32, #tpu.memory_space<vmem_shared>>) target(%dma_start3A_295 : memref<128xf32, #tpu.memory_space<vmem>>) offsets(%dma_start3A_298 : memref<128xi32, #tpu.memory_space<vmem>>) semaphore(%dma_start3A_302 : memref<!tpu.dma_semaphore, #tpu.memory_space<semaphore_mem>>)
    %dma_start3A_303 = arith.constant 1 : i32
    %dma_start3A_304 = arith.constant 0 : i32
    %dma_start3A_305 = arith.constant 0 : i32
    %dma_start3A_306 = arith.constant 0 : i32
    %dma_start3A_307 = arith.constant 5 : i32
    %dma_start3A_308 = arith.constant 0 : i32
    %dma_start3A_309 = arith.constant 0 : i32
    %dma_start3A_310 = tpu.memref_slice %arg13[%dma_start3A_306, %dma_start3A_307, %dma_start3A_309] : memref<2x9x128xf32, #tpu.memory_space<vmem>> -> memref<1x1x128xf32, #tpu.memory_space<vmem>>
    %dma_start3A_311 = tpu.memref_squeeze %dma_start3A_310 : memref<1x1x128xf32, #tpu.memory_space<vmem>> -> memref<128xf32, #tpu.memory_space<vmem>>
    %dma_start3A_312 = arith.constant 0 : i32
    %dma_start3A_313 = tpu.memref_slice %arg12[%dma_start3A_303, %dma_start3A_304, %dma_start3A_305, %dma_start3A_312] : memref<3x50x1x128xi32, #tpu.memory_space<vmem>> -> memref<1x1x1x128xi32, #tpu.memory_space<vmem>>
    %dma_start3A_314 = tpu.memref_squeeze %dma_start3A_313 : memref<1x1x1x128xi32, #tpu.memory_space<vmem>> -> memref<128xi32, #tpu.memory_space<vmem>>
    %dma_start3A_315 = arith.constant 0 : i32
    %dma_start3A_316 = tpu.memref_slice %arg8[%dma_start3A_315] : memref<100352xf32, #tpu.memory_space<vmem_shared>> -> memref<100352xf32, #tpu.memory_space<vmem_shared>>
    %dma_start3A_317 = tpu.memref_slice %arg15[%dma_start3A_308] : memref<2x!tpu.dma_semaphore, #tpu.memory_space<semaphore_mem>> -> memref<1x!tpu.dma_semaphore, #tpu.memory_space<semaphore_mem>>
    %dma_start3A_318 = tpu.memref_squeeze %dma_start3A_317 : memref<1x!tpu.dma_semaphore, #tpu.memory_space<semaphore_mem>> -> memref<!tpu.dma_semaphore, #tpu.memory_space<semaphore_mem>>
    tpu.enqueue_indirect_dma source(%dma_start3A_316 : memref<100352xf32, #tpu.memory_space<vmem_shared>>) target(%dma_start3A_311 : memref<128xf32, #tpu.memory_space<vmem>>) offsets(%dma_start3A_314 : memref<128xi32, #tpu.memory_space<vmem>>) semaphore(%dma_start3A_318 : memref<!tpu.dma_semaphore, #tpu.memory_space<semaphore_mem>>)
    %dma_start3A_319 = arith.constant 2 : i32
    %dma_start3A_320 = arith.constant 0 : i32
    %dma_start3A_321 = arith.constant 0 : i32
    %dma_start3A_322 = arith.constant 0 : i32
    %dma_start3A_323 = arith.constant 6 : i32
    %dma_start3A_324 = arith.constant 0 : i32
    %dma_start3A_325 = arith.constant 0 : i32
    %dma_start3A_326 = tpu.memref_slice %arg13[%dma_start3A_322, %dma_start3A_323, %dma_start3A_325] : memref<2x9x128xf32, #tpu.memory_space<vmem>> -> memref<1x1x128xf32, #tpu.memory_space<vmem>>
    %dma_start3A_327 = tpu.memref_squeeze %dma_start3A_326 : memref<1x1x128xf32, #tpu.memory_space<vmem>> -> memref<128xf32, #tpu.memory_space<vmem>>
    %dma_start3A_328 = arith.constant 0 : i32
    %dma_start3A_329 = tpu.memref_slice %arg12[%dma_start3A_319, %dma_start3A_320, %dma_start3A_321, %dma_start3A_328] : memref<3x50x1x128xi32, #tpu.memory_space<vmem>> -> memref<1x1x1x128xi32, #tpu.memory_space<vmem>>
    %dma_start3A_330 = tpu.memref_squeeze %dma_start3A_329 : memref<1x1x1x128xi32, #tpu.memory_space<vmem>> -> memref<128xi32, #tpu.memory_space<vmem>>
    %dma_start3A_331 = arith.constant 0 : i32
    %dma_start3A_332 = tpu.memref_slice %arg6[%dma_start3A_331] : memref<100352xf32, #tpu.memory_space<vmem_shared>> -> memref<100352xf32, #tpu.memory_space<vmem_shared>>
    %dma_start3A_333 = tpu.memref_slice %arg15[%dma_start3A_324] : memref<2x!tpu.dma_semaphore, #tpu.memory_space<semaphore_mem>> -> memref<1x!tpu.dma_semaphore, #tpu.memory_space<semaphore_mem>>
    %dma_start3A_334 = tpu.memref_squeeze %dma_start3A_333 : memref<1x!tpu.dma_semaphore, #tpu.memory_space<semaphore_mem>> -> memref<!tpu.dma_semaphore, #tpu.memory_space<semaphore_mem>>
    tpu.enqueue_indirect_dma source(%dma_start3A_332 : memref<100352xf32, #tpu.memory_space<vmem_shared>>) target(%dma_start3A_327 : memref<128xf32, #tpu.memory_space<vmem>>) offsets(%dma_start3A_330 : memref<128xi32, #tpu.memory_space<vmem>>) semaphore(%dma_start3A_334 : memref<!tpu.dma_semaphore, #tpu.memory_space<semaphore_mem>>)
    %dma_start3A_335 = arith.constant 2 : i32
    %dma_start3A_336 = arith.constant 0 : i32
    %dma_start3A_337 = arith.constant 0 : i32
    %dma_start3A_338 = arith.constant 0 : i32
    %dma_start3A_339 = arith.constant 7 : i32
    %dma_start3A_340 = arith.constant 0 : i32
    %dma_start3A_341 = arith.constant 0 : i32
    %dma_start3A_342 = tpu.memref_slice %arg13[%dma_start3A_338, %dma_start3A_339, %dma_start3A_341] : memref<2x9x128xf32, #tpu.memory_space<vmem>> -> memref<1x1x128xf32, #tpu.memory_space<vmem>>
    %dma_start3A_343 = tpu.memref_squeeze %dma_start3A_342 : memref<1x1x128xf32, #tpu.memory_space<vmem>> -> memref<128xf32, #tpu.memory_space<vmem>>
    %dma_start3A_344 = arith.constant 0 : i32
    %dma_start3A_345 = tpu.memref_slice %arg12[%dma_start3A_335, %dma_start3A_336, %dma_start3A_337, %dma_start3A_344] : memref<3x50x1x128xi32, #tpu.memory_space<vmem>> -> memref<1x1x1x128xi32, #tpu.memory_space<vmem>>
    %dma_start3A_346 = tpu.memref_squeeze %dma_start3A_345 : memref<1x1x1x128xi32, #tpu.memory_space<vmem>> -> memref<128xi32, #tpu.memory_space<vmem>>
    %dma_start3A_347 = arith.constant 0 : i32
    %dma_start3A_348 = tpu.memref_slice %arg7[%dma_start3A_347] : memref<100352xf32, #tpu.memory_space<vmem_shared>> -> memref<100352xf32, #tpu.memory_space<vmem_shared>>
    %dma_start3A_349 = tpu.memref_slice %arg15[%dma_start3A_340] : memref<2x!tpu.dma_semaphore, #tpu.memory_space<semaphore_mem>> -> memref<1x!tpu.dma_semaphore, #tpu.memory_space<semaphore_mem>>
    %dma_start3A_350 = tpu.memref_squeeze %dma_start3A_349 : memref<1x!tpu.dma_semaphore, #tpu.memory_space<semaphore_mem>> -> memref<!tpu.dma_semaphore, #tpu.memory_space<semaphore_mem>>
    tpu.enqueue_indirect_dma source(%dma_start3A_348 : memref<100352xf32, #tpu.memory_space<vmem_shared>>) target(%dma_start3A_343 : memref<128xf32, #tpu.memory_space<vmem>>) offsets(%dma_start3A_346 : memref<128xi32, #tpu.memory_space<vmem>>) semaphore(%dma_start3A_350 : memref<!tpu.dma_semaphore, #tpu.memory_space<semaphore_mem>>)
    %dma_start3A_351 = arith.constant 2 : i32
    %dma_start3A_352 = arith.constant 0 : i32
    %dma_start3A_353 = arith.constant 0 : i32
    %dma_start3A_354 = arith.constant 0 : i32
    %dma_start3A_355 = arith.constant 8 : i32
    %dma_start3A_356 = arith.constant 0 : i32
    %dma_start3A_357 = arith.constant 0 : i32
    %dma_start3A_358 = tpu.memref_slice %arg13[%dma_start3A_354, %dma_start3A_355, %dma_start3A_357] : memref<2x9x128xf32, #tpu.memory_space<vmem>> -> memref<1x1x128xf32, #tpu.memory_space<vmem>>
    %dma_start3A_359 = tpu.memref_squeeze %dma_start3A_358 : memref<1x1x128xf32, #tpu.memory_space<vmem>> -> memref<128xf32, #tpu.memory_space<vmem>>
    %dma_start3A_360 = arith.constant 0 : i32
    %dma_start3A_361 = tpu.memref_slice %arg12[%dma_start3A_351, %dma_start3A_352, %dma_start3A_353, %dma_start3A_360] : memref<3x50x1x128xi32, #tpu.memory_space<vmem>> -> memref<1x1x1x128xi32, #tpu.memory_space<vmem>>
    %dma_start3A_362 = tpu.memref_squeeze %dma_start3A_361 : memref<1x1x1x128xi32, #tpu.memory_space<vmem>> -> memref<128xi32, #tpu.memory_space<vmem>>
    %dma_start3A_363 = arith.constant 0 : i32
    %dma_start3A_364 = tpu.memref_slice %arg8[%dma_start3A_363] : memref<100352xf32, #tpu.memory_space<vmem_shared>> -> memref<100352xf32, #tpu.memory_space<vmem_shared>>
    %dma_start3A_365 = tpu.memref_slice %arg15[%dma_start3A_356] : memref<2x!tpu.dma_semaphore, #tpu.memory_space<semaphore_mem>> -> memref<1x!tpu.dma_semaphore, #tpu.memory_space<semaphore_mem>>
    %dma_start3A_366 = tpu.memref_squeeze %dma_start3A_365 : memref<1x!tpu.dma_semaphore, #tpu.memory_space<semaphore_mem>> -> memref<!tpu.dma_semaphore, #tpu.memory_space<semaphore_mem>>
    tpu.enqueue_indirect_dma source(%dma_start3A_364 : memref<100352xf32, #tpu.memory_space<vmem_shared>>) target(%dma_start3A_359 : memref<128xf32, #tpu.memory_space<vmem>>) offsets(%dma_start3A_362 : memref<128xi32, #tpu.memory_space<vmem>>) semaphore(%dma_start3A_366 : memref<!tpu.dma_semaphore, #tpu.memory_space<semaphore_mem>>)
    %scan3A = arith.constant 0 : i32
    %scan3A_367 = arith.constant 25 : i32
    %scan3A_368 = arith.addi %scan3A, %scan3A_367 : i32
    %scan3A_369 = arith.constant 1 : i32
    scf.for %scan3A_708 = %scan3A to %scan3A_368 step %scan3A_369  : i32 {
      %mul3A_709 = arith.constant 1 : i32
      %mul3A_710 = arith.muli %scan3A_708, %mul3A_709 : i32
      %add3A_711 = arith.constant 0 : i32
      %add3A_712 = arith.addi %add3A_711, %mul3A_710 : i32
      %mul3A_713 = arith.constant 2 : i32
      %mul3A_714 = arith.muli %mul3A_713, %add3A_712 : i32
      %add3A_715 = arith.constant 0 : i32
      %add3A_716 = arith.addi %mul3A_714, %add3A_715 : i32
      %add3A_717 = arith.constant 2 : i32
      %add3A_718 = arith.addi %add3A_716, %add3A_717 : i32
      %sub3A = arith.constant 1 : i32
      %sub3A_719 = arith.subi %add3A_718, %sub3A : i32
      %lt3A = arith.constant 50 : i32
      %lt3A_720 = arith.cmpi slt, %sub3A_719, %lt3A : i32
      %convert_element_type3A = arith.extui %lt3A_720 : i1 to i32
      %cond3A = arith.constant 0 : i32
      %cond3A_721 = arith.cmpi ne, %convert_element_type3A, %cond3A : i32
      scf.if %cond3A_721 {
        %add3A_2914 = arith.constant 2 : i32
        %add3A_2915 = arith.addi %add3A_716, %add3A_2914 : i32
        %sub3A_2916 = arith.constant 1 : i32
        %sub3A_2917 = arith.subi %add3A_2915, %sub3A_2916 : i32
        %dma_start3A_2918 = arith.constant 0 : i32
        %dma_start3A_2919 = arith.constant 0 : i32
        %dma_start3A_2920 = arith.constant 1 : i32
        %dma_start3A_2921 = arith.constant 0 : i32
        %dma_start3A_2922 = arith.constant 1 : i32
        %dma_start3A_2923 = arith.constant 0 : i32
        %dma_start3A_2924 = tpu.memref_slice %arg13[%dma_start3A_2920, %dma_start3A_2921, %dma_start3A_2923] : memref<2x9x128xf32, #tpu.memory_space<vmem>> -> memref<1x1x128xf32, #tpu.memory_space<vmem>>
        %dma_start3A_2925 = tpu.memref_squeeze %dma_start3A_2924 : memref<1x1x128xf32, #tpu.memory_space<vmem>> -> memref<128xf32, #tpu.memory_space<vmem>>
        %dma_start3A_2926 = arith.constant 0 : i32
        %dma_start3A_2927 = tpu.memref_slice %arg12[%dma_start3A_2918, %sub3A_2917, %dma_start3A_2919, %dma_start3A_2926] : memref<3x50x1x128xi32, #tpu.memory_space<vmem>> -> memref<1x1x1x128xi32, #tpu.memory_space<vmem>>
        %dma_start3A_2928 = tpu.memref_squeeze %dma_start3A_2927 : memref<1x1x1x128xi32, #tpu.memory_space<vmem>> -> memref<128xi32, #tpu.memory_space<vmem>>
        %dma_start3A_2929 = arith.constant 0 : i32
        %dma_start3A_2930 = tpu.memref_slice %arg6[%dma_start3A_2929] : memref<100352xf32, #tpu.memory_space<vmem_shared>> -> memref<100352xf32, #tpu.memory_space<vmem_shared>>
        %dma_start3A_2931 = tpu.memref_slice %arg15[%dma_start3A_2922] : memref<2x!tpu.dma_semaphore, #tpu.memory_space<semaphore_mem>> -> memref<1x!tpu.dma_semaphore, #tpu.memory_space<semaphore_mem>>
        %dma_start3A_2932 = tpu.memref_squeeze %dma_start3A_2931 : memref<1x!tpu.dma_semaphore, #tpu.memory_space<semaphore_mem>> -> memref<!tpu.dma_semaphore, #tpu.memory_space<semaphore_mem>>
        tpu.enqueue_indirect_dma source(%dma_start3A_2930 : memref<100352xf32, #tpu.memory_space<vmem_shared>>) target(%dma_start3A_2925 : memref<128xf32, #tpu.memory_space<vmem>>) offsets(%dma_start3A_2928 : memref<128xi32, #tpu.memory_space<vmem>>) semaphore(%dma_start3A_2932 : memref<!tpu.dma_semaphore, #tpu.memory_space<semaphore_mem>>)
        %dma_start3A_2933 = arith.constant 0 : i32
        %dma_start3A_2934 = arith.constant 0 : i32
        %dma_start3A_2935 = arith.constant 1 : i32
        %dma_start3A_2936 = arith.constant 1 : i32
        %dma_start3A_2937 = arith.constant 1 : i32
        %dma_start3A_2938 = arith.constant 0 : i32
        %dma_start3A_2939 = tpu.memref_slice %arg13[%dma_start3A_2935, %dma_start3A_2936, %dma_start3A_2938] : memref<2x9x128xf32, #tpu.memory_space<vmem>> -> memref<1x1x128xf32, #tpu.memory_space<vmem>>
        %dma_start3A_2940 = tpu.memref_squeeze %dma_start3A_2939 : memref<1x1x128xf32, #tpu.memory_space<vmem>> -> memref<128xf32, #tpu.memory_space<vmem>>
        %dma_start3A_2941 = arith.constant 0 : i32
        %dma_start3A_2942 = tpu.memref_slice %arg12[%dma_start3A_2933, %sub3A_2917, %dma_start3A_2934, %dma_start3A_2941] : memref<3x50x1x128xi32, #tpu.memory_space<vmem>> -> memref<1x1x1x128xi32, #tpu.memory_space<vmem>>
        %dma_start3A_2943 = tpu.memref_squeeze %dma_start3A_2942 : memref<1x1x1x128xi32, #tpu.memory_space<vmem>> -> memref<128xi32, #tpu.memory_space<vmem>>
        %dma_start3A_2944 = arith.constant 0 : i32
        %dma_start3A_2945 = tpu.memref_slice %arg7[%dma_start3A_2944] : memref<100352xf32, #tpu.memory_space<vmem_shared>> -> memref<100352xf32, #tpu.memory_space<vmem_shared>>
        %dma_start3A_2946 = tpu.memref_slice %arg15[%dma_start3A_2937] : memref<2x!tpu.dma_semaphore, #tpu.memory_space<semaphore_mem>> -> memref<1x!tpu.dma_semaphore, #tpu.memory_space<semaphore_mem>>
        %dma_start3A_2947 = tpu.memref_squeeze %dma_start3A_2946 : memref<1x!tpu.dma_semaphore, #tpu.memory_space<semaphore_mem>> -> memref<!tpu.dma_semaphore, #tpu.memory_space<semaphore_mem>>
        tpu.enqueue_indirect_dma source(%dma_start3A_2945 : memref<100352xf32, #tpu.memory_space<vmem_shared>>) target(%dma_start3A_2940 : memref<128xf32, #tpu.memory_space<vmem>>) offsets(%dma_start3A_2943 : memref<128xi32, #tpu.memory_space<vmem>>) semaphore(%dma_start3A_2947 : memref<!tpu.dma_semaphore, #tpu.memory_space<semaphore_mem>>)
        %dma_start3A_2948 = arith.constant 0 : i32
        %dma_start3A_2949 = arith.constant 0 : i32
        %dma_start3A_2950 = arith.constant 1 : i32
        %dma_start3A_2951 = arith.constant 2 : i32
        %dma_start3A_2952 = arith.constant 1 : i32
        %dma_start3A_2953 = arith.constant 0 : i32
        %dma_start3A_2954 = tpu.memref_slice %arg13[%dma_start3A_2950, %dma_start3A_2951, %dma_start3A_2953] : memref<2x9x128xf32, #tpu.memory_space<vmem>> -> memref<1x1x128xf32, #tpu.memory_space<vmem>>
        %dma_start3A_2955 = tpu.memref_squeeze %dma_start3A_2954 : memref<1x1x128xf32, #tpu.memory_space<vmem>> -> memref<128xf32, #tpu.memory_space<vmem>>
        %dma_start3A_2956 = arith.constant 0 : i32
        %dma_start3A_2957 = tpu.memref_slice %arg12[%dma_start3A_2948, %sub3A_2917, %dma_start3A_2949, %dma_start3A_2956] : memref<3x50x1x128xi32, #tpu.memory_space<vmem>> -> memref<1x1x1x128xi32, #tpu.memory_space<vmem>>
        %dma_start3A_2958 = tpu.memref_squeeze %dma_start3A_2957 : memref<1x1x1x128xi32, #tpu.memory_space<vmem>> -> memref<128xi32, #tpu.memory_space<vmem>>
        %dma_start3A_2959 = arith.constant 0 : i32
        %dma_start3A_2960 = tpu.memref_slice %arg8[%dma_start3A_2959] : memref<100352xf32, #tpu.memory_space<vmem_shared>> -> memref<100352xf32, #tpu.memory_space<vmem_shared>>
        %dma_start3A_2961 = tpu.memref_slice %arg15[%dma_start3A_2952] : memref<2x!tpu.dma_semaphore, #tpu.memory_space<semaphore_mem>> -> memref<1x!tpu.dma_semaphore, #tpu.memory_space<semaphore_mem>>
        %dma_start3A_2962 = tpu.memref_squeeze %dma_start3A_2961 : memref<1x!tpu.dma_semaphore, #tpu.memory_space<semaphore_mem>> -> memref<!tpu.dma_semaphore, #tpu.memory_space<semaphore_mem>>
        tpu.enqueue_indirect_dma source(%dma_start3A_2960 : memref<100352xf32, #tpu.memory_space<vmem_shared>>) target(%dma_start3A_2955 : memref<128xf32, #tpu.memory_space<vmem>>) offsets(%dma_start3A_2958 : memref<128xi32, #tpu.memory_space<vmem>>) semaphore(%dma_start3A_2962 : memref<!tpu.dma_semaphore, #tpu.memory_space<semaphore_mem>>)
        %dma_start3A_2963 = arith.constant 1 : i32
        %dma_start3A_2964 = arith.constant 0 : i32
        %dma_start3A_2965 = arith.constant 1 : i32
        %dma_start3A_2966 = arith.constant 3 : i32
        %dma_start3A_2967 = arith.constant 1 : i32
        %dma_start3A_2968 = arith.constant 0 : i32
        %dma_start3A_2969 = tpu.memref_slice %arg13[%dma_start3A_2965, %dma_start3A_2966, %dma_start3A_2968] : memref<2x9x128xf32, #tpu.memory_space<vmem>> -> memref<1x1x128xf32, #tpu.memory_space<vmem>>
        %dma_start3A_2970 = tpu.memref_squeeze %dma_start3A_2969 : memref<1x1x128xf32, #tpu.memory_space<vmem>> -> memref<128xf32, #tpu.memory_space<vmem>>
        %dma_start3A_2971 = arith.constant 0 : i32
        %dma_start3A_2972 = tpu.memref_slice %arg12[%dma_start3A_2963, %sub3A_2917, %dma_start3A_2964, %dma_start3A_2971] : memref<3x50x1x128xi32, #tpu.memory_space<vmem>> -> memref<1x1x1x128xi32, #tpu.memory_space<vmem>>
        %dma_start3A_2973 = tpu.memref_squeeze %dma_start3A_2972 : memref<1x1x1x128xi32, #tpu.memory_space<vmem>> -> memref<128xi32, #tpu.memory_space<vmem>>
        %dma_start3A_2974 = arith.constant 0 : i32
        %dma_start3A_2975 = tpu.memref_slice %arg6[%dma_start3A_2974] : memref<100352xf32, #tpu.memory_space<vmem_shared>> -> memref<100352xf32, #tpu.memory_space<vmem_shared>>
        %dma_start3A_2976 = tpu.memref_slice %arg15[%dma_start3A_2967] : memref<2x!tpu.dma_semaphore, #tpu.memory_space<semaphore_mem>> -> memref<1x!tpu.dma_semaphore, #tpu.memory_space<semaphore_mem>>
        %dma_start3A_2977 = tpu.memref_squeeze %dma_start3A_2976 : memref<1x!tpu.dma_semaphore, #tpu.memory_space<semaphore_mem>> -> memref<!tpu.dma_semaphore, #tpu.memory_space<semaphore_mem>>
        tpu.enqueue_indirect_dma source(%dma_start3A_2975 : memref<100352xf32, #tpu.memory_space<vmem_shared>>) target(%dma_start3A_2970 : memref<128xf32, #tpu.memory_space<vmem>>) offsets(%dma_start3A_2973 : memref<128xi32, #tpu.memory_space<vmem>>) semaphore(%dma_start3A_2977 : memref<!tpu.dma_semaphore, #tpu.memory_space<semaphore_mem>>)
        %dma_start3A_2978 = arith.constant 1 : i32
        %dma_start3A_2979 = arith.constant 0 : i32
        %dma_start3A_2980 = arith.constant 1 : i32
        %dma_start3A_2981 = arith.constant 4 : i32
        %dma_start3A_2982 = arith.constant 1 : i32
        %dma_start3A_2983 = arith.constant 0 : i32
        %dma_start3A_2984 = tpu.memref_slice %arg13[%dma_start3A_2980, %dma_start3A_2981, %dma_start3A_2983] : memref<2x9x128xf32, #tpu.memory_space<vmem>> -> memref<1x1x128xf32, #tpu.memory_space<vmem>>
        %dma_start3A_2985 = tpu.memref_squeeze %dma_start3A_2984 : memref<1x1x128xf32, #tpu.memory_space<vmem>> -> memref<128xf32, #tpu.memory_space<vmem>>
        %dma_start3A_2986 = arith.constant 0 : i32
        %dma_start3A_2987 = tpu.memref_slice %arg12[%dma_start3A_2978, %sub3A_2917, %dma_start3A_2979, %dma_start3A_2986] : memref<3x50x1x128xi32, #tpu.memory_space<vmem>> -> memref<1x1x1x128xi32, #tpu.memory_space<vmem>>
        %dma_start3A_2988 = tpu.memref_squeeze %dma_start3A_2987 : memref<1x1x1x128xi32, #tpu.memory_space<vmem>> -> memref<128xi32, #tpu.memory_space<vmem>>
        %dma_start3A_2989 = arith.constant 0 : i32
        %dma_start3A_2990 = tpu.memref_slice %arg7[%dma_start3A_2989] : memref<100352xf32, #tpu.memory_space<vmem_shared>> -> memref<100352xf32, #tpu.memory_space<vmem_shared>>
        %dma_start3A_2991 = tpu.memref_slice %arg15[%dma_start3A_2982] : memref<2x!tpu.dma_semaphore, #tpu.memory_space<semaphore_mem>> -> memref<1x!tpu.dma_semaphore, #tpu.memory_space<semaphore_mem>>
        %dma_start3A_2992 = tpu.memref_squeeze %dma_start3A_2991 : memref<1x!tpu.dma_semaphore, #tpu.memory_space<semaphore_mem>> -> memref<!tpu.dma_semaphore, #tpu.memory_space<semaphore_mem>>
        tpu.enqueue_indirect_dma source(%dma_start3A_2990 : memref<100352xf32, #tpu.memory_space<vmem_shared>>) target(%dma_start3A_2985 : memref<128xf32, #tpu.memory_space<vmem>>) offsets(%dma_start3A_2988 : memref<128xi32, #tpu.memory_space<vmem>>) semaphore(%dma_start3A_2992 : memref<!tpu.dma_semaphore, #tpu.memory_space<semaphore_mem>>)
        %dma_start3A_2993 = arith.constant 1 : i32
        %dma_start3A_2994 = arith.constant 0 : i32
        %dma_start3A_2995 = arith.constant 1 : i32
        %dma_start3A_2996 = arith.constant 5 : i32
        %dma_start3A_2997 = arith.constant 1 : i32
        %dma_start3A_2998 = arith.constant 0 : i32
        %dma_start3A_2999 = tpu.memref_slice %arg13[%dma_start3A_2995, %dma_start3A_2996, %dma_start3A_2998] : memref<2x9x128xf32, #tpu.memory_space<vmem>> -> memref<1x1x128xf32, #tpu.memory_space<vmem>>
        %dma_start3A_3000 = tpu.memref_squeeze %dma_start3A_2999 : memref<1x1x128xf32, #tpu.memory_space<vmem>> -> memref<128xf32, #tpu.memory_space<vmem>>
        %dma_start3A_3001 = arith.constant 0 : i32
        %dma_start3A_3002 = tpu.memref_slice %arg12[%dma_start3A_2993, %sub3A_2917, %dma_start3A_2994, %dma_start3A_3001] : memref<3x50x1x128xi32, #tpu.memory_space<vmem>> -> memref<1x1x1x128xi32, #tpu.memory_space<vmem>>
        %dma_start3A_3003 = tpu.memref_squeeze %dma_start3A_3002 : memref<1x1x1x128xi32, #tpu.memory_space<vmem>> -> memref<128xi32, #tpu.memory_space<vmem>>
        %dma_start3A_3004 = arith.constant 0 : i32
        %dma_start3A_3005 = tpu.memref_slice %arg8[%dma_start3A_3004] : memref<100352xf32, #tpu.memory_space<vmem_shared>> -> memref<100352xf32, #tpu.memory_space<vmem_shared>>
        %dma_start3A_3006 = tpu.memref_slice %arg15[%dma_start3A_2997] : memref<2x!tpu.dma_semaphore, #tpu.memory_space<semaphore_mem>> -> memref<1x!tpu.dma_semaphore, #tpu.memory_space<semaphore_mem>>
        %dma_start3A_3007 = tpu.memref_squeeze %dma_start3A_3006 : memref<1x!tpu.dma_semaphore, #tpu.memory_space<semaphore_mem>> -> memref<!tpu.dma_semaphore, #tpu.memory_space<semaphore_mem>>
        tpu.enqueue_indirect_dma source(%dma_start3A_3005 : memref<100352xf32, #tpu.memory_space<vmem_shared>>) target(%dma_start3A_3000 : memref<128xf32, #tpu.memory_space<vmem>>) offsets(%dma_start3A_3003 : memref<128xi32, #tpu.memory_space<vmem>>) semaphore(%dma_start3A_3007 : memref<!tpu.dma_semaphore, #tpu.memory_space<semaphore_mem>>)
        %dma_start3A_3008 = arith.constant 2 : i32
        %dma_start3A_3009 = arith.constant 0 : i32
        %dma_start3A_3010 = arith.constant 1 : i32
        %dma_start3A_3011 = arith.constant 6 : i32
        %dma_start3A_3012 = arith.constant 1 : i32
        %dma_start3A_3013 = arith.constant 0 : i32
        %dma_start3A_3014 = tpu.memref_slice %arg13[%dma_start3A_3010, %dma_start3A_3011, %dma_start3A_3013] : memref<2x9x128xf32, #tpu.memory_space<vmem>> -> memref<1x1x128xf32, #tpu.memory_space<vmem>>
        %dma_start3A_3015 = tpu.memref_squeeze %dma_start3A_3014 : memref<1x1x128xf32, #tpu.memory_space<vmem>> -> memref<128xf32, #tpu.memory_space<vmem>>
        %dma_start3A_3016 = arith.constant 0 : i32
        %dma_start3A_3017 = tpu.memref_slice %arg12[%dma_start3A_3008, %sub3A_2917, %dma_start3A_3009, %dma_start3A_3016] : memref<3x50x1x128xi32, #tpu.memory_space<vmem>> -> memref<1x1x1x128xi32, #tpu.memory_space<vmem>>
        %dma_start3A_3018 = tpu.memref_squeeze %dma_start3A_3017 : memref<1x1x1x128xi32, #tpu.memory_space<vmem>> -> memref<128xi32, #tpu.memory_space<vmem>>
        %dma_start3A_3019 = arith.constant 0 : i32
        %dma_start3A_3020 = tpu.memref_slice %arg6[%dma_start3A_3019] : memref<100352xf32, #tpu.memory_space<vmem_shared>> -> memref<100352xf32, #tpu.memory_space<vmem_shared>>
        %dma_start3A_3021 = tpu.memref_slice %arg15[%dma_start3A_3012] : memref<2x!tpu.dma_semaphore, #tpu.memory_space<semaphore_mem>> -> memref<1x!tpu.dma_semaphore, #tpu.memory_space<semaphore_mem>>
        %dma_start3A_3022 = tpu.memref_squeeze %dma_start3A_3021 : memref<1x!tpu.dma_semaphore, #tpu.memory_space<semaphore_mem>> -> memref<!tpu.dma_semaphore, #tpu.memory_space<semaphore_mem>>
        tpu.enqueue_indirect_dma source(%dma_start3A_3020 : memref<100352xf32, #tpu.memory_space<vmem_shared>>) target(%dma_start3A_3015 : memref<128xf32, #tpu.memory_space<vmem>>) offsets(%dma_start3A_3018 : memref<128xi32, #tpu.memory_space<vmem>>) semaphore(%dma_start3A_3022 : memref<!tpu.dma_semaphore, #tpu.memory_space<semaphore_mem>>)
        %dma_start3A_3023 = arith.constant 2 : i32
        %dma_start3A_3024 = arith.constant 0 : i32
        %dma_start3A_3025 = arith.constant 1 : i32
        %dma_start3A_3026 = arith.constant 7 : i32
        %dma_start3A_3027 = arith.constant 1 : i32
        %dma_start3A_3028 = arith.constant 0 : i32
        %dma_start3A_3029 = tpu.memref_slice %arg13[%dma_start3A_3025, %dma_start3A_3026, %dma_start3A_3028] : memref<2x9x128xf32, #tpu.memory_space<vmem>> -> memref<1x1x128xf32, #tpu.memory_space<vmem>>
        %dma_start3A_3030 = tpu.memref_squeeze %dma_start3A_3029 : memref<1x1x128xf32, #tpu.memory_space<vmem>> -> memref<128xf32, #tpu.memory_space<vmem>>
        %dma_start3A_3031 = arith.constant 0 : i32
        %dma_start3A_3032 = tpu.memref_slice %arg12[%dma_start3A_3023, %sub3A_2917, %dma_start3A_3024, %dma_start3A_3031] : memref<3x50x1x128xi32, #tpu.memory_space<vmem>> -> memref<1x1x1x128xi32, #tpu.memory_space<vmem>>
        %dma_start3A_3033 = tpu.memref_squeeze %dma_start3A_3032 : memref<1x1x1x128xi32, #tpu.memory_space<vmem>> -> memref<128xi32, #tpu.memory_space<vmem>>
        %dma_start3A_3034 = arith.constant 0 : i32
        %dma_start3A_3035 = tpu.memref_slice %arg7[%dma_start3A_3034] : memref<100352xf32, #tpu.memory_space<vmem_shared>> -> memref<100352xf32, #tpu.memory_space<vmem_shared>>
        %dma_start3A_3036 = tpu.memref_slice %arg15[%dma_start3A_3027] : memref<2x!tpu.dma_semaphore, #tpu.memory_space<semaphore_mem>> -> memref<1x!tpu.dma_semaphore, #tpu.memory_space<semaphore_mem>>
        %dma_start3A_3037 = tpu.memref_squeeze %dma_start3A_3036 : memref<1x!tpu.dma_semaphore, #tpu.memory_space<semaphore_mem>> -> memref<!tpu.dma_semaphore, #tpu.memory_space<semaphore_mem>>
        tpu.enqueue_indirect_dma source(%dma_start3A_3035 : memref<100352xf32, #tpu.memory_space<vmem_shared>>) target(%dma_start3A_3030 : memref<128xf32, #tpu.memory_space<vmem>>) offsets(%dma_start3A_3033 : memref<128xi32, #tpu.memory_space<vmem>>) semaphore(%dma_start3A_3037 : memref<!tpu.dma_semaphore, #tpu.memory_space<semaphore_mem>>)
        %dma_start3A_3038 = arith.constant 2 : i32
        %dma_start3A_3039 = arith.constant 0 : i32
        %dma_start3A_3040 = arith.constant 1 : i32
        %dma_start3A_3041 = arith.constant 8 : i32
        %dma_start3A_3042 = arith.constant 1 : i32
        %dma_start3A_3043 = arith.constant 0 : i32
        %dma_start3A_3044 = tpu.memref_slice %arg13[%dma_start3A_3040, %dma_start3A_3041, %dma_start3A_3043] : memref<2x9x128xf32, #tpu.memory_space<vmem>> -> memref<1x1x128xf32, #tpu.memory_space<vmem>>
        %dma_start3A_3045 = tpu.memref_squeeze %dma_start3A_3044 : memref<1x1x128xf32, #tpu.memory_space<vmem>> -> memref<128xf32, #tpu.memory_space<vmem>>
        %dma_start3A_3046 = arith.constant 0 : i32
        %dma_start3A_3047 = tpu.memref_slice %arg12[%dma_start3A_3038, %sub3A_2917, %dma_start3A_3039, %dma_start3A_3046] : memref<3x50x1x128xi32, #tpu.memory_space<vmem>> -> memref<1x1x1x128xi32, #tpu.memory_space<vmem>>
        %dma_start3A_3048 = tpu.memref_squeeze %dma_start3A_3047 : memref<1x1x1x128xi32, #tpu.memory_space<vmem>> -> memref<128xi32, #tpu.memory_space<vmem>>
        %dma_start3A_3049 = arith.constant 0 : i32
        %dma_start3A_3050 = tpu.memref_slice %arg8[%dma_start3A_3049] : memref<100352xf32, #tpu.memory_space<vmem_shared>> -> memref<100352xf32, #tpu.memory_space<vmem_shared>>
        %dma_start3A_3051 = tpu.memref_slice %arg15[%dma_start3A_3042] : memref<2x!tpu.dma_semaphore, #tpu.memory_space<semaphore_mem>> -> memref<1x!tpu.dma_semaphore, #tpu.memory_space<semaphore_mem>>
        %dma_start3A_3052 = tpu.memref_squeeze %dma_start3A_3051 : memref<1x!tpu.dma_semaphore, #tpu.memory_space<semaphore_mem>> -> memref<!tpu.dma_semaphore, #tpu.memory_space<semaphore_mem>>
        tpu.enqueue_indirect_dma source(%dma_start3A_3050 : memref<100352xf32, #tpu.memory_space<vmem_shared>>) target(%dma_start3A_3045 : memref<128xf32, #tpu.memory_space<vmem>>) offsets(%dma_start3A_3048 : memref<128xi32, #tpu.memory_space<vmem>>) semaphore(%dma_start3A_3052 : memref<!tpu.dma_semaphore, #tpu.memory_space<semaphore_mem>>)
      } else {
      }
      %dma_wait3A_722 = arith.constant 0 : i32
      %dma_wait3A_723 = arith.constant 0 : i32
      %dma_wait3A_724 = arith.constant 0 : i32
      %dma_wait3A_725 = arith.constant 0 : i32
      %dma_wait3A_726 = arith.constant 0 : i32
      %dma_wait3A_727 = arith.constant 0 : i32
      %dma_wait3A_728 = tpu.memref_slice %arg13[%dma_wait3A_724, %dma_wait3A_725, %dma_wait3A_727] : memref<2x9x128xf32, #tpu.memory_space<vmem>> -> memref<1x1x128xf32, #tpu.memory_space<vmem>>
      %dma_wait3A_729 = tpu.memref_squeeze %dma_wait3A_728 : memref<1x1x128xf32, #tpu.memory_space<vmem>> -> memref<128xf32, #tpu.memory_space<vmem>>
      %dma_wait3A_730 = arith.constant 0 : i32
      %dma_wait3A_731 = tpu.memref_slice %arg12[%dma_wait3A_722, %add3A_716, %dma_wait3A_723, %dma_wait3A_730] : memref<3x50x1x128xi32, #tpu.memory_space<vmem>> -> memref<1x1x1x128xi32, #tpu.memory_space<vmem>>
      %dma_wait3A_732 = tpu.memref_squeeze %dma_wait3A_731 : memref<1x1x1x128xi32, #tpu.memory_space<vmem>> -> memref<128xi32, #tpu.memory_space<vmem>>
      %dma_wait3A_733 = arith.constant 0 : i32
      %dma_wait3A_734 = tpu.memref_slice %arg6[%dma_wait3A_733] : memref<100352xf32, #tpu.memory_space<vmem_shared>> -> memref<100352xf32, #tpu.memory_space<vmem_shared>>
      %dma_wait3A_735 = tpu.memref_slice %arg15[%dma_wait3A_726] : memref<2x!tpu.dma_semaphore, #tpu.memory_space<semaphore_mem>> -> memref<1x!tpu.dma_semaphore, #tpu.memory_space<semaphore_mem>>
      %dma_wait3A_736 = tpu.memref_squeeze %dma_wait3A_735 : memref<1x!tpu.dma_semaphore, #tpu.memory_space<semaphore_mem>> -> memref<!tpu.dma_semaphore, #tpu.memory_space<semaphore_mem>>
      tpu.wait_indirect_dma semaphore(%dma_wait3A_736 : memref<!tpu.dma_semaphore, #tpu.memory_space<semaphore_mem>>) src(%dma_wait3A_734 : memref<100352xf32, #tpu.memory_space<vmem_shared>>) dst(%dma_wait3A_729 : memref<128xf32, #tpu.memory_space<vmem>>)
      %dma_wait3A_737 = arith.constant 0 : i32
      %dma_wait3A_738 = arith.constant 0 : i32
      %dma_wait3A_739 = arith.constant 0 : i32
      %dma_wait3A_740 = arith.constant 1 : i32
      %dma_wait3A_741 = arith.constant 0 : i32
      %dma_wait3A_742 = arith.constant 0 : i32
      %dma_wait3A_743 = tpu.memref_slice %arg13[%dma_wait3A_739, %dma_wait3A_740, %dma_wait3A_742] : memref<2x9x128xf32, #tpu.memory_space<vmem>> -> memref<1x1x128xf32, #tpu.memory_space<vmem>>
      %dma_wait3A_744 = tpu.memref_squeeze %dma_wait3A_743 : memref<1x1x128xf32, #tpu.memory_space<vmem>> -> memref<128xf32, #tpu.memory_space<vmem>>
      %dma_wait3A_745 = arith.constant 0 : i32
      %dma_wait3A_746 = tpu.memref_slice %arg12[%dma_wait3A_737, %add3A_716, %dma_wait3A_738, %dma_wait3A_745] : memref<3x50x1x128xi32, #tpu.memory_space<vmem>> -> memref<1x1x1x128xi32, #tpu.memory_space<vmem>>
      %dma_wait3A_747 = tpu.memref_squeeze %dma_wait3A_746 : memref<1x1x1x128xi32, #tpu.memory_space<vmem>> -> memref<128xi32, #tpu.memory_space<vmem>>
      %dma_wait3A_748 = arith.constant 0 : i32
      %dma_wait3A_749 = tpu.memref_slice %arg7[%dma_wait3A_748] : memref<100352xf32, #tpu.memory_space<vmem_shared>> -> memref<100352xf32, #tpu.memory_space<vmem_shared>>
      %dma_wait3A_750 = tpu.memref_slice %arg15[%dma_wait3A_741] : memref<2x!tpu.dma_semaphore, #tpu.memory_space<semaphore_mem>> -> memref<1x!tpu.dma_semaphore, #tpu.memory_space<semaphore_mem>>
      %dma_wait3A_751 = tpu.memref_squeeze %dma_wait3A_750 : memref<1x!tpu.dma_semaphore, #tpu.memory_space<semaphore_mem>> -> memref<!tpu.dma_semaphore, #tpu.memory_space<semaphore_mem>>
      tpu.wait_indirect_dma semaphore(%dma_wait3A_751 : memref<!tpu.dma_semaphore, #tpu.memory_space<semaphore_mem>>) src(%dma_wait3A_749 : memref<100352xf32, #tpu.memory_space<vmem_shared>>) dst(%dma_wait3A_744 : memref<128xf32, #tpu.memory_space<vmem>>)
      %dma_wait3A_752 = arith.constant 0 : i32
      %dma_wait3A_753 = arith.constant 0 : i32
      %dma_wait3A_754 = arith.constant 0 : i32
      %dma_wait3A_755 = arith.constant 2 : i32
      %dma_wait3A_756 = arith.constant 0 : i32
      %dma_wait3A_757 = arith.constant 0 : i32
      %dma_wait3A_758 = tpu.memref_slice %arg13[%dma_wait3A_754, %dma_wait3A_755, %dma_wait3A_757] : memref<2x9x128xf32, #tpu.memory_space<vmem>> -> memref<1x1x128xf32, #tpu.memory_space<vmem>>
      %dma_wait3A_759 = tpu.memref_squeeze %dma_wait3A_758 : memref<1x1x128xf32, #tpu.memory_space<vmem>> -> memref<128xf32, #tpu.memory_space<vmem>>
      %dma_wait3A_760 = arith.constant 0 : i32
      %dma_wait3A_761 = tpu.memref_slice %arg12[%dma_wait3A_752, %add3A_716, %dma_wait3A_753, %dma_wait3A_760] : memref<3x50x1x128xi32, #tpu.memory_space<vmem>> -> memref<1x1x1x128xi32, #tpu.memory_space<vmem>>
      %dma_wait3A_762 = tpu.memref_squeeze %dma_wait3A_761 : memref<1x1x1x128xi32, #tpu.memory_space<vmem>> -> memref<128xi32, #tpu.memory_space<vmem>>
      %dma_wait3A_763 = arith.constant 0 : i32
      %dma_wait3A_764 = tpu.memref_slice %arg8[%dma_wait3A_763] : memref<100352xf32, #tpu.memory_space<vmem_shared>> -> memref<100352xf32, #tpu.memory_space<vmem_shared>>
      %dma_wait3A_765 = tpu.memref_slice %arg15[%dma_wait3A_756] : memref<2x!tpu.dma_semaphore, #tpu.memory_space<semaphore_mem>> -> memref<1x!tpu.dma_semaphore, #tpu.memory_space<semaphore_mem>>
      %dma_wait3A_766 = tpu.memref_squeeze %dma_wait3A_765 : memref<1x!tpu.dma_semaphore, #tpu.memory_space<semaphore_mem>> -> memref<!tpu.dma_semaphore, #tpu.memory_space<semaphore_mem>>
      tpu.wait_indirect_dma semaphore(%dma_wait3A_766 : memref<!tpu.dma_semaphore, #tpu.memory_space<semaphore_mem>>) src(%dma_wait3A_764 : memref<100352xf32, #tpu.memory_space<vmem_shared>>) dst(%dma_wait3A_759 : memref<128xf32, #tpu.memory_space<vmem>>)
      %dma_wait3A_767 = arith.constant 1 : i32
      %dma_wait3A_768 = arith.constant 0 : i32
      %dma_wait3A_769 = arith.constant 0 : i32
      %dma_wait3A_770 = arith.constant 3 : i32
      %dma_wait3A_771 = arith.constant 0 : i32
      %dma_wait3A_772 = arith.constant 0 : i32
      %dma_wait3A_773 = tpu.memref_slice %arg13[%dma_wait3A_769, %dma_wait3A_770, %dma_wait3A_772] : memref<2x9x128xf32, #tpu.memory_space<vmem>> -> memref<1x1x128xf32, #tpu.memory_space<vmem>>
      %dma_wait3A_774 = tpu.memref_squeeze %dma_wait3A_773 : memref<1x1x128xf32, #tpu.memory_space<vmem>> -> memref<128xf32, #tpu.memory_space<vmem>>
      %dma_wait3A_775 = arith.constant 0 : i32
      %dma_wait3A_776 = tpu.memref_slice %arg12[%dma_wait3A_767, %add3A_716, %dma_wait3A_768, %dma_wait3A_775] : memref<3x50x1x128xi32, #tpu.memory_space<vmem>> -> memref<1x1x1x128xi32, #tpu.memory_space<vmem>>
      %dma_wait3A_777 = tpu.memref_squeeze %dma_wait3A_776 : memref<1x1x1x128xi32, #tpu.memory_space<vmem>> -> memref<128xi32, #tpu.memory_space<vmem>>
      %dma_wait3A_778 = arith.constant 0 : i32
      %dma_wait3A_779 = tpu.memref_slice %arg6[%dma_wait3A_778] : memref<100352xf32, #tpu.memory_space<vmem_shared>> -> memref<100352xf32, #tpu.memory_space<vmem_shared>>
      %dma_wait3A_780 = tpu.memref_slice %arg15[%dma_wait3A_771] : memref<2x!tpu.dma_semaphore, #tpu.memory_space<semaphore_mem>> -> memref<1x!tpu.dma_semaphore, #tpu.memory_space<semaphore_mem>>
      %dma_wait3A_781 = tpu.memref_squeeze %dma_wait3A_780 : memref<1x!tpu.dma_semaphore, #tpu.memory_space<semaphore_mem>> -> memref<!tpu.dma_semaphore, #tpu.memory_space<semaphore_mem>>
      tpu.wait_indirect_dma semaphore(%dma_wait3A_781 : memref<!tpu.dma_semaphore, #tpu.memory_space<semaphore_mem>>) src(%dma_wait3A_779 : memref<100352xf32, #tpu.memory_space<vmem_shared>>) dst(%dma_wait3A_774 : memref<128xf32, #tpu.memory_space<vmem>>)
      %dma_wait3A_782 = arith.constant 1 : i32
      %dma_wait3A_783 = arith.constant 0 : i32
      %dma_wait3A_784 = arith.constant 0 : i32
      %dma_wait3A_785 = arith.constant 4 : i32
      %dma_wait3A_786 = arith.constant 0 : i32
      %dma_wait3A_787 = arith.constant 0 : i32
      %dma_wait3A_788 = tpu.memref_slice %arg13[%dma_wait3A_784, %dma_wait3A_785, %dma_wait3A_787] : memref<2x9x128xf32, #tpu.memory_space<vmem>> -> memref<1x1x128xf32, #tpu.memory_space<vmem>>
      %dma_wait3A_789 = tpu.memref_squeeze %dma_wait3A_788 : memref<1x1x128xf32, #tpu.memory_space<vmem>> -> memref<128xf32, #tpu.memory_space<vmem>>
      %dma_wait3A_790 = arith.constant 0 : i32
      %dma_wait3A_791 = tpu.memref_slice %arg12[%dma_wait3A_782, %add3A_716, %dma_wait3A_783, %dma_wait3A_790] : memref<3x50x1x128xi32, #tpu.memory_space<vmem>> -> memref<1x1x1x128xi32, #tpu.memory_space<vmem>>
      %dma_wait3A_792 = tpu.memref_squeeze %dma_wait3A_791 : memref<1x1x1x128xi32, #tpu.memory_space<vmem>> -> memref<128xi32, #tpu.memory_space<vmem>>
      %dma_wait3A_793 = arith.constant 0 : i32
      %dma_wait3A_794 = tpu.memref_slice %arg7[%dma_wait3A_793] : memref<100352xf32, #tpu.memory_space<vmem_shared>> -> memref<100352xf32, #tpu.memory_space<vmem_shared>>
      %dma_wait3A_795 = tpu.memref_slice %arg15[%dma_wait3A_786] : memref<2x!tpu.dma_semaphore, #tpu.memory_space<semaphore_mem>> -> memref<1x!tpu.dma_semaphore, #tpu.memory_space<semaphore_mem>>
      %dma_wait3A_796 = tpu.memref_squeeze %dma_wait3A_795 : memref<1x!tpu.dma_semaphore, #tpu.memory_space<semaphore_mem>> -> memref<!tpu.dma_semaphore, #tpu.memory_space<semaphore_mem>>
      tpu.wait_indirect_dma semaphore(%dma_wait3A_796 : memref<!tpu.dma_semaphore, #tpu.memory_space<semaphore_mem>>) src(%dma_wait3A_794 : memref<100352xf32, #tpu.memory_space<vmem_shared>>) dst(%dma_wait3A_789 : memref<128xf32, #tpu.memory_space<vmem>>)
      %dma_wait3A_797 = arith.constant 1 : i32
      %dma_wait3A_798 = arith.constant 0 : i32
      %dma_wait3A_799 = arith.constant 0 : i32
      %dma_wait3A_800 = arith.constant 5 : i32
      %dma_wait3A_801 = arith.constant 0 : i32
      %dma_wait3A_802 = arith.constant 0 : i32
      %dma_wait3A_803 = tpu.memref_slice %arg13[%dma_wait3A_799, %dma_wait3A_800, %dma_wait3A_802] : memref<2x9x128xf32, #tpu.memory_space<vmem>> -> memref<1x1x128xf32, #tpu.memory_space<vmem>>
      %dma_wait3A_804 = tpu.memref_squeeze %dma_wait3A_803 : memref<1x1x128xf32, #tpu.memory_space<vmem>> -> memref<128xf32, #tpu.memory_space<vmem>>
      %dma_wait3A_805 = arith.constant 0 : i32
      %dma_wait3A_806 = tpu.memref_slice %arg12[%dma_wait3A_797, %add3A_716, %dma_wait3A_798, %dma_wait3A_805] : memref<3x50x1x128xi32, #tpu.memory_space<vmem>> -> memref<1x1x1x128xi32, #tpu.memory_space<vmem>>
      %dma_wait3A_807 = tpu.memref_squeeze %dma_wait3A_806 : memref<1x1x1x128xi32, #tpu.memory_space<vmem>> -> memref<128xi32, #tpu.memory_space<vmem>>
      %dma_wait3A_808 = arith.constant 0 : i32
      %dma_wait3A_809 = tpu.memref_slice %arg8[%dma_wait3A_808] : memref<100352xf32, #tpu.memory_space<vmem_shared>> -> memref<100352xf32, #tpu.memory_space<vmem_shared>>
      %dma_wait3A_810 = tpu.memref_slice %arg15[%dma_wait3A_801] : memref<2x!tpu.dma_semaphore, #tpu.memory_space<semaphore_mem>> -> memref<1x!tpu.dma_semaphore, #tpu.memory_space<semaphore_mem>>
      %dma_wait3A_811 = tpu.memref_squeeze %dma_wait3A_810 : memref<1x!tpu.dma_semaphore, #tpu.memory_space<semaphore_mem>> -> memref<!tpu.dma_semaphore, #tpu.memory_space<semaphore_mem>>
      tpu.wait_indirect_dma semaphore(%dma_wait3A_811 : memref<!tpu.dma_semaphore, #tpu.memory_space<semaphore_mem>>) src(%dma_wait3A_809 : memref<100352xf32, #tpu.memory_space<vmem_shared>>) dst(%dma_wait3A_804 : memref<128xf32, #tpu.memory_space<vmem>>)
      %dma_wait3A_812 = arith.constant 2 : i32
      %dma_wait3A_813 = arith.constant 0 : i32
      %dma_wait3A_814 = arith.constant 0 : i32
      %dma_wait3A_815 = arith.constant 6 : i32
      %dma_wait3A_816 = arith.constant 0 : i32
      %dma_wait3A_817 = arith.constant 0 : i32
      %dma_wait3A_818 = tpu.memref_slice %arg13[%dma_wait3A_814, %dma_wait3A_815, %dma_wait3A_817] : memref<2x9x128xf32, #tpu.memory_space<vmem>> -> memref<1x1x128xf32, #tpu.memory_space<vmem>>
      %dma_wait3A_819 = tpu.memref_squeeze %dma_wait3A_818 : memref<1x1x128xf32, #tpu.memory_space<vmem>> -> memref<128xf32, #tpu.memory_space<vmem>>
      %dma_wait3A_820 = arith.constant 0 : i32
      %dma_wait3A_821 = tpu.memref_slice %arg12[%dma_wait3A_812, %add3A_716, %dma_wait3A_813, %dma_wait3A_820] : memref<3x50x1x128xi32, #tpu.memory_space<vmem>> -> memref<1x1x1x128xi32, #tpu.memory_space<vmem>>
      %dma_wait3A_822 = tpu.memref_squeeze %dma_wait3A_821 : memref<1x1x1x128xi32, #tpu.memory_space<vmem>> -> memref<128xi32, #tpu.memory_space<vmem>>
      %dma_wait3A_823 = arith.constant 0 : i32
      %dma_wait3A_824 = tpu.memref_slice %arg6[%dma_wait3A_823] : memref<100352xf32, #tpu.memory_space<vmem_shared>> -> memref<100352xf32, #tpu.memory_space<vmem_shared>>
      %dma_wait3A_825 = tpu.memref_slice %arg15[%dma_wait3A_816] : memref<2x!tpu.dma_semaphore, #tpu.memory_space<semaphore_mem>> -> memref<1x!tpu.dma_semaphore, #tpu.memory_space<semaphore_mem>>
      %dma_wait3A_826 = tpu.memref_squeeze %dma_wait3A_825 : memref<1x!tpu.dma_semaphore, #tpu.memory_space<semaphore_mem>> -> memref<!tpu.dma_semaphore, #tpu.memory_space<semaphore_mem>>
      tpu.wait_indirect_dma semaphore(%dma_wait3A_826 : memref<!tpu.dma_semaphore, #tpu.memory_space<semaphore_mem>>) src(%dma_wait3A_824 : memref<100352xf32, #tpu.memory_space<vmem_shared>>) dst(%dma_wait3A_819 : memref<128xf32, #tpu.memory_space<vmem>>)
      %dma_wait3A_827 = arith.constant 2 : i32
      %dma_wait3A_828 = arith.constant 0 : i32
      %dma_wait3A_829 = arith.constant 0 : i32
      %dma_wait3A_830 = arith.constant 7 : i32
      %dma_wait3A_831 = arith.constant 0 : i32
      %dma_wait3A_832 = arith.constant 0 : i32
      %dma_wait3A_833 = tpu.memref_slice %arg13[%dma_wait3A_829, %dma_wait3A_830, %dma_wait3A_832] : memref<2x9x128xf32, #tpu.memory_space<vmem>> -> memref<1x1x128xf32, #tpu.memory_space<vmem>>
      %dma_wait3A_834 = tpu.memref_squeeze %dma_wait3A_833 : memref<1x1x128xf32, #tpu.memory_space<vmem>> -> memref<128xf32, #tpu.memory_space<vmem>>
      %dma_wait3A_835 = arith.constant 0 : i32
      %dma_wait3A_836 = tpu.memref_slice %arg12[%dma_wait3A_827, %add3A_716, %dma_wait3A_828, %dma_wait3A_835] : memref<3x50x1x128xi32, #tpu.memory_space<vmem>> -> memref<1x1x1x128xi32, #tpu.memory_space<vmem>>
      %dma_wait3A_837 = tpu.memref_squeeze %dma_wait3A_836 : memref<1x1x1x128xi32, #tpu.memory_space<vmem>> -> memref<128xi32, #tpu.memory_space<vmem>>
      %dma_wait3A_838 = arith.constant 0 : i32
      %dma_wait3A_839 = tpu.memref_slice %arg7[%dma_wait3A_838] : memref<100352xf32, #tpu.memory_space<vmem_shared>> -> memref<100352xf32, #tpu.memory_space<vmem_shared>>
      %dma_wait3A_840 = tpu.memref_slice %arg15[%dma_wait3A_831] : memref<2x!tpu.dma_semaphore, #tpu.memory_space<semaphore_mem>> -> memref<1x!tpu.dma_semaphore, #tpu.memory_space<semaphore_mem>>
      %dma_wait3A_841 = tpu.memref_squeeze %dma_wait3A_840 : memref<1x!tpu.dma_semaphore, #tpu.memory_space<semaphore_mem>> -> memref<!tpu.dma_semaphore, #tpu.memory_space<semaphore_mem>>
      tpu.wait_indirect_dma semaphore(%dma_wait3A_841 : memref<!tpu.dma_semaphore, #tpu.memory_space<semaphore_mem>>) src(%dma_wait3A_839 : memref<100352xf32, #tpu.memory_space<vmem_shared>>) dst(%dma_wait3A_834 : memref<128xf32, #tpu.memory_space<vmem>>)
      %dma_wait3A_842 = arith.constant 2 : i32
      %dma_wait3A_843 = arith.constant 0 : i32
      %dma_wait3A_844 = arith.constant 0 : i32
      %dma_wait3A_845 = arith.constant 8 : i32
      %dma_wait3A_846 = arith.constant 0 : i32
      %dma_wait3A_847 = arith.constant 0 : i32
      %dma_wait3A_848 = tpu.memref_slice %arg13[%dma_wait3A_844, %dma_wait3A_845, %dma_wait3A_847] : memref<2x9x128xf32, #tpu.memory_space<vmem>> -> memref<1x1x128xf32, #tpu.memory_space<vmem>>
      %dma_wait3A_849 = tpu.memref_squeeze %dma_wait3A_848 : memref<1x1x128xf32, #tpu.memory_space<vmem>> -> memref<128xf32, #tpu.memory_space<vmem>>
      %dma_wait3A_850 = arith.constant 0 : i32
      %dma_wait3A_851 = tpu.memref_slice %arg12[%dma_wait3A_842, %add3A_716, %dma_wait3A_843, %dma_wait3A_850] : memref<3x50x1x128xi32, #tpu.memory_space<vmem>> -> memref<1x1x1x128xi32, #tpu.memory_space<vmem>>
      %dma_wait3A_852 = tpu.memref_squeeze %dma_wait3A_851 : memref<1x1x1x128xi32, #tpu.memory_space<vmem>> -> memref<128xi32, #tpu.memory_space<vmem>>
      %dma_wait3A_853 = arith.constant 0 : i32
      %dma_wait3A_854 = tpu.memref_slice %arg8[%dma_wait3A_853] : memref<100352xf32, #tpu.memory_space<vmem_shared>> -> memref<100352xf32, #tpu.memory_space<vmem_shared>>
      %dma_wait3A_855 = tpu.memref_slice %arg15[%dma_wait3A_846] : memref<2x!tpu.dma_semaphore, #tpu.memory_space<semaphore_mem>> -> memref<1x!tpu.dma_semaphore, #tpu.memory_space<semaphore_mem>>
      %dma_wait3A_856 = tpu.memref_squeeze %dma_wait3A_855 : memref<1x!tpu.dma_semaphore, #tpu.memory_space<semaphore_mem>> -> memref<!tpu.dma_semaphore, #tpu.memory_space<semaphore_mem>>
      tpu.wait_indirect_dma semaphore(%dma_wait3A_856 : memref<!tpu.dma_semaphore, #tpu.memory_space<semaphore_mem>>) src(%dma_wait3A_854 : memref<100352xf32, #tpu.memory_space<vmem_shared>>) dst(%dma_wait3A_849 : memref<128xf32, #tpu.memory_space<vmem>>)
      %ge3A = arith.constant 2 : i32
      %ge3A_857 = arith.cmpi sge, %add3A_716, %ge3A : i32
      %convert_element_type3A_858 = arith.extui %ge3A_857 : i1 to i32
      %cond3A_859 = arith.constant 0 : i32
      %cond3A_860 = arith.cmpi ne, %convert_element_type3A_858, %cond3A_859 : i32
      scf.if %cond3A_860 {
        %dma_wait3A_2914 = arith.constant 0 : i32
        %dma_wait3A_2915 = arith.constant 0 : i32
        %dma_wait3A_2916 = arith.constant 0 : i32
        %dma_wait3A_2917 = arith.constant 0 : i32
        %dma_wait3A_2918 = arith.constant 0 : i32
        %dma_wait3A_2919 = arith.constant 0 : i32
        %dma_wait3A_2920 = tpu.memref_slice %arg14[%dma_wait3A_2914, %dma_wait3A_2915, %dma_wait3A_2919] : memref<2x3x128xf32, #tpu.memory_space<vmem>> -> memref<1x1x128xf32, #tpu.memory_space<vmem>>
        %dma_wait3A_2921 = tpu.memref_squeeze %dma_wait3A_2920 : memref<1x1x128xf32, #tpu.memory_space<vmem>> -> memref<128xf32, #tpu.memory_space<vmem>>
        %dma_wait3A_2922 = arith.constant 0 : i32
        %dma_wait3A_2923 = tpu.memref_slice %arg12[%dma_wait3A_2916, %add3A_716, %dma_wait3A_2917, %dma_wait3A_2922] : memref<3x50x1x128xi32, #tpu.memory_space<vmem>> -> memref<1x1x1x128xi32, #tpu.memory_space<vmem>>
        %dma_wait3A_2924 = tpu.memref_squeeze %dma_wait3A_2923 : memref<1x1x1x128xi32, #tpu.memory_space<vmem>> -> memref<128xi32, #tpu.memory_space<vmem>>
        %dma_wait3A_2925 = arith.constant 0 : i32
        %dma_wait3A_2926 = tpu.memref_slice %arg9[%dma_wait3A_2925] : memref<100352xf32, #tpu.memory_space<vmem_shared>> -> memref<100352xf32, #tpu.memory_space<vmem_shared>>
        %dma_wait3A_2927 = tpu.memref_slice %arg16[%dma_wait3A_2918] : memref<2x!tpu.dma_semaphore, #tpu.memory_space<semaphore_mem>> -> memref<1x!tpu.dma_semaphore, #tpu.memory_space<semaphore_mem>>
        %dma_wait3A_2928 = tpu.memref_squeeze %dma_wait3A_2927 : memref<1x!tpu.dma_semaphore, #tpu.memory_space<semaphore_mem>> -> memref<!tpu.dma_semaphore, #tpu.memory_space<semaphore_mem>>
        tpu.wait_indirect_dma semaphore(%dma_wait3A_2928 : memref<!tpu.dma_semaphore, #tpu.memory_space<semaphore_mem>>) src(%dma_wait3A_2921 : memref<128xf32, #tpu.memory_space<vmem>>) dst(%dma_wait3A_2926 : memref<100352xf32, #tpu.memory_space<vmem_shared>>)
        %dma_wait3A_2929 = arith.constant 0 : i32
        %dma_wait3A_2930 = arith.constant 1 : i32
        %dma_wait3A_2931 = arith.constant 0 : i32
        %dma_wait3A_2932 = arith.constant 0 : i32
        %dma_wait3A_2933 = arith.constant 0 : i32
        %dma_wait3A_2934 = arith.constant 0 : i32
        %dma_wait3A_2935 = tpu.memref_slice %arg14[%dma_wait3A_2929, %dma_wait3A_2930, %dma_wait3A_2934] : memref<2x3x128xf32, #tpu.memory_space<vmem>> -> memref<1x1x128xf32, #tpu.memory_space<vmem>>
        %dma_wait3A_2936 = tpu.memref_squeeze %dma_wait3A_2935 : memref<1x1x128xf32, #tpu.memory_space<vmem>> -> memref<128xf32, #tpu.memory_space<vmem>>
        %dma_wait3A_2937 = arith.constant 0 : i32
        %dma_wait3A_2938 = tpu.memref_slice %arg12[%dma_wait3A_2931, %add3A_716, %dma_wait3A_2932, %dma_wait3A_2937] : memref<3x50x1x128xi32, #tpu.memory_space<vmem>> -> memref<1x1x1x128xi32, #tpu.memory_space<vmem>>
        %dma_wait3A_2939 = tpu.memref_squeeze %dma_wait3A_2938 : memref<1x1x1x128xi32, #tpu.memory_space<vmem>> -> memref<128xi32, #tpu.memory_space<vmem>>
        %dma_wait3A_2940 = arith.constant 0 : i32
        %dma_wait3A_2941 = tpu.memref_slice %arg10[%dma_wait3A_2940] : memref<100352xf32, #tpu.memory_space<vmem_shared>> -> memref<100352xf32, #tpu.memory_space<vmem_shared>>
        %dma_wait3A_2942 = tpu.memref_slice %arg16[%dma_wait3A_2933] : memref<2x!tpu.dma_semaphore, #tpu.memory_space<semaphore_mem>> -> memref<1x!tpu.dma_semaphore, #tpu.memory_space<semaphore_mem>>
        %dma_wait3A_2943 = tpu.memref_squeeze %dma_wait3A_2942 : memref<1x!tpu.dma_semaphore, #tpu.memory_space<semaphore_mem>> -> memref<!tpu.dma_semaphore, #tpu.memory_space<semaphore_mem>>
        tpu.wait_indirect_dma semaphore(%dma_wait3A_2943 : memref<!tpu.dma_semaphore, #tpu.memory_space<semaphore_mem>>) src(%dma_wait3A_2936 : memref<128xf32, #tpu.memory_space<vmem>>) dst(%dma_wait3A_2941 : memref<100352xf32, #tpu.memory_space<vmem_shared>>)
        %dma_wait3A_2944 = arith.constant 0 : i32
        %dma_wait3A_2945 = arith.constant 2 : i32
        %dma_wait3A_2946 = arith.constant 0 : i32
        %dma_wait3A_2947 = arith.constant 0 : i32
        %dma_wait3A_2948 = arith.constant 0 : i32
        %dma_wait3A_2949 = arith.constant 0 : i32
        %dma_wait3A_2950 = tpu.memref_slice %arg14[%dma_wait3A_2944, %dma_wait3A_2945, %dma_wait3A_2949] : memref<2x3x128xf32, #tpu.memory_space<vmem>> -> memref<1x1x128xf32, #tpu.memory_space<vmem>>
        %dma_wait3A_2951 = tpu.memref_squeeze %dma_wait3A_2950 : memref<1x1x128xf32, #tpu.memory_space<vmem>> -> memref<128xf32, #tpu.memory_space<vmem>>
        %dma_wait3A_2952 = arith.constant 0 : i32
        %dma_wait3A_2953 = tpu.memref_slice %arg12[%dma_wait3A_2946, %add3A_716, %dma_wait3A_2947, %dma_wait3A_2952] : memref<3x50x1x128xi32, #tpu.memory_space<vmem>> -> memref<1x1x1x128xi32, #tpu.memory_space<vmem>>
        %dma_wait3A_2954 = tpu.memref_squeeze %dma_wait3A_2953 : memref<1x1x1x128xi32, #tpu.memory_space<vmem>> -> memref<128xi32, #tpu.memory_space<vmem>>
        %dma_wait3A_2955 = arith.constant 0 : i32
        %dma_wait3A_2956 = tpu.memref_slice %arg11[%dma_wait3A_2955] : memref<100352xf32, #tpu.memory_space<vmem_shared>> -> memref<100352xf32, #tpu.memory_space<vmem_shared>>
        %dma_wait3A_2957 = tpu.memref_slice %arg16[%dma_wait3A_2948] : memref<2x!tpu.dma_semaphore, #tpu.memory_space<semaphore_mem>> -> memref<1x!tpu.dma_semaphore, #tpu.memory_space<semaphore_mem>>
        %dma_wait3A_2958 = tpu.memref_squeeze %dma_wait3A_2957 : memref<1x!tpu.dma_semaphore, #tpu.memory_space<semaphore_mem>> -> memref<!tpu.dma_semaphore, #tpu.memory_space<semaphore_mem>>
        tpu.wait_indirect_dma semaphore(%dma_wait3A_2958 : memref<!tpu.dma_semaphore, #tpu.memory_space<semaphore_mem>>) src(%dma_wait3A_2951 : memref<128xf32, #tpu.memory_space<vmem>>) dst(%dma_wait3A_2956 : memref<100352xf32, #tpu.memory_space<vmem_shared>>)
        %dma_wait3A_2959 = arith.constant 0 : i32
        %dma_wait3A_2960 = arith.constant 0 : i32
        %dma_wait3A_2961 = arith.constant 1 : i32
        %dma_wait3A_2962 = arith.constant 0 : i32
        %dma_wait3A_2963 = arith.constant 0 : i32
        %dma_wait3A_2964 = arith.constant 0 : i32
        %dma_wait3A_2965 = tpu.memref_slice %arg14[%dma_wait3A_2959, %dma_wait3A_2960, %dma_wait3A_2964] : memref<2x3x128xf32, #tpu.memory_space<vmem>> -> memref<1x1x128xf32, #tpu.memory_space<vmem>>
        %dma_wait3A_2966 = tpu.memref_squeeze %dma_wait3A_2965 : memref<1x1x128xf32, #tpu.memory_space<vmem>> -> memref<128xf32, #tpu.memory_space<vmem>>
        %dma_wait3A_2967 = arith.constant 0 : i32
        %dma_wait3A_2968 = tpu.memref_slice %arg12[%dma_wait3A_2961, %add3A_716, %dma_wait3A_2962, %dma_wait3A_2967] : memref<3x50x1x128xi32, #tpu.memory_space<vmem>> -> memref<1x1x1x128xi32, #tpu.memory_space<vmem>>
        %dma_wait3A_2969 = tpu.memref_squeeze %dma_wait3A_2968 : memref<1x1x1x128xi32, #tpu.memory_space<vmem>> -> memref<128xi32, #tpu.memory_space<vmem>>
        %dma_wait3A_2970 = arith.constant 0 : i32
        %dma_wait3A_2971 = tpu.memref_slice %arg9[%dma_wait3A_2970] : memref<100352xf32, #tpu.memory_space<vmem_shared>> -> memref<100352xf32, #tpu.memory_space<vmem_shared>>
        %dma_wait3A_2972 = tpu.memref_slice %arg16[%dma_wait3A_2963] : memref<2x!tpu.dma_semaphore, #tpu.memory_space<semaphore_mem>> -> memref<1x!tpu.dma_semaphore, #tpu.memory_space<semaphore_mem>>
        %dma_wait3A_2973 = tpu.memref_squeeze %dma_wait3A_2972 : memref<1x!tpu.dma_semaphore, #tpu.memory_space<semaphore_mem>> -> memref<!tpu.dma_semaphore, #tpu.memory_space<semaphore_mem>>
        tpu.wait_indirect_dma semaphore(%dma_wait3A_2973 : memref<!tpu.dma_semaphore, #tpu.memory_space<semaphore_mem>>) src(%dma_wait3A_2966 : memref<128xf32, #tpu.memory_space<vmem>>) dst(%dma_wait3A_2971 : memref<100352xf32, #tpu.memory_space<vmem_shared>>)
        %dma_wait3A_2974 = arith.constant 0 : i32
        %dma_wait3A_2975 = arith.constant 1 : i32
        %dma_wait3A_2976 = arith.constant 1 : i32
        %dma_wait3A_2977 = arith.constant 0 : i32
        %dma_wait3A_2978 = arith.constant 0 : i32
        %dma_wait3A_2979 = arith.constant 0 : i32
        %dma_wait3A_2980 = tpu.memref_slice %arg14[%dma_wait3A_2974, %dma_wait3A_2975, %dma_wait3A_2979] : memref<2x3x128xf32, #tpu.memory_space<vmem>> -> memref<1x1x128xf32, #tpu.memory_space<vmem>>
        %dma_wait3A_2981 = tpu.memref_squeeze %dma_wait3A_2980 : memref<1x1x128xf32, #tpu.memory_space<vmem>> -> memref<128xf32, #tpu.memory_space<vmem>>
        %dma_wait3A_2982 = arith.constant 0 : i32
        %dma_wait3A_2983 = tpu.memref_slice %arg12[%dma_wait3A_2976, %add3A_716, %dma_wait3A_2977, %dma_wait3A_2982] : memref<3x50x1x128xi32, #tpu.memory_space<vmem>> -> memref<1x1x1x128xi32, #tpu.memory_space<vmem>>
        %dma_wait3A_2984 = tpu.memref_squeeze %dma_wait3A_2983 : memref<1x1x1x128xi32, #tpu.memory_space<vmem>> -> memref<128xi32, #tpu.memory_space<vmem>>
        %dma_wait3A_2985 = arith.constant 0 : i32
        %dma_wait3A_2986 = tpu.memref_slice %arg10[%dma_wait3A_2985] : memref<100352xf32, #tpu.memory_space<vmem_shared>> -> memref<100352xf32, #tpu.memory_space<vmem_shared>>
        %dma_wait3A_2987 = tpu.memref_slice %arg16[%dma_wait3A_2978] : memref<2x!tpu.dma_semaphore, #tpu.memory_space<semaphore_mem>> -> memref<1x!tpu.dma_semaphore, #tpu.memory_space<semaphore_mem>>
        %dma_wait3A_2988 = tpu.memref_squeeze %dma_wait3A_2987 : memref<1x!tpu.dma_semaphore, #tpu.memory_space<semaphore_mem>> -> memref<!tpu.dma_semaphore, #tpu.memory_space<semaphore_mem>>
        tpu.wait_indirect_dma semaphore(%dma_wait3A_2988 : memref<!tpu.dma_semaphore, #tpu.memory_space<semaphore_mem>>) src(%dma_wait3A_2981 : memref<128xf32, #tpu.memory_space<vmem>>) dst(%dma_wait3A_2986 : memref<100352xf32, #tpu.memory_space<vmem_shared>>)
        %dma_wait3A_2989 = arith.constant 0 : i32
        %dma_wait3A_2990 = arith.constant 2 : i32
        %dma_wait3A_2991 = arith.constant 1 : i32
        %dma_wait3A_2992 = arith.constant 0 : i32
        %dma_wait3A_2993 = arith.constant 0 : i32
        %dma_wait3A_2994 = arith.constant 0 : i32
        %dma_wait3A_2995 = tpu.memref_slice %arg14[%dma_wait3A_2989, %dma_wait3A_2990, %dma_wait3A_2994] : memref<2x3x128xf32, #tpu.memory_space<vmem>> -> memref<1x1x128xf32, #tpu.memory_space<vmem>>
        %dma_wait3A_2996 = tpu.memref_squeeze %dma_wait3A_2995 : memref<1x1x128xf32, #tpu.memory_space<vmem>> -> memref<128xf32, #tpu.memory_space<vmem>>
        %dma_wait3A_2997 = arith.constant 0 : i32
        %dma_wait3A_2998 = tpu.memref_slice %arg12[%dma_wait3A_2991, %add3A_716, %dma_wait3A_2992, %dma_wait3A_2997] : memref<3x50x1x128xi32, #tpu.memory_space<vmem>> -> memref<1x1x1x128xi32, #tpu.memory_space<vmem>>
        %dma_wait3A_2999 = tpu.memref_squeeze %dma_wait3A_2998 : memref<1x1x1x128xi32, #tpu.memory_space<vmem>> -> memref<128xi32, #tpu.memory_space<vmem>>
        %dma_wait3A_3000 = arith.constant 0 : i32
        %dma_wait3A_3001 = tpu.memref_slice %arg11[%dma_wait3A_3000] : memref<100352xf32, #tpu.memory_space<vmem_shared>> -> memref<100352xf32, #tpu.memory_space<vmem_shared>>
        %dma_wait3A_3002 = tpu.memref_slice %arg16[%dma_wait3A_2993] : memref<2x!tpu.dma_semaphore, #tpu.memory_space<semaphore_mem>> -> memref<1x!tpu.dma_semaphore, #tpu.memory_space<semaphore_mem>>
        %dma_wait3A_3003 = tpu.memref_squeeze %dma_wait3A_3002 : memref<1x!tpu.dma_semaphore, #tpu.memory_space<semaphore_mem>> -> memref<!tpu.dma_semaphore, #tpu.memory_space<semaphore_mem>>
        tpu.wait_indirect_dma semaphore(%dma_wait3A_3003 : memref<!tpu.dma_semaphore, #tpu.memory_space<semaphore_mem>>) src(%dma_wait3A_2996 : memref<128xf32, #tpu.memory_space<vmem>>) dst(%dma_wait3A_3001 : memref<100352xf32, #tpu.memory_space<vmem_shared>>)
        %dma_wait3A_3004 = arith.constant 0 : i32
        %dma_wait3A_3005 = arith.constant 0 : i32
        %dma_wait3A_3006 = arith.constant 2 : i32
        %dma_wait3A_3007 = arith.constant 0 : i32
        %dma_wait3A_3008 = arith.constant 0 : i32
        %dma_wait3A_3009 = arith.constant 0 : i32
        %dma_wait3A_3010 = tpu.memref_slice %arg14[%dma_wait3A_3004, %dma_wait3A_3005, %dma_wait3A_3009] : memref<2x3x128xf32, #tpu.memory_space<vmem>> -> memref<1x1x128xf32, #tpu.memory_space<vmem>>
        %dma_wait3A_3011 = tpu.memref_squeeze %dma_wait3A_3010 : memref<1x1x128xf32, #tpu.memory_space<vmem>> -> memref<128xf32, #tpu.memory_space<vmem>>
        %dma_wait3A_3012 = arith.constant 0 : i32
        %dma_wait3A_3013 = tpu.memref_slice %arg12[%dma_wait3A_3006, %add3A_716, %dma_wait3A_3007, %dma_wait3A_3012] : memref<3x50x1x128xi32, #tpu.memory_space<vmem>> -> memref<1x1x1x128xi32, #tpu.memory_space<vmem>>
        %dma_wait3A_3014 = tpu.memref_squeeze %dma_wait3A_3013 : memref<1x1x1x128xi32, #tpu.memory_space<vmem>> -> memref<128xi32, #tpu.memory_space<vmem>>
        %dma_wait3A_3015 = arith.constant 0 : i32
        %dma_wait3A_3016 = tpu.memref_slice %arg9[%dma_wait3A_3015] : memref<100352xf32, #tpu.memory_space<vmem_shared>> -> memref<100352xf32, #tpu.memory_space<vmem_shared>>
        %dma_wait3A_3017 = tpu.memref_slice %arg16[%dma_wait3A_3008] : memref<2x!tpu.dma_semaphore, #tpu.memory_space<semaphore_mem>> -> memref<1x!tpu.dma_semaphore, #tpu.memory_space<semaphore_mem>>
        %dma_wait3A_3018 = tpu.memref_squeeze %dma_wait3A_3017 : memref<1x!tpu.dma_semaphore, #tpu.memory_space<semaphore_mem>> -> memref<!tpu.dma_semaphore, #tpu.memory_space<semaphore_mem>>
        tpu.wait_indirect_dma semaphore(%dma_wait3A_3018 : memref<!tpu.dma_semaphore, #tpu.memory_space<semaphore_mem>>) src(%dma_wait3A_3011 : memref<128xf32, #tpu.memory_space<vmem>>) dst(%dma_wait3A_3016 : memref<100352xf32, #tpu.memory_space<vmem_shared>>)
        %dma_wait3A_3019 = arith.constant 0 : i32
        %dma_wait3A_3020 = arith.constant 1 : i32
        %dma_wait3A_3021 = arith.constant 2 : i32
        %dma_wait3A_3022 = arith.constant 0 : i32
        %dma_wait3A_3023 = arith.constant 0 : i32
        %dma_wait3A_3024 = arith.constant 0 : i32
        %dma_wait3A_3025 = tpu.memref_slice %arg14[%dma_wait3A_3019, %dma_wait3A_3020, %dma_wait3A_3024] : memref<2x3x128xf32, #tpu.memory_space<vmem>> -> memref<1x1x128xf32, #tpu.memory_space<vmem>>
        %dma_wait3A_3026 = tpu.memref_squeeze %dma_wait3A_3025 : memref<1x1x128xf32, #tpu.memory_space<vmem>> -> memref<128xf32, #tpu.memory_space<vmem>>
        %dma_wait3A_3027 = arith.constant 0 : i32
        %dma_wait3A_3028 = tpu.memref_slice %arg12[%dma_wait3A_3021, %add3A_716, %dma_wait3A_3022, %dma_wait3A_3027] : memref<3x50x1x128xi32, #tpu.memory_space<vmem>> -> memref<1x1x1x128xi32, #tpu.memory_space<vmem>>
        %dma_wait3A_3029 = tpu.memref_squeeze %dma_wait3A_3028 : memref<1x1x1x128xi32, #tpu.memory_space<vmem>> -> memref<128xi32, #tpu.memory_space<vmem>>
        %dma_wait3A_3030 = arith.constant 0 : i32
        %dma_wait3A_3031 = tpu.memref_slice %arg10[%dma_wait3A_3030] : memref<100352xf32, #tpu.memory_space<vmem_shared>> -> memref<100352xf32, #tpu.memory_space<vmem_shared>>
        %dma_wait3A_3032 = tpu.memref_slice %arg16[%dma_wait3A_3023] : memref<2x!tpu.dma_semaphore, #tpu.memory_space<semaphore_mem>> -> memref<1x!tpu.dma_semaphore, #tpu.memory_space<semaphore_mem>>
        %dma_wait3A_3033 = tpu.memref_squeeze %dma_wait3A_3032 : memref<1x!tpu.dma_semaphore, #tpu.memory_space<semaphore_mem>> -> memref<!tpu.dma_semaphore, #tpu.memory_space<semaphore_mem>>
        tpu.wait_indirect_dma semaphore(%dma_wait3A_3033 : memref<!tpu.dma_semaphore, #tpu.memory_space<semaphore_mem>>) src(%dma_wait3A_3026 : memref<128xf32, #tpu.memory_space<vmem>>) dst(%dma_wait3A_3031 : memref<100352xf32, #tpu.memory_space<vmem_shared>>)
        %dma_wait3A_3034 = arith.constant 0 : i32
        %dma_wait3A_3035 = arith.constant 2 : i32
        %dma_wait3A_3036 = arith.constant 2 : i32
        %dma_wait3A_3037 = arith.constant 0 : i32
        %dma_wait3A_3038 = arith.constant 0 : i32
        %dma_wait3A_3039 = arith.constant 0 : i32
        %dma_wait3A_3040 = tpu.memref_slice %arg14[%dma_wait3A_3034, %dma_wait3A_3035, %dma_wait3A_3039] : memref<2x3x128xf32, #tpu.memory_space<vmem>> -> memref<1x1x128xf32, #tpu.memory_space<vmem>>
        %dma_wait3A_3041 = tpu.memref_squeeze %dma_wait3A_3040 : memref<1x1x128xf32, #tpu.memory_space<vmem>> -> memref<128xf32, #tpu.memory_space<vmem>>
        %dma_wait3A_3042 = arith.constant 0 : i32
        %dma_wait3A_3043 = tpu.memref_slice %arg12[%dma_wait3A_3036, %add3A_716, %dma_wait3A_3037, %dma_wait3A_3042] : memref<3x50x1x128xi32, #tpu.memory_space<vmem>> -> memref<1x1x1x128xi32, #tpu.memory_space<vmem>>
        %dma_wait3A_3044 = tpu.memref_squeeze %dma_wait3A_3043 : memref<1x1x1x128xi32, #tpu.memory_space<vmem>> -> memref<128xi32, #tpu.memory_space<vmem>>
        %dma_wait3A_3045 = arith.constant 0 : i32
        %dma_wait3A_3046 = tpu.memref_slice %arg11[%dma_wait3A_3045] : memref<100352xf32, #tpu.memory_space<vmem_shared>> -> memref<100352xf32, #tpu.memory_space<vmem_shared>>
        %dma_wait3A_3047 = tpu.memref_slice %arg16[%dma_wait3A_3038] : memref<2x!tpu.dma_semaphore, #tpu.memory_space<semaphore_mem>> -> memref<1x!tpu.dma_semaphore, #tpu.memory_space<semaphore_mem>>
        %dma_wait3A_3048 = tpu.memref_squeeze %dma_wait3A_3047 : memref<1x!tpu.dma_semaphore, #tpu.memory_space<semaphore_mem>> -> memref<!tpu.dma_semaphore, #tpu.memory_space<semaphore_mem>>
        tpu.wait_indirect_dma semaphore(%dma_wait3A_3048 : memref<!tpu.dma_semaphore, #tpu.memory_space<semaphore_mem>>) src(%dma_wait3A_3041 : memref<128xf32, #tpu.memory_space<vmem>>) dst(%dma_wait3A_3046 : memref<100352xf32, #tpu.memory_space<vmem_shared>>)
      } else {
      }
      %get3A = arith.constant 0 : i32
      %get3A_861 = arith.constant 0 : i32
      %get3A_862 = arith.index_cast %get3A : i32 to index
      %get3A_863 = arith.index_cast %get3A_861 : i32 to index
      %get3A_864 = arith.constant 0 : index
      %get3A_865 = tpu.vector_load %arg13[%get3A_862, %get3A_863, %get3A_864] {strides = array<i32>} : memref<2x9x128xf32, #tpu.memory_space<vmem>>, vector<1x1x16xf32>,
      %get3A_866 = vector.shape_cast %get3A_865 : vector<1x1x16xf32> to vector<16xf32>
      %get3A_867 = arith.constant 0 : i32
      %get3A_868 = arith.constant 1 : i32
      %get3A_869 = arith.index_cast %get3A_867 : i32 to index
      %get3A_870 = arith.index_cast %get3A_868 : i32 to index
      %get3A_871 = arith.constant 0 : index
      %get3A_872 = tpu.vector_load %arg13[%get3A_869, %get3A_870, %get3A_871] {strides = array<i32>} : memref<2x9x128xf32, #tpu.memory_space<vmem>>, vector<1x1x16xf32>,
      %get3A_873 = vector.shape_cast %get3A_872 : vector<1x1x16xf32> to vector<16xf32>
      %get3A_874 = arith.constant 0 : i32
      %get3A_875 = arith.constant 2 : i32
      %get3A_876 = arith.index_cast %get3A_874 : i32 to index
      %get3A_877 = arith.index_cast %get3A_875 : i32 to index
      %get3A_878 = arith.constant 0 : index
      %get3A_879 = tpu.vector_load %arg13[%get3A_876, %get3A_877, %get3A_878] {strides = array<i32>} : memref<2x9x128xf32, #tpu.memory_space<vmem>>, vector<1x1x16xf32>,
      %get3A_880 = vector.shape_cast %get3A_879 : vector<1x1x16xf32> to vector<16xf32>
      %get3A_881 = arith.constant 0 : i32
      %get3A_882 = arith.constant 3 : i32
      %get3A_883 = arith.index_cast %get3A_881 : i32 to index
      %get3A_884 = arith.index_cast %get3A_882 : i32 to index
      %get3A_885 = arith.constant 0 : index
      %get3A_886 = tpu.vector_load %arg13[%get3A_883, %get3A_884, %get3A_885] {strides = array<i32>} : memref<2x9x128xf32, #tpu.memory_space<vmem>>, vector<1x1x16xf32>,
      %get3A_887 = vector.shape_cast %get3A_886 : vector<1x1x16xf32> to vector<16xf32>
      %get3A_888 = arith.constant 0 : i32
      %get3A_889 = arith.constant 4 : i32
      %get3A_890 = arith.index_cast %get3A_888 : i32 to index
      %get3A_891 = arith.index_cast %get3A_889 : i32 to index
      %get3A_892 = arith.constant 0 : index
      %get3A_893 = tpu.vector_load %arg13[%get3A_890, %get3A_891, %get3A_892] {strides = array<i32>} : memref<2x9x128xf32, #tpu.memory_space<vmem>>, vector<1x1x16xf32>,
      %get3A_894 = vector.shape_cast %get3A_893 : vector<1x1x16xf32> to vector<16xf32>
      %get3A_895 = arith.constant 0 : i32
      %get3A_896 = arith.constant 5 : i32
      %get3A_897 = arith.index_cast %get3A_895 : i32 to index
      %get3A_898 = arith.index_cast %get3A_896 : i32 to index
      %get3A_899 = arith.constant 0 : index
      %get3A_900 = tpu.vector_load %arg13[%get3A_897, %get3A_898, %get3A_899] {strides = array<i32>} : memref<2x9x128xf32, #tpu.memory_space<vmem>>, vector<1x1x16xf32>,
      %get3A_901 = vector.shape_cast %get3A_900 : vector<1x1x16xf32> to vector<16xf32>
      %get3A_902 = arith.constant 0 : i32
      %get3A_903 = arith.constant 6 : i32
      %get3A_904 = arith.index_cast %get3A_902 : i32 to index
      %get3A_905 = arith.index_cast %get3A_903 : i32 to index
      %get3A_906 = arith.constant 0 : index
      %get3A_907 = tpu.vector_load %arg13[%get3A_904, %get3A_905, %get3A_906] {strides = array<i32>} : memref<2x9x128xf32, #tpu.memory_space<vmem>>, vector<1x1x16xf32>,
      %get3A_908 = vector.shape_cast %get3A_907 : vector<1x1x16xf32> to vector<16xf32>
      %get3A_909 = arith.constant 0 : i32
      %get3A_910 = arith.constant 7 : i32
      %get3A_911 = arith.index_cast %get3A_909 : i32 to index
      %get3A_912 = arith.index_cast %get3A_910 : i32 to index
      %get3A_913 = arith.constant 0 : index
      %get3A_914 = tpu.vector_load %arg13[%get3A_911, %get3A_912, %get3A_913] {strides = array<i32>} : memref<2x9x128xf32, #tpu.memory_space<vmem>>, vector<1x1x16xf32>,
      %get3A_915 = vector.shape_cast %get3A_914 : vector<1x1x16xf32> to vector<16xf32>
      %get3A_916 = arith.constant 0 : i32
      %get3A_917 = arith.constant 8 : i32
      %get3A_918 = arith.index_cast %get3A_916 : i32 to index
      %get3A_919 = arith.index_cast %get3A_917 : i32 to index
      %get3A_920 = arith.constant 0 : index
      %get3A_921 = tpu.vector_load %arg13[%get3A_918, %get3A_919, %get3A_920] {strides = array<i32>} : memref<2x9x128xf32, #tpu.memory_space<vmem>>, vector<1x1x16xf32>,
      %get3A_922 = vector.shape_cast %get3A_921 : vector<1x1x16xf32> to vector<16xf32>
      %sub3A_923 = arith.subf %get3A_887, %get3A_866 : vector<16xf32>
      %sub3A_924 = arith.subf %get3A_894, %get3A_873 : vector<16xf32>
      %sub3A_925 = arith.subf %get3A_901, %get3A_880 : vector<16xf32>
      %sub3A_926 = arith.subf %get3A_908, %get3A_866 : vector<16xf32>
      %sub3A_927 = arith.subf %get3A_915, %get3A_873 : vector<16xf32>
      %sub3A_928 = arith.subf %get3A_922, %get3A_880 : vector<16xf32>
      %mul3A_929 = arith.mulf %sub3A_924, %sub3A_928 : vector<16xf32>
      %mul3A_930 = arith.mulf %sub3A_925, %sub3A_927 : vector<16xf32>
      %sub3A_931 = arith.subf %mul3A_929, %mul3A_930 : vector<16xf32>
      %swap3A = arith.constant 0 : i32
      %swap3A_932 = arith.constant 0 : i32
      %swap3A_933 = arith.index_cast %swap3A : i32 to index
      %swap3A_934 = arith.index_cast %swap3A_932 : i32 to index
      %swap3A_935 = arith.constant 0 : index
      %swap3A_936 = tpu.vector_load %arg14[%swap3A_933, %swap3A_934, %swap3A_935] {strides = array<i32>} : memref<2x3x128xf32, #tpu.memory_space<vmem>>, vector<1x1x16xf32>,
      %swap3A_937 = vector.shape_cast %swap3A_936 : vector<1x1x16xf32> to vector<16xf32>
      %swap3A_938 = vector.shape_cast %sub3A_931 : vector<16xf32> to vector<1x1x16xf32>
      tpu.vector_store %arg14[%swap3A_933, %swap3A_934, %swap3A_935], %swap3A_938 {strides = array<i32>} : memref<2x3x128xf32, #tpu.memory_space<vmem>>, vector<1x1x16xf32>,
      %mul3A_939 = arith.mulf %sub3A_925, %sub3A_926 : vector<16xf32>
      %mul3A_940 = arith.mulf %sub3A_923, %sub3A_928 : vector<16xf32>
      %sub3A_941 = arith.subf %mul3A_939, %mul3A_940 : vector<16xf32>
      %swap3A_942 = arith.constant 0 : i32
      %swap3A_943 = arith.constant 1 : i32
      %swap3A_944 = arith.index_cast %swap3A_942 : i32 to index
      %swap3A_945 = arith.index_cast %swap3A_943 : i32 to index
      %swap3A_946 = arith.constant 0 : index
      %swap3A_947 = tpu.vector_load %arg14[%swap3A_944, %swap3A_945, %swap3A_946] {strides = array<i32>} : memref<2x3x128xf32, #tpu.memory_space<vmem>>, vector<1x1x16xf32>,
      %swap3A_948 = vector.shape_cast %swap3A_947 : vector<1x1x16xf32> to vector<16xf32>
      %swap3A_949 = vector.shape_cast %sub3A_941 : vector<16xf32> to vector<1x1x16xf32>
      tpu.vector_store %arg14[%swap3A_944, %swap3A_945, %swap3A_946], %swap3A_949 {strides = array<i32>} : memref<2x3x128xf32, #tpu.memory_space<vmem>>, vector<1x1x16xf32>,
      %mul3A_950 = arith.mulf %sub3A_923, %sub3A_927 : vector<16xf32>
      %mul3A_951 = arith.mulf %sub3A_924, %sub3A_926 : vector<16xf32>
      %sub3A_952 = arith.subf %mul3A_950, %mul3A_951 : vector<16xf32>
      %swap3A_953 = arith.constant 0 : i32
      %swap3A_954 = arith.constant 2 : i32
      %swap3A_955 = arith.index_cast %swap3A_953 : i32 to index
      %swap3A_956 = arith.index_cast %swap3A_954 : i32 to index
      %swap3A_957 = arith.constant 0 : index
      %swap3A_958 = tpu.vector_load %arg14[%swap3A_955, %swap3A_956, %swap3A_957] {strides = array<i32>} : memref<2x3x128xf32, #tpu.memory_space<vmem>>, vector<1x1x16xf32>,
      %swap3A_959 = vector.shape_cast %swap3A_958 : vector<1x1x16xf32> to vector<16xf32>
      %swap3A_960 = vector.shape_cast %sub3A_952 : vector<16xf32> to vector<1x1x16xf32>
      tpu.vector_store %arg14[%swap3A_955, %swap3A_956, %swap3A_957], %swap3A_960 {strides = array<i32>} : memref<2x3x128xf32, #tpu.memory_space<vmem>>, vector<1x1x16xf32>,
      %get3A_961 = arith.constant 0 : i32
      %get3A_962 = arith.constant 0 : i32
      %get3A_963 = arith.index_cast %get3A_961 : i32 to index
      %get3A_964 = arith.index_cast %get3A_962 : i32 to index
      %get3A_965 = arith.constant 16 : index
      %get3A_966 = tpu.vector_load %arg13[%get3A_963, %get3A_964, %get3A_965] {strides = array<i32>} : memref<2x9x128xf32, #tpu.memory_space<vmem>>, vector<1x1x16xf32>,
      %get3A_967 = vector.shape_cast %get3A_966 : vector<1x1x16xf32> to vector<16xf32>
      %get3A_968 = arith.constant 0 : i32
      %get3A_969 = arith.constant 1 : i32
      %get3A_970 = arith.index_cast %get3A_968 : i32 to index
      %get3A_971 = arith.index_cast %get3A_969 : i32 to index
      %get3A_972 = arith.constant 16 : index
      %get3A_973 = tpu.vector_load %arg13[%get3A_970, %get3A_971, %get3A_972] {strides = array<i32>} : memref<2x9x128xf32, #tpu.memory_space<vmem>>, vector<1x1x16xf32>,
      %get3A_974 = vector.shape_cast %get3A_973 : vector<1x1x16xf32> to vector<16xf32>
      %get3A_975 = arith.constant 0 : i32
      %get3A_976 = arith.constant 2 : i32
      %get3A_977 = arith.index_cast %get3A_975 : i32 to index
      %get3A_978 = arith.index_cast %get3A_976 : i32 to index
      %get3A_979 = arith.constant 16 : index
      %get3A_980 = tpu.vector_load %arg13[%get3A_977, %get3A_978, %get3A_979] {strides = array<i32>} : memref<2x9x128xf32, #tpu.memory_space<vmem>>, vector<1x1x16xf32>,
      %get3A_981 = vector.shape_cast %get3A_980 : vector<1x1x16xf32> to vector<16xf32>
      %get3A_982 = arith.constant 0 : i32
      %get3A_983 = arith.constant 3 : i32
      %get3A_984 = arith.index_cast %get3A_982 : i32 to index
      %get3A_985 = arith.index_cast %get3A_983 : i32 to index
      %get3A_986 = arith.constant 16 : index
      %get3A_987 = tpu.vector_load %arg13[%get3A_984, %get3A_985, %get3A_986] {strides = array<i32>} : memref<2x9x128xf32, #tpu.memory_space<vmem>>, vector<1x1x16xf32>,
      %get3A_988 = vector.shape_cast %get3A_987 : vector<1x1x16xf32> to vector<16xf32>
      %get3A_989 = arith.constant 0 : i32
      %get3A_990 = arith.constant 4 : i32
      %get3A_991 = arith.index_cast %get3A_989 : i32 to index
      %get3A_992 = arith.index_cast %get3A_990 : i32 to index
      %get3A_993 = arith.constant 16 : index
      %get3A_994 = tpu.vector_load %arg13[%get3A_991, %get3A_992, %get3A_993] {strides = array<i32>} : memref<2x9x128xf32, #tpu.memory_space<vmem>>, vector<1x1x16xf32>,
      %get3A_995 = vector.shape_cast %get3A_994 : vector<1x1x16xf32> to vector<16xf32>
      %get3A_996 = arith.constant 0 : i32
      %get3A_997 = arith.constant 5 : i32
      %get3A_998 = arith.index_cast %get3A_996 : i32 to index
      %get3A_999 = arith.index_cast %get3A_997 : i32 to index
      %get3A_1000 = arith.constant 16 : index
      %get3A_1001 = tpu.vector_load %arg13[%get3A_998, %get3A_999, %get3A_1000] {strides = array<i32>} : memref<2x9x128xf32, #tpu.memory_space<vmem>>, vector<1x1x16xf32>,
      %get3A_1002 = vector.shape_cast %get3A_1001 : vector<1x1x16xf32> to vector<16xf32>
      %get3A_1003 = arith.constant 0 : i32
      %get3A_1004 = arith.constant 6 : i32
      %get3A_1005 = arith.index_cast %get3A_1003 : i32 to index
      %get3A_1006 = arith.index_cast %get3A_1004 : i32 to index
      %get3A_1007 = arith.constant 16 : index
      %get3A_1008 = tpu.vector_load %arg13[%get3A_1005, %get3A_1006, %get3A_1007] {strides = array<i32>} : memref<2x9x128xf32, #tpu.memory_space<vmem>>, vector<1x1x16xf32>,
      %get3A_1009 = vector.shape_cast %get3A_1008 : vector<1x1x16xf32> to vector<16xf32>
      %get3A_1010 = arith.constant 0 : i32
      %get3A_1011 = arith.constant 7 : i32
      %get3A_1012 = arith.index_cast %get3A_1010 : i32 to index
      %get3A_1013 = arith.index_cast %get3A_1011 : i32 to index
      %get3A_1014 = arith.constant 16 : index
      %get3A_1015 = tpu.vector_load %arg13[%get3A_1012, %get3A_1013, %get3A_1014] {strides = array<i32>} : memref<2x9x128xf32, #tpu.memory_space<vmem>>, vector<1x1x16xf32>,
      %get3A_1016 = vector.shape_cast %get3A_1015 : vector<1x1x16xf32> to vector<16xf32>
      %get3A_1017 = arith.constant 0 : i32
      %get3A_1018 = arith.constant 8 : i32
      %get3A_1019 = arith.index_cast %get3A_1017 : i32 to index
      %get3A_1020 = arith.index_cast %get3A_1018 : i32 to index
      %get3A_1021 = arith.constant 16 : index
      %get3A_1022 = tpu.vector_load %arg13[%get3A_1019, %get3A_1020, %get3A_1021] {strides = array<i32>} : memref<2x9x128xf32, #tpu.memory_space<vmem>>, vector<1x1x16xf32>,
      %get3A_1023 = vector.shape_cast %get3A_1022 : vector<1x1x16xf32> to vector<16xf32>
      %sub3A_1024 = arith.subf %get3A_988, %get3A_967 : vector<16xf32>
      %sub3A_1025 = arith.subf %get3A_995, %get3A_974 : vector<16xf32>
      %sub3A_1026 = arith.subf %get3A_1002, %get3A_981 : vector<16xf32>
      %sub3A_1027 = arith.subf %get3A_1009, %get3A_967 : vector<16xf32>
      %sub3A_1028 = arith.subf %get3A_1016, %get3A_974 : vector<16xf32>
      %sub3A_1029 = arith.subf %get3A_1023, %get3A_981 : vector<16xf32>
      %mul3A_1030 = arith.mulf %sub3A_1025, %sub3A_1029 : vector<16xf32>
      %mul3A_1031 = arith.mulf %sub3A_1026, %sub3A_1028 : vector<16xf32>
      %sub3A_1032 = arith.subf %mul3A_1030, %mul3A_1031 : vector<16xf32>
      %swap3A_1033 = arith.constant 0 : i32
      %swap3A_1034 = arith.constant 0 : i32
      %swap3A_1035 = arith.index_cast %swap3A_1033 : i32 to index
      %swap3A_1036 = arith.index_cast %swap3A_1034 : i32 to index
      %swap3A_1037 = arith.constant 16 : index
      %swap3A_1038 = tpu.vector_load %arg14[%swap3A_1035, %swap3A_1036, %swap3A_1037] {strides = array<i32>} : memref<2x3x128xf32, #tpu.memory_space<vmem>>, vector<1x1x16xf32>,
      %swap3A_1039 = vector.shape_cast %swap3A_1038 : vector<1x1x16xf32> to vector<16xf32>
      %swap3A_1040 = vector.shape_cast %sub3A_1032 : vector<16xf32> to vector<1x1x16xf32>
      tpu.vector_store %arg14[%swap3A_1035, %swap3A_1036, %swap3A_1037], %swap3A_1040 {strides = array<i32>} : memref<2x3x128xf32, #tpu.memory_space<vmem>>, vector<1x1x16xf32>,
      %mul3A_1041 = arith.mulf %sub3A_1026, %sub3A_1027 : vector<16xf32>
      %mul3A_1042 = arith.mulf %sub3A_1024, %sub3A_1029 : vector<16xf32>
      %sub3A_1043 = arith.subf %mul3A_1041, %mul3A_1042 : vector<16xf32>
      %swap3A_1044 = arith.constant 0 : i32
      %swap3A_1045 = arith.constant 1 : i32
      %swap3A_1046 = arith.index_cast %swap3A_1044 : i32 to index
      %swap3A_1047 = arith.index_cast %swap3A_1045 : i32 to index
      %swap3A_1048 = arith.constant 16 : index
      %swap3A_1049 = tpu.vector_load %arg14[%swap3A_1046, %swap3A_1047, %swap3A_1048] {strides = array<i32>} : memref<2x3x128xf32, #tpu.memory_space<vmem>>, vector<1x1x16xf32>,
      %swap3A_1050 = vector.shape_cast %swap3A_1049 : vector<1x1x16xf32> to vector<16xf32>
      %swap3A_1051 = vector.shape_cast %sub3A_1043 : vector<16xf32> to vector<1x1x16xf32>
      tpu.vector_store %arg14[%swap3A_1046, %swap3A_1047, %swap3A_1048], %swap3A_1051 {strides = array<i32>} : memref<2x3x128xf32, #tpu.memory_space<vmem>>, vector<1x1x16xf32>,
      %mul3A_1052 = arith.mulf %sub3A_1024, %sub3A_1028 : vector<16xf32>
      %mul3A_1053 = arith.mulf %sub3A_1025, %sub3A_1027 : vector<16xf32>
      %sub3A_1054 = arith.subf %mul3A_1052, %mul3A_1053 : vector<16xf32>
      %swap3A_1055 = arith.constant 0 : i32
      %swap3A_1056 = arith.constant 2 : i32
      %swap3A_1057 = arith.index_cast %swap3A_1055 : i32 to index
      %swap3A_1058 = arith.index_cast %swap3A_1056 : i32 to index
      %swap3A_1059 = arith.constant 16 : index
      %swap3A_1060 = tpu.vector_load %arg14[%swap3A_1057, %swap3A_1058, %swap3A_1059] {strides = array<i32>} : memref<2x3x128xf32, #tpu.memory_space<vmem>>, vector<1x1x16xf32>,
      %swap3A_1061 = vector.shape_cast %swap3A_1060 : vector<1x1x16xf32> to vector<16xf32>
      %swap3A_1062 = vector.shape_cast %sub3A_1054 : vector<16xf32> to vector<1x1x16xf32>
      tpu.vector_store %arg14[%swap3A_1057, %swap3A_1058, %swap3A_1059], %swap3A_1062 {strides = array<i32>} : memref<2x3x128xf32, #tpu.memory_space<vmem>>, vector<1x1x16xf32>,
      %get3A_1063 = arith.constant 0 : i32
      %get3A_1064 = arith.constant 0 : i32
      %get3A_1065 = arith.index_cast %get3A_1063 : i32 to index
      %get3A_1066 = arith.index_cast %get3A_1064 : i32 to index
      %get3A_1067 = arith.constant 32 : index
      %get3A_1068 = tpu.vector_load %arg13[%get3A_1065, %get3A_1066, %get3A_1067] {strides = array<i32>} : memref<2x9x128xf32, #tpu.memory_space<vmem>>, vector<1x1x16xf32>,
      %get3A_1069 = vector.shape_cast %get3A_1068 : vector<1x1x16xf32> to vector<16xf32>
      %get3A_1070 = arith.constant 0 : i32
      %get3A_1071 = arith.constant 1 : i32
      %get3A_1072 = arith.index_cast %get3A_1070 : i32 to index
      %get3A_1073 = arith.index_cast %get3A_1071 : i32 to index
      %get3A_1074 = arith.constant 32 : index
      %get3A_1075 = tpu.vector_load %arg13[%get3A_1072, %get3A_1073, %get3A_1074] {strides = array<i32>} : memref<2x9x128xf32, #tpu.memory_space<vmem>>, vector<1x1x16xf32>,
      %get3A_1076 = vector.shape_cast %get3A_1075 : vector<1x1x16xf32> to vector<16xf32>
      %get3A_1077 = arith.constant 0 : i32
      %get3A_1078 = arith.constant 2 : i32
      %get3A_1079 = arith.index_cast %get3A_1077 : i32 to index
      %get3A_1080 = arith.index_cast %get3A_1078 : i32 to index
      %get3A_1081 = arith.constant 32 : index
      %get3A_1082 = tpu.vector_load %arg13[%get3A_1079, %get3A_1080, %get3A_1081] {strides = array<i32>} : memref<2x9x128xf32, #tpu.memory_space<vmem>>, vector<1x1x16xf32>,
      %get3A_1083 = vector.shape_cast %get3A_1082 : vector<1x1x16xf32> to vector<16xf32>
      %get3A_1084 = arith.constant 0 : i32
      %get3A_1085 = arith.constant 3 : i32
      %get3A_1086 = arith.index_cast %get3A_1084 : i32 to index
      %get3A_1087 = arith.index_cast %get3A_1085 : i32 to index
      %get3A_1088 = arith.constant 32 : index
      %get3A_1089 = tpu.vector_load %arg13[%get3A_1086, %get3A_1087, %get3A_1088] {strides = array<i32>} : memref<2x9x128xf32, #tpu.memory_space<vmem>>, vector<1x1x16xf32>,
      %get3A_1090 = vector.shape_cast %get3A_1089 : vector<1x1x16xf32> to vector<16xf32>
      %get3A_1091 = arith.constant 0 : i32
      %get3A_1092 = arith.constant 4 : i32
      %get3A_1093 = arith.index_cast %get3A_1091 : i32 to index
      %get3A_1094 = arith.index_cast %get3A_1092 : i32 to index
      %get3A_1095 = arith.constant 32 : index
      %get3A_1096 = tpu.vector_load %arg13[%get3A_1093, %get3A_1094, %get3A_1095] {strides = array<i32>} : memref<2x9x128xf32, #tpu.memory_space<vmem>>, vector<1x1x16xf32>,
      %get3A_1097 = vector.shape_cast %get3A_1096 : vector<1x1x16xf32> to vector<16xf32>
      %get3A_1098 = arith.constant 0 : i32
      %get3A_1099 = arith.constant 5 : i32
      %get3A_1100 = arith.index_cast %get3A_1098 : i32 to index
      %get3A_1101 = arith.index_cast %get3A_1099 : i32 to index
      %get3A_1102 = arith.constant 32 : index
      %get3A_1103 = tpu.vector_load %arg13[%get3A_1100, %get3A_1101, %get3A_1102] {strides = array<i32>} : memref<2x9x128xf32, #tpu.memory_space<vmem>>, vector<1x1x16xf32>,
      %get3A_1104 = vector.shape_cast %get3A_1103 : vector<1x1x16xf32> to vector<16xf32>
      %get3A_1105 = arith.constant 0 : i32
      %get3A_1106 = arith.constant 6 : i32
      %get3A_1107 = arith.index_cast %get3A_1105 : i32 to index
      %get3A_1108 = arith.index_cast %get3A_1106 : i32 to index
      %get3A_1109 = arith.constant 32 : index
      %get3A_1110 = tpu.vector_load %arg13[%get3A_1107, %get3A_1108, %get3A_1109] {strides = array<i32>} : memref<2x9x128xf32, #tpu.memory_space<vmem>>, vector<1x1x16xf32>,
      %get3A_1111 = vector.shape_cast %get3A_1110 : vector<1x1x16xf32> to vector<16xf32>
      %get3A_1112 = arith.constant 0 : i32
      %get3A_1113 = arith.constant 7 : i32
      %get3A_1114 = arith.index_cast %get3A_1112 : i32 to index
      %get3A_1115 = arith.index_cast %get3A_1113 : i32 to index
      %get3A_1116 = arith.constant 32 : index
      %get3A_1117 = tpu.vector_load %arg13[%get3A_1114, %get3A_1115, %get3A_1116] {strides = array<i32>} : memref<2x9x128xf32, #tpu.memory_space<vmem>>, vector<1x1x16xf32>,
      %get3A_1118 = vector.shape_cast %get3A_1117 : vector<1x1x16xf32> to vector<16xf32>
      %get3A_1119 = arith.constant 0 : i32
      %get3A_1120 = arith.constant 8 : i32
      %get3A_1121 = arith.index_cast %get3A_1119 : i32 to index
      %get3A_1122 = arith.index_cast %get3A_1120 : i32 to index
      %get3A_1123 = arith.constant 32 : index
      %get3A_1124 = tpu.vector_load %arg13[%get3A_1121, %get3A_1122, %get3A_1123] {strides = array<i32>} : memref<2x9x128xf32, #tpu.memory_space<vmem>>, vector<1x1x16xf32>,
      %get3A_1125 = vector.shape_cast %get3A_1124 : vector<1x1x16xf32> to vector<16xf32>
      %sub3A_1126 = arith.subf %get3A_1090, %get3A_1069 : vector<16xf32>
      %sub3A_1127 = arith.subf %get3A_1097, %get3A_1076 : vector<16xf32>
      %sub3A_1128 = arith.subf %get3A_1104, %get3A_1083 : vector<16xf32>
      %sub3A_1129 = arith.subf %get3A_1111, %get3A_1069 : vector<16xf32>
      %sub3A_1130 = arith.subf %get3A_1118, %get3A_1076 : vector<16xf32>
      %sub3A_1131 = arith.subf %get3A_1125, %get3A_1083 : vector<16xf32>
      %mul3A_1132 = arith.mulf %sub3A_1127, %sub3A_1131 : vector<16xf32>
      %mul3A_1133 = arith.mulf %sub3A_1128, %sub3A_1130 : vector<16xf32>
      %sub3A_1134 = arith.subf %mul3A_1132, %mul3A_1133 : vector<16xf32>
      %swap3A_1135 = arith.constant 0 : i32
      %swap3A_1136 = arith.constant 0 : i32
      %swap3A_1137 = arith.index_cast %swap3A_1135 : i32 to index
      %swap3A_1138 = arith.index_cast %swap3A_1136 : i32 to index
      %swap3A_1139 = arith.constant 32 : index
      %swap3A_1140 = tpu.vector_load %arg14[%swap3A_1137, %swap3A_1138, %swap3A_1139] {strides = array<i32>} : memref<2x3x128xf32, #tpu.memory_space<vmem>>, vector<1x1x16xf32>,
      %swap3A_1141 = vector.shape_cast %swap3A_1140 : vector<1x1x16xf32> to vector<16xf32>
      %swap3A_1142 = vector.shape_cast %sub3A_1134 : vector<16xf32> to vector<1x1x16xf32>
      tpu.vector_store %arg14[%swap3A_1137, %swap3A_1138, %swap3A_1139], %swap3A_1142 {strides = array<i32>} : memref<2x3x128xf32, #tpu.memory_space<vmem>>, vector<1x1x16xf32>,
      %mul3A_1143 = arith.mulf %sub3A_1128, %sub3A_1129 : vector<16xf32>
      %mul3A_1144 = arith.mulf %sub3A_1126, %sub3A_1131 : vector<16xf32>
      %sub3A_1145 = arith.subf %mul3A_1143, %mul3A_1144 : vector<16xf32>
      %swap3A_1146 = arith.constant 0 : i32
      %swap3A_1147 = arith.constant 1 : i32
      %swap3A_1148 = arith.index_cast %swap3A_1146 : i32 to index
      %swap3A_1149 = arith.index_cast %swap3A_1147 : i32 to index
      %swap3A_1150 = arith.constant 32 : index
      %swap3A_1151 = tpu.vector_load %arg14[%swap3A_1148, %swap3A_1149, %swap3A_1150] {strides = array<i32>} : memref<2x3x128xf32, #tpu.memory_space<vmem>>, vector<1x1x16xf32>,
      %swap3A_1152 = vector.shape_cast %swap3A_1151 : vector<1x1x16xf32> to vector<16xf32>
      %swap3A_1153 = vector.shape_cast %sub3A_1145 : vector<16xf32> to vector<1x1x16xf32>
      tpu.vector_store %arg14[%swap3A_1148, %swap3A_1149, %swap3A_1150], %swap3A_1153 {strides = array<i32>} : memref<2x3x128xf32, #tpu.memory_space<vmem>>, vector<1x1x16xf32>,
      %mul3A_1154 = arith.mulf %sub3A_1126, %sub3A_1130 : vector<16xf32>
      %mul3A_1155 = arith.mulf %sub3A_1127, %sub3A_1129 : vector<16xf32>
      %sub3A_1156 = arith.subf %mul3A_1154, %mul3A_1155 : vector<16xf32>
      %swap3A_1157 = arith.constant 0 : i32
      %swap3A_1158 = arith.constant 2 : i32
      %swap3A_1159 = arith.index_cast %swap3A_1157 : i32 to index
      %swap3A_1160 = arith.index_cast %swap3A_1158 : i32 to index
      %swap3A_1161 = arith.constant 32 : index
      %swap3A_1162 = tpu.vector_load %arg14[%swap3A_1159, %swap3A_1160, %swap3A_1161] {strides = array<i32>} : memref<2x3x128xf32, #tpu.memory_space<vmem>>, vector<1x1x16xf32>,
      %swap3A_1163 = vector.shape_cast %swap3A_1162 : vector<1x1x16xf32> to vector<16xf32>
      %swap3A_1164 = vector.shape_cast %sub3A_1156 : vector<16xf32> to vector<1x1x16xf32>
      tpu.vector_store %arg14[%swap3A_1159, %swap3A_1160, %swap3A_1161], %swap3A_1164 {strides = array<i32>} : memref<2x3x128xf32, #tpu.memory_space<vmem>>, vector<1x1x16xf32>,
      %get3A_1165 = arith.constant 0 : i32
      %get3A_1166 = arith.constant 0 : i32
      %get3A_1167 = arith.index_cast %get3A_1165 : i32 to index
      %get3A_1168 = arith.index_cast %get3A_1166 : i32 to index
      %get3A_1169 = arith.constant 48 : index
      %get3A_1170 = tpu.vector_load %arg13[%get3A_1167, %get3A_1168, %get3A_1169] {strides = array<i32>} : memref<2x9x128xf32, #tpu.memory_space<vmem>>, vector<1x1x16xf32>,
      %get3A_1171 = vector.shape_cast %get3A_1170 : vector<1x1x16xf32> to vector<16xf32>
      %get3A_1172 = arith.constant 0 : i32
      %get3A_1173 = arith.constant 1 : i32
      %get3A_1174 = arith.index_cast %get3A_1172 : i32 to index
      %get3A_1175 = arith.index_cast %get3A_1173 : i32 to index
      %get3A_1176 = arith.constant 48 : index
      %get3A_1177 = tpu.vector_load %arg13[%get3A_1174, %get3A_1175, %get3A_1176] {strides = array<i32>} : memref<2x9x128xf32, #tpu.memory_space<vmem>>, vector<1x1x16xf32>,
      %get3A_1178 = vector.shape_cast %get3A_1177 : vector<1x1x16xf32> to vector<16xf32>
      %get3A_1179 = arith.constant 0 : i32
      %get3A_1180 = arith.constant 2 : i32
      %get3A_1181 = arith.index_cast %get3A_1179 : i32 to index
      %get3A_1182 = arith.index_cast %get3A_1180 : i32 to index
      %get3A_1183 = arith.constant 48 : index
      %get3A_1184 = tpu.vector_load %arg13[%get3A_1181, %get3A_1182, %get3A_1183] {strides = array<i32>} : memref<2x9x128xf32, #tpu.memory_space<vmem>>, vector<1x1x16xf32>,
      %get3A_1185 = vector.shape_cast %get3A_1184 : vector<1x1x16xf32> to vector<16xf32>
      %get3A_1186 = arith.constant 0 : i32
      %get3A_1187 = arith.constant 3 : i32
      %get3A_1188 = arith.index_cast %get3A_1186 : i32 to index
      %get3A_1189 = arith.index_cast %get3A_1187 : i32 to index
      %get3A_1190 = arith.constant 48 : index
      %get3A_1191 = tpu.vector_load %arg13[%get3A_1188, %get3A_1189, %get3A_1190] {strides = array<i32>} : memref<2x9x128xf32, #tpu.memory_space<vmem>>, vector<1x1x16xf32>,
      %get3A_1192 = vector.shape_cast %get3A_1191 : vector<1x1x16xf32> to vector<16xf32>
      %get3A_1193 = arith.constant 0 : i32
      %get3A_1194 = arith.constant 4 : i32
      %get3A_1195 = arith.index_cast %get3A_1193 : i32 to index
      %get3A_1196 = arith.index_cast %get3A_1194 : i32 to index
      %get3A_1197 = arith.constant 48 : index
      %get3A_1198 = tpu.vector_load %arg13[%get3A_1195, %get3A_1196, %get3A_1197] {strides = array<i32>} : memref<2x9x128xf32, #tpu.memory_space<vmem>>, vector<1x1x16xf32>,
      %get3A_1199 = vector.shape_cast %get3A_1198 : vector<1x1x16xf32> to vector<16xf32>
      %get3A_1200 = arith.constant 0 : i32
      %get3A_1201 = arith.constant 5 : i32
      %get3A_1202 = arith.index_cast %get3A_1200 : i32 to index
      %get3A_1203 = arith.index_cast %get3A_1201 : i32 to index
      %get3A_1204 = arith.constant 48 : index
      %get3A_1205 = tpu.vector_load %arg13[%get3A_1202, %get3A_1203, %get3A_1204] {strides = array<i32>} : memref<2x9x128xf32, #tpu.memory_space<vmem>>, vector<1x1x16xf32>,
      %get3A_1206 = vector.shape_cast %get3A_1205 : vector<1x1x16xf32> to vector<16xf32>
      %get3A_1207 = arith.constant 0 : i32
      %get3A_1208 = arith.constant 6 : i32
      %get3A_1209 = arith.index_cast %get3A_1207 : i32 to index
      %get3A_1210 = arith.index_cast %get3A_1208 : i32 to index
      %get3A_1211 = arith.constant 48 : index
      %get3A_1212 = tpu.vector_load %arg13[%get3A_1209, %get3A_1210, %get3A_1211] {strides = array<i32>} : memref<2x9x128xf32, #tpu.memory_space<vmem>>, vector<1x1x16xf32>,
      %get3A_1213 = vector.shape_cast %get3A_1212 : vector<1x1x16xf32> to vector<16xf32>
      %get3A_1214 = arith.constant 0 : i32
      %get3A_1215 = arith.constant 7 : i32
      %get3A_1216 = arith.index_cast %get3A_1214 : i32 to index
      %get3A_1217 = arith.index_cast %get3A_1215 : i32 to index
      %get3A_1218 = arith.constant 48 : index
      %get3A_1219 = tpu.vector_load %arg13[%get3A_1216, %get3A_1217, %get3A_1218] {strides = array<i32>} : memref<2x9x128xf32, #tpu.memory_space<vmem>>, vector<1x1x16xf32>,
      %get3A_1220 = vector.shape_cast %get3A_1219 : vector<1x1x16xf32> to vector<16xf32>
      %get3A_1221 = arith.constant 0 : i32
      %get3A_1222 = arith.constant 8 : i32
      %get3A_1223 = arith.index_cast %get3A_1221 : i32 to index
      %get3A_1224 = arith.index_cast %get3A_1222 : i32 to index
      %get3A_1225 = arith.constant 48 : index
      %get3A_1226 = tpu.vector_load %arg13[%get3A_1223, %get3A_1224, %get3A_1225] {strides = array<i32>} : memref<2x9x128xf32, #tpu.memory_space<vmem>>, vector<1x1x16xf32>,
      %get3A_1227 = vector.shape_cast %get3A_1226 : vector<1x1x16xf32> to vector<16xf32>
      %sub3A_1228 = arith.subf %get3A_1192, %get3A_1171 : vector<16xf32>
      %sub3A_1229 = arith.subf %get3A_1199, %get3A_1178 : vector<16xf32>
      %sub3A_1230 = arith.subf %get3A_1206, %get3A_1185 : vector<16xf32>
      %sub3A_1231 = arith.subf %get3A_1213, %get3A_1171 : vector<16xf32>
      %sub3A_1232 = arith.subf %get3A_1220, %get3A_1178 : vector<16xf32>
      %sub3A_1233 = arith.subf %get3A_1227, %get3A_1185 : vector<16xf32>
      %mul3A_1234 = arith.mulf %sub3A_1229, %sub3A_1233 : vector<16xf32>
      %mul3A_1235 = arith.mulf %sub3A_1230, %sub3A_1232 : vector<16xf32>
      %sub3A_1236 = arith.subf %mul3A_1234, %mul3A_1235 : vector<16xf32>
      %swap3A_1237 = arith.constant 0 : i32
      %swap3A_1238 = arith.constant 0 : i32
      %swap3A_1239 = arith.index_cast %swap3A_1237 : i32 to index
      %swap3A_1240 = arith.index_cast %swap3A_1238 : i32 to index
      %swap3A_1241 = arith.constant 48 : index
      %swap3A_1242 = tpu.vector_load %arg14[%swap3A_1239, %swap3A_1240, %swap3A_1241] {strides = array<i32>} : memref<2x3x128xf32, #tpu.memory_space<vmem>>, vector<1x1x16xf32>,
      %swap3A_1243 = vector.shape_cast %swap3A_1242 : vector<1x1x16xf32> to vector<16xf32>
      %swap3A_1244 = vector.shape_cast %sub3A_1236 : vector<16xf32> to vector<1x1x16xf32>
      tpu.vector_store %arg14[%swap3A_1239, %swap3A_1240, %swap3A_1241], %swap3A_1244 {strides = array<i32>} : memref<2x3x128xf32, #tpu.memory_space<vmem>>, vector<1x1x16xf32>,
      %mul3A_1245 = arith.mulf %sub3A_1230, %sub3A_1231 : vector<16xf32>
      %mul3A_1246 = arith.mulf %sub3A_1228, %sub3A_1233 : vector<16xf32>
      %sub3A_1247 = arith.subf %mul3A_1245, %mul3A_1246 : vector<16xf32>
      %swap3A_1248 = arith.constant 0 : i32
      %swap3A_1249 = arith.constant 1 : i32
      %swap3A_1250 = arith.index_cast %swap3A_1248 : i32 to index
      %swap3A_1251 = arith.index_cast %swap3A_1249 : i32 to index
      %swap3A_1252 = arith.constant 48 : index
      %swap3A_1253 = tpu.vector_load %arg14[%swap3A_1250, %swap3A_1251, %swap3A_1252] {strides = array<i32>} : memref<2x3x128xf32, #tpu.memory_space<vmem>>, vector<1x1x16xf32>,
      %swap3A_1254 = vector.shape_cast %swap3A_1253 : vector<1x1x16xf32> to vector<16xf32>
      %swap3A_1255 = vector.shape_cast %sub3A_1247 : vector<16xf32> to vector<1x1x16xf32>
      tpu.vector_store %arg14[%swap3A_1250, %swap3A_1251, %swap3A_1252], %swap3A_1255 {strides = array<i32>} : memref<2x3x128xf32, #tpu.memory_space<vmem>>, vector<1x1x16xf32>,
      %mul3A_1256 = arith.mulf %sub3A_1228, %sub3A_1232 : vector<16xf32>
      %mul3A_1257 = arith.mulf %sub3A_1229, %sub3A_1231 : vector<16xf32>
      %sub3A_1258 = arith.subf %mul3A_1256, %mul3A_1257 : vector<16xf32>
      %swap3A_1259 = arith.constant 0 : i32
      %swap3A_1260 = arith.constant 2 : i32
      %swap3A_1261 = arith.index_cast %swap3A_1259 : i32 to index
      %swap3A_1262 = arith.index_cast %swap3A_1260 : i32 to index
      %swap3A_1263 = arith.constant 48 : index
      %swap3A_1264 = tpu.vector_load %arg14[%swap3A_1261, %swap3A_1262, %swap3A_1263] {strides = array<i32>} : memref<2x3x128xf32, #tpu.memory_space<vmem>>, vector<1x1x16xf32>,
      %swap3A_1265 = vector.shape_cast %swap3A_1264 : vector<1x1x16xf32> to vector<16xf32>
      %swap3A_1266 = vector.shape_cast %sub3A_1258 : vector<16xf32> to vector<1x1x16xf32>
      tpu.vector_store %arg14[%swap3A_1261, %swap3A_1262, %swap3A_1263], %swap3A_1266 {strides = array<i32>} : memref<2x3x128xf32, #tpu.memory_space<vmem>>, vector<1x1x16xf32>,
      %get3A_1267 = arith.constant 0 : i32
      %get3A_1268 = arith.constant 0 : i32
      %get3A_1269 = arith.index_cast %get3A_1267 : i32 to index
      %get3A_1270 = arith.index_cast %get3A_1268 : i32 to index
      %get3A_1271 = arith.constant 64 : index
      %get3A_1272 = tpu.vector_load %arg13[%get3A_1269, %get3A_1270, %get3A_1271] {strides = array<i32>} : memref<2x9x128xf32, #tpu.memory_space<vmem>>, vector<1x1x16xf32>,
      %get3A_1273 = vector.shape_cast %get3A_1272 : vector<1x1x16xf32> to vector<16xf32>
      %get3A_1274 = arith.constant 0 : i32
      %get3A_1275 = arith.constant 1 : i32
      %get3A_1276 = arith.index_cast %get3A_1274 : i32 to index
      %get3A_1277 = arith.index_cast %get3A_1275 : i32 to index
      %get3A_1278 = arith.constant 64 : index
      %get3A_1279 = tpu.vector_load %arg13[%get3A_1276, %get3A_1277, %get3A_1278] {strides = array<i32>} : memref<2x9x128xf32, #tpu.memory_space<vmem>>, vector<1x1x16xf32>,
      %get3A_1280 = vector.shape_cast %get3A_1279 : vector<1x1x16xf32> to vector<16xf32>
      %get3A_1281 = arith.constant 0 : i32
      %get3A_1282 = arith.constant 2 : i32
      %get3A_1283 = arith.index_cast %get3A_1281 : i32 to index
      %get3A_1284 = arith.index_cast %get3A_1282 : i32 to index
      %get3A_1285 = arith.constant 64 : index
      %get3A_1286 = tpu.vector_load %arg13[%get3A_1283, %get3A_1284, %get3A_1285] {strides = array<i32>} : memref<2x9x128xf32, #tpu.memory_space<vmem>>, vector<1x1x16xf32>,
      %get3A_1287 = vector.shape_cast %get3A_1286 : vector<1x1x16xf32> to vector<16xf32>
      %get3A_1288 = arith.constant 0 : i32
      %get3A_1289 = arith.constant 3 : i32
      %get3A_1290 = arith.index_cast %get3A_1288 : i32 to index
      %get3A_1291 = arith.index_cast %get3A_1289 : i32 to index
      %get3A_1292 = arith.constant 64 : index
      %get3A_1293 = tpu.vector_load %arg13[%get3A_1290, %get3A_1291, %get3A_1292] {strides = array<i32>} : memref<2x9x128xf32, #tpu.memory_space<vmem>>, vector<1x1x16xf32>,
      %get3A_1294 = vector.shape_cast %get3A_1293 : vector<1x1x16xf32> to vector<16xf32>
      %get3A_1295 = arith.constant 0 : i32
      %get3A_1296 = arith.constant 4 : i32
      %get3A_1297 = arith.index_cast %get3A_1295 : i32 to index
      %get3A_1298 = arith.index_cast %get3A_1296 : i32 to index
      %get3A_1299 = arith.constant 64 : index
      %get3A_1300 = tpu.vector_load %arg13[%get3A_1297, %get3A_1298, %get3A_1299] {strides = array<i32>} : memref<2x9x128xf32, #tpu.memory_space<vmem>>, vector<1x1x16xf32>,
      %get3A_1301 = vector.shape_cast %get3A_1300 : vector<1x1x16xf32> to vector<16xf32>
      %get3A_1302 = arith.constant 0 : i32
      %get3A_1303 = arith.constant 5 : i32
      %get3A_1304 = arith.index_cast %get3A_1302 : i32 to index
      %get3A_1305 = arith.index_cast %get3A_1303 : i32 to index
      %get3A_1306 = arith.constant 64 : index
      %get3A_1307 = tpu.vector_load %arg13[%get3A_1304, %get3A_1305, %get3A_1306] {strides = array<i32>} : memref<2x9x128xf32, #tpu.memory_space<vmem>>, vector<1x1x16xf32>,
      %get3A_1308 = vector.shape_cast %get3A_1307 : vector<1x1x16xf32> to vector<16xf32>
      %get3A_1309 = arith.constant 0 : i32
      %get3A_1310 = arith.constant 6 : i32
      %get3A_1311 = arith.index_cast %get3A_1309 : i32 to index
      %get3A_1312 = arith.index_cast %get3A_1310 : i32 to index
      %get3A_1313 = arith.constant 64 : index
      %get3A_1314 = tpu.vector_load %arg13[%get3A_1311, %get3A_1312, %get3A_1313] {strides = array<i32>} : memref<2x9x128xf32, #tpu.memory_space<vmem>>, vector<1x1x16xf32>,
      %get3A_1315 = vector.shape_cast %get3A_1314 : vector<1x1x16xf32> to vector<16xf32>
      %get3A_1316 = arith.constant 0 : i32
      %get3A_1317 = arith.constant 7 : i32
      %get3A_1318 = arith.index_cast %get3A_1316 : i32 to index
      %get3A_1319 = arith.index_cast %get3A_1317 : i32 to index
      %get3A_1320 = arith.constant 64 : index
      %get3A_1321 = tpu.vector_load %arg13[%get3A_1318, %get3A_1319, %get3A_1320] {strides = array<i32>} : memref<2x9x128xf32, #tpu.memory_space<vmem>>, vector<1x1x16xf32>,
      %get3A_1322 = vector.shape_cast %get3A_1321 : vector<1x1x16xf32> to vector<16xf32>
      %get3A_1323 = arith.constant 0 : i32
      %get3A_1324 = arith.constant 8 : i32
      %get3A_1325 = arith.index_cast %get3A_1323 : i32 to index
      %get3A_1326 = arith.index_cast %get3A_1324 : i32 to index
      %get3A_1327 = arith.constant 64 : index
      %get3A_1328 = tpu.vector_load %arg13[%get3A_1325, %get3A_1326, %get3A_1327] {strides = array<i32>} : memref<2x9x128xf32, #tpu.memory_space<vmem>>, vector<1x1x16xf32>,
      %get3A_1329 = vector.shape_cast %get3A_1328 : vector<1x1x16xf32> to vector<16xf32>
      %sub3A_1330 = arith.subf %get3A_1294, %get3A_1273 : vector<16xf32>
      %sub3A_1331 = arith.subf %get3A_1301, %get3A_1280 : vector<16xf32>
      %sub3A_1332 = arith.subf %get3A_1308, %get3A_1287 : vector<16xf32>
      %sub3A_1333 = arith.subf %get3A_1315, %get3A_1273 : vector<16xf32>
      %sub3A_1334 = arith.subf %get3A_1322, %get3A_1280 : vector<16xf32>
      %sub3A_1335 = arith.subf %get3A_1329, %get3A_1287 : vector<16xf32>
      %mul3A_1336 = arith.mulf %sub3A_1331, %sub3A_1335 : vector<16xf32>
      %mul3A_1337 = arith.mulf %sub3A_1332, %sub3A_1334 : vector<16xf32>
      %sub3A_1338 = arith.subf %mul3A_1336, %mul3A_1337 : vector<16xf32>
      %swap3A_1339 = arith.constant 0 : i32
      %swap3A_1340 = arith.constant 0 : i32
      %swap3A_1341 = arith.index_cast %swap3A_1339 : i32 to index
      %swap3A_1342 = arith.index_cast %swap3A_1340 : i32 to index
      %swap3A_1343 = arith.constant 64 : index
      %swap3A_1344 = tpu.vector_load %arg14[%swap3A_1341, %swap3A_1342, %swap3A_1343] {strides = array<i32>} : memref<2x3x128xf32, #tpu.memory_space<vmem>>, vector<1x1x16xf32>,
      %swap3A_1345 = vector.shape_cast %swap3A_1344 : vector<1x1x16xf32> to vector<16xf32>
      %swap3A_1346 = vector.shape_cast %sub3A_1338 : vector<16xf32> to vector<1x1x16xf32>
      tpu.vector_store %arg14[%swap3A_1341, %swap3A_1342, %swap3A_1343], %swap3A_1346 {strides = array<i32>} : memref<2x3x128xf32, #tpu.memory_space<vmem>>, vector<1x1x16xf32>,
      %mul3A_1347 = arith.mulf %sub3A_1332, %sub3A_1333 : vector<16xf32>
      %mul3A_1348 = arith.mulf %sub3A_1330, %sub3A_1335 : vector<16xf32>
      %sub3A_1349 = arith.subf %mul3A_1347, %mul3A_1348 : vector<16xf32>
      %swap3A_1350 = arith.constant 0 : i32
      %swap3A_1351 = arith.constant 1 : i32
      %swap3A_1352 = arith.index_cast %swap3A_1350 : i32 to index
      %swap3A_1353 = arith.index_cast %swap3A_1351 : i32 to index
      %swap3A_1354 = arith.constant 64 : index
      %swap3A_1355 = tpu.vector_load %arg14[%swap3A_1352, %swap3A_1353, %swap3A_1354] {strides = array<i32>} : memref<2x3x128xf32, #tpu.memory_space<vmem>>, vector<1x1x16xf32>,
      %swap3A_1356 = vector.shape_cast %swap3A_1355 : vector<1x1x16xf32> to vector<16xf32>
      %swap3A_1357 = vector.shape_cast %sub3A_1349 : vector<16xf32> to vector<1x1x16xf32>
      tpu.vector_store %arg14[%swap3A_1352, %swap3A_1353, %swap3A_1354], %swap3A_1357 {strides = array<i32>} : memref<2x3x128xf32, #tpu.memory_space<vmem>>, vector<1x1x16xf32>,
      %mul3A_1358 = arith.mulf %sub3A_1330, %sub3A_1334 : vector<16xf32>
      %mul3A_1359 = arith.mulf %sub3A_1331, %sub3A_1333 : vector<16xf32>
      %sub3A_1360 = arith.subf %mul3A_1358, %mul3A_1359 : vector<16xf32>
      %swap3A_1361 = arith.constant 0 : i32
      %swap3A_1362 = arith.constant 2 : i32
      %swap3A_1363 = arith.index_cast %swap3A_1361 : i32 to index
      %swap3A_1364 = arith.index_cast %swap3A_1362 : i32 to index
      %swap3A_1365 = arith.constant 64 : index
      %swap3A_1366 = tpu.vector_load %arg14[%swap3A_1363, %swap3A_1364, %swap3A_1365] {strides = array<i32>} : memref<2x3x128xf32, #tpu.memory_space<vmem>>, vector<1x1x16xf32>,
      %swap3A_1367 = vector.shape_cast %swap3A_1366 : vector<1x1x16xf32> to vector<16xf32>
      %swap3A_1368 = vector.shape_cast %sub3A_1360 : vector<16xf32> to vector<1x1x16xf32>
      tpu.vector_store %arg14[%swap3A_1363, %swap3A_1364, %swap3A_1365], %swap3A_1368 {strides = array<i32>} : memref<2x3x128xf32, #tpu.memory_space<vmem>>, vector<1x1x16xf32>,
      %get3A_1369 = arith.constant 0 : i32
      %get3A_1370 = arith.constant 0 : i32
      %get3A_1371 = arith.index_cast %get3A_1369 : i32 to index
      %get3A_1372 = arith.index_cast %get3A_1370 : i32 to index
      %get3A_1373 = arith.constant 80 : index
      %get3A_1374 = tpu.vector_load %arg13[%get3A_1371, %get3A_1372, %get3A_1373] {strides = array<i32>} : memref<2x9x128xf32, #tpu.memory_space<vmem>>, vector<1x1x16xf32>,
      %get3A_1375 = vector.shape_cast %get3A_1374 : vector<1x1x16xf32> to vector<16xf32>
      %get3A_1376 = arith.constant 0 : i32
      %get3A_1377 = arith.constant 1 : i32
      %get3A_1378 = arith.index_cast %get3A_1376 : i32 to index
      %get3A_1379 = arith.index_cast %get3A_1377 : i32 to index
      %get3A_1380 = arith.constant 80 : index
      %get3A_1381 = tpu.vector_load %arg13[%get3A_1378, %get3A_1379, %get3A_1380] {strides = array<i32>} : memref<2x9x128xf32, #tpu.memory_space<vmem>>, vector<1x1x16xf32>,
      %get3A_1382 = vector.shape_cast %get3A_1381 : vector<1x1x16xf32> to vector<16xf32>
      %get3A_1383 = arith.constant 0 : i32
      %get3A_1384 = arith.constant 2 : i32
      %get3A_1385 = arith.index_cast %get3A_1383 : i32 to index
      %get3A_1386 = arith.index_cast %get3A_1384 : i32 to index
      %get3A_1387 = arith.constant 80 : index
      %get3A_1388 = tpu.vector_load %arg13[%get3A_1385, %get3A_1386, %get3A_1387] {strides = array<i32>} : memref<2x9x128xf32, #tpu.memory_space<vmem>>, vector<1x1x16xf32>,
      %get3A_1389 = vector.shape_cast %get3A_1388 : vector<1x1x16xf32> to vector<16xf32>
      %get3A_1390 = arith.constant 0 : i32
      %get3A_1391 = arith.constant 3 : i32
      %get3A_1392 = arith.index_cast %get3A_1390 : i32 to index
      %get3A_1393 = arith.index_cast %get3A_1391 : i32 to index
      %get3A_1394 = arith.constant 80 : index
      %get3A_1395 = tpu.vector_load %arg13[%get3A_1392, %get3A_1393, %get3A_1394] {strides = array<i32>} : memref<2x9x128xf32, #tpu.memory_space<vmem>>, vector<1x1x16xf32>,
      %get3A_1396 = vector.shape_cast %get3A_1395 : vector<1x1x16xf32> to vector<16xf32>
      %get3A_1397 = arith.constant 0 : i32
      %get3A_1398 = arith.constant 4 : i32
      %get3A_1399 = arith.index_cast %get3A_1397 : i32 to index
      %get3A_1400 = arith.index_cast %get3A_1398 : i32 to index
      %get3A_1401 = arith.constant 80 : index
      %get3A_1402 = tpu.vector_load %arg13[%get3A_1399, %get3A_1400, %get3A_1401] {strides = array<i32>} : memref<2x9x128xf32, #tpu.memory_space<vmem>>, vector<1x1x16xf32>,
      %get3A_1403 = vector.shape_cast %get3A_1402 : vector<1x1x16xf32> to vector<16xf32>
      %get3A_1404 = arith.constant 0 : i32
      %get3A_1405 = arith.constant 5 : i32
      %get3A_1406 = arith.index_cast %get3A_1404 : i32 to index
      %get3A_1407 = arith.index_cast %get3A_1405 : i32 to index
      %get3A_1408 = arith.constant 80 : index
      %get3A_1409 = tpu.vector_load %arg13[%get3A_1406, %get3A_1407, %get3A_1408] {strides = array<i32>} : memref<2x9x128xf32, #tpu.memory_space<vmem>>, vector<1x1x16xf32>,
      %get3A_1410 = vector.shape_cast %get3A_1409 : vector<1x1x16xf32> to vector<16xf32>
      %get3A_1411 = arith.constant 0 : i32
      %get3A_1412 = arith.constant 6 : i32
      %get3A_1413 = arith.index_cast %get3A_1411 : i32 to index
      %get3A_1414 = arith.index_cast %get3A_1412 : i32 to index
      %get3A_1415 = arith.constant 80 : index
      %get3A_1416 = tpu.vector_load %arg13[%get3A_1413, %get3A_1414, %get3A_1415] {strides = array<i32>} : memref<2x9x128xf32, #tpu.memory_space<vmem>>, vector<1x1x16xf32>,
      %get3A_1417 = vector.shape_cast %get3A_1416 : vector<1x1x16xf32> to vector<16xf32>
      %get3A_1418 = arith.constant 0 : i32
      %get3A_1419 = arith.constant 7 : i32
      %get3A_1420 = arith.index_cast %get3A_1418 : i32 to index
      %get3A_1421 = arith.index_cast %get3A_1419 : i32 to index
      %get3A_1422 = arith.constant 80 : index
      %get3A_1423 = tpu.vector_load %arg13[%get3A_1420, %get3A_1421, %get3A_1422] {strides = array<i32>} : memref<2x9x128xf32, #tpu.memory_space<vmem>>, vector<1x1x16xf32>,
      %get3A_1424 = vector.shape_cast %get3A_1423 : vector<1x1x16xf32> to vector<16xf32>
      %get3A_1425 = arith.constant 0 : i32
      %get3A_1426 = arith.constant 8 : i32
      %get3A_1427 = arith.index_cast %get3A_1425 : i32 to index
      %get3A_1428 = arith.index_cast %get3A_1426 : i32 to index
      %get3A_1429 = arith.constant 80 : index
      %get3A_1430 = tpu.vector_load %arg13[%get3A_1427, %get3A_1428, %get3A_1429] {strides = array<i32>} : memref<2x9x128xf32, #tpu.memory_space<vmem>>, vector<1x1x16xf32>,
      %get3A_1431 = vector.shape_cast %get3A_1430 : vector<1x1x16xf32> to vector<16xf32>
      %sub3A_1432 = arith.subf %get3A_1396, %get3A_1375 : vector<16xf32>
      %sub3A_1433 = arith.subf %get3A_1403, %get3A_1382 : vector<16xf32>
      %sub3A_1434 = arith.subf %get3A_1410, %get3A_1389 : vector<16xf32>
      %sub3A_1435 = arith.subf %get3A_1417, %get3A_1375 : vector<16xf32>
      %sub3A_1436 = arith.subf %get3A_1424, %get3A_1382 : vector<16xf32>
      %sub3A_1437 = arith.subf %get3A_1431, %get3A_1389 : vector<16xf32>
      %mul3A_1438 = arith.mulf %sub3A_1433, %sub3A_1437 : vector<16xf32>
      %mul3A_1439 = arith.mulf %sub3A_1434, %sub3A_1436 : vector<16xf32>
      %sub3A_1440 = arith.subf %mul3A_1438, %mul3A_1439 : vector<16xf32>
      %swap3A_1441 = arith.constant 0 : i32
      %swap3A_1442 = arith.constant 0 : i32
      %swap3A_1443 = arith.index_cast %swap3A_1441 : i32 to index
      %swap3A_1444 = arith.index_cast %swap3A_1442 : i32 to index
      %swap3A_1445 = arith.constant 80 : index
      %swap3A_1446 = tpu.vector_load %arg14[%swap3A_1443, %swap3A_1444, %swap3A_1445] {strides = array<i32>} : memref<2x3x128xf32, #tpu.memory_space<vmem>>, vector<1x1x16xf32>,
      %swap3A_1447 = vector.shape_cast %swap3A_1446 : vector<1x1x16xf32> to vector<16xf32>
      %swap3A_1448 = vector.shape_cast %sub3A_1440 : vector<16xf32> to vector<1x1x16xf32>
      tpu.vector_store %arg14[%swap3A_1443, %swap3A_1444, %swap3A_1445], %swap3A_1448 {strides = array<i32>} : memref<2x3x128xf32, #tpu.memory_space<vmem>>, vector<1x1x16xf32>,
      %mul3A_1449 = arith.mulf %sub3A_1434, %sub3A_1435 : vector<16xf32>
      %mul3A_1450 = arith.mulf %sub3A_1432, %sub3A_1437 : vector<16xf32>
      %sub3A_1451 = arith.subf %mul3A_1449, %mul3A_1450 : vector<16xf32>
      %swap3A_1452 = arith.constant 0 : i32
      %swap3A_1453 = arith.constant 1 : i32
      %swap3A_1454 = arith.index_cast %swap3A_1452 : i32 to index
      %swap3A_1455 = arith.index_cast %swap3A_1453 : i32 to index
      %swap3A_1456 = arith.constant 80 : index
      %swap3A_1457 = tpu.vector_load %arg14[%swap3A_1454, %swap3A_1455, %swap3A_1456] {strides = array<i32>} : memref<2x3x128xf32, #tpu.memory_space<vmem>>, vector<1x1x16xf32>,
      %swap3A_1458 = vector.shape_cast %swap3A_1457 : vector<1x1x16xf32> to vector<16xf32>
      %swap3A_1459 = vector.shape_cast %sub3A_1451 : vector<16xf32> to vector<1x1x16xf32>
      tpu.vector_store %arg14[%swap3A_1454, %swap3A_1455, %swap3A_1456], %swap3A_1459 {strides = array<i32>} : memref<2x3x128xf32, #tpu.memory_space<vmem>>, vector<1x1x16xf32>,
      %mul3A_1460 = arith.mulf %sub3A_1432, %sub3A_1436 : vector<16xf32>
      %mul3A_1461 = arith.mulf %sub3A_1433, %sub3A_1435 : vector<16xf32>
      %sub3A_1462 = arith.subf %mul3A_1460, %mul3A_1461 : vector<16xf32>
      %swap3A_1463 = arith.constant 0 : i32
      %swap3A_1464 = arith.constant 2 : i32
      %swap3A_1465 = arith.index_cast %swap3A_1463 : i32 to index
      %swap3A_1466 = arith.index_cast %swap3A_1464 : i32 to index
      %swap3A_1467 = arith.constant 80 : index
      %swap3A_1468 = tpu.vector_load %arg14[%swap3A_1465, %swap3A_1466, %swap3A_1467] {strides = array<i32>} : memref<2x3x128xf32, #tpu.memory_space<vmem>>, vector<1x1x16xf32>,
      %swap3A_1469 = vector.shape_cast %swap3A_1468 : vector<1x1x16xf32> to vector<16xf32>
      %swap3A_1470 = vector.shape_cast %sub3A_1462 : vector<16xf32> to vector<1x1x16xf32>
      tpu.vector_store %arg14[%swap3A_1465, %swap3A_1466, %swap3A_1467], %swap3A_1470 {strides = array<i32>} : memref<2x3x128xf32, #tpu.memory_space<vmem>>, vector<1x1x16xf32>,
      %get3A_1471 = arith.constant 0 : i32
      %get3A_1472 = arith.constant 0 : i32
      %get3A_1473 = arith.index_cast %get3A_1471 : i32 to index
      %get3A_1474 = arith.index_cast %get3A_1472 : i32 to index
      %get3A_1475 = arith.constant 96 : index
      %get3A_1476 = tpu.vector_load %arg13[%get3A_1473, %get3A_1474, %get3A_1475] {strides = array<i32>} : memref<2x9x128xf32, #tpu.memory_space<vmem>>, vector<1x1x16xf32>,
      %get3A_1477 = vector.shape_cast %get3A_1476 : vector<1x1x16xf32> to vector<16xf32>
      %get3A_1478 = arith.constant 0 : i32
      %get3A_1479 = arith.constant 1 : i32
      %get3A_1480 = arith.index_cast %get3A_1478 : i32 to index
      %get3A_1481 = arith.index_cast %get3A_1479 : i32 to index
      %get3A_1482 = arith.constant 96 : index
      %get3A_1483 = tpu.vector_load %arg13[%get3A_1480, %get3A_1481, %get3A_1482] {strides = array<i32>} : memref<2x9x128xf32, #tpu.memory_space<vmem>>, vector<1x1x16xf32>,
      %get3A_1484 = vector.shape_cast %get3A_1483 : vector<1x1x16xf32> to vector<16xf32>
      %get3A_1485 = arith.constant 0 : i32
      %get3A_1486 = arith.constant 2 : i32
      %get3A_1487 = arith.index_cast %get3A_1485 : i32 to index
      %get3A_1488 = arith.index_cast %get3A_1486 : i32 to index
      %get3A_1489 = arith.constant 96 : index
      %get3A_1490 = tpu.vector_load %arg13[%get3A_1487, %get3A_1488, %get3A_1489] {strides = array<i32>} : memref<2x9x128xf32, #tpu.memory_space<vmem>>, vector<1x1x16xf32>,
      %get3A_1491 = vector.shape_cast %get3A_1490 : vector<1x1x16xf32> to vector<16xf32>
      %get3A_1492 = arith.constant 0 : i32
      %get3A_1493 = arith.constant 3 : i32
      %get3A_1494 = arith.index_cast %get3A_1492 : i32 to index
      %get3A_1495 = arith.index_cast %get3A_1493 : i32 to index
      %get3A_1496 = arith.constant 96 : index
      %get3A_1497 = tpu.vector_load %arg13[%get3A_1494, %get3A_1495, %get3A_1496] {strides = array<i32>} : memref<2x9x128xf32, #tpu.memory_space<vmem>>, vector<1x1x16xf32>,
      %get3A_1498 = vector.shape_cast %get3A_1497 : vector<1x1x16xf32> to vector<16xf32>
      %get3A_1499 = arith.constant 0 : i32
      %get3A_1500 = arith.constant 4 : i32
      %get3A_1501 = arith.index_cast %get3A_1499 : i32 to index
      %get3A_1502 = arith.index_cast %get3A_1500 : i32 to index
      %get3A_1503 = arith.constant 96 : index
      %get3A_1504 = tpu.vector_load %arg13[%get3A_1501, %get3A_1502, %get3A_1503] {strides = array<i32>} : memref<2x9x128xf32, #tpu.memory_space<vmem>>, vector<1x1x16xf32>,
      %get3A_1505 = vector.shape_cast %get3A_1504 : vector<1x1x16xf32> to vector<16xf32>
      %get3A_1506 = arith.constant 0 : i32
      %get3A_1507 = arith.constant 5 : i32
      %get3A_1508 = arith.index_cast %get3A_1506 : i32 to index
      %get3A_1509 = arith.index_cast %get3A_1507 : i32 to index
      %get3A_1510 = arith.constant 96 : index
      %get3A_1511 = tpu.vector_load %arg13[%get3A_1508, %get3A_1509, %get3A_1510] {strides = array<i32>} : memref<2x9x128xf32, #tpu.memory_space<vmem>>, vector<1x1x16xf32>,
      %get3A_1512 = vector.shape_cast %get3A_1511 : vector<1x1x16xf32> to vector<16xf32>
      %get3A_1513 = arith.constant 0 : i32
      %get3A_1514 = arith.constant 6 : i32
      %get3A_1515 = arith.index_cast %get3A_1513 : i32 to index
      %get3A_1516 = arith.index_cast %get3A_1514 : i32 to index
      %get3A_1517 = arith.constant 96 : index
      %get3A_1518 = tpu.vector_load %arg13[%get3A_1515, %get3A_1516, %get3A_1517] {strides = array<i32>} : memref<2x9x128xf32, #tpu.memory_space<vmem>>, vector<1x1x16xf32>,
      %get3A_1519 = vector.shape_cast %get3A_1518 : vector<1x1x16xf32> to vector<16xf32>
      %get3A_1520 = arith.constant 0 : i32
      %get3A_1521 = arith.constant 7 : i32
      %get3A_1522 = arith.index_cast %get3A_1520 : i32 to index
      %get3A_1523 = arith.index_cast %get3A_1521 : i32 to index
      %get3A_1524 = arith.constant 96 : index
      %get3A_1525 = tpu.vector_load %arg13[%get3A_1522, %get3A_1523, %get3A_1524] {strides = array<i32>} : memref<2x9x128xf32, #tpu.memory_space<vmem>>, vector<1x1x16xf32>,
      %get3A_1526 = vector.shape_cast %get3A_1525 : vector<1x1x16xf32> to vector<16xf32>
      %get3A_1527 = arith.constant 0 : i32
      %get3A_1528 = arith.constant 8 : i32
      %get3A_1529 = arith.index_cast %get3A_1527 : i32 to index
      %get3A_1530 = arith.index_cast %get3A_1528 : i32 to index
      %get3A_1531 = arith.constant 96 : index
      %get3A_1532 = tpu.vector_load %arg13[%get3A_1529, %get3A_1530, %get3A_1531] {strides = array<i32>} : memref<2x9x128xf32, #tpu.memory_space<vmem>>, vector<1x1x16xf32>,
      %get3A_1533 = vector.shape_cast %get3A_1532 : vector<1x1x16xf32> to vector<16xf32>
      %sub3A_1534 = arith.subf %get3A_1498, %get3A_1477 : vector<16xf32>
      %sub3A_1535 = arith.subf %get3A_1505, %get3A_1484 : vector<16xf32>
      %sub3A_1536 = arith.subf %get3A_1512, %get3A_1491 : vector<16xf32>
      %sub3A_1537 = arith.subf %get3A_1519, %get3A_1477 : vector<16xf32>
      %sub3A_1538 = arith.subf %get3A_1526, %get3A_1484 : vector<16xf32>
      %sub3A_1539 = arith.subf %get3A_1533, %get3A_1491 : vector<16xf32>
      %mul3A_1540 = arith.mulf %sub3A_1535, %sub3A_1539 : vector<16xf32>
      %mul3A_1541 = arith.mulf %sub3A_1536, %sub3A_1538 : vector<16xf32>
      %sub3A_1542 = arith.subf %mul3A_1540, %mul3A_1541 : vector<16xf32>
      %swap3A_1543 = arith.constant 0 : i32
      %swap3A_1544 = arith.constant 0 : i32
      %swap3A_1545 = arith.index_cast %swap3A_1543 : i32 to index
      %swap3A_1546 = arith.index_cast %swap3A_1544 : i32 to index
      %swap3A_1547 = arith.constant 96 : index
      %swap3A_1548 = tpu.vector_load %arg14[%swap3A_1545, %swap3A_1546, %swap3A_1547] {strides = array<i32>} : memref<2x3x128xf32, #tpu.memory_space<vmem>>, vector<1x1x16xf32>,
      %swap3A_1549 = vector.shape_cast %swap3A_1548 : vector<1x1x16xf32> to vector<16xf32>
      %swap3A_1550 = vector.shape_cast %sub3A_1542 : vector<16xf32> to vector<1x1x16xf32>
      tpu.vector_store %arg14[%swap3A_1545, %swap3A_1546, %swap3A_1547], %swap3A_1550 {strides = array<i32>} : memref<2x3x128xf32, #tpu.memory_space<vmem>>, vector<1x1x16xf32>,
      %mul3A_1551 = arith.mulf %sub3A_1536, %sub3A_1537 : vector<16xf32>
      %mul3A_1552 = arith.mulf %sub3A_1534, %sub3A_1539 : vector<16xf32>
      %sub3A_1553 = arith.subf %mul3A_1551, %mul3A_1552 : vector<16xf32>
      %swap3A_1554 = arith.constant 0 : i32
      %swap3A_1555 = arith.constant 1 : i32
      %swap3A_1556 = arith.index_cast %swap3A_1554 : i32 to index
      %swap3A_1557 = arith.index_cast %swap3A_1555 : i32 to index
      %swap3A_1558 = arith.constant 96 : index
      %swap3A_1559 = tpu.vector_load %arg14[%swap3A_1556, %swap3A_1557, %swap3A_1558] {strides = array<i32>} : memref<2x3x128xf32, #tpu.memory_space<vmem>>, vector<1x1x16xf32>,
      %swap3A_1560 = vector.shape_cast %swap3A_1559 : vector<1x1x16xf32> to vector<16xf32>
      %swap3A_1561 = vector.shape_cast %sub3A_1553 : vector<16xf32> to vector<1x1x16xf32>
      tpu.vector_store %arg14[%swap3A_1556, %swap3A_1557, %swap3A_1558], %swap3A_1561 {strides = array<i32>} : memref<2x3x128xf32, #tpu.memory_space<vmem>>, vector<1x1x16xf32>,
      %mul3A_1562 = arith.mulf %sub3A_1534, %sub3A_1538 : vector<16xf32>
      %mul3A_1563 = arith.mulf %sub3A_1535, %sub3A_1537 : vector<16xf32>
      %sub3A_1564 = arith.subf %mul3A_1562, %mul3A_1563 : vector<16xf32>
      %swap3A_1565 = arith.constant 0 : i32
      %swap3A_1566 = arith.constant 2 : i32
      %swap3A_1567 = arith.index_cast %swap3A_1565 : i32 to index
      %swap3A_1568 = arith.index_cast %swap3A_1566 : i32 to index
      %swap3A_1569 = arith.constant 96 : index
      %swap3A_1570 = tpu.vector_load %arg14[%swap3A_1567, %swap3A_1568, %swap3A_1569] {strides = array<i32>} : memref<2x3x128xf32, #tpu.memory_space<vmem>>, vector<1x1x16xf32>,
      %swap3A_1571 = vector.shape_cast %swap3A_1570 : vector<1x1x16xf32> to vector<16xf32>
      %swap3A_1572 = vector.shape_cast %sub3A_1564 : vector<16xf32> to vector<1x1x16xf32>
      tpu.vector_store %arg14[%swap3A_1567, %swap3A_1568, %swap3A_1569], %swap3A_1572 {strides = array<i32>} : memref<2x3x128xf32, #tpu.memory_space<vmem>>, vector<1x1x16xf32>,
      %get3A_1573 = arith.constant 0 : i32
      %get3A_1574 = arith.constant 0 : i32
      %get3A_1575 = arith.index_cast %get3A_1573 : i32 to index
      %get3A_1576 = arith.index_cast %get3A_1574 : i32 to index
      %get3A_1577 = arith.constant 112 : index
      %get3A_1578 = tpu.vector_load %arg13[%get3A_1575, %get3A_1576, %get3A_1577] {strides = array<i32>} : memref<2x9x128xf32, #tpu.memory_space<vmem>>, vector<1x1x16xf32>,
      %get3A_1579 = vector.shape_cast %get3A_1578 : vector<1x1x16xf32> to vector<16xf32>
      %get3A_1580 = arith.constant 0 : i32
      %get3A_1581 = arith.constant 1 : i32
      %get3A_1582 = arith.index_cast %get3A_1580 : i32 to index
      %get3A_1583 = arith.index_cast %get3A_1581 : i32 to index
      %get3A_1584 = arith.constant 112 : index
      %get3A_1585 = tpu.vector_load %arg13[%get3A_1582, %get3A_1583, %get3A_1584] {strides = array<i32>} : memref<2x9x128xf32, #tpu.memory_space<vmem>>, vector<1x1x16xf32>,
      %get3A_1586 = vector.shape_cast %get3A_1585 : vector<1x1x16xf32> to vector<16xf32>
      %get3A_1587 = arith.constant 0 : i32
      %get3A_1588 = arith.constant 2 : i32
      %get3A_1589 = arith.index_cast %get3A_1587 : i32 to index
      %get3A_1590 = arith.index_cast %get3A_1588 : i32 to index
      %get3A_1591 = arith.constant 112 : index
      %get3A_1592 = tpu.vector_load %arg13[%get3A_1589, %get3A_1590, %get3A_1591] {strides = array<i32>} : memref<2x9x128xf32, #tpu.memory_space<vmem>>, vector<1x1x16xf32>,
      %get3A_1593 = vector.shape_cast %get3A_1592 : vector<1x1x16xf32> to vector<16xf32>
      %get3A_1594 = arith.constant 0 : i32
      %get3A_1595 = arith.constant 3 : i32
      %get3A_1596 = arith.index_cast %get3A_1594 : i32 to index
      %get3A_1597 = arith.index_cast %get3A_1595 : i32 to index
      %get3A_1598 = arith.constant 112 : index
      %get3A_1599 = tpu.vector_load %arg13[%get3A_1596, %get3A_1597, %get3A_1598] {strides = array<i32>} : memref<2x9x128xf32, #tpu.memory_space<vmem>>, vector<1x1x16xf32>,
      %get3A_1600 = vector.shape_cast %get3A_1599 : vector<1x1x16xf32> to vector<16xf32>
      %get3A_1601 = arith.constant 0 : i32
      %get3A_1602 = arith.constant 4 : i32
      %get3A_1603 = arith.index_cast %get3A_1601 : i32 to index
      %get3A_1604 = arith.index_cast %get3A_1602 : i32 to index
      %get3A_1605 = arith.constant 112 : index
      %get3A_1606 = tpu.vector_load %arg13[%get3A_1603, %get3A_1604, %get3A_1605] {strides = array<i32>} : memref<2x9x128xf32, #tpu.memory_space<vmem>>, vector<1x1x16xf32>,
      %get3A_1607 = vector.shape_cast %get3A_1606 : vector<1x1x16xf32> to vector<16xf32>
      %get3A_1608 = arith.constant 0 : i32
      %get3A_1609 = arith.constant 5 : i32
      %get3A_1610 = arith.index_cast %get3A_1608 : i32 to index
      %get3A_1611 = arith.index_cast %get3A_1609 : i32 to index
      %get3A_1612 = arith.constant 112 : index
      %get3A_1613 = tpu.vector_load %arg13[%get3A_1610, %get3A_1611, %get3A_1612] {strides = array<i32>} : memref<2x9x128xf32, #tpu.memory_space<vmem>>, vector<1x1x16xf32>,
      %get3A_1614 = vector.shape_cast %get3A_1613 : vector<1x1x16xf32> to vector<16xf32>
      %get3A_1615 = arith.constant 0 : i32
      %get3A_1616 = arith.constant 6 : i32
      %get3A_1617 = arith.index_cast %get3A_1615 : i32 to index
      %get3A_1618 = arith.index_cast %get3A_1616 : i32 to index
      %get3A_1619 = arith.constant 112 : index
      %get3A_1620 = tpu.vector_load %arg13[%get3A_1617, %get3A_1618, %get3A_1619] {strides = array<i32>} : memref<2x9x128xf32, #tpu.memory_space<vmem>>, vector<1x1x16xf32>,
      %get3A_1621 = vector.shape_cast %get3A_1620 : vector<1x1x16xf32> to vector<16xf32>
      %get3A_1622 = arith.constant 0 : i32
      %get3A_1623 = arith.constant 7 : i32
      %get3A_1624 = arith.index_cast %get3A_1622 : i32 to index
      %get3A_1625 = arith.index_cast %get3A_1623 : i32 to index
      %get3A_1626 = arith.constant 112 : index
      %get3A_1627 = tpu.vector_load %arg13[%get3A_1624, %get3A_1625, %get3A_1626] {strides = array<i32>} : memref<2x9x128xf32, #tpu.memory_space<vmem>>, vector<1x1x16xf32>,
      %get3A_1628 = vector.shape_cast %get3A_1627 : vector<1x1x16xf32> to vector<16xf32>
      %get3A_1629 = arith.constant 0 : i32
      %get3A_1630 = arith.constant 8 : i32
      %get3A_1631 = arith.index_cast %get3A_1629 : i32 to index
      %get3A_1632 = arith.index_cast %get3A_1630 : i32 to index
      %get3A_1633 = arith.constant 112 : index
      %get3A_1634 = tpu.vector_load %arg13[%get3A_1631, %get3A_1632, %get3A_1633] {strides = array<i32>} : memref<2x9x128xf32, #tpu.memory_space<vmem>>, vector<1x1x16xf32>,
      %get3A_1635 = vector.shape_cast %get3A_1634 : vector<1x1x16xf32> to vector<16xf32>
      %sub3A_1636 = arith.subf %get3A_1600, %get3A_1579 : vector<16xf32>
      %sub3A_1637 = arith.subf %get3A_1607, %get3A_1586 : vector<16xf32>
      %sub3A_1638 = arith.subf %get3A_1614, %get3A_1593 : vector<16xf32>
      %sub3A_1639 = arith.subf %get3A_1621, %get3A_1579 : vector<16xf32>
      %sub3A_1640 = arith.subf %get3A_1628, %get3A_1586 : vector<16xf32>
      %sub3A_1641 = arith.subf %get3A_1635, %get3A_1593 : vector<16xf32>
      %mul3A_1642 = arith.mulf %sub3A_1637, %sub3A_1641 : vector<16xf32>
      %mul3A_1643 = arith.mulf %sub3A_1638, %sub3A_1640 : vector<16xf32>
      %sub3A_1644 = arith.subf %mul3A_1642, %mul3A_1643 : vector<16xf32>
      %swap3A_1645 = arith.constant 0 : i32
      %swap3A_1646 = arith.constant 0 : i32
      %swap3A_1647 = arith.index_cast %swap3A_1645 : i32 to index
      %swap3A_1648 = arith.index_cast %swap3A_1646 : i32 to index
      %swap3A_1649 = arith.constant 112 : index
      %swap3A_1650 = tpu.vector_load %arg14[%swap3A_1647, %swap3A_1648, %swap3A_1649] {strides = array<i32>} : memref<2x3x128xf32, #tpu.memory_space<vmem>>, vector<1x1x16xf32>,
      %swap3A_1651 = vector.shape_cast %swap3A_1650 : vector<1x1x16xf32> to vector<16xf32>
      %swap3A_1652 = vector.shape_cast %sub3A_1644 : vector<16xf32> to vector<1x1x16xf32>
      tpu.vector_store %arg14[%swap3A_1647, %swap3A_1648, %swap3A_1649], %swap3A_1652 {strides = array<i32>} : memref<2x3x128xf32, #tpu.memory_space<vmem>>, vector<1x1x16xf32>,
      %mul3A_1653 = arith.mulf %sub3A_1638, %sub3A_1639 : vector<16xf32>
      %mul3A_1654 = arith.mulf %sub3A_1636, %sub3A_1641 : vector<16xf32>
      %sub3A_1655 = arith.subf %mul3A_1653, %mul3A_1654 : vector<16xf32>
      %swap3A_1656 = arith.constant 0 : i32
      %swap3A_1657 = arith.constant 1 : i32
      %swap3A_1658 = arith.index_cast %swap3A_1656 : i32 to index
      %swap3A_1659 = arith.index_cast %swap3A_1657 : i32 to index
      %swap3A_1660 = arith.constant 112 : index
      %swap3A_1661 = tpu.vector_load %arg14[%swap3A_1658, %swap3A_1659, %swap3A_1660] {strides = array<i32>} : memref<2x3x128xf32, #tpu.memory_space<vmem>>, vector<1x1x16xf32>,
      %swap3A_1662 = vector.shape_cast %swap3A_1661 : vector<1x1x16xf32> to vector<16xf32>
      %swap3A_1663 = vector.shape_cast %sub3A_1655 : vector<16xf32> to vector<1x1x16xf32>
      tpu.vector_store %arg14[%swap3A_1658, %swap3A_1659, %swap3A_1660], %swap3A_1663 {strides = array<i32>} : memref<2x3x128xf32, #tpu.memory_space<vmem>>, vector<1x1x16xf32>,
      %mul3A_1664 = arith.mulf %sub3A_1636, %sub3A_1640 : vector<16xf32>
      %mul3A_1665 = arith.mulf %sub3A_1637, %sub3A_1639 : vector<16xf32>
      %sub3A_1666 = arith.subf %mul3A_1664, %mul3A_1665 : vector<16xf32>
      %swap3A_1667 = arith.constant 0 : i32
      %swap3A_1668 = arith.constant 2 : i32
      %swap3A_1669 = arith.index_cast %swap3A_1667 : i32 to index
      %swap3A_1670 = arith.index_cast %swap3A_1668 : i32 to index
      %swap3A_1671 = arith.constant 112 : index
      %swap3A_1672 = tpu.vector_load %arg14[%swap3A_1669, %swap3A_1670, %swap3A_1671] {strides = array<i32>} : memref<2x3x128xf32, #tpu.memory_space<vmem>>, vector<1x1x16xf32>,
      %swap3A_1673 = vector.shape_cast %swap3A_1672 : vector<1x1x16xf32> to vector<16xf32>
      %swap3A_1674 = vector.shape_cast %sub3A_1666 : vector<16xf32> to vector<1x1x16xf32>
      tpu.vector_store %arg14[%swap3A_1669, %swap3A_1670, %swap3A_1671], %swap3A_1674 {strides = array<i32>} : memref<2x3x128xf32, #tpu.memory_space<vmem>>, vector<1x1x16xf32>,
      %dma_start3A_1675 = arith.constant 0 : i32
      %dma_start3A_1676 = arith.constant 0 : i32
      %dma_start3A_1677 = arith.constant 0 : i32
      %dma_start3A_1678 = arith.constant 0 : i32
      %dma_start3A_1679 = arith.constant 0 : i32
      %dma_start3A_1680 = arith.constant 0 : i32
      %dma_start3A_1681 = tpu.memref_slice %arg14[%dma_start3A_1675, %dma_start3A_1676, %dma_start3A_1680] : memref<2x3x128xf32, #tpu.memory_space<vmem>> -> memref<1x1x128xf32, #tpu.memory_space<vmem>>
      %dma_start3A_1682 = tpu.memref_squeeze %dma_start3A_1681 : memref<1x1x128xf32, #tpu.memory_space<vmem>> -> memref<128xf32, #tpu.memory_space<vmem>>
      %dma_start3A_1683 = arith.constant 0 : i32
      %dma_start3A_1684 = tpu.memref_slice %arg12[%dma_start3A_1677, %add3A_716, %dma_start3A_1678, %dma_start3A_1683] : memref<3x50x1x128xi32, #tpu.memory_space<vmem>> -> memref<1x1x1x128xi32, #tpu.memory_space<vmem>>
      %dma_start3A_1685 = tpu.memref_squeeze %dma_start3A_1684 : memref<1x1x1x128xi32, #tpu.memory_space<vmem>> -> memref<128xi32, #tpu.memory_space<vmem>>
      %dma_start3A_1686 = arith.constant 0 : i32
      %dma_start3A_1687 = tpu.memref_slice %arg9[%dma_start3A_1686] : memref<100352xf32, #tpu.memory_space<vmem_shared>> -> memref<100352xf32, #tpu.memory_space<vmem_shared>>
      %dma_start3A_1688 = tpu.memref_slice %arg16[%dma_start3A_1679] : memref<2x!tpu.dma_semaphore, #tpu.memory_space<semaphore_mem>> -> memref<1x!tpu.dma_semaphore, #tpu.memory_space<semaphore_mem>>
      %dma_start3A_1689 = tpu.memref_squeeze %dma_start3A_1688 : memref<1x!tpu.dma_semaphore, #tpu.memory_space<semaphore_mem>> -> memref<!tpu.dma_semaphore, #tpu.memory_space<semaphore_mem>>
      tpu.enqueue_indirect_dma source(%dma_start3A_1682 : memref<128xf32, #tpu.memory_space<vmem>>) target(%dma_start3A_1687 : memref<100352xf32, #tpu.memory_space<vmem_shared>>) offsets(%dma_start3A_1685 : memref<128xi32, #tpu.memory_space<vmem>>) semaphore(%dma_start3A_1689 : memref<!tpu.dma_semaphore, #tpu.memory_space<semaphore_mem>>) {add = true}
      %dma_start3A_1690 = arith.constant 0 : i32
      %dma_start3A_1691 = arith.constant 1 : i32
      %dma_start3A_1692 = arith.constant 0 : i32
      %dma_start3A_1693 = arith.constant 0 : i32
      %dma_start3A_1694 = arith.constant 0 : i32
      %dma_start3A_1695 = arith.constant 0 : i32
      %dma_start3A_1696 = tpu.memref_slice %arg14[%dma_start3A_1690, %dma_start3A_1691, %dma_start3A_1695] : memref<2x3x128xf32, #tpu.memory_space<vmem>> -> memref<1x1x128xf32, #tpu.memory_space<vmem>>
      %dma_start3A_1697 = tpu.memref_squeeze %dma_start3A_1696 : memref<1x1x128xf32, #tpu.memory_space<vmem>> -> memref<128xf32, #tpu.memory_space<vmem>>
      %dma_start3A_1698 = arith.constant 0 : i32
      %dma_start3A_1699 = tpu.memref_slice %arg12[%dma_start3A_1692, %add3A_716, %dma_start3A_1693, %dma_start3A_1698] : memref<3x50x1x128xi32, #tpu.memory_space<vmem>> -> memref<1x1x1x128xi32, #tpu.memory_space<vmem>>
      %dma_start3A_1700 = tpu.memref_squeeze %dma_start3A_1699 : memref<1x1x1x128xi32, #tpu.memory_space<vmem>> -> memref<128xi32, #tpu.memory_space<vmem>>
      %dma_start3A_1701 = arith.constant 0 : i32
      %dma_start3A_1702 = tpu.memref_slice %arg10[%dma_start3A_1701] : memref<100352xf32, #tpu.memory_space<vmem_shared>> -> memref<100352xf32, #tpu.memory_space<vmem_shared>>
      %dma_start3A_1703 = tpu.memref_slice %arg16[%dma_start3A_1694] : memref<2x!tpu.dma_semaphore, #tpu.memory_space<semaphore_mem>> -> memref<1x!tpu.dma_semaphore, #tpu.memory_space<semaphore_mem>>
      %dma_start3A_1704 = tpu.memref_squeeze %dma_start3A_1703 : memref<1x!tpu.dma_semaphore, #tpu.memory_space<semaphore_mem>> -> memref<!tpu.dma_semaphore, #tpu.memory_space<semaphore_mem>>
      tpu.enqueue_indirect_dma source(%dma_start3A_1697 : memref<128xf32, #tpu.memory_space<vmem>>) target(%dma_start3A_1702 : memref<100352xf32, #tpu.memory_space<vmem_shared>>) offsets(%dma_start3A_1700 : memref<128xi32, #tpu.memory_space<vmem>>) semaphore(%dma_start3A_1704 : memref<!tpu.dma_semaphore, #tpu.memory_space<semaphore_mem>>) {add = true}
      %dma_start3A_1705 = arith.constant 0 : i32
      %dma_start3A_1706 = arith.constant 2 : i32
      %dma_start3A_1707 = arith.constant 0 : i32
      %dma_start3A_1708 = arith.constant 0 : i32
      %dma_start3A_1709 = arith.constant 0 : i32
      %dma_start3A_1710 = arith.constant 0 : i32
      %dma_start3A_1711 = tpu.memref_slice %arg14[%dma_start3A_1705, %dma_start3A_1706, %dma_start3A_1710] : memref<2x3x128xf32, #tpu.memory_space<vmem>> -> memref<1x1x128xf32, #tpu.memory_space<vmem>>
      %dma_start3A_1712 = tpu.memref_squeeze %dma_start3A_1711 : memref<1x1x128xf32, #tpu.memory_space<vmem>> -> memref<128xf32, #tpu.memory_space<vmem>>
      %dma_start3A_1713 = arith.constant 0 : i32
      %dma_start3A_1714 = tpu.memref_slice %arg12[%dma_start3A_1707, %add3A_716, %dma_start3A_1708, %dma_start3A_1713] : memref<3x50x1x128xi32, #tpu.memory_space<vmem>> -> memref<1x1x1x128xi32, #tpu.memory_space<vmem>>
      %dma_start3A_1715 = tpu.memref_squeeze %dma_start3A_1714 : memref<1x1x1x128xi32, #tpu.memory_space<vmem>> -> memref<128xi32, #tpu.memory_space<vmem>>
      %dma_start3A_1716 = arith.constant 0 : i32
      %dma_start3A_1717 = tpu.memref_slice %arg11[%dma_start3A_1716] : memref<100352xf32, #tpu.memory_space<vmem_shared>> -> memref<100352xf32, #tpu.memory_space<vmem_shared>>
      %dma_start3A_1718 = tpu.memref_slice %arg16[%dma_start3A_1709] : memref<2x!tpu.dma_semaphore, #tpu.memory_space<semaphore_mem>> -> memref<1x!tpu.dma_semaphore, #tpu.memory_space<semaphore_mem>>
      %dma_start3A_1719 = tpu.memref_squeeze %dma_start3A_1718 : memref<1x!tpu.dma_semaphore, #tpu.memory_space<semaphore_mem>> -> memref<!tpu.dma_semaphore, #tpu.memory_space<semaphore_mem>>
      tpu.enqueue_indirect_dma source(%dma_start3A_1712 : memref<128xf32, #tpu.memory_space<vmem>>) target(%dma_start3A_1717 : memref<100352xf32, #tpu.memory_space<vmem_shared>>) offsets(%dma_start3A_1715 : memref<128xi32, #tpu.memory_space<vmem>>) semaphore(%dma_start3A_1719 : memref<!tpu.dma_semaphore, #tpu.memory_space<semaphore_mem>>) {add = true}
      %dma_start3A_1720 = arith.constant 0 : i32
      %dma_start3A_1721 = arith.constant 0 : i32
      %dma_start3A_1722 = arith.constant 1 : i32
      %dma_start3A_1723 = arith.constant 0 : i32
      %dma_start3A_1724 = arith.constant 0 : i32
      %dma_start3A_1725 = arith.constant 0 : i32
      %dma_start3A_1726 = tpu.memref_slice %arg14[%dma_start3A_1720, %dma_start3A_1721, %dma_start3A_1725] : memref<2x3x128xf32, #tpu.memory_space<vmem>> -> memref<1x1x128xf32, #tpu.memory_space<vmem>>
      %dma_start3A_1727 = tpu.memref_squeeze %dma_start3A_1726 : memref<1x1x128xf32, #tpu.memory_space<vmem>> -> memref<128xf32, #tpu.memory_space<vmem>>
      %dma_start3A_1728 = arith.constant 0 : i32
      %dma_start3A_1729 = tpu.memref_slice %arg12[%dma_start3A_1722, %add3A_716, %dma_start3A_1723, %dma_start3A_1728] : memref<3x50x1x128xi32, #tpu.memory_space<vmem>> -> memref<1x1x1x128xi32, #tpu.memory_space<vmem>>
      %dma_start3A_1730 = tpu.memref_squeeze %dma_start3A_1729 : memref<1x1x1x128xi32, #tpu.memory_space<vmem>> -> memref<128xi32, #tpu.memory_space<vmem>>
      %dma_start3A_1731 = arith.constant 0 : i32
      %dma_start3A_1732 = tpu.memref_slice %arg9[%dma_start3A_1731] : memref<100352xf32, #tpu.memory_space<vmem_shared>> -> memref<100352xf32, #tpu.memory_space<vmem_shared>>
      %dma_start3A_1733 = tpu.memref_slice %arg16[%dma_start3A_1724] : memref<2x!tpu.dma_semaphore, #tpu.memory_space<semaphore_mem>> -> memref<1x!tpu.dma_semaphore, #tpu.memory_space<semaphore_mem>>
      %dma_start3A_1734 = tpu.memref_squeeze %dma_start3A_1733 : memref<1x!tpu.dma_semaphore, #tpu.memory_space<semaphore_mem>> -> memref<!tpu.dma_semaphore, #tpu.memory_space<semaphore_mem>>
      tpu.enqueue_indirect_dma source(%dma_start3A_1727 : memref<128xf32, #tpu.memory_space<vmem>>) target(%dma_start3A_1732 : memref<100352xf32, #tpu.memory_space<vmem_shared>>) offsets(%dma_start3A_1730 : memref<128xi32, #tpu.memory_space<vmem>>) semaphore(%dma_start3A_1734 : memref<!tpu.dma_semaphore, #tpu.memory_space<semaphore_mem>>) {add = true}
      %dma_start3A_1735 = arith.constant 0 : i32
      %dma_start3A_1736 = arith.constant 1 : i32
      %dma_start3A_1737 = arith.constant 1 : i32
      %dma_start3A_1738 = arith.constant 0 : i32
      %dma_start3A_1739 = arith.constant 0 : i32
      %dma_start3A_1740 = arith.constant 0 : i32
      %dma_start3A_1741 = tpu.memref_slice %arg14[%dma_start3A_1735, %dma_start3A_1736, %dma_start3A_1740] : memref<2x3x128xf32, #tpu.memory_space<vmem>> -> memref<1x1x128xf32, #tpu.memory_space<vmem>>
      %dma_start3A_1742 = tpu.memref_squeeze %dma_start3A_1741 : memref<1x1x128xf32, #tpu.memory_space<vmem>> -> memref<128xf32, #tpu.memory_space<vmem>>
      %dma_start3A_1743 = arith.constant 0 : i32
      %dma_start3A_1744 = tpu.memref_slice %arg12[%dma_start3A_1737, %add3A_716, %dma_start3A_1738, %dma_start3A_1743] : memref<3x50x1x128xi32, #tpu.memory_space<vmem>> -> memref<1x1x1x128xi32, #tpu.memory_space<vmem>>
      %dma_start3A_1745 = tpu.memref_squeeze %dma_start3A_1744 : memref<1x1x1x128xi32, #tpu.memory_space<vmem>> -> memref<128xi32, #tpu.memory_space<vmem>>
      %dma_start3A_1746 = arith.constant 0 : i32
      %dma_start3A_1747 = tpu.memref_slice %arg10[%dma_start3A_1746] : memref<100352xf32, #tpu.memory_space<vmem_shared>> -> memref<100352xf32, #tpu.memory_space<vmem_shared>>
      %dma_start3A_1748 = tpu.memref_slice %arg16[%dma_start3A_1739] : memref<2x!tpu.dma_semaphore, #tpu.memory_space<semaphore_mem>> -> memref<1x!tpu.dma_semaphore, #tpu.memory_space<semaphore_mem>>
      %dma_start3A_1749 = tpu.memref_squeeze %dma_start3A_1748 : memref<1x!tpu.dma_semaphore, #tpu.memory_space<semaphore_mem>> -> memref<!tpu.dma_semaphore, #tpu.memory_space<semaphore_mem>>
      tpu.enqueue_indirect_dma source(%dma_start3A_1742 : memref<128xf32, #tpu.memory_space<vmem>>) target(%dma_start3A_1747 : memref<100352xf32, #tpu.memory_space<vmem_shared>>) offsets(%dma_start3A_1745 : memref<128xi32, #tpu.memory_space<vmem>>) semaphore(%dma_start3A_1749 : memref<!tpu.dma_semaphore, #tpu.memory_space<semaphore_mem>>) {add = true}
      %dma_start3A_1750 = arith.constant 0 : i32
      %dma_start3A_1751 = arith.constant 2 : i32
      %dma_start3A_1752 = arith.constant 1 : i32
      %dma_start3A_1753 = arith.constant 0 : i32
      %dma_start3A_1754 = arith.constant 0 : i32
      %dma_start3A_1755 = arith.constant 0 : i32
      %dma_start3A_1756 = tpu.memref_slice %arg14[%dma_start3A_1750, %dma_start3A_1751, %dma_start3A_1755] : memref<2x3x128xf32, #tpu.memory_space<vmem>> -> memref<1x1x128xf32, #tpu.memory_space<vmem>>
      %dma_start3A_1757 = tpu.memref_squeeze %dma_start3A_1756 : memref<1x1x128xf32, #tpu.memory_space<vmem>> -> memref<128xf32, #tpu.memory_space<vmem>>
      %dma_start3A_1758 = arith.constant 0 : i32
      %dma_start3A_1759 = tpu.memref_slice %arg12[%dma_start3A_1752, %add3A_716, %dma_start3A_1753, %dma_start3A_1758] : memref<3x50x1x128xi32, #tpu.memory_space<vmem>> -> memref<1x1x1x128xi32, #tpu.memory_space<vmem>>
      %dma_start3A_1760 = tpu.memref_squeeze %dma_start3A_1759 : memref<1x1x1x128xi32, #tpu.memory_space<vmem>> -> memref<128xi32, #tpu.memory_space<vmem>>
      %dma_start3A_1761 = arith.constant 0 : i32
      %dma_start3A_1762 = tpu.memref_slice %arg11[%dma_start3A_1761] : memref<100352xf32, #tpu.memory_space<vmem_shared>> -> memref<100352xf32, #tpu.memory_space<vmem_shared>>
      %dma_start3A_1763 = tpu.memref_slice %arg16[%dma_start3A_1754] : memref<2x!tpu.dma_semaphore, #tpu.memory_space<semaphore_mem>> -> memref<1x!tpu.dma_semaphore, #tpu.memory_space<semaphore_mem>>
      %dma_start3A_1764 = tpu.memref_squeeze %dma_start3A_1763 : memref<1x!tpu.dma_semaphore, #tpu.memory_space<semaphore_mem>> -> memref<!tpu.dma_semaphore, #tpu.memory_space<semaphore_mem>>
      tpu.enqueue_indirect_dma source(%dma_start3A_1757 : memref<128xf32, #tpu.memory_space<vmem>>) target(%dma_start3A_1762 : memref<100352xf32, #tpu.memory_space<vmem_shared>>) offsets(%dma_start3A_1760 : memref<128xi32, #tpu.memory_space<vmem>>) semaphore(%dma_start3A_1764 : memref<!tpu.dma_semaphore, #tpu.memory_space<semaphore_mem>>) {add = true}
      %dma_start3A_1765 = arith.constant 0 : i32
      %dma_start3A_1766 = arith.constant 0 : i32
      %dma_start3A_1767 = arith.constant 2 : i32
      %dma_start3A_1768 = arith.constant 0 : i32
      %dma_start3A_1769 = arith.constant 0 : i32
      %dma_start3A_1770 = arith.constant 0 : i32
      %dma_start3A_1771 = tpu.memref_slice %arg14[%dma_start3A_1765, %dma_start3A_1766, %dma_start3A_1770] : memref<2x3x128xf32, #tpu.memory_space<vmem>> -> memref<1x1x128xf32, #tpu.memory_space<vmem>>
      %dma_start3A_1772 = tpu.memref_squeeze %dma_start3A_1771 : memref<1x1x128xf32, #tpu.memory_space<vmem>> -> memref<128xf32, #tpu.memory_space<vmem>>
      %dma_start3A_1773 = arith.constant 0 : i32
      %dma_start3A_1774 = tpu.memref_slice %arg12[%dma_start3A_1767, %add3A_716, %dma_start3A_1768, %dma_start3A_1773] : memref<3x50x1x128xi32, #tpu.memory_space<vmem>> -> memref<1x1x1x128xi32, #tpu.memory_space<vmem>>
      %dma_start3A_1775 = tpu.memref_squeeze %dma_start3A_1774 : memref<1x1x1x128xi32, #tpu.memory_space<vmem>> -> memref<128xi32, #tpu.memory_space<vmem>>
      %dma_start3A_1776 = arith.constant 0 : i32
      %dma_start3A_1777 = tpu.memref_slice %arg9[%dma_start3A_1776] : memref<100352xf32, #tpu.memory_space<vmem_shared>> -> memref<100352xf32, #tpu.memory_space<vmem_shared>>
      %dma_start3A_1778 = tpu.memref_slice %arg16[%dma_start3A_1769] : memref<2x!tpu.dma_semaphore, #tpu.memory_space<semaphore_mem>> -> memref<1x!tpu.dma_semaphore, #tpu.memory_space<semaphore_mem>>
      %dma_start3A_1779 = tpu.memref_squeeze %dma_start3A_1778 : memref<1x!tpu.dma_semaphore, #tpu.memory_space<semaphore_mem>> -> memref<!tpu.dma_semaphore, #tpu.memory_space<semaphore_mem>>
      tpu.enqueue_indirect_dma source(%dma_start3A_1772 : memref<128xf32, #tpu.memory_space<vmem>>) target(%dma_start3A_1777 : memref<100352xf32, #tpu.memory_space<vmem_shared>>) offsets(%dma_start3A_1775 : memref<128xi32, #tpu.memory_space<vmem>>) semaphore(%dma_start3A_1779 : memref<!tpu.dma_semaphore, #tpu.memory_space<semaphore_mem>>) {add = true}
      %dma_start3A_1780 = arith.constant 0 : i32
      %dma_start3A_1781 = arith.constant 1 : i32
      %dma_start3A_1782 = arith.constant 2 : i32
      %dma_start3A_1783 = arith.constant 0 : i32
      %dma_start3A_1784 = arith.constant 0 : i32
      %dma_start3A_1785 = arith.constant 0 : i32
      %dma_start3A_1786 = tpu.memref_slice %arg14[%dma_start3A_1780, %dma_start3A_1781, %dma_start3A_1785] : memref<2x3x128xf32, #tpu.memory_space<vmem>> -> memref<1x1x128xf32, #tpu.memory_space<vmem>>
      %dma_start3A_1787 = tpu.memref_squeeze %dma_start3A_1786 : memref<1x1x128xf32, #tpu.memory_space<vmem>> -> memref<128xf32, #tpu.memory_space<vmem>>
      %dma_start3A_1788 = arith.constant 0 : i32
      %dma_start3A_1789 = tpu.memref_slice %arg12[%dma_start3A_1782, %add3A_716, %dma_start3A_1783, %dma_start3A_1788] : memref<3x50x1x128xi32, #tpu.memory_space<vmem>> -> memref<1x1x1x128xi32, #tpu.memory_space<vmem>>
      %dma_start3A_1790 = tpu.memref_squeeze %dma_start3A_1789 : memref<1x1x1x128xi32, #tpu.memory_space<vmem>> -> memref<128xi32, #tpu.memory_space<vmem>>
      %dma_start3A_1791 = arith.constant 0 : i32
      %dma_start3A_1792 = tpu.memref_slice %arg10[%dma_start3A_1791] : memref<100352xf32, #tpu.memory_space<vmem_shared>> -> memref<100352xf32, #tpu.memory_space<vmem_shared>>
      %dma_start3A_1793 = tpu.memref_slice %arg16[%dma_start3A_1784] : memref<2x!tpu.dma_semaphore, #tpu.memory_space<semaphore_mem>> -> memref<1x!tpu.dma_semaphore, #tpu.memory_space<semaphore_mem>>
      %dma_start3A_1794 = tpu.memref_squeeze %dma_start3A_1793 : memref<1x!tpu.dma_semaphore, #tpu.memory_space<semaphore_mem>> -> memref<!tpu.dma_semaphore, #tpu.memory_space<semaphore_mem>>
      tpu.enqueue_indirect_dma source(%dma_start3A_1787 : memref<128xf32, #tpu.memory_space<vmem>>) target(%dma_start3A_1792 : memref<100352xf32, #tpu.memory_space<vmem_shared>>) offsets(%dma_start3A_1790 : memref<128xi32, #tpu.memory_space<vmem>>) semaphore(%dma_start3A_1794 : memref<!tpu.dma_semaphore, #tpu.memory_space<semaphore_mem>>) {add = true}
      %dma_start3A_1795 = arith.constant 0 : i32
      %dma_start3A_1796 = arith.constant 2 : i32
      %dma_start3A_1797 = arith.constant 2 : i32
      %dma_start3A_1798 = arith.constant 0 : i32
      %dma_start3A_1799 = arith.constant 0 : i32
      %dma_start3A_1800 = arith.constant 0 : i32
      %dma_start3A_1801 = tpu.memref_slice %arg14[%dma_start3A_1795, %dma_start3A_1796, %dma_start3A_1800] : memref<2x3x128xf32, #tpu.memory_space<vmem>> -> memref<1x1x128xf32, #tpu.memory_space<vmem>>
      %dma_start3A_1802 = tpu.memref_squeeze %dma_start3A_1801 : memref<1x1x128xf32, #tpu.memory_space<vmem>> -> memref<128xf32, #tpu.memory_space<vmem>>
      %dma_start3A_1803 = arith.constant 0 : i32
      %dma_start3A_1804 = tpu.memref_slice %arg12[%dma_start3A_1797, %add3A_716, %dma_start3A_1798, %dma_start3A_1803] : memref<3x50x1x128xi32, #tpu.memory_space<vmem>> -> memref<1x1x1x128xi32, #tpu.memory_space<vmem>>
      %dma_start3A_1805 = tpu.memref_squeeze %dma_start3A_1804 : memref<1x1x1x128xi32, #tpu.memory_space<vmem>> -> memref<128xi32, #tpu.memory_space<vmem>>
      %dma_start3A_1806 = arith.constant 0 : i32
      %dma_start3A_1807 = tpu.memref_slice %arg11[%dma_start3A_1806] : memref<100352xf32, #tpu.memory_space<vmem_shared>> -> memref<100352xf32, #tpu.memory_space<vmem_shared>>
      %dma_start3A_1808 = tpu.memref_slice %arg16[%dma_start3A_1799] : memref<2x!tpu.dma_semaphore, #tpu.memory_space<semaphore_mem>> -> memref<1x!tpu.dma_semaphore, #tpu.memory_space<semaphore_mem>>
      %dma_start3A_1809 = tpu.memref_squeeze %dma_start3A_1808 : memref<1x!tpu.dma_semaphore, #tpu.memory_space<semaphore_mem>> -> memref<!tpu.dma_semaphore, #tpu.memory_space<semaphore_mem>>
      tpu.enqueue_indirect_dma source(%dma_start3A_1802 : memref<128xf32, #tpu.memory_space<vmem>>) target(%dma_start3A_1807 : memref<100352xf32, #tpu.memory_space<vmem_shared>>) offsets(%dma_start3A_1805 : memref<128xi32, #tpu.memory_space<vmem>>) semaphore(%dma_start3A_1809 : memref<!tpu.dma_semaphore, #tpu.memory_space<semaphore_mem>>) {add = true}
      %mul3A_1810 = arith.constant 2 : i32
      %mul3A_1811 = arith.muli %mul3A_1810, %add3A_712 : i32
      %add3A_1812 = arith.constant 1 : i32
      %add3A_1813 = arith.addi %mul3A_1811, %add3A_1812 : i32
      %add3A_1814 = arith.constant 2 : i32
      %add3A_1815 = arith.addi %add3A_1813, %add3A_1814 : i32
      %sub3A_1816 = arith.constant 1 : i32
      %sub3A_1817 = arith.subi %add3A_1815, %sub3A_1816 : i32
      %lt3A_1818 = arith.constant 50 : i32
      %lt3A_1819 = arith.cmpi slt, %sub3A_1817, %lt3A_1818 : i32
      %convert_element_type3A_1820 = arith.extui %lt3A_1819 : i1 to i32
      %cond3A_1821 = arith.constant 0 : i32
      %cond3A_1822 = arith.cmpi ne, %convert_element_type3A_1820, %cond3A_1821 : i32
      scf.if %cond3A_1822 {
        %add3A_2914 = arith.constant 2 : i32
        %add3A_2915 = arith.addi %add3A_1813, %add3A_2914 : i32
        %sub3A_2916 = arith.constant 1 : i32
        %sub3A_2917 = arith.subi %add3A_2915, %sub3A_2916 : i32
        %dma_start3A_2918 = arith.constant 0 : i32
        %dma_start3A_2919 = arith.constant 0 : i32
        %dma_start3A_2920 = arith.constant 0 : i32
        %dma_start3A_2921 = arith.constant 0 : i32
        %dma_start3A_2922 = arith.constant 0 : i32
        %dma_start3A_2923 = arith.constant 0 : i32
        %dma_start3A_2924 = tpu.memref_slice %arg13[%dma_start3A_2920, %dma_start3A_2921, %dma_start3A_2923] : memref<2x9x128xf32, #tpu.memory_space<vmem>> -> memref<1x1x128xf32, #tpu.memory_space<vmem>>
        %dma_start3A_2925 = tpu.memref_squeeze %dma_start3A_2924 : memref<1x1x128xf32, #tpu.memory_space<vmem>> -> memref<128xf32, #tpu.memory_space<vmem>>
        %dma_start3A_2926 = arith.constant 0 : i32
        %dma_start3A_2927 = tpu.memref_slice %arg12[%dma_start3A_2918, %sub3A_2917, %dma_start3A_2919, %dma_start3A_2926] : memref<3x50x1x128xi32, #tpu.memory_space<vmem>> -> memref<1x1x1x128xi32, #tpu.memory_space<vmem>>
        %dma_start3A_2928 = tpu.memref_squeeze %dma_start3A_2927 : memref<1x1x1x128xi32, #tpu.memory_space<vmem>> -> memref<128xi32, #tpu.memory_space<vmem>>
        %dma_start3A_2929 = arith.constant 0 : i32
        %dma_start3A_2930 = tpu.memref_slice %arg6[%dma_start3A_2929] : memref<100352xf32, #tpu.memory_space<vmem_shared>> -> memref<100352xf32, #tpu.memory_space<vmem_shared>>
        %dma_start3A_2931 = tpu.memref_slice %arg15[%dma_start3A_2922] : memref<2x!tpu.dma_semaphore, #tpu.memory_space<semaphore_mem>> -> memref<1x!tpu.dma_semaphore, #tpu.memory_space<semaphore_mem>>
        %dma_start3A_2932 = tpu.memref_squeeze %dma_start3A_2931 : memref<1x!tpu.dma_semaphore, #tpu.memory_space<semaphore_mem>> -> memref<!tpu.dma_semaphore, #tpu.memory_space<semaphore_mem>>
        tpu.enqueue_indirect_dma source(%dma_start3A_2930 : memref<100352xf32, #tpu.memory_space<vmem_shared>>) target(%dma_start3A_2925 : memref<128xf32, #tpu.memory_space<vmem>>) offsets(%dma_start3A_2928 : memref<128xi32, #tpu.memory_space<vmem>>) semaphore(%dma_start3A_2932 : memref<!tpu.dma_semaphore, #tpu.memory_space<semaphore_mem>>)
        %dma_start3A_2933 = arith.constant 0 : i32
        %dma_start3A_2934 = arith.constant 0 : i32
        %dma_start3A_2935 = arith.constant 0 : i32
        %dma_start3A_2936 = arith.constant 1 : i32
        %dma_start3A_2937 = arith.constant 0 : i32
        %dma_start3A_2938 = arith.constant 0 : i32
        %dma_start3A_2939 = tpu.memref_slice %arg13[%dma_start3A_2935, %dma_start3A_2936, %dma_start3A_2938] : memref<2x9x128xf32, #tpu.memory_space<vmem>> -> memref<1x1x128xf32, #tpu.memory_space<vmem>>
        %dma_start3A_2940 = tpu.memref_squeeze %dma_start3A_2939 : memref<1x1x128xf32, #tpu.memory_space<vmem>> -> memref<128xf32, #tpu.memory_space<vmem>>
        %dma_start3A_2941 = arith.constant 0 : i32
        %dma_start3A_2942 = tpu.memref_slice %arg12[%dma_start3A_2933, %sub3A_2917, %dma_start3A_2934, %dma_start3A_2941] : memref<3x50x1x128xi32, #tpu.memory_space<vmem>> -> memref<1x1x1x128xi32, #tpu.memory_space<vmem>>
        %dma_start3A_2943 = tpu.memref_squeeze %dma_start3A_2942 : memref<1x1x1x128xi32, #tpu.memory_space<vmem>> -> memref<128xi32, #tpu.memory_space<vmem>>
        %dma_start3A_2944 = arith.constant 0 : i32
        %dma_start3A_2945 = tpu.memref_slice %arg7[%dma_start3A_2944] : memref<100352xf32, #tpu.memory_space<vmem_shared>> -> memref<100352xf32, #tpu.memory_space<vmem_shared>>
        %dma_start3A_2946 = tpu.memref_slice %arg15[%dma_start3A_2937] : memref<2x!tpu.dma_semaphore, #tpu.memory_space<semaphore_mem>> -> memref<1x!tpu.dma_semaphore, #tpu.memory_space<semaphore_mem>>
        %dma_start3A_2947 = tpu.memref_squeeze %dma_start3A_2946 : memref<1x!tpu.dma_semaphore, #tpu.memory_space<semaphore_mem>> -> memref<!tpu.dma_semaphore, #tpu.memory_space<semaphore_mem>>
        tpu.enqueue_indirect_dma source(%dma_start3A_2945 : memref<100352xf32, #tpu.memory_space<vmem_shared>>) target(%dma_start3A_2940 : memref<128xf32, #tpu.memory_space<vmem>>) offsets(%dma_start3A_2943 : memref<128xi32, #tpu.memory_space<vmem>>) semaphore(%dma_start3A_2947 : memref<!tpu.dma_semaphore, #tpu.memory_space<semaphore_mem>>)
        %dma_start3A_2948 = arith.constant 0 : i32
        %dma_start3A_2949 = arith.constant 0 : i32
        %dma_start3A_2950 = arith.constant 0 : i32
        %dma_start3A_2951 = arith.constant 2 : i32
        %dma_start3A_2952 = arith.constant 0 : i32
        %dma_start3A_2953 = arith.constant 0 : i32
        %dma_start3A_2954 = tpu.memref_slice %arg13[%dma_start3A_2950, %dma_start3A_2951, %dma_start3A_2953] : memref<2x9x128xf32, #tpu.memory_space<vmem>> -> memref<1x1x128xf32, #tpu.memory_space<vmem>>
        %dma_start3A_2955 = tpu.memref_squeeze %dma_start3A_2954 : memref<1x1x128xf32, #tpu.memory_space<vmem>> -> memref<128xf32, #tpu.memory_space<vmem>>
        %dma_start3A_2956 = arith.constant 0 : i32
        %dma_start3A_2957 = tpu.memref_slice %arg12[%dma_start3A_2948, %sub3A_2917, %dma_start3A_2949, %dma_start3A_2956] : memref<3x50x1x128xi32, #tpu.memory_space<vmem>> -> memref<1x1x1x128xi32, #tpu.memory_space<vmem>>
        %dma_start3A_2958 = tpu.memref_squeeze %dma_start3A_2957 : memref<1x1x1x128xi32, #tpu.memory_space<vmem>> -> memref<128xi32, #tpu.memory_space<vmem>>
        %dma_start3A_2959 = arith.constant 0 : i32
        %dma_start3A_2960 = tpu.memref_slice %arg8[%dma_start3A_2959] : memref<100352xf32, #tpu.memory_space<vmem_shared>> -> memref<100352xf32, #tpu.memory_space<vmem_shared>>
        %dma_start3A_2961 = tpu.memref_slice %arg15[%dma_start3A_2952] : memref<2x!tpu.dma_semaphore, #tpu.memory_space<semaphore_mem>> -> memref<1x!tpu.dma_semaphore, #tpu.memory_space<semaphore_mem>>
        %dma_start3A_2962 = tpu.memref_squeeze %dma_start3A_2961 : memref<1x!tpu.dma_semaphore, #tpu.memory_space<semaphore_mem>> -> memref<!tpu.dma_semaphore, #tpu.memory_space<semaphore_mem>>
        tpu.enqueue_indirect_dma source(%dma_start3A_2960 : memref<100352xf32, #tpu.memory_space<vmem_shared>>) target(%dma_start3A_2955 : memref<128xf32, #tpu.memory_space<vmem>>) offsets(%dma_start3A_2958 : memref<128xi32, #tpu.memory_space<vmem>>) semaphore(%dma_start3A_2962 : memref<!tpu.dma_semaphore, #tpu.memory_space<semaphore_mem>>)
        %dma_start3A_2963 = arith.constant 1 : i32
        %dma_start3A_2964 = arith.constant 0 : i32
        %dma_start3A_2965 = arith.constant 0 : i32
        %dma_start3A_2966 = arith.constant 3 : i32
        %dma_start3A_2967 = arith.constant 0 : i32
        %dma_start3A_2968 = arith.constant 0 : i32
        %dma_start3A_2969 = tpu.memref_slice %arg13[%dma_start3A_2965, %dma_start3A_2966, %dma_start3A_2968] : memref<2x9x128xf32, #tpu.memory_space<vmem>> -> memref<1x1x128xf32, #tpu.memory_space<vmem>>
        %dma_start3A_2970 = tpu.memref_squeeze %dma_start3A_2969 : memref<1x1x128xf32, #tpu.memory_space<vmem>> -> memref<128xf32, #tpu.memory_space<vmem>>
        %dma_start3A_2971 = arith.constant 0 : i32
        %dma_start3A_2972 = tpu.memref_slice %arg12[%dma_start3A_2963, %sub3A_2917, %dma_start3A_2964, %dma_start3A_2971] : memref<3x50x1x128xi32, #tpu.memory_space<vmem>> -> memref<1x1x1x128xi32, #tpu.memory_space<vmem>>
        %dma_start3A_2973 = tpu.memref_squeeze %dma_start3A_2972 : memref<1x1x1x128xi32, #tpu.memory_space<vmem>> -> memref<128xi32, #tpu.memory_space<vmem>>
        %dma_start3A_2974 = arith.constant 0 : i32
        %dma_start3A_2975 = tpu.memref_slice %arg6[%dma_start3A_2974] : memref<100352xf32, #tpu.memory_space<vmem_shared>> -> memref<100352xf32, #tpu.memory_space<vmem_shared>>
        %dma_start3A_2976 = tpu.memref_slice %arg15[%dma_start3A_2967] : memref<2x!tpu.dma_semaphore, #tpu.memory_space<semaphore_mem>> -> memref<1x!tpu.dma_semaphore, #tpu.memory_space<semaphore_mem>>
        %dma_start3A_2977 = tpu.memref_squeeze %dma_start3A_2976 : memref<1x!tpu.dma_semaphore, #tpu.memory_space<semaphore_mem>> -> memref<!tpu.dma_semaphore, #tpu.memory_space<semaphore_mem>>
        tpu.enqueue_indirect_dma source(%dma_start3A_2975 : memref<100352xf32, #tpu.memory_space<vmem_shared>>) target(%dma_start3A_2970 : memref<128xf32, #tpu.memory_space<vmem>>) offsets(%dma_start3A_2973 : memref<128xi32, #tpu.memory_space<vmem>>) semaphore(%dma_start3A_2977 : memref<!tpu.dma_semaphore, #tpu.memory_space<semaphore_mem>>)
        %dma_start3A_2978 = arith.constant 1 : i32
        %dma_start3A_2979 = arith.constant 0 : i32
        %dma_start3A_2980 = arith.constant 0 : i32
        %dma_start3A_2981 = arith.constant 4 : i32
        %dma_start3A_2982 = arith.constant 0 : i32
        %dma_start3A_2983 = arith.constant 0 : i32
        %dma_start3A_2984 = tpu.memref_slice %arg13[%dma_start3A_2980, %dma_start3A_2981, %dma_start3A_2983] : memref<2x9x128xf32, #tpu.memory_space<vmem>> -> memref<1x1x128xf32, #tpu.memory_space<vmem>>
        %dma_start3A_2985 = tpu.memref_squeeze %dma_start3A_2984 : memref<1x1x128xf32, #tpu.memory_space<vmem>> -> memref<128xf32, #tpu.memory_space<vmem>>
        %dma_start3A_2986 = arith.constant 0 : i32
        %dma_start3A_2987 = tpu.memref_slice %arg12[%dma_start3A_2978, %sub3A_2917, %dma_start3A_2979, %dma_start3A_2986] : memref<3x50x1x128xi32, #tpu.memory_space<vmem>> -> memref<1x1x1x128xi32, #tpu.memory_space<vmem>>
        %dma_start3A_2988 = tpu.memref_squeeze %dma_start3A_2987 : memref<1x1x1x128xi32, #tpu.memory_space<vmem>> -> memref<128xi32, #tpu.memory_space<vmem>>
        %dma_start3A_2989 = arith.constant 0 : i32
        %dma_start3A_2990 = tpu.memref_slice %arg7[%dma_start3A_2989] : memref<100352xf32, #tpu.memory_space<vmem_shared>> -> memref<100352xf32, #tpu.memory_space<vmem_shared>>
        %dma_start3A_2991 = tpu.memref_slice %arg15[%dma_start3A_2982] : memref<2x!tpu.dma_semaphore, #tpu.memory_space<semaphore_mem>> -> memref<1x!tpu.dma_semaphore, #tpu.memory_space<semaphore_mem>>
        %dma_start3A_2992 = tpu.memref_squeeze %dma_start3A_2991 : memref<1x!tpu.dma_semaphore, #tpu.memory_space<semaphore_mem>> -> memref<!tpu.dma_semaphore, #tpu.memory_space<semaphore_mem>>
        tpu.enqueue_indirect_dma source(%dma_start3A_2990 : memref<100352xf32, #tpu.memory_space<vmem_shared>>) target(%dma_start3A_2985 : memref<128xf32, #tpu.memory_space<vmem>>) offsets(%dma_start3A_2988 : memref<128xi32, #tpu.memory_space<vmem>>) semaphore(%dma_start3A_2992 : memref<!tpu.dma_semaphore, #tpu.memory_space<semaphore_mem>>)
        %dma_start3A_2993 = arith.constant 1 : i32
        %dma_start3A_2994 = arith.constant 0 : i32
        %dma_start3A_2995 = arith.constant 0 : i32
        %dma_start3A_2996 = arith.constant 5 : i32
        %dma_start3A_2997 = arith.constant 0 : i32
        %dma_start3A_2998 = arith.constant 0 : i32
        %dma_start3A_2999 = tpu.memref_slice %arg13[%dma_start3A_2995, %dma_start3A_2996, %dma_start3A_2998] : memref<2x9x128xf32, #tpu.memory_space<vmem>> -> memref<1x1x128xf32, #tpu.memory_space<vmem>>
        %dma_start3A_3000 = tpu.memref_squeeze %dma_start3A_2999 : memref<1x1x128xf32, #tpu.memory_space<vmem>> -> memref<128xf32, #tpu.memory_space<vmem>>
        %dma_start3A_3001 = arith.constant 0 : i32
        %dma_start3A_3002 = tpu.memref_slice %arg12[%dma_start3A_2993, %sub3A_2917, %dma_start3A_2994, %dma_start3A_3001] : memref<3x50x1x128xi32, #tpu.memory_space<vmem>> -> memref<1x1x1x128xi32, #tpu.memory_space<vmem>>
        %dma_start3A_3003 = tpu.memref_squeeze %dma_start3A_3002 : memref<1x1x1x128xi32, #tpu.memory_space<vmem>> -> memref<128xi32, #tpu.memory_space<vmem>>
        %dma_start3A_3004 = arith.constant 0 : i32
        %dma_start3A_3005 = tpu.memref_slice %arg8[%dma_start3A_3004] : memref<100352xf32, #tpu.memory_space<vmem_shared>> -> memref<100352xf32, #tpu.memory_space<vmem_shared>>
        %dma_start3A_3006 = tpu.memref_slice %arg15[%dma_start3A_2997] : memref<2x!tpu.dma_semaphore, #tpu.memory_space<semaphore_mem>> -> memref<1x!tpu.dma_semaphore, #tpu.memory_space<semaphore_mem>>
        %dma_start3A_3007 = tpu.memref_squeeze %dma_start3A_3006 : memref<1x!tpu.dma_semaphore, #tpu.memory_space<semaphore_mem>> -> memref<!tpu.dma_semaphore, #tpu.memory_space<semaphore_mem>>
        tpu.enqueue_indirect_dma source(%dma_start3A_3005 : memref<100352xf32, #tpu.memory_space<vmem_shared>>) target(%dma_start3A_3000 : memref<128xf32, #tpu.memory_space<vmem>>) offsets(%dma_start3A_3003 : memref<128xi32, #tpu.memory_space<vmem>>) semaphore(%dma_start3A_3007 : memref<!tpu.dma_semaphore, #tpu.memory_space<semaphore_mem>>)
        %dma_start3A_3008 = arith.constant 2 : i32
        %dma_start3A_3009 = arith.constant 0 : i32
        %dma_start3A_3010 = arith.constant 0 : i32
        %dma_start3A_3011 = arith.constant 6 : i32
        %dma_start3A_3012 = arith.constant 0 : i32
        %dma_start3A_3013 = arith.constant 0 : i32
        %dma_start3A_3014 = tpu.memref_slice %arg13[%dma_start3A_3010, %dma_start3A_3011, %dma_start3A_3013] : memref<2x9x128xf32, #tpu.memory_space<vmem>> -> memref<1x1x128xf32, #tpu.memory_space<vmem>>
        %dma_start3A_3015 = tpu.memref_squeeze %dma_start3A_3014 : memref<1x1x128xf32, #tpu.memory_space<vmem>> -> memref<128xf32, #tpu.memory_space<vmem>>
        %dma_start3A_3016 = arith.constant 0 : i32
        %dma_start3A_3017 = tpu.memref_slice %arg12[%dma_start3A_3008, %sub3A_2917, %dma_start3A_3009, %dma_start3A_3016] : memref<3x50x1x128xi32, #tpu.memory_space<vmem>> -> memref<1x1x1x128xi32, #tpu.memory_space<vmem>>
        %dma_start3A_3018 = tpu.memref_squeeze %dma_start3A_3017 : memref<1x1x1x128xi32, #tpu.memory_space<vmem>> -> memref<128xi32, #tpu.memory_space<vmem>>
        %dma_start3A_3019 = arith.constant 0 : i32
        %dma_start3A_3020 = tpu.memref_slice %arg6[%dma_start3A_3019] : memref<100352xf32, #tpu.memory_space<vmem_shared>> -> memref<100352xf32, #tpu.memory_space<vmem_shared>>
        %dma_start3A_3021 = tpu.memref_slice %arg15[%dma_start3A_3012] : memref<2x!tpu.dma_semaphore, #tpu.memory_space<semaphore_mem>> -> memref<1x!tpu.dma_semaphore, #tpu.memory_space<semaphore_mem>>
        %dma_start3A_3022 = tpu.memref_squeeze %dma_start3A_3021 : memref<1x!tpu.dma_semaphore, #tpu.memory_space<semaphore_mem>> -> memref<!tpu.dma_semaphore, #tpu.memory_space<semaphore_mem>>
        tpu.enqueue_indirect_dma source(%dma_start3A_3020 : memref<100352xf32, #tpu.memory_space<vmem_shared>>) target(%dma_start3A_3015 : memref<128xf32, #tpu.memory_space<vmem>>) offsets(%dma_start3A_3018 : memref<128xi32, #tpu.memory_space<vmem>>) semaphore(%dma_start3A_3022 : memref<!tpu.dma_semaphore, #tpu.memory_space<semaphore_mem>>)
        %dma_start3A_3023 = arith.constant 2 : i32
        %dma_start3A_3024 = arith.constant 0 : i32
        %dma_start3A_3025 = arith.constant 0 : i32
        %dma_start3A_3026 = arith.constant 7 : i32
        %dma_start3A_3027 = arith.constant 0 : i32
        %dma_start3A_3028 = arith.constant 0 : i32
        %dma_start3A_3029 = tpu.memref_slice %arg13[%dma_start3A_3025, %dma_start3A_3026, %dma_start3A_3028] : memref<2x9x128xf32, #tpu.memory_space<vmem>> -> memref<1x1x128xf32, #tpu.memory_space<vmem>>
        %dma_start3A_3030 = tpu.memref_squeeze %dma_start3A_3029 : memref<1x1x128xf32, #tpu.memory_space<vmem>> -> memref<128xf32, #tpu.memory_space<vmem>>
        %dma_start3A_3031 = arith.constant 0 : i32
        %dma_start3A_3032 = tpu.memref_slice %arg12[%dma_start3A_3023, %sub3A_2917, %dma_start3A_3024, %dma_start3A_3031] : memref<3x50x1x128xi32, #tpu.memory_space<vmem>> -> memref<1x1x1x128xi32, #tpu.memory_space<vmem>>
        %dma_start3A_3033 = tpu.memref_squeeze %dma_start3A_3032 : memref<1x1x1x128xi32, #tpu.memory_space<vmem>> -> memref<128xi32, #tpu.memory_space<vmem>>
        %dma_start3A_3034 = arith.constant 0 : i32
        %dma_start3A_3035 = tpu.memref_slice %arg7[%dma_start3A_3034] : memref<100352xf32, #tpu.memory_space<vmem_shared>> -> memref<100352xf32, #tpu.memory_space<vmem_shared>>
        %dma_start3A_3036 = tpu.memref_slice %arg15[%dma_start3A_3027] : memref<2x!tpu.dma_semaphore, #tpu.memory_space<semaphore_mem>> -> memref<1x!tpu.dma_semaphore, #tpu.memory_space<semaphore_mem>>
        %dma_start3A_3037 = tpu.memref_squeeze %dma_start3A_3036 : memref<1x!tpu.dma_semaphore, #tpu.memory_space<semaphore_mem>> -> memref<!tpu.dma_semaphore, #tpu.memory_space<semaphore_mem>>
        tpu.enqueue_indirect_dma source(%dma_start3A_3035 : memref<100352xf32, #tpu.memory_space<vmem_shared>>) target(%dma_start3A_3030 : memref<128xf32, #tpu.memory_space<vmem>>) offsets(%dma_start3A_3033 : memref<128xi32, #tpu.memory_space<vmem>>) semaphore(%dma_start3A_3037 : memref<!tpu.dma_semaphore, #tpu.memory_space<semaphore_mem>>)
        %dma_start3A_3038 = arith.constant 2 : i32
        %dma_start3A_3039 = arith.constant 0 : i32
        %dma_start3A_3040 = arith.constant 0 : i32
        %dma_start3A_3041 = arith.constant 8 : i32
        %dma_start3A_3042 = arith.constant 0 : i32
        %dma_start3A_3043 = arith.constant 0 : i32
        %dma_start3A_3044 = tpu.memref_slice %arg13[%dma_start3A_3040, %dma_start3A_3041, %dma_start3A_3043] : memref<2x9x128xf32, #tpu.memory_space<vmem>> -> memref<1x1x128xf32, #tpu.memory_space<vmem>>
        %dma_start3A_3045 = tpu.memref_squeeze %dma_start3A_3044 : memref<1x1x128xf32, #tpu.memory_space<vmem>> -> memref<128xf32, #tpu.memory_space<vmem>>
        %dma_start3A_3046 = arith.constant 0 : i32
        %dma_start3A_3047 = tpu.memref_slice %arg12[%dma_start3A_3038, %sub3A_2917, %dma_start3A_3039, %dma_start3A_3046] : memref<3x50x1x128xi32, #tpu.memory_space<vmem>> -> memref<1x1x1x128xi32, #tpu.memory_space<vmem>>
        %dma_start3A_3048 = tpu.memref_squeeze %dma_start3A_3047 : memref<1x1x1x128xi32, #tpu.memory_space<vmem>> -> memref<128xi32, #tpu.memory_space<vmem>>
        %dma_start3A_3049 = arith.constant 0 : i32
        %dma_start3A_3050 = tpu.memref_slice %arg8[%dma_start3A_3049] : memref<100352xf32, #tpu.memory_space<vmem_shared>> -> memref<100352xf32, #tpu.memory_space<vmem_shared>>
        %dma_start3A_3051 = tpu.memref_slice %arg15[%dma_start3A_3042] : memref<2x!tpu.dma_semaphore, #tpu.memory_space<semaphore_mem>> -> memref<1x!tpu.dma_semaphore, #tpu.memory_space<semaphore_mem>>
        %dma_start3A_3052 = tpu.memref_squeeze %dma_start3A_3051 : memref<1x!tpu.dma_semaphore, #tpu.memory_space<semaphore_mem>> -> memref<!tpu.dma_semaphore, #tpu.memory_space<semaphore_mem>>
        tpu.enqueue_indirect_dma source(%dma_start3A_3050 : memref<100352xf32, #tpu.memory_space<vmem_shared>>) target(%dma_start3A_3045 : memref<128xf32, #tpu.memory_space<vmem>>) offsets(%dma_start3A_3048 : memref<128xi32, #tpu.memory_space<vmem>>) semaphore(%dma_start3A_3052 : memref<!tpu.dma_semaphore, #tpu.memory_space<semaphore_mem>>)
      } else {
      }
      %dma_wait3A_1823 = arith.constant 0 : i32
      %dma_wait3A_1824 = arith.constant 0 : i32
      %dma_wait3A_1825 = arith.constant 1 : i32
      %dma_wait3A_1826 = arith.constant 0 : i32
      %dma_wait3A_1827 = arith.constant 1 : i32
      %dma_wait3A_1828 = arith.constant 0 : i32
      %dma_wait3A_1829 = tpu.memref_slice %arg13[%dma_wait3A_1825, %dma_wait3A_1826, %dma_wait3A_1828] : memref<2x9x128xf32, #tpu.memory_space<vmem>> -> memref<1x1x128xf32, #tpu.memory_space<vmem>>
      %dma_wait3A_1830 = tpu.memref_squeeze %dma_wait3A_1829 : memref<1x1x128xf32, #tpu.memory_space<vmem>> -> memref<128xf32, #tpu.memory_space<vmem>>
      %dma_wait3A_1831 = arith.constant 0 : i32
      %dma_wait3A_1832 = tpu.memref_slice %arg12[%dma_wait3A_1823, %add3A_1813, %dma_wait3A_1824, %dma_wait3A_1831] : memref<3x50x1x128xi32, #tpu.memory_space<vmem>> -> memref<1x1x1x128xi32, #tpu.memory_space<vmem>>
      %dma_wait3A_1833 = tpu.memref_squeeze %dma_wait3A_1832 : memref<1x1x1x128xi32, #tpu.memory_space<vmem>> -> memref<128xi32, #tpu.memory_space<vmem>>
      %dma_wait3A_1834 = arith.constant 0 : i32
      %dma_wait3A_1835 = tpu.memref_slice %arg6[%dma_wait3A_1834] : memref<100352xf32, #tpu.memory_space<vmem_shared>> -> memref<100352xf32, #tpu.memory_space<vmem_shared>>
      %dma_wait3A_1836 = tpu.memref_slice %arg15[%dma_wait3A_1827] : memref<2x!tpu.dma_semaphore, #tpu.memory_space<semaphore_mem>> -> memref<1x!tpu.dma_semaphore, #tpu.memory_space<semaphore_mem>>
      %dma_wait3A_1837 = tpu.memref_squeeze %dma_wait3A_1836 : memref<1x!tpu.dma_semaphore, #tpu.memory_space<semaphore_mem>> -> memref<!tpu.dma_semaphore, #tpu.memory_space<semaphore_mem>>
      tpu.wait_indirect_dma semaphore(%dma_wait3A_1837 : memref<!tpu.dma_semaphore, #tpu.memory_space<semaphore_mem>>) src(%dma_wait3A_1835 : memref<100352xf32, #tpu.memory_space<vmem_shared>>) dst(%dma_wait3A_1830 : memref<128xf32, #tpu.memory_space<vmem>>)
      %dma_wait3A_1838 = arith.constant 0 : i32
      %dma_wait3A_1839 = arith.constant 0 : i32
      %dma_wait3A_1840 = arith.constant 1 : i32
      %dma_wait3A_1841 = arith.constant 1 : i32
      %dma_wait3A_1842 = arith.constant 1 : i32
      %dma_wait3A_1843 = arith.constant 0 : i32
      %dma_wait3A_1844 = tpu.memref_slice %arg13[%dma_wait3A_1840, %dma_wait3A_1841, %dma_wait3A_1843] : memref<2x9x128xf32, #tpu.memory_space<vmem>> -> memref<1x1x128xf32, #tpu.memory_space<vmem>>
      %dma_wait3A_1845 = tpu.memref_squeeze %dma_wait3A_1844 : memref<1x1x128xf32, #tpu.memory_space<vmem>> -> memref<128xf32, #tpu.memory_space<vmem>>
      %dma_wait3A_1846 = arith.constant 0 : i32
      %dma_wait3A_1847 = tpu.memref_slice %arg12[%dma_wait3A_1838, %add3A_1813, %dma_wait3A_1839, %dma_wait3A_1846] : memref<3x50x1x128xi32, #tpu.memory_space<vmem>> -> memref<1x1x1x128xi32, #tpu.memory_space<vmem>>
      %dma_wait3A_1848 = tpu.memref_squeeze %dma_wait3A_1847 : memref<1x1x1x128xi32, #tpu.memory_space<vmem>> -> memref<128xi32, #tpu.memory_space<vmem>>
      %dma_wait3A_1849 = arith.constant 0 : i32
      %dma_wait3A_1850 = tpu.memref_slice %arg7[%dma_wait3A_1849] : memref<100352xf32, #tpu.memory_space<vmem_shared>> -> memref<100352xf32, #tpu.memory_space<vmem_shared>>
      %dma_wait3A_1851 = tpu.memref_slice %arg15[%dma_wait3A_1842] : memref<2x!tpu.dma_semaphore, #tpu.memory_space<semaphore_mem>> -> memref<1x!tpu.dma_semaphore, #tpu.memory_space<semaphore_mem>>
      %dma_wait3A_1852 = tpu.memref_squeeze %dma_wait3A_1851 : memref<1x!tpu.dma_semaphore, #tpu.memory_space<semaphore_mem>> -> memref<!tpu.dma_semaphore, #tpu.memory_space<semaphore_mem>>
      tpu.wait_indirect_dma semaphore(%dma_wait3A_1852 : memref<!tpu.dma_semaphore, #tpu.memory_space<semaphore_mem>>) src(%dma_wait3A_1850 : memref<100352xf32, #tpu.memory_space<vmem_shared>>) dst(%dma_wait3A_1845 : memref<128xf32, #tpu.memory_space<vmem>>)
      %dma_wait3A_1853 = arith.constant 0 : i32
      %dma_wait3A_1854 = arith.constant 0 : i32
      %dma_wait3A_1855 = arith.constant 1 : i32
      %dma_wait3A_1856 = arith.constant 2 : i32
      %dma_wait3A_1857 = arith.constant 1 : i32
      %dma_wait3A_1858 = arith.constant 0 : i32
      %dma_wait3A_1859 = tpu.memref_slice %arg13[%dma_wait3A_1855, %dma_wait3A_1856, %dma_wait3A_1858] : memref<2x9x128xf32, #tpu.memory_space<vmem>> -> memref<1x1x128xf32, #tpu.memory_space<vmem>>
      %dma_wait3A_1860 = tpu.memref_squeeze %dma_wait3A_1859 : memref<1x1x128xf32, #tpu.memory_space<vmem>> -> memref<128xf32, #tpu.memory_space<vmem>>
      %dma_wait3A_1861 = arith.constant 0 : i32
      %dma_wait3A_1862 = tpu.memref_slice %arg12[%dma_wait3A_1853, %add3A_1813, %dma_wait3A_1854, %dma_wait3A_1861] : memref<3x50x1x128xi32, #tpu.memory_space<vmem>> -> memref<1x1x1x128xi32, #tpu.memory_space<vmem>>
      %dma_wait3A_1863 = tpu.memref_squeeze %dma_wait3A_1862 : memref<1x1x1x128xi32, #tpu.memory_space<vmem>> -> memref<128xi32, #tpu.memory_space<vmem>>
      %dma_wait3A_1864 = arith.constant 0 : i32
      %dma_wait3A_1865 = tpu.memref_slice %arg8[%dma_wait3A_1864] : memref<100352xf32, #tpu.memory_space<vmem_shared>> -> memref<100352xf32, #tpu.memory_space<vmem_shared>>
      %dma_wait3A_1866 = tpu.memref_slice %arg15[%dma_wait3A_1857] : memref<2x!tpu.dma_semaphore, #tpu.memory_space<semaphore_mem>> -> memref<1x!tpu.dma_semaphore, #tpu.memory_space<semaphore_mem>>
      %dma_wait3A_1867 = tpu.memref_squeeze %dma_wait3A_1866 : memref<1x!tpu.dma_semaphore, #tpu.memory_space<semaphore_mem>> -> memref<!tpu.dma_semaphore, #tpu.memory_space<semaphore_mem>>
      tpu.wait_indirect_dma semaphore(%dma_wait3A_1867 : memref<!tpu.dma_semaphore, #tpu.memory_space<semaphore_mem>>) src(%dma_wait3A_1865 : memref<100352xf32, #tpu.memory_space<vmem_shared>>) dst(%dma_wait3A_1860 : memref<128xf32, #tpu.memory_space<vmem>>)
      %dma_wait3A_1868 = arith.constant 1 : i32
      %dma_wait3A_1869 = arith.constant 0 : i32
      %dma_wait3A_1870 = arith.constant 1 : i32
      %dma_wait3A_1871 = arith.constant 3 : i32
      %dma_wait3A_1872 = arith.constant 1 : i32
      %dma_wait3A_1873 = arith.constant 0 : i32
      %dma_wait3A_1874 = tpu.memref_slice %arg13[%dma_wait3A_1870, %dma_wait3A_1871, %dma_wait3A_1873] : memref<2x9x128xf32, #tpu.memory_space<vmem>> -> memref<1x1x128xf32, #tpu.memory_space<vmem>>
      %dma_wait3A_1875 = tpu.memref_squeeze %dma_wait3A_1874 : memref<1x1x128xf32, #tpu.memory_space<vmem>> -> memref<128xf32, #tpu.memory_space<vmem>>
      %dma_wait3A_1876 = arith.constant 0 : i32
      %dma_wait3A_1877 = tpu.memref_slice %arg12[%dma_wait3A_1868, %add3A_1813, %dma_wait3A_1869, %dma_wait3A_1876] : memref<3x50x1x128xi32, #tpu.memory_space<vmem>> -> memref<1x1x1x128xi32, #tpu.memory_space<vmem>>
      %dma_wait3A_1878 = tpu.memref_squeeze %dma_wait3A_1877 : memref<1x1x1x128xi32, #tpu.memory_space<vmem>> -> memref<128xi32, #tpu.memory_space<vmem>>
      %dma_wait3A_1879 = arith.constant 0 : i32
      %dma_wait3A_1880 = tpu.memref_slice %arg6[%dma_wait3A_1879] : memref<100352xf32, #tpu.memory_space<vmem_shared>> -> memref<100352xf32, #tpu.memory_space<vmem_shared>>
      %dma_wait3A_1881 = tpu.memref_slice %arg15[%dma_wait3A_1872] : memref<2x!tpu.dma_semaphore, #tpu.memory_space<semaphore_mem>> -> memref<1x!tpu.dma_semaphore, #tpu.memory_space<semaphore_mem>>
      %dma_wait3A_1882 = tpu.memref_squeeze %dma_wait3A_1881 : memref<1x!tpu.dma_semaphore, #tpu.memory_space<semaphore_mem>> -> memref<!tpu.dma_semaphore, #tpu.memory_space<semaphore_mem>>
      tpu.wait_indirect_dma semaphore(%dma_wait3A_1882 : memref<!tpu.dma_semaphore, #tpu.memory_space<semaphore_mem>>) src(%dma_wait3A_1880 : memref<100352xf32, #tpu.memory_space<vmem_shared>>) dst(%dma_wait3A_1875 : memref<128xf32, #tpu.memory_space<vmem>>)
      %dma_wait3A_1883 = arith.constant 1 : i32
      %dma_wait3A_1884 = arith.constant 0 : i32
      %dma_wait3A_1885 = arith.constant 1 : i32
      %dma_wait3A_1886 = arith.constant 4 : i32
      %dma_wait3A_1887 = arith.constant 1 : i32
      %dma_wait3A_1888 = arith.constant 0 : i32
      %dma_wait3A_1889 = tpu.memref_slice %arg13[%dma_wait3A_1885, %dma_wait3A_1886, %dma_wait3A_1888] : memref<2x9x128xf32, #tpu.memory_space<vmem>> -> memref<1x1x128xf32, #tpu.memory_space<vmem>>
      %dma_wait3A_1890 = tpu.memref_squeeze %dma_wait3A_1889 : memref<1x1x128xf32, #tpu.memory_space<vmem>> -> memref<128xf32, #tpu.memory_space<vmem>>
      %dma_wait3A_1891 = arith.constant 0 : i32
      %dma_wait3A_1892 = tpu.memref_slice %arg12[%dma_wait3A_1883, %add3A_1813, %dma_wait3A_1884, %dma_wait3A_1891] : memref<3x50x1x128xi32, #tpu.memory_space<vmem>> -> memref<1x1x1x128xi32, #tpu.memory_space<vmem>>
      %dma_wait3A_1893 = tpu.memref_squeeze %dma_wait3A_1892 : memref<1x1x1x128xi32, #tpu.memory_space<vmem>> -> memref<128xi32, #tpu.memory_space<vmem>>
      %dma_wait3A_1894 = arith.constant 0 : i32
      %dma_wait3A_1895 = tpu.memref_slice %arg7[%dma_wait3A_1894] : memref<100352xf32, #tpu.memory_space<vmem_shared>> -> memref<100352xf32, #tpu.memory_space<vmem_shared>>
      %dma_wait3A_1896 = tpu.memref_slice %arg15[%dma_wait3A_1887] : memref<2x!tpu.dma_semaphore, #tpu.memory_space<semaphore_mem>> -> memref<1x!tpu.dma_semaphore, #tpu.memory_space<semaphore_mem>>
      %dma_wait3A_1897 = tpu.memref_squeeze %dma_wait3A_1896 : memref<1x!tpu.dma_semaphore, #tpu.memory_space<semaphore_mem>> -> memref<!tpu.dma_semaphore, #tpu.memory_space<semaphore_mem>>
      tpu.wait_indirect_dma semaphore(%dma_wait3A_1897 : memref<!tpu.dma_semaphore, #tpu.memory_space<semaphore_mem>>) src(%dma_wait3A_1895 : memref<100352xf32, #tpu.memory_space<vmem_shared>>) dst(%dma_wait3A_1890 : memref<128xf32, #tpu.memory_space<vmem>>)
      %dma_wait3A_1898 = arith.constant 1 : i32
      %dma_wait3A_1899 = arith.constant 0 : i32
      %dma_wait3A_1900 = arith.constant 1 : i32
      %dma_wait3A_1901 = arith.constant 5 : i32
      %dma_wait3A_1902 = arith.constant 1 : i32
      %dma_wait3A_1903 = arith.constant 0 : i32
      %dma_wait3A_1904 = tpu.memref_slice %arg13[%dma_wait3A_1900, %dma_wait3A_1901, %dma_wait3A_1903] : memref<2x9x128xf32, #tpu.memory_space<vmem>> -> memref<1x1x128xf32, #tpu.memory_space<vmem>>
      %dma_wait3A_1905 = tpu.memref_squeeze %dma_wait3A_1904 : memref<1x1x128xf32, #tpu.memory_space<vmem>> -> memref<128xf32, #tpu.memory_space<vmem>>
      %dma_wait3A_1906 = arith.constant 0 : i32
      %dma_wait3A_1907 = tpu.memref_slice %arg12[%dma_wait3A_1898, %add3A_1813, %dma_wait3A_1899, %dma_wait3A_1906] : memref<3x50x1x128xi32, #tpu.memory_space<vmem>> -> memref<1x1x1x128xi32, #tpu.memory_space<vmem>>
      %dma_wait3A_1908 = tpu.memref_squeeze %dma_wait3A_1907 : memref<1x1x1x128xi32, #tpu.memory_space<vmem>> -> memref<128xi32, #tpu.memory_space<vmem>>
      %dma_wait3A_1909 = arith.constant 0 : i32
      %dma_wait3A_1910 = tpu.memref_slice %arg8[%dma_wait3A_1909] : memref<100352xf32, #tpu.memory_space<vmem_shared>> -> memref<100352xf32, #tpu.memory_space<vmem_shared>>
      %dma_wait3A_1911 = tpu.memref_slice %arg15[%dma_wait3A_1902] : memref<2x!tpu.dma_semaphore, #tpu.memory_space<semaphore_mem>> -> memref<1x!tpu.dma_semaphore, #tpu.memory_space<semaphore_mem>>
      %dma_wait3A_1912 = tpu.memref_squeeze %dma_wait3A_1911 : memref<1x!tpu.dma_semaphore, #tpu.memory_space<semaphore_mem>> -> memref<!tpu.dma_semaphore, #tpu.memory_space<semaphore_mem>>
      tpu.wait_indirect_dma semaphore(%dma_wait3A_1912 : memref<!tpu.dma_semaphore, #tpu.memory_space<semaphore_mem>>) src(%dma_wait3A_1910 : memref<100352xf32, #tpu.memory_space<vmem_shared>>) dst(%dma_wait3A_1905 : memref<128xf32, #tpu.memory_space<vmem>>)
      %dma_wait3A_1913 = arith.constant 2 : i32
      %dma_wait3A_1914 = arith.constant 0 : i32
      %dma_wait3A_1915 = arith.constant 1 : i32
      %dma_wait3A_1916 = arith.constant 6 : i32
      %dma_wait3A_1917 = arith.constant 1 : i32
      %dma_wait3A_1918 = arith.constant 0 : i32
      %dma_wait3A_1919 = tpu.memref_slice %arg13[%dma_wait3A_1915, %dma_wait3A_1916, %dma_wait3A_1918] : memref<2x9x128xf32, #tpu.memory_space<vmem>> -> memref<1x1x128xf32, #tpu.memory_space<vmem>>
      %dma_wait3A_1920 = tpu.memref_squeeze %dma_wait3A_1919 : memref<1x1x128xf32, #tpu.memory_space<vmem>> -> memref<128xf32, #tpu.memory_space<vmem>>
      %dma_wait3A_1921 = arith.constant 0 : i32
      %dma_wait3A_1922 = tpu.memref_slice %arg12[%dma_wait3A_1913, %add3A_1813, %dma_wait3A_1914, %dma_wait3A_1921] : memref<3x50x1x128xi32, #tpu.memory_space<vmem>> -> memref<1x1x1x128xi32, #tpu.memory_space<vmem>>
      %dma_wait3A_1923 = tpu.memref_squeeze %dma_wait3A_1922 : memref<1x1x1x128xi32, #tpu.memory_space<vmem>> -> memref<128xi32, #tpu.memory_space<vmem>>
      %dma_wait3A_1924 = arith.constant 0 : i32
      %dma_wait3A_1925 = tpu.memref_slice %arg6[%dma_wait3A_1924] : memref<100352xf32, #tpu.memory_space<vmem_shared>> -> memref<100352xf32, #tpu.memory_space<vmem_shared>>
      %dma_wait3A_1926 = tpu.memref_slice %arg15[%dma_wait3A_1917] : memref<2x!tpu.dma_semaphore, #tpu.memory_space<semaphore_mem>> -> memref<1x!tpu.dma_semaphore, #tpu.memory_space<semaphore_mem>>
      %dma_wait3A_1927 = tpu.memref_squeeze %dma_wait3A_1926 : memref<1x!tpu.dma_semaphore, #tpu.memory_space<semaphore_mem>> -> memref<!tpu.dma_semaphore, #tpu.memory_space<semaphore_mem>>
      tpu.wait_indirect_dma semaphore(%dma_wait3A_1927 : memref<!tpu.dma_semaphore, #tpu.memory_space<semaphore_mem>>) src(%dma_wait3A_1925 : memref<100352xf32, #tpu.memory_space<vmem_shared>>) dst(%dma_wait3A_1920 : memref<128xf32, #tpu.memory_space<vmem>>)
      %dma_wait3A_1928 = arith.constant 2 : i32
      %dma_wait3A_1929 = arith.constant 0 : i32
      %dma_wait3A_1930 = arith.constant 1 : i32
      %dma_wait3A_1931 = arith.constant 7 : i32
      %dma_wait3A_1932 = arith.constant 1 : i32
      %dma_wait3A_1933 = arith.constant 0 : i32
      %dma_wait3A_1934 = tpu.memref_slice %arg13[%dma_wait3A_1930, %dma_wait3A_1931, %dma_wait3A_1933] : memref<2x9x128xf32, #tpu.memory_space<vmem>> -> memref<1x1x128xf32, #tpu.memory_space<vmem>>
      %dma_wait3A_1935 = tpu.memref_squeeze %dma_wait3A_1934 : memref<1x1x128xf32, #tpu.memory_space<vmem>> -> memref<128xf32, #tpu.memory_space<vmem>>
      %dma_wait3A_1936 = arith.constant 0 : i32
      %dma_wait3A_1937 = tpu.memref_slice %arg12[%dma_wait3A_1928, %add3A_1813, %dma_wait3A_1929, %dma_wait3A_1936] : memref<3x50x1x128xi32, #tpu.memory_space<vmem>> -> memref<1x1x1x128xi32, #tpu.memory_space<vmem>>
      %dma_wait3A_1938 = tpu.memref_squeeze %dma_wait3A_1937 : memref<1x1x1x128xi32, #tpu.memory_space<vmem>> -> memref<128xi32, #tpu.memory_space<vmem>>
      %dma_wait3A_1939 = arith.constant 0 : i32
      %dma_wait3A_1940 = tpu.memref_slice %arg7[%dma_wait3A_1939] : memref<100352xf32, #tpu.memory_space<vmem_shared>> -> memref<100352xf32, #tpu.memory_space<vmem_shared>>
      %dma_wait3A_1941 = tpu.memref_slice %arg15[%dma_wait3A_1932] : memref<2x!tpu.dma_semaphore, #tpu.memory_space<semaphore_mem>> -> memref<1x!tpu.dma_semaphore, #tpu.memory_space<semaphore_mem>>
      %dma_wait3A_1942 = tpu.memref_squeeze %dma_wait3A_1941 : memref<1x!tpu.dma_semaphore, #tpu.memory_space<semaphore_mem>> -> memref<!tpu.dma_semaphore, #tpu.memory_space<semaphore_mem>>
      tpu.wait_indirect_dma semaphore(%dma_wait3A_1942 : memref<!tpu.dma_semaphore, #tpu.memory_space<semaphore_mem>>) src(%dma_wait3A_1940 : memref<100352xf32, #tpu.memory_space<vmem_shared>>) dst(%dma_wait3A_1935 : memref<128xf32, #tpu.memory_space<vmem>>)
      %dma_wait3A_1943 = arith.constant 2 : i32
      %dma_wait3A_1944 = arith.constant 0 : i32
      %dma_wait3A_1945 = arith.constant 1 : i32
      %dma_wait3A_1946 = arith.constant 8 : i32
      %dma_wait3A_1947 = arith.constant 1 : i32
      %dma_wait3A_1948 = arith.constant 0 : i32
      %dma_wait3A_1949 = tpu.memref_slice %arg13[%dma_wait3A_1945, %dma_wait3A_1946, %dma_wait3A_1948] : memref<2x9x128xf32, #tpu.memory_space<vmem>> -> memref<1x1x128xf32, #tpu.memory_space<vmem>>
      %dma_wait3A_1950 = tpu.memref_squeeze %dma_wait3A_1949 : memref<1x1x128xf32, #tpu.memory_space<vmem>> -> memref<128xf32, #tpu.memory_space<vmem>>
      %dma_wait3A_1951 = arith.constant 0 : i32
      %dma_wait3A_1952 = tpu.memref_slice %arg12[%dma_wait3A_1943, %add3A_1813, %dma_wait3A_1944, %dma_wait3A_1951] : memref<3x50x1x128xi32, #tpu.memory_space<vmem>> -> memref<1x1x1x128xi32, #tpu.memory_space<vmem>>
      %dma_wait3A_1953 = tpu.memref_squeeze %dma_wait3A_1952 : memref<1x1x1x128xi32, #tpu.memory_space<vmem>> -> memref<128xi32, #tpu.memory_space<vmem>>
      %dma_wait3A_1954 = arith.constant 0 : i32
      %dma_wait3A_1955 = tpu.memref_slice %arg8[%dma_wait3A_1954] : memref<100352xf32, #tpu.memory_space<vmem_shared>> -> memref<100352xf32, #tpu.memory_space<vmem_shared>>
      %dma_wait3A_1956 = tpu.memref_slice %arg15[%dma_wait3A_1947] : memref<2x!tpu.dma_semaphore, #tpu.memory_space<semaphore_mem>> -> memref<1x!tpu.dma_semaphore, #tpu.memory_space<semaphore_mem>>
      %dma_wait3A_1957 = tpu.memref_squeeze %dma_wait3A_1956 : memref<1x!tpu.dma_semaphore, #tpu.memory_space<semaphore_mem>> -> memref<!tpu.dma_semaphore, #tpu.memory_space<semaphore_mem>>
      tpu.wait_indirect_dma semaphore(%dma_wait3A_1957 : memref<!tpu.dma_semaphore, #tpu.memory_space<semaphore_mem>>) src(%dma_wait3A_1955 : memref<100352xf32, #tpu.memory_space<vmem_shared>>) dst(%dma_wait3A_1950 : memref<128xf32, #tpu.memory_space<vmem>>)
      %ge3A_1958 = arith.constant 2 : i32
      %ge3A_1959 = arith.cmpi sge, %add3A_1813, %ge3A_1958 : i32
      %convert_element_type3A_1960 = arith.extui %ge3A_1959 : i1 to i32
      %cond3A_1961 = arith.constant 0 : i32
      %cond3A_1962 = arith.cmpi ne, %convert_element_type3A_1960, %cond3A_1961 : i32
      scf.if %cond3A_1962 {
        %dma_wait3A_2914 = arith.constant 1 : i32
        %dma_wait3A_2915 = arith.constant 0 : i32
        %dma_wait3A_2916 = arith.constant 0 : i32
        %dma_wait3A_2917 = arith.constant 0 : i32
        %dma_wait3A_2918 = arith.constant 1 : i32
        %dma_wait3A_2919 = arith.constant 0 : i32
        %dma_wait3A_2920 = tpu.memref_slice %arg14[%dma_wait3A_2914, %dma_wait3A_2915, %dma_wait3A_2919] : memref<2x3x128xf32, #tpu.memory_space<vmem>> -> memref<1x1x128xf32, #tpu.memory_space<vmem>>
        %dma_wait3A_2921 = tpu.memref_squeeze %dma_wait3A_2920 : memref<1x1x128xf32, #tpu.memory_space<vmem>> -> memref<128xf32, #tpu.memory_space<vmem>>
        %dma_wait3A_2922 = arith.constant 0 : i32
        %dma_wait3A_2923 = tpu.memref_slice %arg12[%dma_wait3A_2916, %add3A_1813, %dma_wait3A_2917, %dma_wait3A_2922] : memref<3x50x1x128xi32, #tpu.memory_space<vmem>> -> memref<1x1x1x128xi32, #tpu.memory_space<vmem>>
        %dma_wait3A_2924 = tpu.memref_squeeze %dma_wait3A_2923 : memref<1x1x1x128xi32, #tpu.memory_space<vmem>> -> memref<128xi32, #tpu.memory_space<vmem>>
        %dma_wait3A_2925 = arith.constant 0 : i32
        %dma_wait3A_2926 = tpu.memref_slice %arg9[%dma_wait3A_2925] : memref<100352xf32, #tpu.memory_space<vmem_shared>> -> memref<100352xf32, #tpu.memory_space<vmem_shared>>
        %dma_wait3A_2927 = tpu.memref_slice %arg16[%dma_wait3A_2918] : memref<2x!tpu.dma_semaphore, #tpu.memory_space<semaphore_mem>> -> memref<1x!tpu.dma_semaphore, #tpu.memory_space<semaphore_mem>>
        %dma_wait3A_2928 = tpu.memref_squeeze %dma_wait3A_2927 : memref<1x!tpu.dma_semaphore, #tpu.memory_space<semaphore_mem>> -> memref<!tpu.dma_semaphore, #tpu.memory_space<semaphore_mem>>
        tpu.wait_indirect_dma semaphore(%dma_wait3A_2928 : memref<!tpu.dma_semaphore, #tpu.memory_space<semaphore_mem>>) src(%dma_wait3A_2921 : memref<128xf32, #tpu.memory_space<vmem>>) dst(%dma_wait3A_2926 : memref<100352xf32, #tpu.memory_space<vmem_shared>>)
        %dma_wait3A_2929 = arith.constant 1 : i32
        %dma_wait3A_2930 = arith.constant 1 : i32
        %dma_wait3A_2931 = arith.constant 0 : i32
        %dma_wait3A_2932 = arith.constant 0 : i32
        %dma_wait3A_2933 = arith.constant 1 : i32
        %dma_wait3A_2934 = arith.constant 0 : i32
        %dma_wait3A_2935 = tpu.memref_slice %arg14[%dma_wait3A_2929, %dma_wait3A_2930, %dma_wait3A_2934] : memref<2x3x128xf32, #tpu.memory_space<vmem>> -> memref<1x1x128xf32, #tpu.memory_space<vmem>>
        %dma_wait3A_2936 = tpu.memref_squeeze %dma_wait3A_2935 : memref<1x1x128xf32, #tpu.memory_space<vmem>> -> memref<128xf32, #tpu.memory_space<vmem>>
        %dma_wait3A_2937 = arith.constant 0 : i32
        %dma_wait3A_2938 = tpu.memref_slice %arg12[%dma_wait3A_2931, %add3A_1813, %dma_wait3A_2932, %dma_wait3A_2937] : memref<3x50x1x128xi32, #tpu.memory_space<vmem>> -> memref<1x1x1x128xi32, #tpu.memory_space<vmem>>
        %dma_wait3A_2939 = tpu.memref_squeeze %dma_wait3A_2938 : memref<1x1x1x128xi32, #tpu.memory_space<vmem>> -> memref<128xi32, #tpu.memory_space<vmem>>
        %dma_wait3A_2940 = arith.constant 0 : i32
        %dma_wait3A_2941 = tpu.memref_slice %arg10[%dma_wait3A_2940] : memref<100352xf32, #tpu.memory_space<vmem_shared>> -> memref<100352xf32, #tpu.memory_space<vmem_shared>>
        %dma_wait3A_2942 = tpu.memref_slice %arg16[%dma_wait3A_2933] : memref<2x!tpu.dma_semaphore, #tpu.memory_space<semaphore_mem>> -> memref<1x!tpu.dma_semaphore, #tpu.memory_space<semaphore_mem>>
        %dma_wait3A_2943 = tpu.memref_squeeze %dma_wait3A_2942 : memref<1x!tpu.dma_semaphore, #tpu.memory_space<semaphore_mem>> -> memref<!tpu.dma_semaphore, #tpu.memory_space<semaphore_mem>>
        tpu.wait_indirect_dma semaphore(%dma_wait3A_2943 : memref<!tpu.dma_semaphore, #tpu.memory_space<semaphore_mem>>) src(%dma_wait3A_2936 : memref<128xf32, #tpu.memory_space<vmem>>) dst(%dma_wait3A_2941 : memref<100352xf32, #tpu.memory_space<vmem_shared>>)
        %dma_wait3A_2944 = arith.constant 1 : i32
        %dma_wait3A_2945 = arith.constant 2 : i32
        %dma_wait3A_2946 = arith.constant 0 : i32
        %dma_wait3A_2947 = arith.constant 0 : i32
        %dma_wait3A_2948 = arith.constant 1 : i32
        %dma_wait3A_2949 = arith.constant 0 : i32
        %dma_wait3A_2950 = tpu.memref_slice %arg14[%dma_wait3A_2944, %dma_wait3A_2945, %dma_wait3A_2949] : memref<2x3x128xf32, #tpu.memory_space<vmem>> -> memref<1x1x128xf32, #tpu.memory_space<vmem>>
        %dma_wait3A_2951 = tpu.memref_squeeze %dma_wait3A_2950 : memref<1x1x128xf32, #tpu.memory_space<vmem>> -> memref<128xf32, #tpu.memory_space<vmem>>
        %dma_wait3A_2952 = arith.constant 0 : i32
        %dma_wait3A_2953 = tpu.memref_slice %arg12[%dma_wait3A_2946, %add3A_1813, %dma_wait3A_2947, %dma_wait3A_2952] : memref<3x50x1x128xi32, #tpu.memory_space<vmem>> -> memref<1x1x1x128xi32, #tpu.memory_space<vmem>>
        %dma_wait3A_2954 = tpu.memref_squeeze %dma_wait3A_2953 : memref<1x1x1x128xi32, #tpu.memory_space<vmem>> -> memref<128xi32, #tpu.memory_space<vmem>>
        %dma_wait3A_2955 = arith.constant 0 : i32
        %dma_wait3A_2956 = tpu.memref_slice %arg11[%dma_wait3A_2955] : memref<100352xf32, #tpu.memory_space<vmem_shared>> -> memref<100352xf32, #tpu.memory_space<vmem_shared>>
        %dma_wait3A_2957 = tpu.memref_slice %arg16[%dma_wait3A_2948] : memref<2x!tpu.dma_semaphore, #tpu.memory_space<semaphore_mem>> -> memref<1x!tpu.dma_semaphore, #tpu.memory_space<semaphore_mem>>
        %dma_wait3A_2958 = tpu.memref_squeeze %dma_wait3A_2957 : memref<1x!tpu.dma_semaphore, #tpu.memory_space<semaphore_mem>> -> memref<!tpu.dma_semaphore, #tpu.memory_space<semaphore_mem>>
        tpu.wait_indirect_dma semaphore(%dma_wait3A_2958 : memref<!tpu.dma_semaphore, #tpu.memory_space<semaphore_mem>>) src(%dma_wait3A_2951 : memref<128xf32, #tpu.memory_space<vmem>>) dst(%dma_wait3A_2956 : memref<100352xf32, #tpu.memory_space<vmem_shared>>)
        %dma_wait3A_2959 = arith.constant 1 : i32
        %dma_wait3A_2960 = arith.constant 0 : i32
        %dma_wait3A_2961 = arith.constant 1 : i32
        %dma_wait3A_2962 = arith.constant 0 : i32
        %dma_wait3A_2963 = arith.constant 1 : i32
        %dma_wait3A_2964 = arith.constant 0 : i32
        %dma_wait3A_2965 = tpu.memref_slice %arg14[%dma_wait3A_2959, %dma_wait3A_2960, %dma_wait3A_2964] : memref<2x3x128xf32, #tpu.memory_space<vmem>> -> memref<1x1x128xf32, #tpu.memory_space<vmem>>
        %dma_wait3A_2966 = tpu.memref_squeeze %dma_wait3A_2965 : memref<1x1x128xf32, #tpu.memory_space<vmem>> -> memref<128xf32, #tpu.memory_space<vmem>>
        %dma_wait3A_2967 = arith.constant 0 : i32
        %dma_wait3A_2968 = tpu.memref_slice %arg12[%dma_wait3A_2961, %add3A_1813, %dma_wait3A_2962, %dma_wait3A_2967] : memref<3x50x1x128xi32, #tpu.memory_space<vmem>> -> memref<1x1x1x128xi32, #tpu.memory_space<vmem>>
        %dma_wait3A_2969 = tpu.memref_squeeze %dma_wait3A_2968 : memref<1x1x1x128xi32, #tpu.memory_space<vmem>> -> memref<128xi32, #tpu.memory_space<vmem>>
        %dma_wait3A_2970 = arith.constant 0 : i32
        %dma_wait3A_2971 = tpu.memref_slice %arg9[%dma_wait3A_2970] : memref<100352xf32, #tpu.memory_space<vmem_shared>> -> memref<100352xf32, #tpu.memory_space<vmem_shared>>
        %dma_wait3A_2972 = tpu.memref_slice %arg16[%dma_wait3A_2963] : memref<2x!tpu.dma_semaphore, #tpu.memory_space<semaphore_mem>> -> memref<1x!tpu.dma_semaphore, #tpu.memory_space<semaphore_mem>>
        %dma_wait3A_2973 = tpu.memref_squeeze %dma_wait3A_2972 : memref<1x!tpu.dma_semaphore, #tpu.memory_space<semaphore_mem>> -> memref<!tpu.dma_semaphore, #tpu.memory_space<semaphore_mem>>
        tpu.wait_indirect_dma semaphore(%dma_wait3A_2973 : memref<!tpu.dma_semaphore, #tpu.memory_space<semaphore_mem>>) src(%dma_wait3A_2966 : memref<128xf32, #tpu.memory_space<vmem>>) dst(%dma_wait3A_2971 : memref<100352xf32, #tpu.memory_space<vmem_shared>>)
        %dma_wait3A_2974 = arith.constant 1 : i32
        %dma_wait3A_2975 = arith.constant 1 : i32
        %dma_wait3A_2976 = arith.constant 1 : i32
        %dma_wait3A_2977 = arith.constant 0 : i32
        %dma_wait3A_2978 = arith.constant 1 : i32
        %dma_wait3A_2979 = arith.constant 0 : i32
        %dma_wait3A_2980 = tpu.memref_slice %arg14[%dma_wait3A_2974, %dma_wait3A_2975, %dma_wait3A_2979] : memref<2x3x128xf32, #tpu.memory_space<vmem>> -> memref<1x1x128xf32, #tpu.memory_space<vmem>>
        %dma_wait3A_2981 = tpu.memref_squeeze %dma_wait3A_2980 : memref<1x1x128xf32, #tpu.memory_space<vmem>> -> memref<128xf32, #tpu.memory_space<vmem>>
        %dma_wait3A_2982 = arith.constant 0 : i32
        %dma_wait3A_2983 = tpu.memref_slice %arg12[%dma_wait3A_2976, %add3A_1813, %dma_wait3A_2977, %dma_wait3A_2982] : memref<3x50x1x128xi32, #tpu.memory_space<vmem>> -> memref<1x1x1x128xi32, #tpu.memory_space<vmem>>
        %dma_wait3A_2984 = tpu.memref_squeeze %dma_wait3A_2983 : memref<1x1x1x128xi32, #tpu.memory_space<vmem>> -> memref<128xi32, #tpu.memory_space<vmem>>
        %dma_wait3A_2985 = arith.constant 0 : i32
        %dma_wait3A_2986 = tpu.memref_slice %arg10[%dma_wait3A_2985] : memref<100352xf32, #tpu.memory_space<vmem_shared>> -> memref<100352xf32, #tpu.memory_space<vmem_shared>>
        %dma_wait3A_2987 = tpu.memref_slice %arg16[%dma_wait3A_2978] : memref<2x!tpu.dma_semaphore, #tpu.memory_space<semaphore_mem>> -> memref<1x!tpu.dma_semaphore, #tpu.memory_space<semaphore_mem>>
        %dma_wait3A_2988 = tpu.memref_squeeze %dma_wait3A_2987 : memref<1x!tpu.dma_semaphore, #tpu.memory_space<semaphore_mem>> -> memref<!tpu.dma_semaphore, #tpu.memory_space<semaphore_mem>>
        tpu.wait_indirect_dma semaphore(%dma_wait3A_2988 : memref<!tpu.dma_semaphore, #tpu.memory_space<semaphore_mem>>) src(%dma_wait3A_2981 : memref<128xf32, #tpu.memory_space<vmem>>) dst(%dma_wait3A_2986 : memref<100352xf32, #tpu.memory_space<vmem_shared>>)
        %dma_wait3A_2989 = arith.constant 1 : i32
        %dma_wait3A_2990 = arith.constant 2 : i32
        %dma_wait3A_2991 = arith.constant 1 : i32
        %dma_wait3A_2992 = arith.constant 0 : i32
        %dma_wait3A_2993 = arith.constant 1 : i32
        %dma_wait3A_2994 = arith.constant 0 : i32
        %dma_wait3A_2995 = tpu.memref_slice %arg14[%dma_wait3A_2989, %dma_wait3A_2990, %dma_wait3A_2994] : memref<2x3x128xf32, #tpu.memory_space<vmem>> -> memref<1x1x128xf32, #tpu.memory_space<vmem>>
        %dma_wait3A_2996 = tpu.memref_squeeze %dma_wait3A_2995 : memref<1x1x128xf32, #tpu.memory_space<vmem>> -> memref<128xf32, #tpu.memory_space<vmem>>
        %dma_wait3A_2997 = arith.constant 0 : i32
        %dma_wait3A_2998 = tpu.memref_slice %arg12[%dma_wait3A_2991, %add3A_1813, %dma_wait3A_2992, %dma_wait3A_2997] : memref<3x50x1x128xi32, #tpu.memory_space<vmem>> -> memref<1x1x1x128xi32, #tpu.memory_space<vmem>>
        %dma_wait3A_2999 = tpu.memref_squeeze %dma_wait3A_2998 : memref<1x1x1x128xi32, #tpu.memory_space<vmem>> -> memref<128xi32, #tpu.memory_space<vmem>>
        %dma_wait3A_3000 = arith.constant 0 : i32
        %dma_wait3A_3001 = tpu.memref_slice %arg11[%dma_wait3A_3000] : memref<100352xf32, #tpu.memory_space<vmem_shared>> -> memref<100352xf32, #tpu.memory_space<vmem_shared>>
        %dma_wait3A_3002 = tpu.memref_slice %arg16[%dma_wait3A_2993] : memref<2x!tpu.dma_semaphore, #tpu.memory_space<semaphore_mem>> -> memref<1x!tpu.dma_semaphore, #tpu.memory_space<semaphore_mem>>
        %dma_wait3A_3003 = tpu.memref_squeeze %dma_wait3A_3002 : memref<1x!tpu.dma_semaphore, #tpu.memory_space<semaphore_mem>> -> memref<!tpu.dma_semaphore, #tpu.memory_space<semaphore_mem>>
        tpu.wait_indirect_dma semaphore(%dma_wait3A_3003 : memref<!tpu.dma_semaphore, #tpu.memory_space<semaphore_mem>>) src(%dma_wait3A_2996 : memref<128xf32, #tpu.memory_space<vmem>>) dst(%dma_wait3A_3001 : memref<100352xf32, #tpu.memory_space<vmem_shared>>)
        %dma_wait3A_3004 = arith.constant 1 : i32
        %dma_wait3A_3005 = arith.constant 0 : i32
        %dma_wait3A_3006 = arith.constant 2 : i32
        %dma_wait3A_3007 = arith.constant 0 : i32
        %dma_wait3A_3008 = arith.constant 1 : i32
        %dma_wait3A_3009 = arith.constant 0 : i32
        %dma_wait3A_3010 = tpu.memref_slice %arg14[%dma_wait3A_3004, %dma_wait3A_3005, %dma_wait3A_3009] : memref<2x3x128xf32, #tpu.memory_space<vmem>> -> memref<1x1x128xf32, #tpu.memory_space<vmem>>
        %dma_wait3A_3011 = tpu.memref_squeeze %dma_wait3A_3010 : memref<1x1x128xf32, #tpu.memory_space<vmem>> -> memref<128xf32, #tpu.memory_space<vmem>>
        %dma_wait3A_3012 = arith.constant 0 : i32
        %dma_wait3A_3013 = tpu.memref_slice %arg12[%dma_wait3A_3006, %add3A_1813, %dma_wait3A_3007, %dma_wait3A_3012] : memref<3x50x1x128xi32, #tpu.memory_space<vmem>> -> memref<1x1x1x128xi32, #tpu.memory_space<vmem>>
        %dma_wait3A_3014 = tpu.memref_squeeze %dma_wait3A_3013 : memref<1x1x1x128xi32, #tpu.memory_space<vmem>> -> memref<128xi32, #tpu.memory_space<vmem>>
        %dma_wait3A_3015 = arith.constant 0 : i32
        %dma_wait3A_3016 = tpu.memref_slice %arg9[%dma_wait3A_3015] : memref<100352xf32, #tpu.memory_space<vmem_shared>> -> memref<100352xf32, #tpu.memory_space<vmem_shared>>
        %dma_wait3A_3017 = tpu.memref_slice %arg16[%dma_wait3A_3008] : memref<2x!tpu.dma_semaphore, #tpu.memory_space<semaphore_mem>> -> memref<1x!tpu.dma_semaphore, #tpu.memory_space<semaphore_mem>>
        %dma_wait3A_3018 = tpu.memref_squeeze %dma_wait3A_3017 : memref<1x!tpu.dma_semaphore, #tpu.memory_space<semaphore_mem>> -> memref<!tpu.dma_semaphore, #tpu.memory_space<semaphore_mem>>
        tpu.wait_indirect_dma semaphore(%dma_wait3A_3018 : memref<!tpu.dma_semaphore, #tpu.memory_space<semaphore_mem>>) src(%dma_wait3A_3011 : memref<128xf32, #tpu.memory_space<vmem>>) dst(%dma_wait3A_3016 : memref<100352xf32, #tpu.memory_space<vmem_shared>>)
        %dma_wait3A_3019 = arith.constant 1 : i32
        %dma_wait3A_3020 = arith.constant 1 : i32
        %dma_wait3A_3021 = arith.constant 2 : i32
        %dma_wait3A_3022 = arith.constant 0 : i32
        %dma_wait3A_3023 = arith.constant 1 : i32
        %dma_wait3A_3024 = arith.constant 0 : i32
        %dma_wait3A_3025 = tpu.memref_slice %arg14[%dma_wait3A_3019, %dma_wait3A_3020, %dma_wait3A_3024] : memref<2x3x128xf32, #tpu.memory_space<vmem>> -> memref<1x1x128xf32, #tpu.memory_space<vmem>>
        %dma_wait3A_3026 = tpu.memref_squeeze %dma_wait3A_3025 : memref<1x1x128xf32, #tpu.memory_space<vmem>> -> memref<128xf32, #tpu.memory_space<vmem>>
        %dma_wait3A_3027 = arith.constant 0 : i32
        %dma_wait3A_3028 = tpu.memref_slice %arg12[%dma_wait3A_3021, %add3A_1813, %dma_wait3A_3022, %dma_wait3A_3027] : memref<3x50x1x128xi32, #tpu.memory_space<vmem>> -> memref<1x1x1x128xi32, #tpu.memory_space<vmem>>
        %dma_wait3A_3029 = tpu.memref_squeeze %dma_wait3A_3028 : memref<1x1x1x128xi32, #tpu.memory_space<vmem>> -> memref<128xi32, #tpu.memory_space<vmem>>
        %dma_wait3A_3030 = arith.constant 0 : i32
        %dma_wait3A_3031 = tpu.memref_slice %arg10[%dma_wait3A_3030] : memref<100352xf32, #tpu.memory_space<vmem_shared>> -> memref<100352xf32, #tpu.memory_space<vmem_shared>>
        %dma_wait3A_3032 = tpu.memref_slice %arg16[%dma_wait3A_3023] : memref<2x!tpu.dma_semaphore, #tpu.memory_space<semaphore_mem>> -> memref<1x!tpu.dma_semaphore, #tpu.memory_space<semaphore_mem>>
        %dma_wait3A_3033 = tpu.memref_squeeze %dma_wait3A_3032 : memref<1x!tpu.dma_semaphore, #tpu.memory_space<semaphore_mem>> -> memref<!tpu.dma_semaphore, #tpu.memory_space<semaphore_mem>>
        tpu.wait_indirect_dma semaphore(%dma_wait3A_3033 : memref<!tpu.dma_semaphore, #tpu.memory_space<semaphore_mem>>) src(%dma_wait3A_3026 : memref<128xf32, #tpu.memory_space<vmem>>) dst(%dma_wait3A_3031 : memref<100352xf32, #tpu.memory_space<vmem_shared>>)
        %dma_wait3A_3034 = arith.constant 1 : i32
        %dma_wait3A_3035 = arith.constant 2 : i32
        %dma_wait3A_3036 = arith.constant 2 : i32
        %dma_wait3A_3037 = arith.constant 0 : i32
        %dma_wait3A_3038 = arith.constant 1 : i32
        %dma_wait3A_3039 = arith.constant 0 : i32
        %dma_wait3A_3040 = tpu.memref_slice %arg14[%dma_wait3A_3034, %dma_wait3A_3035, %dma_wait3A_3039] : memref<2x3x128xf32, #tpu.memory_space<vmem>> -> memref<1x1x128xf32, #tpu.memory_space<vmem>>
        %dma_wait3A_3041 = tpu.memref_squeeze %dma_wait3A_3040 : memref<1x1x128xf32, #tpu.memory_space<vmem>> -> memref<128xf32, #tpu.memory_space<vmem>>
        %dma_wait3A_3042 = arith.constant 0 : i32
        %dma_wait3A_3043 = tpu.memref_slice %arg12[%dma_wait3A_3036, %add3A_1813, %dma_wait3A_3037, %dma_wait3A_3042] : memref<3x50x1x128xi32, #tpu.memory_space<vmem>> -> memref<1x1x1x128xi32, #tpu.memory_space<vmem>>
        %dma_wait3A_3044 = tpu.memref_squeeze %dma_wait3A_3043 : memref<1x1x1x128xi32, #tpu.memory_space<vmem>> -> memref<128xi32, #tpu.memory_space<vmem>>
        %dma_wait3A_3045 = arith.constant 0 : i32
        %dma_wait3A_3046 = tpu.memref_slice %arg11[%dma_wait3A_3045] : memref<100352xf32, #tpu.memory_space<vmem_shared>> -> memref<100352xf32, #tpu.memory_space<vmem_shared>>
        %dma_wait3A_3047 = tpu.memref_slice %arg16[%dma_wait3A_3038] : memref<2x!tpu.dma_semaphore, #tpu.memory_space<semaphore_mem>> -> memref<1x!tpu.dma_semaphore, #tpu.memory_space<semaphore_mem>>
        %dma_wait3A_3048 = tpu.memref_squeeze %dma_wait3A_3047 : memref<1x!tpu.dma_semaphore, #tpu.memory_space<semaphore_mem>> -> memref<!tpu.dma_semaphore, #tpu.memory_space<semaphore_mem>>
        tpu.wait_indirect_dma semaphore(%dma_wait3A_3048 : memref<!tpu.dma_semaphore, #tpu.memory_space<semaphore_mem>>) src(%dma_wait3A_3041 : memref<128xf32, #tpu.memory_space<vmem>>) dst(%dma_wait3A_3046 : memref<100352xf32, #tpu.memory_space<vmem_shared>>)
      } else {
      }
      %get3A_1963 = arith.constant 1 : i32
      %get3A_1964 = arith.constant 0 : i32
      %get3A_1965 = arith.index_cast %get3A_1963 : i32 to index
      %get3A_1966 = arith.index_cast %get3A_1964 : i32 to index
      %get3A_1967 = arith.constant 0 : index
      %get3A_1968 = tpu.vector_load %arg13[%get3A_1965, %get3A_1966, %get3A_1967] {strides = array<i32>} : memref<2x9x128xf32, #tpu.memory_space<vmem>>, vector<1x1x16xf32>,
      %get3A_1969 = vector.shape_cast %get3A_1968 : vector<1x1x16xf32> to vector<16xf32>
      %get3A_1970 = arith.constant 1 : i32
      %get3A_1971 = arith.constant 1 : i32
      %get3A_1972 = arith.index_cast %get3A_1970 : i32 to index
      %get3A_1973 = arith.index_cast %get3A_1971 : i32 to index
      %get3A_1974 = arith.constant 0 : index
      %get3A_1975 = tpu.vector_load %arg13[%get3A_1972, %get3A_1973, %get3A_1974] {strides = array<i32>} : memref<2x9x128xf32, #tpu.memory_space<vmem>>, vector<1x1x16xf32>,
      %get3A_1976 = vector.shape_cast %get3A_1975 : vector<1x1x16xf32> to vector<16xf32>
      %get3A_1977 = arith.constant 1 : i32
      %get3A_1978 = arith.constant 2 : i32
      %get3A_1979 = arith.index_cast %get3A_1977 : i32 to index
      %get3A_1980 = arith.index_cast %get3A_1978 : i32 to index
      %get3A_1981 = arith.constant 0 : index
      %get3A_1982 = tpu.vector_load %arg13[%get3A_1979, %get3A_1980, %get3A_1981] {strides = array<i32>} : memref<2x9x128xf32, #tpu.memory_space<vmem>>, vector<1x1x16xf32>,
      %get3A_1983 = vector.shape_cast %get3A_1982 : vector<1x1x16xf32> to vector<16xf32>
      %get3A_1984 = arith.constant 1 : i32
      %get3A_1985 = arith.constant 3 : i32
      %get3A_1986 = arith.index_cast %get3A_1984 : i32 to index
      %get3A_1987 = arith.index_cast %get3A_1985 : i32 to index
      %get3A_1988 = arith.constant 0 : index
      %get3A_1989 = tpu.vector_load %arg13[%get3A_1986, %get3A_1987, %get3A_1988] {strides = array<i32>} : memref<2x9x128xf32, #tpu.memory_space<vmem>>, vector<1x1x16xf32>,
      %get3A_1990 = vector.shape_cast %get3A_1989 : vector<1x1x16xf32> to vector<16xf32>
      %get3A_1991 = arith.constant 1 : i32
      %get3A_1992 = arith.constant 4 : i32
      %get3A_1993 = arith.index_cast %get3A_1991 : i32 to index
      %get3A_1994 = arith.index_cast %get3A_1992 : i32 to index
      %get3A_1995 = arith.constant 0 : index
      %get3A_1996 = tpu.vector_load %arg13[%get3A_1993, %get3A_1994, %get3A_1995] {strides = array<i32>} : memref<2x9x128xf32, #tpu.memory_space<vmem>>, vector<1x1x16xf32>,
      %get3A_1997 = vector.shape_cast %get3A_1996 : vector<1x1x16xf32> to vector<16xf32>
      %get3A_1998 = arith.constant 1 : i32
      %get3A_1999 = arith.constant 5 : i32
      %get3A_2000 = arith.index_cast %get3A_1998 : i32 to index
      %get3A_2001 = arith.index_cast %get3A_1999 : i32 to index
      %get3A_2002 = arith.constant 0 : index
      %get3A_2003 = tpu.vector_load %arg13[%get3A_2000, %get3A_2001, %get3A_2002] {strides = array<i32>} : memref<2x9x128xf32, #tpu.memory_space<vmem>>, vector<1x1x16xf32>,
      %get3A_2004 = vector.shape_cast %get3A_2003 : vector<1x1x16xf32> to vector<16xf32>
      %get3A_2005 = arith.constant 1 : i32
      %get3A_2006 = arith.constant 6 : i32
      %get3A_2007 = arith.index_cast %get3A_2005 : i32 to index
      %get3A_2008 = arith.index_cast %get3A_2006 : i32 to index
      %get3A_2009 = arith.constant 0 : index
      %get3A_2010 = tpu.vector_load %arg13[%get3A_2007, %get3A_2008, %get3A_2009] {strides = array<i32>} : memref<2x9x128xf32, #tpu.memory_space<vmem>>, vector<1x1x16xf32>,
      %get3A_2011 = vector.shape_cast %get3A_2010 : vector<1x1x16xf32> to vector<16xf32>
      %get3A_2012 = arith.constant 1 : i32
      %get3A_2013 = arith.constant 7 : i32
      %get3A_2014 = arith.index_cast %get3A_2012 : i32 to index
      %get3A_2015 = arith.index_cast %get3A_2013 : i32 to index
      %get3A_2016 = arith.constant 0 : index
      %get3A_2017 = tpu.vector_load %arg13[%get3A_2014, %get3A_2015, %get3A_2016] {strides = array<i32>} : memref<2x9x128xf32, #tpu.memory_space<vmem>>, vector<1x1x16xf32>,
      %get3A_2018 = vector.shape_cast %get3A_2017 : vector<1x1x16xf32> to vector<16xf32>
      %get3A_2019 = arith.constant 1 : i32
      %get3A_2020 = arith.constant 8 : i32
      %get3A_2021 = arith.index_cast %get3A_2019 : i32 to index
      %get3A_2022 = arith.index_cast %get3A_2020 : i32 to index
      %get3A_2023 = arith.constant 0 : index
      %get3A_2024 = tpu.vector_load %arg13[%get3A_2021, %get3A_2022, %get3A_2023] {strides = array<i32>} : memref<2x9x128xf32, #tpu.memory_space<vmem>>, vector<1x1x16xf32>,
      %get3A_2025 = vector.shape_cast %get3A_2024 : vector<1x1x16xf32> to vector<16xf32>
      %sub3A_2026 = arith.subf %get3A_1990, %get3A_1969 : vector<16xf32>
      %sub3A_2027 = arith.subf %get3A_1997, %get3A_1976 : vector<16xf32>
      %sub3A_2028 = arith.subf %get3A_2004, %get3A_1983 : vector<16xf32>
      %sub3A_2029 = arith.subf %get3A_2011, %get3A_1969 : vector<16xf32>
      %sub3A_2030 = arith.subf %get3A_2018, %get3A_1976 : vector<16xf32>
      %sub3A_2031 = arith.subf %get3A_2025, %get3A_1983 : vector<16xf32>
      %mul3A_2032 = arith.mulf %sub3A_2027, %sub3A_2031 : vector<16xf32>
      %mul3A_2033 = arith.mulf %sub3A_2028, %sub3A_2030 : vector<16xf32>
      %sub3A_2034 = arith.subf %mul3A_2032, %mul3A_2033 : vector<16xf32>
      %swap3A_2035 = arith.constant 1 : i32
      %swap3A_2036 = arith.constant 0 : i32
      %swap3A_2037 = arith.index_cast %swap3A_2035 : i32 to index
      %swap3A_2038 = arith.index_cast %swap3A_2036 : i32 to index
      %swap3A_2039 = arith.constant 0 : index
      %swap3A_2040 = tpu.vector_load %arg14[%swap3A_2037, %swap3A_2038, %swap3A_2039] {strides = array<i32>} : memref<2x3x128xf32, #tpu.memory_space<vmem>>, vector<1x1x16xf32>,
      %swap3A_2041 = vector.shape_cast %swap3A_2040 : vector<1x1x16xf32> to vector<16xf32>
      %swap3A_2042 = vector.shape_cast %sub3A_2034 : vector<16xf32> to vector<1x1x16xf32>
      tpu.vector_store %arg14[%swap3A_2037, %swap3A_2038, %swap3A_2039], %swap3A_2042 {strides = array<i32>} : memref<2x3x128xf32, #tpu.memory_space<vmem>>, vector<1x1x16xf32>,
      %mul3A_2043 = arith.mulf %sub3A_2028, %sub3A_2029 : vector<16xf32>
      %mul3A_2044 = arith.mulf %sub3A_2026, %sub3A_2031 : vector<16xf32>
      %sub3A_2045 = arith.subf %mul3A_2043, %mul3A_2044 : vector<16xf32>
      %swap3A_2046 = arith.constant 1 : i32
      %swap3A_2047 = arith.constant 1 : i32
      %swap3A_2048 = arith.index_cast %swap3A_2046 : i32 to index
      %swap3A_2049 = arith.index_cast %swap3A_2047 : i32 to index
      %swap3A_2050 = arith.constant 0 : index
      %swap3A_2051 = tpu.vector_load %arg14[%swap3A_2048, %swap3A_2049, %swap3A_2050] {strides = array<i32>} : memref<2x3x128xf32, #tpu.memory_space<vmem>>, vector<1x1x16xf32>,
      %swap3A_2052 = vector.shape_cast %swap3A_2051 : vector<1x1x16xf32> to vector<16xf32>
      %swap3A_2053 = vector.shape_cast %sub3A_2045 : vector<16xf32> to vector<1x1x16xf32>
      tpu.vector_store %arg14[%swap3A_2048, %swap3A_2049, %swap3A_2050], %swap3A_2053 {strides = array<i32>} : memref<2x3x128xf32, #tpu.memory_space<vmem>>, vector<1x1x16xf32>,
      %mul3A_2054 = arith.mulf %sub3A_2026, %sub3A_2030 : vector<16xf32>
      %mul3A_2055 = arith.mulf %sub3A_2027, %sub3A_2029 : vector<16xf32>
      %sub3A_2056 = arith.subf %mul3A_2054, %mul3A_2055 : vector<16xf32>
      %swap3A_2057 = arith.constant 1 : i32
      %swap3A_2058 = arith.constant 2 : i32
      %swap3A_2059 = arith.index_cast %swap3A_2057 : i32 to index
      %swap3A_2060 = arith.index_cast %swap3A_2058 : i32 to index
      %swap3A_2061 = arith.constant 0 : index
      %swap3A_2062 = tpu.vector_load %arg14[%swap3A_2059, %swap3A_2060, %swap3A_2061] {strides = array<i32>} : memref<2x3x128xf32, #tpu.memory_space<vmem>>, vector<1x1x16xf32>,
      %swap3A_2063 = vector.shape_cast %swap3A_2062 : vector<1x1x16xf32> to vector<16xf32>
      %swap3A_2064 = vector.shape_cast %sub3A_2056 : vector<16xf32> to vector<1x1x16xf32>
      tpu.vector_store %arg14[%swap3A_2059, %swap3A_2060, %swap3A_2061], %swap3A_2064 {strides = array<i32>} : memref<2x3x128xf32, #tpu.memory_space<vmem>>, vector<1x1x16xf32>,
      %get3A_2065 = arith.constant 1 : i32
      %get3A_2066 = arith.constant 0 : i32
      %get3A_2067 = arith.index_cast %get3A_2065 : i32 to index
      %get3A_2068 = arith.index_cast %get3A_2066 : i32 to index
      %get3A_2069 = arith.constant 16 : index
      %get3A_2070 = tpu.vector_load %arg13[%get3A_2067, %get3A_2068, %get3A_2069] {strides = array<i32>} : memref<2x9x128xf32, #tpu.memory_space<vmem>>, vector<1x1x16xf32>,
      %get3A_2071 = vector.shape_cast %get3A_2070 : vector<1x1x16xf32> to vector<16xf32>
      %get3A_2072 = arith.constant 1 : i32
      %get3A_2073 = arith.constant 1 : i32
      %get3A_2074 = arith.index_cast %get3A_2072 : i32 to index
      %get3A_2075 = arith.index_cast %get3A_2073 : i32 to index
      %get3A_2076 = arith.constant 16 : index
      %get3A_2077 = tpu.vector_load %arg13[%get3A_2074, %get3A_2075, %get3A_2076] {strides = array<i32>} : memref<2x9x128xf32, #tpu.memory_space<vmem>>, vector<1x1x16xf32>,
      %get3A_2078 = vector.shape_cast %get3A_2077 : vector<1x1x16xf32> to vector<16xf32>
      %get3A_2079 = arith.constant 1 : i32
      %get3A_2080 = arith.constant 2 : i32
      %get3A_2081 = arith.index_cast %get3A_2079 : i32 to index
      %get3A_2082 = arith.index_cast %get3A_2080 : i32 to index
      %get3A_2083 = arith.constant 16 : index
      %get3A_2084 = tpu.vector_load %arg13[%get3A_2081, %get3A_2082, %get3A_2083] {strides = array<i32>} : memref<2x9x128xf32, #tpu.memory_space<vmem>>, vector<1x1x16xf32>,
      %get3A_2085 = vector.shape_cast %get3A_2084 : vector<1x1x16xf32> to vector<16xf32>
      %get3A_2086 = arith.constant 1 : i32
      %get3A_2087 = arith.constant 3 : i32
      %get3A_2088 = arith.index_cast %get3A_2086 : i32 to index
      %get3A_2089 = arith.index_cast %get3A_2087 : i32 to index
      %get3A_2090 = arith.constant 16 : index
      %get3A_2091 = tpu.vector_load %arg13[%get3A_2088, %get3A_2089, %get3A_2090] {strides = array<i32>} : memref<2x9x128xf32, #tpu.memory_space<vmem>>, vector<1x1x16xf32>,
      %get3A_2092 = vector.shape_cast %get3A_2091 : vector<1x1x16xf32> to vector<16xf32>
      %get3A_2093 = arith.constant 1 : i32
      %get3A_2094 = arith.constant 4 : i32
      %get3A_2095 = arith.index_cast %get3A_2093 : i32 to index
      %get3A_2096 = arith.index_cast %get3A_2094 : i32 to index
      %get3A_2097 = arith.constant 16 : index
      %get3A_2098 = tpu.vector_load %arg13[%get3A_2095, %get3A_2096, %get3A_2097] {strides = array<i32>} : memref<2x9x128xf32, #tpu.memory_space<vmem>>, vector<1x1x16xf32>,
      %get3A_2099 = vector.shape_cast %get3A_2098 : vector<1x1x16xf32> to vector<16xf32>
      %get3A_2100 = arith.constant 1 : i32
      %get3A_2101 = arith.constant 5 : i32
      %get3A_2102 = arith.index_cast %get3A_2100 : i32 to index
      %get3A_2103 = arith.index_cast %get3A_2101 : i32 to index
      %get3A_2104 = arith.constant 16 : index
      %get3A_2105 = tpu.vector_load %arg13[%get3A_2102, %get3A_2103, %get3A_2104] {strides = array<i32>} : memref<2x9x128xf32, #tpu.memory_space<vmem>>, vector<1x1x16xf32>,
      %get3A_2106 = vector.shape_cast %get3A_2105 : vector<1x1x16xf32> to vector<16xf32>
      %get3A_2107 = arith.constant 1 : i32
      %get3A_2108 = arith.constant 6 : i32
      %get3A_2109 = arith.index_cast %get3A_2107 : i32 to index
      %get3A_2110 = arith.index_cast %get3A_2108 : i32 to index
      %get3A_2111 = arith.constant 16 : index
      %get3A_2112 = tpu.vector_load %arg13[%get3A_2109, %get3A_2110, %get3A_2111] {strides = array<i32>} : memref<2x9x128xf32, #tpu.memory_space<vmem>>, vector<1x1x16xf32>,
      %get3A_2113 = vector.shape_cast %get3A_2112 : vector<1x1x16xf32> to vector<16xf32>
      %get3A_2114 = arith.constant 1 : i32
      %get3A_2115 = arith.constant 7 : i32
      %get3A_2116 = arith.index_cast %get3A_2114 : i32 to index
      %get3A_2117 = arith.index_cast %get3A_2115 : i32 to index
      %get3A_2118 = arith.constant 16 : index
      %get3A_2119 = tpu.vector_load %arg13[%get3A_2116, %get3A_2117, %get3A_2118] {strides = array<i32>} : memref<2x9x128xf32, #tpu.memory_space<vmem>>, vector<1x1x16xf32>,
      %get3A_2120 = vector.shape_cast %get3A_2119 : vector<1x1x16xf32> to vector<16xf32>
      %get3A_2121 = arith.constant 1 : i32
      %get3A_2122 = arith.constant 8 : i32
      %get3A_2123 = arith.index_cast %get3A_2121 : i32 to index
      %get3A_2124 = arith.index_cast %get3A_2122 : i32 to index
      %get3A_2125 = arith.constant 16 : index
      %get3A_2126 = tpu.vector_load %arg13[%get3A_2123, %get3A_2124, %get3A_2125] {strides = array<i32>} : memref<2x9x128xf32, #tpu.memory_space<vmem>>, vector<1x1x16xf32>,
      %get3A_2127 = vector.shape_cast %get3A_2126 : vector<1x1x16xf32> to vector<16xf32>
      %sub3A_2128 = arith.subf %get3A_2092, %get3A_2071 : vector<16xf32>
      %sub3A_2129 = arith.subf %get3A_2099, %get3A_2078 : vector<16xf32>
      %sub3A_2130 = arith.subf %get3A_2106, %get3A_2085 : vector<16xf32>
      %sub3A_2131 = arith.subf %get3A_2113, %get3A_2071 : vector<16xf32>
      %sub3A_2132 = arith.subf %get3A_2120, %get3A_2078 : vector<16xf32>
      %sub3A_2133 = arith.subf %get3A_2127, %get3A_2085 : vector<16xf32>
      %mul3A_2134 = arith.mulf %sub3A_2129, %sub3A_2133 : vector<16xf32>
      %mul3A_2135 = arith.mulf %sub3A_2130, %sub3A_2132 : vector<16xf32>
      %sub3A_2136 = arith.subf %mul3A_2134, %mul3A_2135 : vector<16xf32>
      %swap3A_2137 = arith.constant 1 : i32
      %swap3A_2138 = arith.constant 0 : i32
      %swap3A_2139 = arith.index_cast %swap3A_2137 : i32 to index
      %swap3A_2140 = arith.index_cast %swap3A_2138 : i32 to index
      %swap3A_2141 = arith.constant 16 : index
      %swap3A_2142 = tpu.vector_load %arg14[%swap3A_2139, %swap3A_2140, %swap3A_2141] {strides = array<i32>} : memref<2x3x128xf32, #tpu.memory_space<vmem>>, vector<1x1x16xf32>,
      %swap3A_2143 = vector.shape_cast %swap3A_2142 : vector<1x1x16xf32> to vector<16xf32>
      %swap3A_2144 = vector.shape_cast %sub3A_2136 : vector<16xf32> to vector<1x1x16xf32>
      tpu.vector_store %arg14[%swap3A_2139, %swap3A_2140, %swap3A_2141], %swap3A_2144 {strides = array<i32>} : memref<2x3x128xf32, #tpu.memory_space<vmem>>, vector<1x1x16xf32>,
      %mul3A_2145 = arith.mulf %sub3A_2130, %sub3A_2131 : vector<16xf32>
      %mul3A_2146 = arith.mulf %sub3A_2128, %sub3A_2133 : vector<16xf32>
      %sub3A_2147 = arith.subf %mul3A_2145, %mul3A_2146 : vector<16xf32>
      %swap3A_2148 = arith.constant 1 : i32
      %swap3A_2149 = arith.constant 1 : i32
      %swap3A_2150 = arith.index_cast %swap3A_2148 : i32 to index
      %swap3A_2151 = arith.index_cast %swap3A_2149 : i32 to index
      %swap3A_2152 = arith.constant 16 : index
      %swap3A_2153 = tpu.vector_load %arg14[%swap3A_2150, %swap3A_2151, %swap3A_2152] {strides = array<i32>} : memref<2x3x128xf32, #tpu.memory_space<vmem>>, vector<1x1x16xf32>,
      %swap3A_2154 = vector.shape_cast %swap3A_2153 : vector<1x1x16xf32> to vector<16xf32>
      %swap3A_2155 = vector.shape_cast %sub3A_2147 : vector<16xf32> to vector<1x1x16xf32>
      tpu.vector_store %arg14[%swap3A_2150, %swap3A_2151, %swap3A_2152], %swap3A_2155 {strides = array<i32>} : memref<2x3x128xf32, #tpu.memory_space<vmem>>, vector<1x1x16xf32>,
      %mul3A_2156 = arith.mulf %sub3A_2128, %sub3A_2132 : vector<16xf32>
      %mul3A_2157 = arith.mulf %sub3A_2129, %sub3A_2131 : vector<16xf32>
      %sub3A_2158 = arith.subf %mul3A_2156, %mul3A_2157 : vector<16xf32>
      %swap3A_2159 = arith.constant 1 : i32
      %swap3A_2160 = arith.constant 2 : i32
      %swap3A_2161 = arith.index_cast %swap3A_2159 : i32 to index
      %swap3A_2162 = arith.index_cast %swap3A_2160 : i32 to index
      %swap3A_2163 = arith.constant 16 : index
      %swap3A_2164 = tpu.vector_load %arg14[%swap3A_2161, %swap3A_2162, %swap3A_2163] {strides = array<i32>} : memref<2x3x128xf32, #tpu.memory_space<vmem>>, vector<1x1x16xf32>,
      %swap3A_2165 = vector.shape_cast %swap3A_2164 : vector<1x1x16xf32> to vector<16xf32>
      %swap3A_2166 = vector.shape_cast %sub3A_2158 : vector<16xf32> to vector<1x1x16xf32>
      tpu.vector_store %arg14[%swap3A_2161, %swap3A_2162, %swap3A_2163], %swap3A_2166 {strides = array<i32>} : memref<2x3x128xf32, #tpu.memory_space<vmem>>, vector<1x1x16xf32>,
      %get3A_2167 = arith.constant 1 : i32
      %get3A_2168 = arith.constant 0 : i32
      %get3A_2169 = arith.index_cast %get3A_2167 : i32 to index
      %get3A_2170 = arith.index_cast %get3A_2168 : i32 to index
      %get3A_2171 = arith.constant 32 : index
      %get3A_2172 = tpu.vector_load %arg13[%get3A_2169, %get3A_2170, %get3A_2171] {strides = array<i32>} : memref<2x9x128xf32, #tpu.memory_space<vmem>>, vector<1x1x16xf32>,
      %get3A_2173 = vector.shape_cast %get3A_2172 : vector<1x1x16xf32> to vector<16xf32>
      %get3A_2174 = arith.constant 1 : i32
      %get3A_2175 = arith.constant 1 : i32
      %get3A_2176 = arith.index_cast %get3A_2174 : i32 to index
      %get3A_2177 = arith.index_cast %get3A_2175 : i32 to index
      %get3A_2178 = arith.constant 32 : index
      %get3A_2179 = tpu.vector_load %arg13[%get3A_2176, %get3A_2177, %get3A_2178] {strides = array<i32>} : memref<2x9x128xf32, #tpu.memory_space<vmem>>, vector<1x1x16xf32>,
      %get3A_2180 = vector.shape_cast %get3A_2179 : vector<1x1x16xf32> to vector<16xf32>
      %get3A_2181 = arith.constant 1 : i32
      %get3A_2182 = arith.constant 2 : i32
      %get3A_2183 = arith.index_cast %get3A_2181 : i32 to index
      %get3A_2184 = arith.index_cast %get3A_2182 : i32 to index
      %get3A_2185 = arith.constant 32 : index
      %get3A_2186 = tpu.vector_load %arg13[%get3A_2183, %get3A_2184, %get3A_2185] {strides = array<i32>} : memref<2x9x128xf32, #tpu.memory_space<vmem>>, vector<1x1x16xf32>,
      %get3A_2187 = vector.shape_cast %get3A_2186 : vector<1x1x16xf32> to vector<16xf32>
      %get3A_2188 = arith.constant 1 : i32
      %get3A_2189 = arith.constant 3 : i32
      %get3A_2190 = arith.index_cast %get3A_2188 : i32 to index
      %get3A_2191 = arith.index_cast %get3A_2189 : i32 to index
      %get3A_2192 = arith.constant 32 : index
      %get3A_2193 = tpu.vector_load %arg13[%get3A_2190, %get3A_2191, %get3A_2192] {strides = array<i32>} : memref<2x9x128xf32, #tpu.memory_space<vmem>>, vector<1x1x16xf32>,
      %get3A_2194 = vector.shape_cast %get3A_2193 : vector<1x1x16xf32> to vector<16xf32>
      %get3A_2195 = arith.constant 1 : i32
      %get3A_2196 = arith.constant 4 : i32
      %get3A_2197 = arith.index_cast %get3A_2195 : i32 to index
      %get3A_2198 = arith.index_cast %get3A_2196 : i32 to index
      %get3A_2199 = arith.constant 32 : index
      %get3A_2200 = tpu.vector_load %arg13[%get3A_2197, %get3A_2198, %get3A_2199] {strides = array<i32>} : memref<2x9x128xf32, #tpu.memory_space<vmem>>, vector<1x1x16xf32>,
      %get3A_2201 = vector.shape_cast %get3A_2200 : vector<1x1x16xf32> to vector<16xf32>
      %get3A_2202 = arith.constant 1 : i32
      %get3A_2203 = arith.constant 5 : i32
      %get3A_2204 = arith.index_cast %get3A_2202 : i32 to index
      %get3A_2205 = arith.index_cast %get3A_2203 : i32 to index
      %get3A_2206 = arith.constant 32 : index
      %get3A_2207 = tpu.vector_load %arg13[%get3A_2204, %get3A_2205, %get3A_2206] {strides = array<i32>} : memref<2x9x128xf32, #tpu.memory_space<vmem>>, vector<1x1x16xf32>,
      %get3A_2208 = vector.shape_cast %get3A_2207 : vector<1x1x16xf32> to vector<16xf32>
      %get3A_2209 = arith.constant 1 : i32
      %get3A_2210 = arith.constant 6 : i32
      %get3A_2211 = arith.index_cast %get3A_2209 : i32 to index
      %get3A_2212 = arith.index_cast %get3A_2210 : i32 to index
      %get3A_2213 = arith.constant 32 : index
      %get3A_2214 = tpu.vector_load %arg13[%get3A_2211, %get3A_2212, %get3A_2213] {strides = array<i32>} : memref<2x9x128xf32, #tpu.memory_space<vmem>>, vector<1x1x16xf32>,
      %get3A_2215 = vector.shape_cast %get3A_2214 : vector<1x1x16xf32> to vector<16xf32>
      %get3A_2216 = arith.constant 1 : i32
      %get3A_2217 = arith.constant 7 : i32
      %get3A_2218 = arith.index_cast %get3A_2216 : i32 to index
      %get3A_2219 = arith.index_cast %get3A_2217 : i32 to index
      %get3A_2220 = arith.constant 32 : index
      %get3A_2221 = tpu.vector_load %arg13[%get3A_2218, %get3A_2219, %get3A_2220] {strides = array<i32>} : memref<2x9x128xf32, #tpu.memory_space<vmem>>, vector<1x1x16xf32>,
      %get3A_2222 = vector.shape_cast %get3A_2221 : vector<1x1x16xf32> to vector<16xf32>
      %get3A_2223 = arith.constant 1 : i32
      %get3A_2224 = arith.constant 8 : i32
      %get3A_2225 = arith.index_cast %get3A_2223 : i32 to index
      %get3A_2226 = arith.index_cast %get3A_2224 : i32 to index
      %get3A_2227 = arith.constant 32 : index
      %get3A_2228 = tpu.vector_load %arg13[%get3A_2225, %get3A_2226, %get3A_2227] {strides = array<i32>} : memref<2x9x128xf32, #tpu.memory_space<vmem>>, vector<1x1x16xf32>,
      %get3A_2229 = vector.shape_cast %get3A_2228 : vector<1x1x16xf32> to vector<16xf32>
      %sub3A_2230 = arith.subf %get3A_2194, %get3A_2173 : vector<16xf32>
      %sub3A_2231 = arith.subf %get3A_2201, %get3A_2180 : vector<16xf32>
      %sub3A_2232 = arith.subf %get3A_2208, %get3A_2187 : vector<16xf32>
      %sub3A_2233 = arith.subf %get3A_2215, %get3A_2173 : vector<16xf32>
      %sub3A_2234 = arith.subf %get3A_2222, %get3A_2180 : vector<16xf32>
      %sub3A_2235 = arith.subf %get3A_2229, %get3A_2187 : vector<16xf32>
      %mul3A_2236 = arith.mulf %sub3A_2231, %sub3A_2235 : vector<16xf32>
      %mul3A_2237 = arith.mulf %sub3A_2232, %sub3A_2234 : vector<16xf32>
      %sub3A_2238 = arith.subf %mul3A_2236, %mul3A_2237 : vector<16xf32>
      %swap3A_2239 = arith.constant 1 : i32
      %swap3A_2240 = arith.constant 0 : i32
      %swap3A_2241 = arith.index_cast %swap3A_2239 : i32 to index
      %swap3A_2242 = arith.index_cast %swap3A_2240 : i32 to index
      %swap3A_2243 = arith.constant 32 : index
      %swap3A_2244 = tpu.vector_load %arg14[%swap3A_2241, %swap3A_2242, %swap3A_2243] {strides = array<i32>} : memref<2x3x128xf32, #tpu.memory_space<vmem>>, vector<1x1x16xf32>,
      %swap3A_2245 = vector.shape_cast %swap3A_2244 : vector<1x1x16xf32> to vector<16xf32>
      %swap3A_2246 = vector.shape_cast %sub3A_2238 : vector<16xf32> to vector<1x1x16xf32>
      tpu.vector_store %arg14[%swap3A_2241, %swap3A_2242, %swap3A_2243], %swap3A_2246 {strides = array<i32>} : memref<2x3x128xf32, #tpu.memory_space<vmem>>, vector<1x1x16xf32>,
      %mul3A_2247 = arith.mulf %sub3A_2232, %sub3A_2233 : vector<16xf32>
      %mul3A_2248 = arith.mulf %sub3A_2230, %sub3A_2235 : vector<16xf32>
      %sub3A_2249 = arith.subf %mul3A_2247, %mul3A_2248 : vector<16xf32>
      %swap3A_2250 = arith.constant 1 : i32
      %swap3A_2251 = arith.constant 1 : i32
      %swap3A_2252 = arith.index_cast %swap3A_2250 : i32 to index
      %swap3A_2253 = arith.index_cast %swap3A_2251 : i32 to index
      %swap3A_2254 = arith.constant 32 : index
      %swap3A_2255 = tpu.vector_load %arg14[%swap3A_2252, %swap3A_2253, %swap3A_2254] {strides = array<i32>} : memref<2x3x128xf32, #tpu.memory_space<vmem>>, vector<1x1x16xf32>,
      %swap3A_2256 = vector.shape_cast %swap3A_2255 : vector<1x1x16xf32> to vector<16xf32>
      %swap3A_2257 = vector.shape_cast %sub3A_2249 : vector<16xf32> to vector<1x1x16xf32>
      tpu.vector_store %arg14[%swap3A_2252, %swap3A_2253, %swap3A_2254], %swap3A_2257 {strides = array<i32>} : memref<2x3x128xf32, #tpu.memory_space<vmem>>, vector<1x1x16xf32>,
      %mul3A_2258 = arith.mulf %sub3A_2230, %sub3A_2234 : vector<16xf32>
      %mul3A_2259 = arith.mulf %sub3A_2231, %sub3A_2233 : vector<16xf32>
      %sub3A_2260 = arith.subf %mul3A_2258, %mul3A_2259 : vector<16xf32>
      %swap3A_2261 = arith.constant 1 : i32
      %swap3A_2262 = arith.constant 2 : i32
      %swap3A_2263 = arith.index_cast %swap3A_2261 : i32 to index
      %swap3A_2264 = arith.index_cast %swap3A_2262 : i32 to index
      %swap3A_2265 = arith.constant 32 : index
      %swap3A_2266 = tpu.vector_load %arg14[%swap3A_2263, %swap3A_2264, %swap3A_2265] {strides = array<i32>} : memref<2x3x128xf32, #tpu.memory_space<vmem>>, vector<1x1x16xf32>,
      %swap3A_2267 = vector.shape_cast %swap3A_2266 : vector<1x1x16xf32> to vector<16xf32>
      %swap3A_2268 = vector.shape_cast %sub3A_2260 : vector<16xf32> to vector<1x1x16xf32>
      tpu.vector_store %arg14[%swap3A_2263, %swap3A_2264, %swap3A_2265], %swap3A_2268 {strides = array<i32>} : memref<2x3x128xf32, #tpu.memory_space<vmem>>, vector<1x1x16xf32>,
      %get3A_2269 = arith.constant 1 : i32
      %get3A_2270 = arith.constant 0 : i32
      %get3A_2271 = arith.index_cast %get3A_2269 : i32 to index
      %get3A_2272 = arith.index_cast %get3A_2270 : i32 to index
      %get3A_2273 = arith.constant 48 : index
      %get3A_2274 = tpu.vector_load %arg13[%get3A_2271, %get3A_2272, %get3A_2273] {strides = array<i32>} : memref<2x9x128xf32, #tpu.memory_space<vmem>>, vector<1x1x16xf32>,
      %get3A_2275 = vector.shape_cast %get3A_2274 : vector<1x1x16xf32> to vector<16xf32>
      %get3A_2276 = arith.constant 1 : i32
      %get3A_2277 = arith.constant 1 : i32
      %get3A_2278 = arith.index_cast %get3A_2276 : i32 to index
      %get3A_2279 = arith.index_cast %get3A_2277 : i32 to index
      %get3A_2280 = arith.constant 48 : index
      %get3A_2281 = tpu.vector_load %arg13[%get3A_2278, %get3A_2279, %get3A_2280] {strides = array<i32>} : memref<2x9x128xf32, #tpu.memory_space<vmem>>, vector<1x1x16xf32>,
      %get3A_2282 = vector.shape_cast %get3A_2281 : vector<1x1x16xf32> to vector<16xf32>
      %get3A_2283 = arith.constant 1 : i32
      %get3A_2284 = arith.constant 2 : i32
      %get3A_2285 = arith.index_cast %get3A_2283 : i32 to index
      %get3A_2286 = arith.index_cast %get3A_2284 : i32 to index
      %get3A_2287 = arith.constant 48 : index
      %get3A_2288 = tpu.vector_load %arg13[%get3A_2285, %get3A_2286, %get3A_2287] {strides = array<i32>} : memref<2x9x128xf32, #tpu.memory_space<vmem>>, vector<1x1x16xf32>,
      %get3A_2289 = vector.shape_cast %get3A_2288 : vector<1x1x16xf32> to vector<16xf32>
      %get3A_2290 = arith.constant 1 : i32
      %get3A_2291 = arith.constant 3 : i32
      %get3A_2292 = arith.index_cast %get3A_2290 : i32 to index
      %get3A_2293 = arith.index_cast %get3A_2291 : i32 to index
      %get3A_2294 = arith.constant 48 : index
      %get3A_2295 = tpu.vector_load %arg13[%get3A_2292, %get3A_2293, %get3A_2294] {strides = array<i32>} : memref<2x9x128xf32, #tpu.memory_space<vmem>>, vector<1x1x16xf32>,
      %get3A_2296 = vector.shape_cast %get3A_2295 : vector<1x1x16xf32> to vector<16xf32>
      %get3A_2297 = arith.constant 1 : i32
      %get3A_2298 = arith.constant 4 : i32
      %get3A_2299 = arith.index_cast %get3A_2297 : i32 to index
      %get3A_2300 = arith.index_cast %get3A_2298 : i32 to index
      %get3A_2301 = arith.constant 48 : index
      %get3A_2302 = tpu.vector_load %arg13[%get3A_2299, %get3A_2300, %get3A_2301] {strides = array<i32>} : memref<2x9x128xf32, #tpu.memory_space<vmem>>, vector<1x1x16xf32>,
      %get3A_2303 = vector.shape_cast %get3A_2302 : vector<1x1x16xf32> to vector<16xf32>
      %get3A_2304 = arith.constant 1 : i32
      %get3A_2305 = arith.constant 5 : i32
      %get3A_2306 = arith.index_cast %get3A_2304 : i32 to index
      %get3A_2307 = arith.index_cast %get3A_2305 : i32 to index
      %get3A_2308 = arith.constant 48 : index
      %get3A_2309 = tpu.vector_load %arg13[%get3A_2306, %get3A_2307, %get3A_2308] {strides = array<i32>} : memref<2x9x128xf32, #tpu.memory_space<vmem>>, vector<1x1x16xf32>,
      %get3A_2310 = vector.shape_cast %get3A_2309 : vector<1x1x16xf32> to vector<16xf32>
      %get3A_2311 = arith.constant 1 : i32
      %get3A_2312 = arith.constant 6 : i32
      %get3A_2313 = arith.index_cast %get3A_2311 : i32 to index
      %get3A_2314 = arith.index_cast %get3A_2312 : i32 to index
      %get3A_2315 = arith.constant 48 : index
      %get3A_2316 = tpu.vector_load %arg13[%get3A_2313, %get3A_2314, %get3A_2315] {strides = array<i32>} : memref<2x9x128xf32, #tpu.memory_space<vmem>>, vector<1x1x16xf32>,
      %get3A_2317 = vector.shape_cast %get3A_2316 : vector<1x1x16xf32> to vector<16xf32>
      %get3A_2318 = arith.constant 1 : i32
      %get3A_2319 = arith.constant 7 : i32
      %get3A_2320 = arith.index_cast %get3A_2318 : i32 to index
      %get3A_2321 = arith.index_cast %get3A_2319 : i32 to index
      %get3A_2322 = arith.constant 48 : index
      %get3A_2323 = tpu.vector_load %arg13[%get3A_2320, %get3A_2321, %get3A_2322] {strides = array<i32>} : memref<2x9x128xf32, #tpu.memory_space<vmem>>, vector<1x1x16xf32>,
      %get3A_2324 = vector.shape_cast %get3A_2323 : vector<1x1x16xf32> to vector<16xf32>
      %get3A_2325 = arith.constant 1 : i32
      %get3A_2326 = arith.constant 8 : i32
      %get3A_2327 = arith.index_cast %get3A_2325 : i32 to index
      %get3A_2328 = arith.index_cast %get3A_2326 : i32 to index
      %get3A_2329 = arith.constant 48 : index
      %get3A_2330 = tpu.vector_load %arg13[%get3A_2327, %get3A_2328, %get3A_2329] {strides = array<i32>} : memref<2x9x128xf32, #tpu.memory_space<vmem>>, vector<1x1x16xf32>,
      %get3A_2331 = vector.shape_cast %get3A_2330 : vector<1x1x16xf32> to vector<16xf32>
      %sub3A_2332 = arith.subf %get3A_2296, %get3A_2275 : vector<16xf32>
      %sub3A_2333 = arith.subf %get3A_2303, %get3A_2282 : vector<16xf32>
      %sub3A_2334 = arith.subf %get3A_2310, %get3A_2289 : vector<16xf32>
      %sub3A_2335 = arith.subf %get3A_2317, %get3A_2275 : vector<16xf32>
      %sub3A_2336 = arith.subf %get3A_2324, %get3A_2282 : vector<16xf32>
      %sub3A_2337 = arith.subf %get3A_2331, %get3A_2289 : vector<16xf32>
      %mul3A_2338 = arith.mulf %sub3A_2333, %sub3A_2337 : vector<16xf32>
      %mul3A_2339 = arith.mulf %sub3A_2334, %sub3A_2336 : vector<16xf32>
      %sub3A_2340 = arith.subf %mul3A_2338, %mul3A_2339 : vector<16xf32>
      %swap3A_2341 = arith.constant 1 : i32
      %swap3A_2342 = arith.constant 0 : i32
      %swap3A_2343 = arith.index_cast %swap3A_2341 : i32 to index
      %swap3A_2344 = arith.index_cast %swap3A_2342 : i32 to index
      %swap3A_2345 = arith.constant 48 : index
      %swap3A_2346 = tpu.vector_load %arg14[%swap3A_2343, %swap3A_2344, %swap3A_2345] {strides = array<i32>} : memref<2x3x128xf32, #tpu.memory_space<vmem>>, vector<1x1x16xf32>,
      %swap3A_2347 = vector.shape_cast %swap3A_2346 : vector<1x1x16xf32> to vector<16xf32>
      %swap3A_2348 = vector.shape_cast %sub3A_2340 : vector<16xf32> to vector<1x1x16xf32>
      tpu.vector_store %arg14[%swap3A_2343, %swap3A_2344, %swap3A_2345], %swap3A_2348 {strides = array<i32>} : memref<2x3x128xf32, #tpu.memory_space<vmem>>, vector<1x1x16xf32>,
      %mul3A_2349 = arith.mulf %sub3A_2334, %sub3A_2335 : vector<16xf32>
      %mul3A_2350 = arith.mulf %sub3A_2332, %sub3A_2337 : vector<16xf32>
      %sub3A_2351 = arith.subf %mul3A_2349, %mul3A_2350 : vector<16xf32>
      %swap3A_2352 = arith.constant 1 : i32
      %swap3A_2353 = arith.constant 1 : i32
      %swap3A_2354 = arith.index_cast %swap3A_2352 : i32 to index
      %swap3A_2355 = arith.index_cast %swap3A_2353 : i32 to index
      %swap3A_2356 = arith.constant 48 : index
      %swap3A_2357 = tpu.vector_load %arg14[%swap3A_2354, %swap3A_2355, %swap3A_2356] {strides = array<i32>} : memref<2x3x128xf32, #tpu.memory_space<vmem>>, vector<1x1x16xf32>,
      %swap3A_2358 = vector.shape_cast %swap3A_2357 : vector<1x1x16xf32> to vector<16xf32>
      %swap3A_2359 = vector.shape_cast %sub3A_2351 : vector<16xf32> to vector<1x1x16xf32>
      tpu.vector_store %arg14[%swap3A_2354, %swap3A_2355, %swap3A_2356], %swap3A_2359 {strides = array<i32>} : memref<2x3x128xf32, #tpu.memory_space<vmem>>, vector<1x1x16xf32>,
      %mul3A_2360 = arith.mulf %sub3A_2332, %sub3A_2336 : vector<16xf32>
      %mul3A_2361 = arith.mulf %sub3A_2333, %sub3A_2335 : vector<16xf32>
      %sub3A_2362 = arith.subf %mul3A_2360, %mul3A_2361 : vector<16xf32>
      %swap3A_2363 = arith.constant 1 : i32
      %swap3A_2364 = arith.constant 2 : i32
      %swap3A_2365 = arith.index_cast %swap3A_2363 : i32 to index
      %swap3A_2366 = arith.index_cast %swap3A_2364 : i32 to index
      %swap3A_2367 = arith.constant 48 : index
      %swap3A_2368 = tpu.vector_load %arg14[%swap3A_2365, %swap3A_2366, %swap3A_2367] {strides = array<i32>} : memref<2x3x128xf32, #tpu.memory_space<vmem>>, vector<1x1x16xf32>,
      %swap3A_2369 = vector.shape_cast %swap3A_2368 : vector<1x1x16xf32> to vector<16xf32>
      %swap3A_2370 = vector.shape_cast %sub3A_2362 : vector<16xf32> to vector<1x1x16xf32>
      tpu.vector_store %arg14[%swap3A_2365, %swap3A_2366, %swap3A_2367], %swap3A_2370 {strides = array<i32>} : memref<2x3x128xf32, #tpu.memory_space<vmem>>, vector<1x1x16xf32>,
      %get3A_2371 = arith.constant 1 : i32
      %get3A_2372 = arith.constant 0 : i32
      %get3A_2373 = arith.index_cast %get3A_2371 : i32 to index
      %get3A_2374 = arith.index_cast %get3A_2372 : i32 to index
      %get3A_2375 = arith.constant 64 : index
      %get3A_2376 = tpu.vector_load %arg13[%get3A_2373, %get3A_2374, %get3A_2375] {strides = array<i32>} : memref<2x9x128xf32, #tpu.memory_space<vmem>>, vector<1x1x16xf32>,
      %get3A_2377 = vector.shape_cast %get3A_2376 : vector<1x1x16xf32> to vector<16xf32>
      %get3A_2378 = arith.constant 1 : i32
      %get3A_2379 = arith.constant 1 : i32
      %get3A_2380 = arith.index_cast %get3A_2378 : i32 to index
      %get3A_2381 = arith.index_cast %get3A_2379 : i32 to index
      %get3A_2382 = arith.constant 64 : index
      %get3A_2383 = tpu.vector_load %arg13[%get3A_2380, %get3A_2381, %get3A_2382] {strides = array<i32>} : memref<2x9x128xf32, #tpu.memory_space<vmem>>, vector<1x1x16xf32>,
      %get3A_2384 = vector.shape_cast %get3A_2383 : vector<1x1x16xf32> to vector<16xf32>
      %get3A_2385 = arith.constant 1 : i32
      %get3A_2386 = arith.constant 2 : i32
      %get3A_2387 = arith.index_cast %get3A_2385 : i32 to index
      %get3A_2388 = arith.index_cast %get3A_2386 : i32 to index
      %get3A_2389 = arith.constant 64 : index
      %get3A_2390 = tpu.vector_load %arg13[%get3A_2387, %get3A_2388, %get3A_2389] {strides = array<i32>} : memref<2x9x128xf32, #tpu.memory_space<vmem>>, vector<1x1x16xf32>,
      %get3A_2391 = vector.shape_cast %get3A_2390 : vector<1x1x16xf32> to vector<16xf32>
      %get3A_2392 = arith.constant 1 : i32
      %get3A_2393 = arith.constant 3 : i32
      %get3A_2394 = arith.index_cast %get3A_2392 : i32 to index
      %get3A_2395 = arith.index_cast %get3A_2393 : i32 to index
      %get3A_2396 = arith.constant 64 : index
      %get3A_2397 = tpu.vector_load %arg13[%get3A_2394, %get3A_2395, %get3A_2396] {strides = array<i32>} : memref<2x9x128xf32, #tpu.memory_space<vmem>>, vector<1x1x16xf32>,
      %get3A_2398 = vector.shape_cast %get3A_2397 : vector<1x1x16xf32> to vector<16xf32>
      %get3A_2399 = arith.constant 1 : i32
      %get3A_2400 = arith.constant 4 : i32
      %get3A_2401 = arith.index_cast %get3A_2399 : i32 to index
      %get3A_2402 = arith.index_cast %get3A_2400 : i32 to index
      %get3A_2403 = arith.constant 64 : index
      %get3A_2404 = tpu.vector_load %arg13[%get3A_2401, %get3A_2402, %get3A_2403] {strides = array<i32>} : memref<2x9x128xf32, #tpu.memory_space<vmem>>, vector<1x1x16xf32>,
      %get3A_2405 = vector.shape_cast %get3A_2404 : vector<1x1x16xf32> to vector<16xf32>
      %get3A_2406 = arith.constant 1 : i32
      %get3A_2407 = arith.constant 5 : i32
      %get3A_2408 = arith.index_cast %get3A_2406 : i32 to index
      %get3A_2409 = arith.index_cast %get3A_2407 : i32 to index
      %get3A_2410 = arith.constant 64 : index
      %get3A_2411 = tpu.vector_load %arg13[%get3A_2408, %get3A_2409, %get3A_2410] {strides = array<i32>} : memref<2x9x128xf32, #tpu.memory_space<vmem>>, vector<1x1x16xf32>,
      %get3A_2412 = vector.shape_cast %get3A_2411 : vector<1x1x16xf32> to vector<16xf32>
      %get3A_2413 = arith.constant 1 : i32
      %get3A_2414 = arith.constant 6 : i32
      %get3A_2415 = arith.index_cast %get3A_2413 : i32 to index
      %get3A_2416 = arith.index_cast %get3A_2414 : i32 to index
      %get3A_2417 = arith.constant 64 : index
      %get3A_2418 = tpu.vector_load %arg13[%get3A_2415, %get3A_2416, %get3A_2417] {strides = array<i32>} : memref<2x9x128xf32, #tpu.memory_space<vmem>>, vector<1x1x16xf32>,
      %get3A_2419 = vector.shape_cast %get3A_2418 : vector<1x1x16xf32> to vector<16xf32>
      %get3A_2420 = arith.constant 1 : i32
      %get3A_2421 = arith.constant 7 : i32
      %get3A_2422 = arith.index_cast %get3A_2420 : i32 to index
      %get3A_2423 = arith.index_cast %get3A_2421 : i32 to index
      %get3A_2424 = arith.constant 64 : index
      %get3A_2425 = tpu.vector_load %arg13[%get3A_2422, %get3A_2423, %get3A_2424] {strides = array<i32>} : memref<2x9x128xf32, #tpu.memory_space<vmem>>, vector<1x1x16xf32>,
      %get3A_2426 = vector.shape_cast %get3A_2425 : vector<1x1x16xf32> to vector<16xf32>
      %get3A_2427 = arith.constant 1 : i32
      %get3A_2428 = arith.constant 8 : i32
      %get3A_2429 = arith.index_cast %get3A_2427 : i32 to index
      %get3A_2430 = arith.index_cast %get3A_2428 : i32 to index
      %get3A_2431 = arith.constant 64 : index
      %get3A_2432 = tpu.vector_load %arg13[%get3A_2429, %get3A_2430, %get3A_2431] {strides = array<i32>} : memref<2x9x128xf32, #tpu.memory_space<vmem>>, vector<1x1x16xf32>,
      %get3A_2433 = vector.shape_cast %get3A_2432 : vector<1x1x16xf32> to vector<16xf32>
      %sub3A_2434 = arith.subf %get3A_2398, %get3A_2377 : vector<16xf32>
      %sub3A_2435 = arith.subf %get3A_2405, %get3A_2384 : vector<16xf32>
      %sub3A_2436 = arith.subf %get3A_2412, %get3A_2391 : vector<16xf32>
      %sub3A_2437 = arith.subf %get3A_2419, %get3A_2377 : vector<16xf32>
      %sub3A_2438 = arith.subf %get3A_2426, %get3A_2384 : vector<16xf32>
      %sub3A_2439 = arith.subf %get3A_2433, %get3A_2391 : vector<16xf32>
      %mul3A_2440 = arith.mulf %sub3A_2435, %sub3A_2439 : vector<16xf32>
      %mul3A_2441 = arith.mulf %sub3A_2436, %sub3A_2438 : vector<16xf32>
      %sub3A_2442 = arith.subf %mul3A_2440, %mul3A_2441 : vector<16xf32>
      %swap3A_2443 = arith.constant 1 : i32
      %swap3A_2444 = arith.constant 0 : i32
      %swap3A_2445 = arith.index_cast %swap3A_2443 : i32 to index
      %swap3A_2446 = arith.index_cast %swap3A_2444 : i32 to index
      %swap3A_2447 = arith.constant 64 : index
      %swap3A_2448 = tpu.vector_load %arg14[%swap3A_2445, %swap3A_2446, %swap3A_2447] {strides = array<i32>} : memref<2x3x128xf32, #tpu.memory_space<vmem>>, vector<1x1x16xf32>,
      %swap3A_2449 = vector.shape_cast %swap3A_2448 : vector<1x1x16xf32> to vector<16xf32>
      %swap3A_2450 = vector.shape_cast %sub3A_2442 : vector<16xf32> to vector<1x1x16xf32>
      tpu.vector_store %arg14[%swap3A_2445, %swap3A_2446, %swap3A_2447], %swap3A_2450 {strides = array<i32>} : memref<2x3x128xf32, #tpu.memory_space<vmem>>, vector<1x1x16xf32>,
      %mul3A_2451 = arith.mulf %sub3A_2436, %sub3A_2437 : vector<16xf32>
      %mul3A_2452 = arith.mulf %sub3A_2434, %sub3A_2439 : vector<16xf32>
      %sub3A_2453 = arith.subf %mul3A_2451, %mul3A_2452 : vector<16xf32>
      %swap3A_2454 = arith.constant 1 : i32
      %swap3A_2455 = arith.constant 1 : i32
      %swap3A_2456 = arith.index_cast %swap3A_2454 : i32 to index
      %swap3A_2457 = arith.index_cast %swap3A_2455 : i32 to index
      %swap3A_2458 = arith.constant 64 : index
      %swap3A_2459 = tpu.vector_load %arg14[%swap3A_2456, %swap3A_2457, %swap3A_2458] {strides = array<i32>} : memref<2x3x128xf32, #tpu.memory_space<vmem>>, vector<1x1x16xf32>,
      %swap3A_2460 = vector.shape_cast %swap3A_2459 : vector<1x1x16xf32> to vector<16xf32>
      %swap3A_2461 = vector.shape_cast %sub3A_2453 : vector<16xf32> to vector<1x1x16xf32>
      tpu.vector_store %arg14[%swap3A_2456, %swap3A_2457, %swap3A_2458], %swap3A_2461 {strides = array<i32>} : memref<2x3x128xf32, #tpu.memory_space<vmem>>, vector<1x1x16xf32>,
      %mul3A_2462 = arith.mulf %sub3A_2434, %sub3A_2438 : vector<16xf32>
      %mul3A_2463 = arith.mulf %sub3A_2435, %sub3A_2437 : vector<16xf32>
      %sub3A_2464 = arith.subf %mul3A_2462, %mul3A_2463 : vector<16xf32>
      %swap3A_2465 = arith.constant 1 : i32
      %swap3A_2466 = arith.constant 2 : i32
      %swap3A_2467 = arith.index_cast %swap3A_2465 : i32 to index
      %swap3A_2468 = arith.index_cast %swap3A_2466 : i32 to index
      %swap3A_2469 = arith.constant 64 : index
      %swap3A_2470 = tpu.vector_load %arg14[%swap3A_2467, %swap3A_2468, %swap3A_2469] {strides = array<i32>} : memref<2x3x128xf32, #tpu.memory_space<vmem>>, vector<1x1x16xf32>,
      %swap3A_2471 = vector.shape_cast %swap3A_2470 : vector<1x1x16xf32> to vector<16xf32>
      %swap3A_2472 = vector.shape_cast %sub3A_2464 : vector<16xf32> to vector<1x1x16xf32>
      tpu.vector_store %arg14[%swap3A_2467, %swap3A_2468, %swap3A_2469], %swap3A_2472 {strides = array<i32>} : memref<2x3x128xf32, #tpu.memory_space<vmem>>, vector<1x1x16xf32>,
      %get3A_2473 = arith.constant 1 : i32
      %get3A_2474 = arith.constant 0 : i32
      %get3A_2475 = arith.index_cast %get3A_2473 : i32 to index
      %get3A_2476 = arith.index_cast %get3A_2474 : i32 to index
      %get3A_2477 = arith.constant 80 : index
      %get3A_2478 = tpu.vector_load %arg13[%get3A_2475, %get3A_2476, %get3A_2477] {strides = array<i32>} : memref<2x9x128xf32, #tpu.memory_space<vmem>>, vector<1x1x16xf32>,
      %get3A_2479 = vector.shape_cast %get3A_2478 : vector<1x1x16xf32> to vector<16xf32>
      %get3A_2480 = arith.constant 1 : i32
      %get3A_2481 = arith.constant 1 : i32
      %get3A_2482 = arith.index_cast %get3A_2480 : i32 to index
      %get3A_2483 = arith.index_cast %get3A_2481 : i32 to index
      %get3A_2484 = arith.constant 80 : index
      %get3A_2485 = tpu.vector_load %arg13[%get3A_2482, %get3A_2483, %get3A_2484] {strides = array<i32>} : memref<2x9x128xf32, #tpu.memory_space<vmem>>, vector<1x1x16xf32>,
      %get3A_2486 = vector.shape_cast %get3A_2485 : vector<1x1x16xf32> to vector<16xf32>
      %get3A_2487 = arith.constant 1 : i32
      %get3A_2488 = arith.constant 2 : i32
      %get3A_2489 = arith.index_cast %get3A_2487 : i32 to index
      %get3A_2490 = arith.index_cast %get3A_2488 : i32 to index
      %get3A_2491 = arith.constant 80 : index
      %get3A_2492 = tpu.vector_load %arg13[%get3A_2489, %get3A_2490, %get3A_2491] {strides = array<i32>} : memref<2x9x128xf32, #tpu.memory_space<vmem>>, vector<1x1x16xf32>,
      %get3A_2493 = vector.shape_cast %get3A_2492 : vector<1x1x16xf32> to vector<16xf32>
      %get3A_2494 = arith.constant 1 : i32
      %get3A_2495 = arith.constant 3 : i32
      %get3A_2496 = arith.index_cast %get3A_2494 : i32 to index
      %get3A_2497 = arith.index_cast %get3A_2495 : i32 to index
      %get3A_2498 = arith.constant 80 : index
      %get3A_2499 = tpu.vector_load %arg13[%get3A_2496, %get3A_2497, %get3A_2498] {strides = array<i32>} : memref<2x9x128xf32, #tpu.memory_space<vmem>>, vector<1x1x16xf32>,
      %get3A_2500 = vector.shape_cast %get3A_2499 : vector<1x1x16xf32> to vector<16xf32>
      %get3A_2501 = arith.constant 1 : i32
      %get3A_2502 = arith.constant 4 : i32
      %get3A_2503 = arith.index_cast %get3A_2501 : i32 to index
      %get3A_2504 = arith.index_cast %get3A_2502 : i32 to index
      %get3A_2505 = arith.constant 80 : index
      %get3A_2506 = tpu.vector_load %arg13[%get3A_2503, %get3A_2504, %get3A_2505] {strides = array<i32>} : memref<2x9x128xf32, #tpu.memory_space<vmem>>, vector<1x1x16xf32>,
      %get3A_2507 = vector.shape_cast %get3A_2506 : vector<1x1x16xf32> to vector<16xf32>
      %get3A_2508 = arith.constant 1 : i32
      %get3A_2509 = arith.constant 5 : i32
      %get3A_2510 = arith.index_cast %get3A_2508 : i32 to index
      %get3A_2511 = arith.index_cast %get3A_2509 : i32 to index
      %get3A_2512 = arith.constant 80 : index
      %get3A_2513 = tpu.vector_load %arg13[%get3A_2510, %get3A_2511, %get3A_2512] {strides = array<i32>} : memref<2x9x128xf32, #tpu.memory_space<vmem>>, vector<1x1x16xf32>,
      %get3A_2514 = vector.shape_cast %get3A_2513 : vector<1x1x16xf32> to vector<16xf32>
      %get3A_2515 = arith.constant 1 : i32
      %get3A_2516 = arith.constant 6 : i32
      %get3A_2517 = arith.index_cast %get3A_2515 : i32 to index
      %get3A_2518 = arith.index_cast %get3A_2516 : i32 to index
      %get3A_2519 = arith.constant 80 : index
      %get3A_2520 = tpu.vector_load %arg13[%get3A_2517, %get3A_2518, %get3A_2519] {strides = array<i32>} : memref<2x9x128xf32, #tpu.memory_space<vmem>>, vector<1x1x16xf32>,
      %get3A_2521 = vector.shape_cast %get3A_2520 : vector<1x1x16xf32> to vector<16xf32>
      %get3A_2522 = arith.constant 1 : i32
      %get3A_2523 = arith.constant 7 : i32
      %get3A_2524 = arith.index_cast %get3A_2522 : i32 to index
      %get3A_2525 = arith.index_cast %get3A_2523 : i32 to index
      %get3A_2526 = arith.constant 80 : index
      %get3A_2527 = tpu.vector_load %arg13[%get3A_2524, %get3A_2525, %get3A_2526] {strides = array<i32>} : memref<2x9x128xf32, #tpu.memory_space<vmem>>, vector<1x1x16xf32>,
      %get3A_2528 = vector.shape_cast %get3A_2527 : vector<1x1x16xf32> to vector<16xf32>
      %get3A_2529 = arith.constant 1 : i32
      %get3A_2530 = arith.constant 8 : i32
      %get3A_2531 = arith.index_cast %get3A_2529 : i32 to index
      %get3A_2532 = arith.index_cast %get3A_2530 : i32 to index
      %get3A_2533 = arith.constant 80 : index
      %get3A_2534 = tpu.vector_load %arg13[%get3A_2531, %get3A_2532, %get3A_2533] {strides = array<i32>} : memref<2x9x128xf32, #tpu.memory_space<vmem>>, vector<1x1x16xf32>,
      %get3A_2535 = vector.shape_cast %get3A_2534 : vector<1x1x16xf32> to vector<16xf32>
      %sub3A_2536 = arith.subf %get3A_2500, %get3A_2479 : vector<16xf32>
      %sub3A_2537 = arith.subf %get3A_2507, %get3A_2486 : vector<16xf32>
      %sub3A_2538 = arith.subf %get3A_2514, %get3A_2493 : vector<16xf32>
      %sub3A_2539 = arith.subf %get3A_2521, %get3A_2479 : vector<16xf32>
      %sub3A_2540 = arith.subf %get3A_2528, %get3A_2486 : vector<16xf32>
      %sub3A_2541 = arith.subf %get3A_2535, %get3A_2493 : vector<16xf32>
      %mul3A_2542 = arith.mulf %sub3A_2537, %sub3A_2541 : vector<16xf32>
      %mul3A_2543 = arith.mulf %sub3A_2538, %sub3A_2540 : vector<16xf32>
      %sub3A_2544 = arith.subf %mul3A_2542, %mul3A_2543 : vector<16xf32>
      %swap3A_2545 = arith.constant 1 : i32
      %swap3A_2546 = arith.constant 0 : i32
      %swap3A_2547 = arith.index_cast %swap3A_2545 : i32 to index
      %swap3A_2548 = arith.index_cast %swap3A_2546 : i32 to index
      %swap3A_2549 = arith.constant 80 : index
      %swap3A_2550 = tpu.vector_load %arg14[%swap3A_2547, %swap3A_2548, %swap3A_2549] {strides = array<i32>} : memref<2x3x128xf32, #tpu.memory_space<vmem>>, vector<1x1x16xf32>,
      %swap3A_2551 = vector.shape_cast %swap3A_2550 : vector<1x1x16xf32> to vector<16xf32>
      %swap3A_2552 = vector.shape_cast %sub3A_2544 : vector<16xf32> to vector<1x1x16xf32>
      tpu.vector_store %arg14[%swap3A_2547, %swap3A_2548, %swap3A_2549], %swap3A_2552 {strides = array<i32>} : memref<2x3x128xf32, #tpu.memory_space<vmem>>, vector<1x1x16xf32>,
      %mul3A_2553 = arith.mulf %sub3A_2538, %sub3A_2539 : vector<16xf32>
      %mul3A_2554 = arith.mulf %sub3A_2536, %sub3A_2541 : vector<16xf32>
      %sub3A_2555 = arith.subf %mul3A_2553, %mul3A_2554 : vector<16xf32>
      %swap3A_2556 = arith.constant 1 : i32
      %swap3A_2557 = arith.constant 1 : i32
      %swap3A_2558 = arith.index_cast %swap3A_2556 : i32 to index
      %swap3A_2559 = arith.index_cast %swap3A_2557 : i32 to index
      %swap3A_2560 = arith.constant 80 : index
      %swap3A_2561 = tpu.vector_load %arg14[%swap3A_2558, %swap3A_2559, %swap3A_2560] {strides = array<i32>} : memref<2x3x128xf32, #tpu.memory_space<vmem>>, vector<1x1x16xf32>,
      %swap3A_2562 = vector.shape_cast %swap3A_2561 : vector<1x1x16xf32> to vector<16xf32>
      %swap3A_2563 = vector.shape_cast %sub3A_2555 : vector<16xf32> to vector<1x1x16xf32>
      tpu.vector_store %arg14[%swap3A_2558, %swap3A_2559, %swap3A_2560], %swap3A_2563 {strides = array<i32>} : memref<2x3x128xf32, #tpu.memory_space<vmem>>, vector<1x1x16xf32>,
      %mul3A_2564 = arith.mulf %sub3A_2536, %sub3A_2540 : vector<16xf32>
      %mul3A_2565 = arith.mulf %sub3A_2537, %sub3A_2539 : vector<16xf32>
      %sub3A_2566 = arith.subf %mul3A_2564, %mul3A_2565 : vector<16xf32>
      %swap3A_2567 = arith.constant 1 : i32
      %swap3A_2568 = arith.constant 2 : i32
      %swap3A_2569 = arith.index_cast %swap3A_2567 : i32 to index
      %swap3A_2570 = arith.index_cast %swap3A_2568 : i32 to index
      %swap3A_2571 = arith.constant 80 : index
      %swap3A_2572 = tpu.vector_load %arg14[%swap3A_2569, %swap3A_2570, %swap3A_2571] {strides = array<i32>} : memref<2x3x128xf32, #tpu.memory_space<vmem>>, vector<1x1x16xf32>,
      %swap3A_2573 = vector.shape_cast %swap3A_2572 : vector<1x1x16xf32> to vector<16xf32>
      %swap3A_2574 = vector.shape_cast %sub3A_2566 : vector<16xf32> to vector<1x1x16xf32>
      tpu.vector_store %arg14[%swap3A_2569, %swap3A_2570, %swap3A_2571], %swap3A_2574 {strides = array<i32>} : memref<2x3x128xf32, #tpu.memory_space<vmem>>, vector<1x1x16xf32>,
      %get3A_2575 = arith.constant 1 : i32
      %get3A_2576 = arith.constant 0 : i32
      %get3A_2577 = arith.index_cast %get3A_2575 : i32 to index
      %get3A_2578 = arith.index_cast %get3A_2576 : i32 to index
      %get3A_2579 = arith.constant 96 : index
      %get3A_2580 = tpu.vector_load %arg13[%get3A_2577, %get3A_2578, %get3A_2579] {strides = array<i32>} : memref<2x9x128xf32, #tpu.memory_space<vmem>>, vector<1x1x16xf32>,
      %get3A_2581 = vector.shape_cast %get3A_2580 : vector<1x1x16xf32> to vector<16xf32>
      %get3A_2582 = arith.constant 1 : i32
      %get3A_2583 = arith.constant 1 : i32
      %get3A_2584 = arith.index_cast %get3A_2582 : i32 to index
      %get3A_2585 = arith.index_cast %get3A_2583 : i32 to index
      %get3A_2586 = arith.constant 96 : index
      %get3A_2587 = tpu.vector_load %arg13[%get3A_2584, %get3A_2585, %get3A_2586] {strides = array<i32>} : memref<2x9x128xf32, #tpu.memory_space<vmem>>, vector<1x1x16xf32>,
      %get3A_2588 = vector.shape_cast %get3A_2587 : vector<1x1x16xf32> to vector<16xf32>
      %get3A_2589 = arith.constant 1 : i32
      %get3A_2590 = arith.constant 2 : i32
      %get3A_2591 = arith.index_cast %get3A_2589 : i32 to index
      %get3A_2592 = arith.index_cast %get3A_2590 : i32 to index
      %get3A_2593 = arith.constant 96 : index
      %get3A_2594 = tpu.vector_load %arg13[%get3A_2591, %get3A_2592, %get3A_2593] {strides = array<i32>} : memref<2x9x128xf32, #tpu.memory_space<vmem>>, vector<1x1x16xf32>,
      %get3A_2595 = vector.shape_cast %get3A_2594 : vector<1x1x16xf32> to vector<16xf32>
      %get3A_2596 = arith.constant 1 : i32
      %get3A_2597 = arith.constant 3 : i32
      %get3A_2598 = arith.index_cast %get3A_2596 : i32 to index
      %get3A_2599 = arith.index_cast %get3A_2597 : i32 to index
      %get3A_2600 = arith.constant 96 : index
      %get3A_2601 = tpu.vector_load %arg13[%get3A_2598, %get3A_2599, %get3A_2600] {strides = array<i32>} : memref<2x9x128xf32, #tpu.memory_space<vmem>>, vector<1x1x16xf32>,
      %get3A_2602 = vector.shape_cast %get3A_2601 : vector<1x1x16xf32> to vector<16xf32>
      %get3A_2603 = arith.constant 1 : i32
      %get3A_2604 = arith.constant 4 : i32
      %get3A_2605 = arith.index_cast %get3A_2603 : i32 to index
      %get3A_2606 = arith.index_cast %get3A_2604 : i32 to index
      %get3A_2607 = arith.constant 96 : index
      %get3A_2608 = tpu.vector_load %arg13[%get3A_2605, %get3A_2606, %get3A_2607] {strides = array<i32>} : memref<2x9x128xf32, #tpu.memory_space<vmem>>, vector<1x1x16xf32>,
      %get3A_2609 = vector.shape_cast %get3A_2608 : vector<1x1x16xf32> to vector<16xf32>
      %get3A_2610 = arith.constant 1 : i32
      %get3A_2611 = arith.constant 5 : i32
      %get3A_2612 = arith.index_cast %get3A_2610 : i32 to index
      %get3A_2613 = arith.index_cast %get3A_2611 : i32 to index
      %get3A_2614 = arith.constant 96 : index
      %get3A_2615 = tpu.vector_load %arg13[%get3A_2612, %get3A_2613, %get3A_2614] {strides = array<i32>} : memref<2x9x128xf32, #tpu.memory_space<vmem>>, vector<1x1x16xf32>,
      %get3A_2616 = vector.shape_cast %get3A_2615 : vector<1x1x16xf32> to vector<16xf32>
      %get3A_2617 = arith.constant 1 : i32
      %get3A_2618 = arith.constant 6 : i32
      %get3A_2619 = arith.index_cast %get3A_2617 : i32 to index
      %get3A_2620 = arith.index_cast %get3A_2618 : i32 to index
      %get3A_2621 = arith.constant 96 : index
      %get3A_2622 = tpu.vector_load %arg13[%get3A_2619, %get3A_2620, %get3A_2621] {strides = array<i32>} : memref<2x9x128xf32, #tpu.memory_space<vmem>>, vector<1x1x16xf32>,
      %get3A_2623 = vector.shape_cast %get3A_2622 : vector<1x1x16xf32> to vector<16xf32>
      %get3A_2624 = arith.constant 1 : i32
      %get3A_2625 = arith.constant 7 : i32
      %get3A_2626 = arith.index_cast %get3A_2624 : i32 to index
      %get3A_2627 = arith.index_cast %get3A_2625 : i32 to index
      %get3A_2628 = arith.constant 96 : index
      %get3A_2629 = tpu.vector_load %arg13[%get3A_2626, %get3A_2627, %get3A_2628] {strides = array<i32>} : memref<2x9x128xf32, #tpu.memory_space<vmem>>, vector<1x1x16xf32>,
      %get3A_2630 = vector.shape_cast %get3A_2629 : vector<1x1x16xf32> to vector<16xf32>
      %get3A_2631 = arith.constant 1 : i32
      %get3A_2632 = arith.constant 8 : i32
      %get3A_2633 = arith.index_cast %get3A_2631 : i32 to index
      %get3A_2634 = arith.index_cast %get3A_2632 : i32 to index
      %get3A_2635 = arith.constant 96 : index
      %get3A_2636 = tpu.vector_load %arg13[%get3A_2633, %get3A_2634, %get3A_2635] {strides = array<i32>} : memref<2x9x128xf32, #tpu.memory_space<vmem>>, vector<1x1x16xf32>,
      %get3A_2637 = vector.shape_cast %get3A_2636 : vector<1x1x16xf32> to vector<16xf32>
      %sub3A_2638 = arith.subf %get3A_2602, %get3A_2581 : vector<16xf32>
      %sub3A_2639 = arith.subf %get3A_2609, %get3A_2588 : vector<16xf32>
      %sub3A_2640 = arith.subf %get3A_2616, %get3A_2595 : vector<16xf32>
      %sub3A_2641 = arith.subf %get3A_2623, %get3A_2581 : vector<16xf32>
      %sub3A_2642 = arith.subf %get3A_2630, %get3A_2588 : vector<16xf32>
      %sub3A_2643 = arith.subf %get3A_2637, %get3A_2595 : vector<16xf32>
      %mul3A_2644 = arith.mulf %sub3A_2639, %sub3A_2643 : vector<16xf32>
      %mul3A_2645 = arith.mulf %sub3A_2640, %sub3A_2642 : vector<16xf32>
      %sub3A_2646 = arith.subf %mul3A_2644, %mul3A_2645 : vector<16xf32>
      %swap3A_2647 = arith.constant 1 : i32
      %swap3A_2648 = arith.constant 0 : i32
      %swap3A_2649 = arith.index_cast %swap3A_2647 : i32 to index
      %swap3A_2650 = arith.index_cast %swap3A_2648 : i32 to index
      %swap3A_2651 = arith.constant 96 : index
      %swap3A_2652 = tpu.vector_load %arg14[%swap3A_2649, %swap3A_2650, %swap3A_2651] {strides = array<i32>} : memref<2x3x128xf32, #tpu.memory_space<vmem>>, vector<1x1x16xf32>,
      %swap3A_2653 = vector.shape_cast %swap3A_2652 : vector<1x1x16xf32> to vector<16xf32>
      %swap3A_2654 = vector.shape_cast %sub3A_2646 : vector<16xf32> to vector<1x1x16xf32>
      tpu.vector_store %arg14[%swap3A_2649, %swap3A_2650, %swap3A_2651], %swap3A_2654 {strides = array<i32>} : memref<2x3x128xf32, #tpu.memory_space<vmem>>, vector<1x1x16xf32>,
      %mul3A_2655 = arith.mulf %sub3A_2640, %sub3A_2641 : vector<16xf32>
      %mul3A_2656 = arith.mulf %sub3A_2638, %sub3A_2643 : vector<16xf32>
      %sub3A_2657 = arith.subf %mul3A_2655, %mul3A_2656 : vector<16xf32>
      %swap3A_2658 = arith.constant 1 : i32
      %swap3A_2659 = arith.constant 1 : i32
      %swap3A_2660 = arith.index_cast %swap3A_2658 : i32 to index
      %swap3A_2661 = arith.index_cast %swap3A_2659 : i32 to index
      %swap3A_2662 = arith.constant 96 : index
      %swap3A_2663 = tpu.vector_load %arg14[%swap3A_2660, %swap3A_2661, %swap3A_2662] {strides = array<i32>} : memref<2x3x128xf32, #tpu.memory_space<vmem>>, vector<1x1x16xf32>,
      %swap3A_2664 = vector.shape_cast %swap3A_2663 : vector<1x1x16xf32> to vector<16xf32>
      %swap3A_2665 = vector.shape_cast %sub3A_2657 : vector<16xf32> to vector<1x1x16xf32>
      tpu.vector_store %arg14[%swap3A_2660, %swap3A_2661, %swap3A_2662], %swap3A_2665 {strides = array<i32>} : memref<2x3x128xf32, #tpu.memory_space<vmem>>, vector<1x1x16xf32>,
      %mul3A_2666 = arith.mulf %sub3A_2638, %sub3A_2642 : vector<16xf32>
      %mul3A_2667 = arith.mulf %sub3A_2639, %sub3A_2641 : vector<16xf32>
      %sub3A_2668 = arith.subf %mul3A_2666, %mul3A_2667 : vector<16xf32>
      %swap3A_2669 = arith.constant 1 : i32
      %swap3A_2670 = arith.constant 2 : i32
      %swap3A_2671 = arith.index_cast %swap3A_2669 : i32 to index
      %swap3A_2672 = arith.index_cast %swap3A_2670 : i32 to index
      %swap3A_2673 = arith.constant 96 : index
      %swap3A_2674 = tpu.vector_load %arg14[%swap3A_2671, %swap3A_2672, %swap3A_2673] {strides = array<i32>} : memref<2x3x128xf32, #tpu.memory_space<vmem>>, vector<1x1x16xf32>,
      %swap3A_2675 = vector.shape_cast %swap3A_2674 : vector<1x1x16xf32> to vector<16xf32>
      %swap3A_2676 = vector.shape_cast %sub3A_2668 : vector<16xf32> to vector<1x1x16xf32>
      tpu.vector_store %arg14[%swap3A_2671, %swap3A_2672, %swap3A_2673], %swap3A_2676 {strides = array<i32>} : memref<2x3x128xf32, #tpu.memory_space<vmem>>, vector<1x1x16xf32>,
      %get3A_2677 = arith.constant 1 : i32
      %get3A_2678 = arith.constant 0 : i32
      %get3A_2679 = arith.index_cast %get3A_2677 : i32 to index
      %get3A_2680 = arith.index_cast %get3A_2678 : i32 to index
      %get3A_2681 = arith.constant 112 : index
      %get3A_2682 = tpu.vector_load %arg13[%get3A_2679, %get3A_2680, %get3A_2681] {strides = array<i32>} : memref<2x9x128xf32, #tpu.memory_space<vmem>>, vector<1x1x16xf32>,
      %get3A_2683 = vector.shape_cast %get3A_2682 : vector<1x1x16xf32> to vector<16xf32>
      %get3A_2684 = arith.constant 1 : i32
      %get3A_2685 = arith.constant 1 : i32
      %get3A_2686 = arith.index_cast %get3A_2684 : i32 to index
      %get3A_2687 = arith.index_cast %get3A_2685 : i32 to index
      %get3A_2688 = arith.constant 112 : index
      %get3A_2689 = tpu.vector_load %arg13[%get3A_2686, %get3A_2687, %get3A_2688] {strides = array<i32>} : memref<2x9x128xf32, #tpu.memory_space<vmem>>, vector<1x1x16xf32>,
      %get3A_2690 = vector.shape_cast %get3A_2689 : vector<1x1x16xf32> to vector<16xf32>
      %get3A_2691 = arith.constant 1 : i32
      %get3A_2692 = arith.constant 2 : i32
      %get3A_2693 = arith.index_cast %get3A_2691 : i32 to index
      %get3A_2694 = arith.index_cast %get3A_2692 : i32 to index
      %get3A_2695 = arith.constant 112 : index
      %get3A_2696 = tpu.vector_load %arg13[%get3A_2693, %get3A_2694, %get3A_2695] {strides = array<i32>} : memref<2x9x128xf32, #tpu.memory_space<vmem>>, vector<1x1x16xf32>,
      %get3A_2697 = vector.shape_cast %get3A_2696 : vector<1x1x16xf32> to vector<16xf32>
      %get3A_2698 = arith.constant 1 : i32
      %get3A_2699 = arith.constant 3 : i32
      %get3A_2700 = arith.index_cast %get3A_2698 : i32 to index
      %get3A_2701 = arith.index_cast %get3A_2699 : i32 to index
      %get3A_2702 = arith.constant 112 : index
      %get3A_2703 = tpu.vector_load %arg13[%get3A_2700, %get3A_2701, %get3A_2702] {strides = array<i32>} : memref<2x9x128xf32, #tpu.memory_space<vmem>>, vector<1x1x16xf32>,
      %get3A_2704 = vector.shape_cast %get3A_2703 : vector<1x1x16xf32> to vector<16xf32>
      %get3A_2705 = arith.constant 1 : i32
      %get3A_2706 = arith.constant 4 : i32
      %get3A_2707 = arith.index_cast %get3A_2705 : i32 to index
      %get3A_2708 = arith.index_cast %get3A_2706 : i32 to index
      %get3A_2709 = arith.constant 112 : index
      %get3A_2710 = tpu.vector_load %arg13[%get3A_2707, %get3A_2708, %get3A_2709] {strides = array<i32>} : memref<2x9x128xf32, #tpu.memory_space<vmem>>, vector<1x1x16xf32>,
      %get3A_2711 = vector.shape_cast %get3A_2710 : vector<1x1x16xf32> to vector<16xf32>
      %get3A_2712 = arith.constant 1 : i32
      %get3A_2713 = arith.constant 5 : i32
      %get3A_2714 = arith.index_cast %get3A_2712 : i32 to index
      %get3A_2715 = arith.index_cast %get3A_2713 : i32 to index
      %get3A_2716 = arith.constant 112 : index
      %get3A_2717 = tpu.vector_load %arg13[%get3A_2714, %get3A_2715, %get3A_2716] {strides = array<i32>} : memref<2x9x128xf32, #tpu.memory_space<vmem>>, vector<1x1x16xf32>,
      %get3A_2718 = vector.shape_cast %get3A_2717 : vector<1x1x16xf32> to vector<16xf32>
      %get3A_2719 = arith.constant 1 : i32
      %get3A_2720 = arith.constant 6 : i32
      %get3A_2721 = arith.index_cast %get3A_2719 : i32 to index
      %get3A_2722 = arith.index_cast %get3A_2720 : i32 to index
      %get3A_2723 = arith.constant 112 : index
      %get3A_2724 = tpu.vector_load %arg13[%get3A_2721, %get3A_2722, %get3A_2723] {strides = array<i32>} : memref<2x9x128xf32, #tpu.memory_space<vmem>>, vector<1x1x16xf32>,
      %get3A_2725 = vector.shape_cast %get3A_2724 : vector<1x1x16xf32> to vector<16xf32>
      %get3A_2726 = arith.constant 1 : i32
      %get3A_2727 = arith.constant 7 : i32
      %get3A_2728 = arith.index_cast %get3A_2726 : i32 to index
      %get3A_2729 = arith.index_cast %get3A_2727 : i32 to index
      %get3A_2730 = arith.constant 112 : index
      %get3A_2731 = tpu.vector_load %arg13[%get3A_2728, %get3A_2729, %get3A_2730] {strides = array<i32>} : memref<2x9x128xf32, #tpu.memory_space<vmem>>, vector<1x1x16xf32>,
      %get3A_2732 = vector.shape_cast %get3A_2731 : vector<1x1x16xf32> to vector<16xf32>
      %get3A_2733 = arith.constant 1 : i32
      %get3A_2734 = arith.constant 8 : i32
      %get3A_2735 = arith.index_cast %get3A_2733 : i32 to index
      %get3A_2736 = arith.index_cast %get3A_2734 : i32 to index
      %get3A_2737 = arith.constant 112 : index
      %get3A_2738 = tpu.vector_load %arg13[%get3A_2735, %get3A_2736, %get3A_2737] {strides = array<i32>} : memref<2x9x128xf32, #tpu.memory_space<vmem>>, vector<1x1x16xf32>,
      %get3A_2739 = vector.shape_cast %get3A_2738 : vector<1x1x16xf32> to vector<16xf32>
      %sub3A_2740 = arith.subf %get3A_2704, %get3A_2683 : vector<16xf32>
      %sub3A_2741 = arith.subf %get3A_2711, %get3A_2690 : vector<16xf32>
      %sub3A_2742 = arith.subf %get3A_2718, %get3A_2697 : vector<16xf32>
      %sub3A_2743 = arith.subf %get3A_2725, %get3A_2683 : vector<16xf32>
      %sub3A_2744 = arith.subf %get3A_2732, %get3A_2690 : vector<16xf32>
      %sub3A_2745 = arith.subf %get3A_2739, %get3A_2697 : vector<16xf32>
      %mul3A_2746 = arith.mulf %sub3A_2741, %sub3A_2745 : vector<16xf32>
      %mul3A_2747 = arith.mulf %sub3A_2742, %sub3A_2744 : vector<16xf32>
      %sub3A_2748 = arith.subf %mul3A_2746, %mul3A_2747 : vector<16xf32>
      %swap3A_2749 = arith.constant 1 : i32
      %swap3A_2750 = arith.constant 0 : i32
      %swap3A_2751 = arith.index_cast %swap3A_2749 : i32 to index
      %swap3A_2752 = arith.index_cast %swap3A_2750 : i32 to index
      %swap3A_2753 = arith.constant 112 : index
      %swap3A_2754 = tpu.vector_load %arg14[%swap3A_2751, %swap3A_2752, %swap3A_2753] {strides = array<i32>} : memref<2x3x128xf32, #tpu.memory_space<vmem>>, vector<1x1x16xf32>,
      %swap3A_2755 = vector.shape_cast %swap3A_2754 : vector<1x1x16xf32> to vector<16xf32>
      %swap3A_2756 = vector.shape_cast %sub3A_2748 : vector<16xf32> to vector<1x1x16xf32>
      tpu.vector_store %arg14[%swap3A_2751, %swap3A_2752, %swap3A_2753], %swap3A_2756 {strides = array<i32>} : memref<2x3x128xf32, #tpu.memory_space<vmem>>, vector<1x1x16xf32>,
      %mul3A_2757 = arith.mulf %sub3A_2742, %sub3A_2743 : vector<16xf32>
      %mul3A_2758 = arith.mulf %sub3A_2740, %sub3A_2745 : vector<16xf32>
      %sub3A_2759 = arith.subf %mul3A_2757, %mul3A_2758 : vector<16xf32>
      %swap3A_2760 = arith.constant 1 : i32
      %swap3A_2761 = arith.constant 1 : i32
      %swap3A_2762 = arith.index_cast %swap3A_2760 : i32 to index
      %swap3A_2763 = arith.index_cast %swap3A_2761 : i32 to index
      %swap3A_2764 = arith.constant 112 : index
      %swap3A_2765 = tpu.vector_load %arg14[%swap3A_2762, %swap3A_2763, %swap3A_2764] {strides = array<i32>} : memref<2x3x128xf32, #tpu.memory_space<vmem>>, vector<1x1x16xf32>,
      %swap3A_2766 = vector.shape_cast %swap3A_2765 : vector<1x1x16xf32> to vector<16xf32>
      %swap3A_2767 = vector.shape_cast %sub3A_2759 : vector<16xf32> to vector<1x1x16xf32>
      tpu.vector_store %arg14[%swap3A_2762, %swap3A_2763, %swap3A_2764], %swap3A_2767 {strides = array<i32>} : memref<2x3x128xf32, #tpu.memory_space<vmem>>, vector<1x1x16xf32>,
      %mul3A_2768 = arith.mulf %sub3A_2740, %sub3A_2744 : vector<16xf32>
      %mul3A_2769 = arith.mulf %sub3A_2741, %sub3A_2743 : vector<16xf32>
      %sub3A_2770 = arith.subf %mul3A_2768, %mul3A_2769 : vector<16xf32>
      %swap3A_2771 = arith.constant 1 : i32
      %swap3A_2772 = arith.constant 2 : i32
      %swap3A_2773 = arith.index_cast %swap3A_2771 : i32 to index
      %swap3A_2774 = arith.index_cast %swap3A_2772 : i32 to index
      %swap3A_2775 = arith.constant 112 : index
      %swap3A_2776 = tpu.vector_load %arg14[%swap3A_2773, %swap3A_2774, %swap3A_2775] {strides = array<i32>} : memref<2x3x128xf32, #tpu.memory_space<vmem>>, vector<1x1x16xf32>,
      %swap3A_2777 = vector.shape_cast %swap3A_2776 : vector<1x1x16xf32> to vector<16xf32>
      %swap3A_2778 = vector.shape_cast %sub3A_2770 : vector<16xf32> to vector<1x1x16xf32>
      tpu.vector_store %arg14[%swap3A_2773, %swap3A_2774, %swap3A_2775], %swap3A_2778 {strides = array<i32>} : memref<2x3x128xf32, #tpu.memory_space<vmem>>, vector<1x1x16xf32>,
      %dma_start3A_2779 = arith.constant 1 : i32
      %dma_start3A_2780 = arith.constant 0 : i32
      %dma_start3A_2781 = arith.constant 0 : i32
      %dma_start3A_2782 = arith.constant 0 : i32
      %dma_start3A_2783 = arith.constant 1 : i32
      %dma_start3A_2784 = arith.constant 0 : i32
      %dma_start3A_2785 = tpu.memref_slice %arg14[%dma_start3A_2779, %dma_start3A_2780, %dma_start3A_2784] : memref<2x3x128xf32, #tpu.memory_space<vmem>> -> memref<1x1x128xf32, #tpu.memory_space<vmem>>
      %dma_start3A_2786 = tpu.memref_squeeze %dma_start3A_2785 : memref<1x1x128xf32, #tpu.memory_space<vmem>> -> memref<128xf32, #tpu.memory_space<vmem>>
      %dma_start3A_2787 = arith.constant 0 : i32
      %dma_start3A_2788 = tpu.memref_slice %arg12[%dma_start3A_2781, %add3A_1813, %dma_start3A_2782, %dma_start3A_2787] : memref<3x50x1x128xi32, #tpu.memory_space<vmem>> -> memref<1x1x1x128xi32, #tpu.memory_space<vmem>>
      %dma_start3A_2789 = tpu.memref_squeeze %dma_start3A_2788 : memref<1x1x1x128xi32, #tpu.memory_space<vmem>> -> memref<128xi32, #tpu.memory_space<vmem>>
      %dma_start3A_2790 = arith.constant 0 : i32
      %dma_start3A_2791 = tpu.memref_slice %arg9[%dma_start3A_2790] : memref<100352xf32, #tpu.memory_space<vmem_shared>> -> memref<100352xf32, #tpu.memory_space<vmem_shared>>
      %dma_start3A_2792 = tpu.memref_slice %arg16[%dma_start3A_2783] : memref<2x!tpu.dma_semaphore, #tpu.memory_space<semaphore_mem>> -> memref<1x!tpu.dma_semaphore, #tpu.memory_space<semaphore_mem>>
      %dma_start3A_2793 = tpu.memref_squeeze %dma_start3A_2792 : memref<1x!tpu.dma_semaphore, #tpu.memory_space<semaphore_mem>> -> memref<!tpu.dma_semaphore, #tpu.memory_space<semaphore_mem>>
      tpu.enqueue_indirect_dma source(%dma_start3A_2786 : memref<128xf32, #tpu.memory_space<vmem>>) target(%dma_start3A_2791 : memref<100352xf32, #tpu.memory_space<vmem_shared>>) offsets(%dma_start3A_2789 : memref<128xi32, #tpu.memory_space<vmem>>) semaphore(%dma_start3A_2793 : memref<!tpu.dma_semaphore, #tpu.memory_space<semaphore_mem>>) {add = true}
      %dma_start3A_2794 = arith.constant 1 : i32
      %dma_start3A_2795 = arith.constant 1 : i32
      %dma_start3A_2796 = arith.constant 0 : i32
      %dma_start3A_2797 = arith.constant 0 : i32
      %dma_start3A_2798 = arith.constant 1 : i32
      %dma_start3A_2799 = arith.constant 0 : i32
      %dma_start3A_2800 = tpu.memref_slice %arg14[%dma_start3A_2794, %dma_start3A_2795, %dma_start3A_2799] : memref<2x3x128xf32, #tpu.memory_space<vmem>> -> memref<1x1x128xf32, #tpu.memory_space<vmem>>
      %dma_start3A_2801 = tpu.memref_squeeze %dma_start3A_2800 : memref<1x1x128xf32, #tpu.memory_space<vmem>> -> memref<128xf32, #tpu.memory_space<vmem>>
      %dma_start3A_2802 = arith.constant 0 : i32
      %dma_start3A_2803 = tpu.memref_slice %arg12[%dma_start3A_2796, %add3A_1813, %dma_start3A_2797, %dma_start3A_2802] : memref<3x50x1x128xi32, #tpu.memory_space<vmem>> -> memref<1x1x1x128xi32, #tpu.memory_space<vmem>>
      %dma_start3A_2804 = tpu.memref_squeeze %dma_start3A_2803 : memref<1x1x1x128xi32, #tpu.memory_space<vmem>> -> memref<128xi32, #tpu.memory_space<vmem>>
      %dma_start3A_2805 = arith.constant 0 : i32
      %dma_start3A_2806 = tpu.memref_slice %arg10[%dma_start3A_2805] : memref<100352xf32, #tpu.memory_space<vmem_shared>> -> memref<100352xf32, #tpu.memory_space<vmem_shared>>
      %dma_start3A_2807 = tpu.memref_slice %arg16[%dma_start3A_2798] : memref<2x!tpu.dma_semaphore, #tpu.memory_space<semaphore_mem>> -> memref<1x!tpu.dma_semaphore, #tpu.memory_space<semaphore_mem>>
      %dma_start3A_2808 = tpu.memref_squeeze %dma_start3A_2807 : memref<1x!tpu.dma_semaphore, #tpu.memory_space<semaphore_mem>> -> memref<!tpu.dma_semaphore, #tpu.memory_space<semaphore_mem>>
      tpu.enqueue_indirect_dma source(%dma_start3A_2801 : memref<128xf32, #tpu.memory_space<vmem>>) target(%dma_start3A_2806 : memref<100352xf32, #tpu.memory_space<vmem_shared>>) offsets(%dma_start3A_2804 : memref<128xi32, #tpu.memory_space<vmem>>) semaphore(%dma_start3A_2808 : memref<!tpu.dma_semaphore, #tpu.memory_space<semaphore_mem>>) {add = true}
      %dma_start3A_2809 = arith.constant 1 : i32
      %dma_start3A_2810 = arith.constant 2 : i32
      %dma_start3A_2811 = arith.constant 0 : i32
      %dma_start3A_2812 = arith.constant 0 : i32
      %dma_start3A_2813 = arith.constant 1 : i32
      %dma_start3A_2814 = arith.constant 0 : i32
      %dma_start3A_2815 = tpu.memref_slice %arg14[%dma_start3A_2809, %dma_start3A_2810, %dma_start3A_2814] : memref<2x3x128xf32, #tpu.memory_space<vmem>> -> memref<1x1x128xf32, #tpu.memory_space<vmem>>
      %dma_start3A_2816 = tpu.memref_squeeze %dma_start3A_2815 : memref<1x1x128xf32, #tpu.memory_space<vmem>> -> memref<128xf32, #tpu.memory_space<vmem>>
      %dma_start3A_2817 = arith.constant 0 : i32
      %dma_start3A_2818 = tpu.memref_slice %arg12[%dma_start3A_2811, %add3A_1813, %dma_start3A_2812, %dma_start3A_2817] : memref<3x50x1x128xi32, #tpu.memory_space<vmem>> -> memref<1x1x1x128xi32, #tpu.memory_space<vmem>>
      %dma_start3A_2819 = tpu.memref_squeeze %dma_start3A_2818 : memref<1x1x1x128xi32, #tpu.memory_space<vmem>> -> memref<128xi32, #tpu.memory_space<vmem>>
      %dma_start3A_2820 = arith.constant 0 : i32
      %dma_start3A_2821 = tpu.memref_slice %arg11[%dma_start3A_2820] : memref<100352xf32, #tpu.memory_space<vmem_shared>> -> memref<100352xf32, #tpu.memory_space<vmem_shared>>
      %dma_start3A_2822 = tpu.memref_slice %arg16[%dma_start3A_2813] : memref<2x!tpu.dma_semaphore, #tpu.memory_space<semaphore_mem>> -> memref<1x!tpu.dma_semaphore, #tpu.memory_space<semaphore_mem>>
      %dma_start3A_2823 = tpu.memref_squeeze %dma_start3A_2822 : memref<1x!tpu.dma_semaphore, #tpu.memory_space<semaphore_mem>> -> memref<!tpu.dma_semaphore, #tpu.memory_space<semaphore_mem>>
      tpu.enqueue_indirect_dma source(%dma_start3A_2816 : memref<128xf32, #tpu.memory_space<vmem>>) target(%dma_start3A_2821 : memref<100352xf32, #tpu.memory_space<vmem_shared>>) offsets(%dma_start3A_2819 : memref<128xi32, #tpu.memory_space<vmem>>) semaphore(%dma_start3A_2823 : memref<!tpu.dma_semaphore, #tpu.memory_space<semaphore_mem>>) {add = true}
      %dma_start3A_2824 = arith.constant 1 : i32
      %dma_start3A_2825 = arith.constant 0 : i32
      %dma_start3A_2826 = arith.constant 1 : i32
      %dma_start3A_2827 = arith.constant 0 : i32
      %dma_start3A_2828 = arith.constant 1 : i32
      %dma_start3A_2829 = arith.constant 0 : i32
      %dma_start3A_2830 = tpu.memref_slice %arg14[%dma_start3A_2824, %dma_start3A_2825, %dma_start3A_2829] : memref<2x3x128xf32, #tpu.memory_space<vmem>> -> memref<1x1x128xf32, #tpu.memory_space<vmem>>
      %dma_start3A_2831 = tpu.memref_squeeze %dma_start3A_2830 : memref<1x1x128xf32, #tpu.memory_space<vmem>> -> memref<128xf32, #tpu.memory_space<vmem>>
      %dma_start3A_2832 = arith.constant 0 : i32
      %dma_start3A_2833 = tpu.memref_slice %arg12[%dma_start3A_2826, %add3A_1813, %dma_start3A_2827, %dma_start3A_2832] : memref<3x50x1x128xi32, #tpu.memory_space<vmem>> -> memref<1x1x1x128xi32, #tpu.memory_space<vmem>>
      %dma_start3A_2834 = tpu.memref_squeeze %dma_start3A_2833 : memref<1x1x1x128xi32, #tpu.memory_space<vmem>> -> memref<128xi32, #tpu.memory_space<vmem>>
      %dma_start3A_2835 = arith.constant 0 : i32
      %dma_start3A_2836 = tpu.memref_slice %arg9[%dma_start3A_2835] : memref<100352xf32, #tpu.memory_space<vmem_shared>> -> memref<100352xf32, #tpu.memory_space<vmem_shared>>
      %dma_start3A_2837 = tpu.memref_slice %arg16[%dma_start3A_2828] : memref<2x!tpu.dma_semaphore, #tpu.memory_space<semaphore_mem>> -> memref<1x!tpu.dma_semaphore, #tpu.memory_space<semaphore_mem>>
      %dma_start3A_2838 = tpu.memref_squeeze %dma_start3A_2837 : memref<1x!tpu.dma_semaphore, #tpu.memory_space<semaphore_mem>> -> memref<!tpu.dma_semaphore, #tpu.memory_space<semaphore_mem>>
      tpu.enqueue_indirect_dma source(%dma_start3A_2831 : memref<128xf32, #tpu.memory_space<vmem>>) target(%dma_start3A_2836 : memref<100352xf32, #tpu.memory_space<vmem_shared>>) offsets(%dma_start3A_2834 : memref<128xi32, #tpu.memory_space<vmem>>) semaphore(%dma_start3A_2838 : memref<!tpu.dma_semaphore, #tpu.memory_space<semaphore_mem>>) {add = true}
      %dma_start3A_2839 = arith.constant 1 : i32
      %dma_start3A_2840 = arith.constant 1 : i32
      %dma_start3A_2841 = arith.constant 1 : i32
      %dma_start3A_2842 = arith.constant 0 : i32
      %dma_start3A_2843 = arith.constant 1 : i32
      %dma_start3A_2844 = arith.constant 0 : i32
      %dma_start3A_2845 = tpu.memref_slice %arg14[%dma_start3A_2839, %dma_start3A_2840, %dma_start3A_2844] : memref<2x3x128xf32, #tpu.memory_space<vmem>> -> memref<1x1x128xf32, #tpu.memory_space<vmem>>
      %dma_start3A_2846 = tpu.memref_squeeze %dma_start3A_2845 : memref<1x1x128xf32, #tpu.memory_space<vmem>> -> memref<128xf32, #tpu.memory_space<vmem>>
      %dma_start3A_2847 = arith.constant 0 : i32
      %dma_start3A_2848 = tpu.memref_slice %arg12[%dma_start3A_2841, %add3A_1813, %dma_start3A_2842, %dma_start3A_2847] : memref<3x50x1x128xi32, #tpu.memory_space<vmem>> -> memref<1x1x1x128xi32, #tpu.memory_space<vmem>>
      %dma_start3A_2849 = tpu.memref_squeeze %dma_start3A_2848 : memref<1x1x1x128xi32, #tpu.memory_space<vmem>> -> memref<128xi32, #tpu.memory_space<vmem>>
      %dma_start3A_2850 = arith.constant 0 : i32
      %dma_start3A_2851 = tpu.memref_slice %arg10[%dma_start3A_2850] : memref<100352xf32, #tpu.memory_space<vmem_shared>> -> memref<100352xf32, #tpu.memory_space<vmem_shared>>
      %dma_start3A_2852 = tpu.memref_slice %arg16[%dma_start3A_2843] : memref<2x!tpu.dma_semaphore, #tpu.memory_space<semaphore_mem>> -> memref<1x!tpu.dma_semaphore, #tpu.memory_space<semaphore_mem>>
      %dma_start3A_2853 = tpu.memref_squeeze %dma_start3A_2852 : memref<1x!tpu.dma_semaphore, #tpu.memory_space<semaphore_mem>> -> memref<!tpu.dma_semaphore, #tpu.memory_space<semaphore_mem>>
      tpu.enqueue_indirect_dma source(%dma_start3A_2846 : memref<128xf32, #tpu.memory_space<vmem>>) target(%dma_start3A_2851 : memref<100352xf32, #tpu.memory_space<vmem_shared>>) offsets(%dma_start3A_2849 : memref<128xi32, #tpu.memory_space<vmem>>) semaphore(%dma_start3A_2853 : memref<!tpu.dma_semaphore, #tpu.memory_space<semaphore_mem>>) {add = true}
      %dma_start3A_2854 = arith.constant 1 : i32
      %dma_start3A_2855 = arith.constant 2 : i32
      %dma_start3A_2856 = arith.constant 1 : i32
      %dma_start3A_2857 = arith.constant 0 : i32
      %dma_start3A_2858 = arith.constant 1 : i32
      %dma_start3A_2859 = arith.constant 0 : i32
      %dma_start3A_2860 = tpu.memref_slice %arg14[%dma_start3A_2854, %dma_start3A_2855, %dma_start3A_2859] : memref<2x3x128xf32, #tpu.memory_space<vmem>> -> memref<1x1x128xf32, #tpu.memory_space<vmem>>
      %dma_start3A_2861 = tpu.memref_squeeze %dma_start3A_2860 : memref<1x1x128xf32, #tpu.memory_space<vmem>> -> memref<128xf32, #tpu.memory_space<vmem>>
      %dma_start3A_2862 = arith.constant 0 : i32
      %dma_start3A_2863 = tpu.memref_slice %arg12[%dma_start3A_2856, %add3A_1813, %dma_start3A_2857, %dma_start3A_2862] : memref<3x50x1x128xi32, #tpu.memory_space<vmem>> -> memref<1x1x1x128xi32, #tpu.memory_space<vmem>>
      %dma_start3A_2864 = tpu.memref_squeeze %dma_start3A_2863 : memref<1x1x1x128xi32, #tpu.memory_space<vmem>> -> memref<128xi32, #tpu.memory_space<vmem>>
      %dma_start3A_2865 = arith.constant 0 : i32
      %dma_start3A_2866 = tpu.memref_slice %arg11[%dma_start3A_2865] : memref<100352xf32, #tpu.memory_space<vmem_shared>> -> memref<100352xf32, #tpu.memory_space<vmem_shared>>
      %dma_start3A_2867 = tpu.memref_slice %arg16[%dma_start3A_2858] : memref<2x!tpu.dma_semaphore, #tpu.memory_space<semaphore_mem>> -> memref<1x!tpu.dma_semaphore, #tpu.memory_space<semaphore_mem>>
      %dma_start3A_2868 = tpu.memref_squeeze %dma_start3A_2867 : memref<1x!tpu.dma_semaphore, #tpu.memory_space<semaphore_mem>> -> memref<!tpu.dma_semaphore, #tpu.memory_space<semaphore_mem>>
      tpu.enqueue_indirect_dma source(%dma_start3A_2861 : memref<128xf32, #tpu.memory_space<vmem>>) target(%dma_start3A_2866 : memref<100352xf32, #tpu.memory_space<vmem_shared>>) offsets(%dma_start3A_2864 : memref<128xi32, #tpu.memory_space<vmem>>) semaphore(%dma_start3A_2868 : memref<!tpu.dma_semaphore, #tpu.memory_space<semaphore_mem>>) {add = true}
      %dma_start3A_2869 = arith.constant 1 : i32
      %dma_start3A_2870 = arith.constant 0 : i32
      %dma_start3A_2871 = arith.constant 2 : i32
      %dma_start3A_2872 = arith.constant 0 : i32
      %dma_start3A_2873 = arith.constant 1 : i32
      %dma_start3A_2874 = arith.constant 0 : i32
      %dma_start3A_2875 = tpu.memref_slice %arg14[%dma_start3A_2869, %dma_start3A_2870, %dma_start3A_2874] : memref<2x3x128xf32, #tpu.memory_space<vmem>> -> memref<1x1x128xf32, #tpu.memory_space<vmem>>
      %dma_start3A_2876 = tpu.memref_squeeze %dma_start3A_2875 : memref<1x1x128xf32, #tpu.memory_space<vmem>> -> memref<128xf32, #tpu.memory_space<vmem>>
      %dma_start3A_2877 = arith.constant 0 : i32
      %dma_start3A_2878 = tpu.memref_slice %arg12[%dma_start3A_2871, %add3A_1813, %dma_start3A_2872, %dma_start3A_2877] : memref<3x50x1x128xi32, #tpu.memory_space<vmem>> -> memref<1x1x1x128xi32, #tpu.memory_space<vmem>>
      %dma_start3A_2879 = tpu.memref_squeeze %dma_start3A_2878 : memref<1x1x1x128xi32, #tpu.memory_space<vmem>> -> memref<128xi32, #tpu.memory_space<vmem>>
      %dma_start3A_2880 = arith.constant 0 : i32
      %dma_start3A_2881 = tpu.memref_slice %arg9[%dma_start3A_2880] : memref<100352xf32, #tpu.memory_space<vmem_shared>> -> memref<100352xf32, #tpu.memory_space<vmem_shared>>
      %dma_start3A_2882 = tpu.memref_slice %arg16[%dma_start3A_2873] : memref<2x!tpu.dma_semaphore, #tpu.memory_space<semaphore_mem>> -> memref<1x!tpu.dma_semaphore, #tpu.memory_space<semaphore_mem>>
      %dma_start3A_2883 = tpu.memref_squeeze %dma_start3A_2882 : memref<1x!tpu.dma_semaphore, #tpu.memory_space<semaphore_mem>> -> memref<!tpu.dma_semaphore, #tpu.memory_space<semaphore_mem>>
      tpu.enqueue_indirect_dma source(%dma_start3A_2876 : memref<128xf32, #tpu.memory_space<vmem>>) target(%dma_start3A_2881 : memref<100352xf32, #tpu.memory_space<vmem_shared>>) offsets(%dma_start3A_2879 : memref<128xi32, #tpu.memory_space<vmem>>) semaphore(%dma_start3A_2883 : memref<!tpu.dma_semaphore, #tpu.memory_space<semaphore_mem>>) {add = true}
      %dma_start3A_2884 = arith.constant 1 : i32
      %dma_start3A_2885 = arith.constant 1 : i32
      %dma_start3A_2886 = arith.constant 2 : i32
      %dma_start3A_2887 = arith.constant 0 : i32
      %dma_start3A_2888 = arith.constant 1 : i32
      %dma_start3A_2889 = arith.constant 0 : i32
      %dma_start3A_2890 = tpu.memref_slice %arg14[%dma_start3A_2884, %dma_start3A_2885, %dma_start3A_2889] : memref<2x3x128xf32, #tpu.memory_space<vmem>> -> memref<1x1x128xf32, #tpu.memory_space<vmem>>
      %dma_start3A_2891 = tpu.memref_squeeze %dma_start3A_2890 : memref<1x1x128xf32, #tpu.memory_space<vmem>> -> memref<128xf32, #tpu.memory_space<vmem>>
      %dma_start3A_2892 = arith.constant 0 : i32
      %dma_start3A_2893 = tpu.memref_slice %arg12[%dma_start3A_2886, %add3A_1813, %dma_start3A_2887, %dma_start3A_2892] : memref<3x50x1x128xi32, #tpu.memory_space<vmem>> -> memref<1x1x1x128xi32, #tpu.memory_space<vmem>>
      %dma_start3A_2894 = tpu.memref_squeeze %dma_start3A_2893 : memref<1x1x1x128xi32, #tpu.memory_space<vmem>> -> memref<128xi32, #tpu.memory_space<vmem>>
      %dma_start3A_2895 = arith.constant 0 : i32
      %dma_start3A_2896 = tpu.memref_slice %arg10[%dma_start3A_2895] : memref<100352xf32, #tpu.memory_space<vmem_shared>> -> memref<100352xf32, #tpu.memory_space<vmem_shared>>
      %dma_start3A_2897 = tpu.memref_slice %arg16[%dma_start3A_2888] : memref<2x!tpu.dma_semaphore, #tpu.memory_space<semaphore_mem>> -> memref<1x!tpu.dma_semaphore, #tpu.memory_space<semaphore_mem>>
      %dma_start3A_2898 = tpu.memref_squeeze %dma_start3A_2897 : memref<1x!tpu.dma_semaphore, #tpu.memory_space<semaphore_mem>> -> memref<!tpu.dma_semaphore, #tpu.memory_space<semaphore_mem>>
      tpu.enqueue_indirect_dma source(%dma_start3A_2891 : memref<128xf32, #tpu.memory_space<vmem>>) target(%dma_start3A_2896 : memref<100352xf32, #tpu.memory_space<vmem_shared>>) offsets(%dma_start3A_2894 : memref<128xi32, #tpu.memory_space<vmem>>) semaphore(%dma_start3A_2898 : memref<!tpu.dma_semaphore, #tpu.memory_space<semaphore_mem>>) {add = true}
      %dma_start3A_2899 = arith.constant 1 : i32
      %dma_start3A_2900 = arith.constant 2 : i32
      %dma_start3A_2901 = arith.constant 2 : i32
      %dma_start3A_2902 = arith.constant 0 : i32
      %dma_start3A_2903 = arith.constant 1 : i32
      %dma_start3A_2904 = arith.constant 0 : i32
      %dma_start3A_2905 = tpu.memref_slice %arg14[%dma_start3A_2899, %dma_start3A_2900, %dma_start3A_2904] : memref<2x3x128xf32, #tpu.memory_space<vmem>> -> memref<1x1x128xf32, #tpu.memory_space<vmem>>
      %dma_start3A_2906 = tpu.memref_squeeze %dma_start3A_2905 : memref<1x1x128xf32, #tpu.memory_space<vmem>> -> memref<128xf32, #tpu.memory_space<vmem>>
      %dma_start3A_2907 = arith.constant 0 : i32
      %dma_start3A_2908 = tpu.memref_slice %arg12[%dma_start3A_2901, %add3A_1813, %dma_start3A_2902, %dma_start3A_2907] : memref<3x50x1x128xi32, #tpu.memory_space<vmem>> -> memref<1x1x1x128xi32, #tpu.memory_space<vmem>>
      %dma_start3A_2909 = tpu.memref_squeeze %dma_start3A_2908 : memref<1x1x1x128xi32, #tpu.memory_space<vmem>> -> memref<128xi32, #tpu.memory_space<vmem>>
      %dma_start3A_2910 = arith.constant 0 : i32
      %dma_start3A_2911 = tpu.memref_slice %arg11[%dma_start3A_2910] : memref<100352xf32, #tpu.memory_space<vmem_shared>> -> memref<100352xf32, #tpu.memory_space<vmem_shared>>
      %dma_start3A_2912 = tpu.memref_slice %arg16[%dma_start3A_2903] : memref<2x!tpu.dma_semaphore, #tpu.memory_space<semaphore_mem>> -> memref<1x!tpu.dma_semaphore, #tpu.memory_space<semaphore_mem>>
      %dma_start3A_2913 = tpu.memref_squeeze %dma_start3A_2912 : memref<1x!tpu.dma_semaphore, #tpu.memory_space<semaphore_mem>> -> memref<!tpu.dma_semaphore, #tpu.memory_space<semaphore_mem>>
      tpu.enqueue_indirect_dma source(%dma_start3A_2906 : memref<128xf32, #tpu.memory_space<vmem>>) target(%dma_start3A_2911 : memref<100352xf32, #tpu.memory_space<vmem_shared>>) offsets(%dma_start3A_2909 : memref<128xi32, #tpu.memory_space<vmem>>) semaphore(%dma_start3A_2913 : memref<!tpu.dma_semaphore, #tpu.memory_space<semaphore_mem>>) {add = true}
    }
    %scan3A_370 = arith.constant 25 : i32
    %dma_wait3A_371 = arith.constant 0 : i32
    %dma_wait3A_372 = arith.constant 0 : i32
    %dma_wait3A_373 = arith.constant 0 : i32
    %dma_wait3A_374 = arith.constant 48 : i32
    %dma_wait3A_375 = arith.constant 0 : i32
    %dma_wait3A_376 = arith.constant 0 : i32
    %dma_wait3A_377 = arith.constant 0 : i32
    %dma_wait3A_378 = tpu.memref_slice %arg14[%dma_wait3A_371, %dma_wait3A_372, %dma_wait3A_377] : memref<2x3x128xf32, #tpu.memory_space<vmem>> -> memref<1x1x128xf32, #tpu.memory_space<vmem>>
    %dma_wait3A_379 = tpu.memref_squeeze %dma_wait3A_378 : memref<1x1x128xf32, #tpu.memory_space<vmem>> -> memref<128xf32, #tpu.memory_space<vmem>>
    %dma_wait3A_380 = arith.constant 0 : i32
    %dma_wait3A_381 = tpu.memref_slice %arg12[%dma_wait3A_373, %dma_wait3A_374, %dma_wait3A_375, %dma_wait3A_380] : memref<3x50x1x128xi32, #tpu.memory_space<vmem>> -> memref<1x1x1x128xi32, #tpu.memory_space<vmem>>
    %dma_wait3A_382 = tpu.memref_squeeze %dma_wait3A_381 : memref<1x1x1x128xi32, #tpu.memory_space<vmem>> -> memref<128xi32, #tpu.memory_space<vmem>>
    %dma_wait3A_383 = arith.constant 0 : i32
    %dma_wait3A_384 = tpu.memref_slice %arg9[%dma_wait3A_383] : memref<100352xf32, #tpu.memory_space<vmem_shared>> -> memref<100352xf32, #tpu.memory_space<vmem_shared>>
    %dma_wait3A_385 = tpu.memref_slice %arg16[%dma_wait3A_376] : memref<2x!tpu.dma_semaphore, #tpu.memory_space<semaphore_mem>> -> memref<1x!tpu.dma_semaphore, #tpu.memory_space<semaphore_mem>>
    %dma_wait3A_386 = tpu.memref_squeeze %dma_wait3A_385 : memref<1x!tpu.dma_semaphore, #tpu.memory_space<semaphore_mem>> -> memref<!tpu.dma_semaphore, #tpu.memory_space<semaphore_mem>>
    tpu.wait_indirect_dma semaphore(%dma_wait3A_386 : memref<!tpu.dma_semaphore, #tpu.memory_space<semaphore_mem>>) src(%dma_wait3A_379 : memref<128xf32, #tpu.memory_space<vmem>>) dst(%dma_wait3A_384 : memref<100352xf32, #tpu.memory_space<vmem_shared>>)
    %dma_wait3A_387 = arith.constant 0 : i32
    %dma_wait3A_388 = arith.constant 1 : i32
    %dma_wait3A_389 = arith.constant 0 : i32
    %dma_wait3A_390 = arith.constant 48 : i32
    %dma_wait3A_391 = arith.constant 0 : i32
    %dma_wait3A_392 = arith.constant 0 : i32
    %dma_wait3A_393 = arith.constant 0 : i32
    %dma_wait3A_394 = tpu.memref_slice %arg14[%dma_wait3A_387, %dma_wait3A_388, %dma_wait3A_393] : memref<2x3x128xf32, #tpu.memory_space<vmem>> -> memref<1x1x128xf32, #tpu.memory_space<vmem>>
    %dma_wait3A_395 = tpu.memref_squeeze %dma_wait3A_394 : memref<1x1x128xf32, #tpu.memory_space<vmem>> -> memref<128xf32, #tpu.memory_space<vmem>>
    %dma_wait3A_396 = arith.constant 0 : i32
    %dma_wait3A_397 = tpu.memref_slice %arg12[%dma_wait3A_389, %dma_wait3A_390, %dma_wait3A_391, %dma_wait3A_396] : memref<3x50x1x128xi32, #tpu.memory_space<vmem>> -> memref<1x1x1x128xi32, #tpu.memory_space<vmem>>
    %dma_wait3A_398 = tpu.memref_squeeze %dma_wait3A_397 : memref<1x1x1x128xi32, #tpu.memory_space<vmem>> -> memref<128xi32, #tpu.memory_space<vmem>>
    %dma_wait3A_399 = arith.constant 0 : i32
    %dma_wait3A_400 = tpu.memref_slice %arg10[%dma_wait3A_399] : memref<100352xf32, #tpu.memory_space<vmem_shared>> -> memref<100352xf32, #tpu.memory_space<vmem_shared>>
    %dma_wait3A_401 = tpu.memref_slice %arg16[%dma_wait3A_392] : memref<2x!tpu.dma_semaphore, #tpu.memory_space<semaphore_mem>> -> memref<1x!tpu.dma_semaphore, #tpu.memory_space<semaphore_mem>>
    %dma_wait3A_402 = tpu.memref_squeeze %dma_wait3A_401 : memref<1x!tpu.dma_semaphore, #tpu.memory_space<semaphore_mem>> -> memref<!tpu.dma_semaphore, #tpu.memory_space<semaphore_mem>>
    tpu.wait_indirect_dma semaphore(%dma_wait3A_402 : memref<!tpu.dma_semaphore, #tpu.memory_space<semaphore_mem>>) src(%dma_wait3A_395 : memref<128xf32, #tpu.memory_space<vmem>>) dst(%dma_wait3A_400 : memref<100352xf32, #tpu.memory_space<vmem_shared>>)
    %dma_wait3A_403 = arith.constant 0 : i32
    %dma_wait3A_404 = arith.constant 2 : i32
    %dma_wait3A_405 = arith.constant 0 : i32
    %dma_wait3A_406 = arith.constant 48 : i32
    %dma_wait3A_407 = arith.constant 0 : i32
    %dma_wait3A_408 = arith.constant 0 : i32
    %dma_wait3A_409 = arith.constant 0 : i32
    %dma_wait3A_410 = tpu.memref_slice %arg14[%dma_wait3A_403, %dma_wait3A_404, %dma_wait3A_409] : memref<2x3x128xf32, #tpu.memory_space<vmem>> -> memref<1x1x128xf32, #tpu.memory_space<vmem>>
    %dma_wait3A_411 = tpu.memref_squeeze %dma_wait3A_410 : memref<1x1x128xf32, #tpu.memory_space<vmem>> -> memref<128xf32, #tpu.memory_space<vmem>>
    %dma_wait3A_412 = arith.constant 0 : i32
    %dma_wait3A_413 = tpu.memref_slice %arg12[%dma_wait3A_405, %dma_wait3A_406, %dma_wait3A_407, %dma_wait3A_412] : memref<3x50x1x128xi32, #tpu.memory_space<vmem>> -> memref<1x1x1x128xi32, #tpu.memory_space<vmem>>
    %dma_wait3A_414 = tpu.memref_squeeze %dma_wait3A_413 : memref<1x1x1x128xi32, #tpu.memory_space<vmem>> -> memref<128xi32, #tpu.memory_space<vmem>>
    %dma_wait3A_415 = arith.constant 0 : i32
    %dma_wait3A_416 = tpu.memref_slice %arg11[%dma_wait3A_415] : memref<100352xf32, #tpu.memory_space<vmem_shared>> -> memref<100352xf32, #tpu.memory_space<vmem_shared>>
    %dma_wait3A_417 = tpu.memref_slice %arg16[%dma_wait3A_408] : memref<2x!tpu.dma_semaphore, #tpu.memory_space<semaphore_mem>> -> memref<1x!tpu.dma_semaphore, #tpu.memory_space<semaphore_mem>>
    %dma_wait3A_418 = tpu.memref_squeeze %dma_wait3A_417 : memref<1x!tpu.dma_semaphore, #tpu.memory_space<semaphore_mem>> -> memref<!tpu.dma_semaphore, #tpu.memory_space<semaphore_mem>>
    tpu.wait_indirect_dma semaphore(%dma_wait3A_418 : memref<!tpu.dma_semaphore, #tpu.memory_space<semaphore_mem>>) src(%dma_wait3A_411 : memref<128xf32, #tpu.memory_space<vmem>>) dst(%dma_wait3A_416 : memref<100352xf32, #tpu.memory_space<vmem_shared>>)
    %dma_wait3A_419 = arith.constant 0 : i32
    %dma_wait3A_420 = arith.constant 0 : i32
    %dma_wait3A_421 = arith.constant 1 : i32
    %dma_wait3A_422 = arith.constant 48 : i32
    %dma_wait3A_423 = arith.constant 0 : i32
    %dma_wait3A_424 = arith.constant 0 : i32
    %dma_wait3A_425 = arith.constant 0 : i32
    %dma_wait3A_426 = tpu.memref_slice %arg14[%dma_wait3A_419, %dma_wait3A_420, %dma_wait3A_425] : memref<2x3x128xf32, #tpu.memory_space<vmem>> -> memref<1x1x128xf32, #tpu.memory_space<vmem>>
    %dma_wait3A_427 = tpu.memref_squeeze %dma_wait3A_426 : memref<1x1x128xf32, #tpu.memory_space<vmem>> -> memref<128xf32, #tpu.memory_space<vmem>>
    %dma_wait3A_428 = arith.constant 0 : i32
    %dma_wait3A_429 = tpu.memref_slice %arg12[%dma_wait3A_421, %dma_wait3A_422, %dma_wait3A_423, %dma_wait3A_428] : memref<3x50x1x128xi32, #tpu.memory_space<vmem>> -> memref<1x1x1x128xi32, #tpu.memory_space<vmem>>
    %dma_wait3A_430 = tpu.memref_squeeze %dma_wait3A_429 : memref<1x1x1x128xi32, #tpu.memory_space<vmem>> -> memref<128xi32, #tpu.memory_space<vmem>>
    %dma_wait3A_431 = arith.constant 0 : i32
    %dma_wait3A_432 = tpu.memref_slice %arg9[%dma_wait3A_431] : memref<100352xf32, #tpu.memory_space<vmem_shared>> -> memref<100352xf32, #tpu.memory_space<vmem_shared>>
    %dma_wait3A_433 = tpu.memref_slice %arg16[%dma_wait3A_424] : memref<2x!tpu.dma_semaphore, #tpu.memory_space<semaphore_mem>> -> memref<1x!tpu.dma_semaphore, #tpu.memory_space<semaphore_mem>>
    %dma_wait3A_434 = tpu.memref_squeeze %dma_wait3A_433 : memref<1x!tpu.dma_semaphore, #tpu.memory_space<semaphore_mem>> -> memref<!tpu.dma_semaphore, #tpu.memory_space<semaphore_mem>>
    tpu.wait_indirect_dma semaphore(%dma_wait3A_434 : memref<!tpu.dma_semaphore, #tpu.memory_space<semaphore_mem>>) src(%dma_wait3A_427 : memref<128xf32, #tpu.memory_space<vmem>>) dst(%dma_wait3A_432 : memref<100352xf32, #tpu.memory_space<vmem_shared>>)
    %dma_wait3A_435 = arith.constant 0 : i32
    %dma_wait3A_436 = arith.constant 1 : i32
    %dma_wait3A_437 = arith.constant 1 : i32
    %dma_wait3A_438 = arith.constant 48 : i32
    %dma_wait3A_439 = arith.constant 0 : i32
    %dma_wait3A_440 = arith.constant 0 : i32
    %dma_wait3A_441 = arith.constant 0 : i32
    %dma_wait3A_442 = tpu.memref_slice %arg14[%dma_wait3A_435, %dma_wait3A_436, %dma_wait3A_441] : memref<2x3x128xf32, #tpu.memory_space<vmem>> -> memref<1x1x128xf32, #tpu.memory_space<vmem>>
    %dma_wait3A_443 = tpu.memref_squeeze %dma_wait3A_442 : memref<1x1x128xf32, #tpu.memory_space<vmem>> -> memref<128xf32, #tpu.memory_space<vmem>>
    %dma_wait3A_444 = arith.constant 0 : i32
    %dma_wait3A_445 = tpu.memref_slice %arg12[%dma_wait3A_437, %dma_wait3A_438, %dma_wait3A_439, %dma_wait3A_444] : memref<3x50x1x128xi32, #tpu.memory_space<vmem>> -> memref<1x1x1x128xi32, #tpu.memory_space<vmem>>
    %dma_wait3A_446 = tpu.memref_squeeze %dma_wait3A_445 : memref<1x1x1x128xi32, #tpu.memory_space<vmem>> -> memref<128xi32, #tpu.memory_space<vmem>>
    %dma_wait3A_447 = arith.constant 0 : i32
    %dma_wait3A_448 = tpu.memref_slice %arg10[%dma_wait3A_447] : memref<100352xf32, #tpu.memory_space<vmem_shared>> -> memref<100352xf32, #tpu.memory_space<vmem_shared>>
    %dma_wait3A_449 = tpu.memref_slice %arg16[%dma_wait3A_440] : memref<2x!tpu.dma_semaphore, #tpu.memory_space<semaphore_mem>> -> memref<1x!tpu.dma_semaphore, #tpu.memory_space<semaphore_mem>>
    %dma_wait3A_450 = tpu.memref_squeeze %dma_wait3A_449 : memref<1x!tpu.dma_semaphore, #tpu.memory_space<semaphore_mem>> -> memref<!tpu.dma_semaphore, #tpu.memory_space<semaphore_mem>>
    tpu.wait_indirect_dma semaphore(%dma_wait3A_450 : memref<!tpu.dma_semaphore, #tpu.memory_space<semaphore_mem>>) src(%dma_wait3A_443 : memref<128xf32, #tpu.memory_space<vmem>>) dst(%dma_wait3A_448 : memref<100352xf32, #tpu.memory_space<vmem_shared>>)
    %dma_wait3A_451 = arith.constant 0 : i32
    %dma_wait3A_452 = arith.constant 2 : i32
    %dma_wait3A_453 = arith.constant 1 : i32
    %dma_wait3A_454 = arith.constant 48 : i32
    %dma_wait3A_455 = arith.constant 0 : i32
    %dma_wait3A_456 = arith.constant 0 : i32
    %dma_wait3A_457 = arith.constant 0 : i32
    %dma_wait3A_458 = tpu.memref_slice %arg14[%dma_wait3A_451, %dma_wait3A_452, %dma_wait3A_457] : memref<2x3x128xf32, #tpu.memory_space<vmem>> -> memref<1x1x128xf32, #tpu.memory_space<vmem>>
    %dma_wait3A_459 = tpu.memref_squeeze %dma_wait3A_458 : memref<1x1x128xf32, #tpu.memory_space<vmem>> -> memref<128xf32, #tpu.memory_space<vmem>>
    %dma_wait3A_460 = arith.constant 0 : i32
    %dma_wait3A_461 = tpu.memref_slice %arg12[%dma_wait3A_453, %dma_wait3A_454, %dma_wait3A_455, %dma_wait3A_460] : memref<3x50x1x128xi32, #tpu.memory_space<vmem>> -> memref<1x1x1x128xi32, #tpu.memory_space<vmem>>
    %dma_wait3A_462 = tpu.memref_squeeze %dma_wait3A_461 : memref<1x1x1x128xi32, #tpu.memory_space<vmem>> -> memref<128xi32, #tpu.memory_space<vmem>>
    %dma_wait3A_463 = arith.constant 0 : i32
    %dma_wait3A_464 = tpu.memref_slice %arg11[%dma_wait3A_463] : memref<100352xf32, #tpu.memory_space<vmem_shared>> -> memref<100352xf32, #tpu.memory_space<vmem_shared>>
    %dma_wait3A_465 = tpu.memref_slice %arg16[%dma_wait3A_456] : memref<2x!tpu.dma_semaphore, #tpu.memory_space<semaphore_mem>> -> memref<1x!tpu.dma_semaphore, #tpu.memory_space<semaphore_mem>>
    %dma_wait3A_466 = tpu.memref_squeeze %dma_wait3A_465 : memref<1x!tpu.dma_semaphore, #tpu.memory_space<semaphore_mem>> -> memref<!tpu.dma_semaphore, #tpu.memory_space<semaphore_mem>>
    tpu.wait_indirect_dma semaphore(%dma_wait3A_466 : memref<!tpu.dma_semaphore, #tpu.memory_space<semaphore_mem>>) src(%dma_wait3A_459 : memref<128xf32, #tpu.memory_space<vmem>>) dst(%dma_wait3A_464 : memref<100352xf32, #tpu.memory_space<vmem_shared>>)
    %dma_wait3A_467 = arith.constant 0 : i32
    %dma_wait3A_468 = arith.constant 0 : i32
    %dma_wait3A_469 = arith.constant 2 : i32
    %dma_wait3A_470 = arith.constant 48 : i32
    %dma_wait3A_471 = arith.constant 0 : i32
    %dma_wait3A_472 = arith.constant 0 : i32
    %dma_wait3A_473 = arith.constant 0 : i32
    %dma_wait3A_474 = tpu.memref_slice %arg14[%dma_wait3A_467, %dma_wait3A_468, %dma_wait3A_473] : memref<2x3x128xf32, #tpu.memory_space<vmem>> -> memref<1x1x128xf32, #tpu.memory_space<vmem>>
    %dma_wait3A_475 = tpu.memref_squeeze %dma_wait3A_474 : memref<1x1x128xf32, #tpu.memory_space<vmem>> -> memref<128xf32, #tpu.memory_space<vmem>>
    %dma_wait3A_476 = arith.constant 0 : i32
    %dma_wait3A_477 = tpu.memref_slice %arg12[%dma_wait3A_469, %dma_wait3A_470, %dma_wait3A_471, %dma_wait3A_476] : memref<3x50x1x128xi32, #tpu.memory_space<vmem>> -> memref<1x1x1x128xi32, #tpu.memory_space<vmem>>
    %dma_wait3A_478 = tpu.memref_squeeze %dma_wait3A_477 : memref<1x1x1x128xi32, #tpu.memory_space<vmem>> -> memref<128xi32, #tpu.memory_space<vmem>>
    %dma_wait3A_479 = arith.constant 0 : i32
    %dma_wait3A_480 = tpu.memref_slice %arg9[%dma_wait3A_479] : memref<100352xf32, #tpu.memory_space<vmem_shared>> -> memref<100352xf32, #tpu.memory_space<vmem_shared>>
    %dma_wait3A_481 = tpu.memref_slice %arg16[%dma_wait3A_472] : memref<2x!tpu.dma_semaphore, #tpu.memory_space<semaphore_mem>> -> memref<1x!tpu.dma_semaphore, #tpu.memory_space<semaphore_mem>>
    %dma_wait3A_482 = tpu.memref_squeeze %dma_wait3A_481 : memref<1x!tpu.dma_semaphore, #tpu.memory_space<semaphore_mem>> -> memref<!tpu.dma_semaphore, #tpu.memory_space<semaphore_mem>>
    tpu.wait_indirect_dma semaphore(%dma_wait3A_482 : memref<!tpu.dma_semaphore, #tpu.memory_space<semaphore_mem>>) src(%dma_wait3A_475 : memref<128xf32, #tpu.memory_space<vmem>>) dst(%dma_wait3A_480 : memref<100352xf32, #tpu.memory_space<vmem_shared>>)
    %dma_wait3A_483 = arith.constant 0 : i32
    %dma_wait3A_484 = arith.constant 1 : i32
    %dma_wait3A_485 = arith.constant 2 : i32
    %dma_wait3A_486 = arith.constant 48 : i32
    %dma_wait3A_487 = arith.constant 0 : i32
    %dma_wait3A_488 = arith.constant 0 : i32
    %dma_wait3A_489 = arith.constant 0 : i32
    %dma_wait3A_490 = tpu.memref_slice %arg14[%dma_wait3A_483, %dma_wait3A_484, %dma_wait3A_489] : memref<2x3x128xf32, #tpu.memory_space<vmem>> -> memref<1x1x128xf32, #tpu.memory_space<vmem>>
    %dma_wait3A_491 = tpu.memref_squeeze %dma_wait3A_490 : memref<1x1x128xf32, #tpu.memory_space<vmem>> -> memref<128xf32, #tpu.memory_space<vmem>>
    %dma_wait3A_492 = arith.constant 0 : i32
    %dma_wait3A_493 = tpu.memref_slice %arg12[%dma_wait3A_485, %dma_wait3A_486, %dma_wait3A_487, %dma_wait3A_492] : memref<3x50x1x128xi32, #tpu.memory_space<vmem>> -> memref<1x1x1x128xi32, #tpu.memory_space<vmem>>
    %dma_wait3A_494 = tpu.memref_squeeze %dma_wait3A_493 : memref<1x1x1x128xi32, #tpu.memory_space<vmem>> -> memref<128xi32, #tpu.memory_space<vmem>>
    %dma_wait3A_495 = arith.constant 0 : i32
    %dma_wait3A_496 = tpu.memref_slice %arg10[%dma_wait3A_495] : memref<100352xf32, #tpu.memory_space<vmem_shared>> -> memref<100352xf32, #tpu.memory_space<vmem_shared>>
    %dma_wait3A_497 = tpu.memref_slice %arg16[%dma_wait3A_488] : memref<2x!tpu.dma_semaphore, #tpu.memory_space<semaphore_mem>> -> memref<1x!tpu.dma_semaphore, #tpu.memory_space<semaphore_mem>>
    %dma_wait3A_498 = tpu.memref_squeeze %dma_wait3A_497 : memref<1x!tpu.dma_semaphore, #tpu.memory_space<semaphore_mem>> -> memref<!tpu.dma_semaphore, #tpu.memory_space<semaphore_mem>>
    tpu.wait_indirect_dma semaphore(%dma_wait3A_498 : memref<!tpu.dma_semaphore, #tpu.memory_space<semaphore_mem>>) src(%dma_wait3A_491 : memref<128xf32, #tpu.memory_space<vmem>>) dst(%dma_wait3A_496 : memref<100352xf32, #tpu.memory_space<vmem_shared>>)
    %dma_wait3A_499 = arith.constant 0 : i32
    %dma_wait3A_500 = arith.constant 2 : i32
    %dma_wait3A_501 = arith.constant 2 : i32
    %dma_wait3A_502 = arith.constant 48 : i32
    %dma_wait3A_503 = arith.constant 0 : i32
    %dma_wait3A_504 = arith.constant 0 : i32
    %dma_wait3A_505 = arith.constant 0 : i32
    %dma_wait3A_506 = tpu.memref_slice %arg14[%dma_wait3A_499, %dma_wait3A_500, %dma_wait3A_505] : memref<2x3x128xf32, #tpu.memory_space<vmem>> -> memref<1x1x128xf32, #tpu.memory_space<vmem>>
    %dma_wait3A_507 = tpu.memref_squeeze %dma_wait3A_506 : memref<1x1x128xf32, #tpu.memory_space<vmem>> -> memref<128xf32, #tpu.memory_space<vmem>>
    %dma_wait3A_508 = arith.constant 0 : i32
    %dma_wait3A_509 = tpu.memref_slice %arg12[%dma_wait3A_501, %dma_wait3A_502, %dma_wait3A_503, %dma_wait3A_508] : memref<3x50x1x128xi32, #tpu.memory_space<vmem>> -> memref<1x1x1x128xi32, #tpu.memory_space<vmem>>
    %dma_wait3A_510 = tpu.memref_squeeze %dma_wait3A_509 : memref<1x1x1x128xi32, #tpu.memory_space<vmem>> -> memref<128xi32, #tpu.memory_space<vmem>>
    %dma_wait3A_511 = arith.constant 0 : i32
    %dma_wait3A_512 = tpu.memref_slice %arg11[%dma_wait3A_511] : memref<100352xf32, #tpu.memory_space<vmem_shared>> -> memref<100352xf32, #tpu.memory_space<vmem_shared>>
    %dma_wait3A_513 = tpu.memref_slice %arg16[%dma_wait3A_504] : memref<2x!tpu.dma_semaphore, #tpu.memory_space<semaphore_mem>> -> memref<1x!tpu.dma_semaphore, #tpu.memory_space<semaphore_mem>>
    %dma_wait3A_514 = tpu.memref_squeeze %dma_wait3A_513 : memref<1x!tpu.dma_semaphore, #tpu.memory_space<semaphore_mem>> -> memref<!tpu.dma_semaphore, #tpu.memory_space<semaphore_mem>>
    tpu.wait_indirect_dma semaphore(%dma_wait3A_514 : memref<!tpu.dma_semaphore, #tpu.memory_space<semaphore_mem>>) src(%dma_wait3A_507 : memref<128xf32, #tpu.memory_space<vmem>>) dst(%dma_wait3A_512 : memref<100352xf32, #tpu.memory_space<vmem_shared>>)
    %dma_wait3A_515 = arith.constant 1 : i32
    %dma_wait3A_516 = arith.constant 0 : i32
    %dma_wait3A_517 = arith.constant 0 : i32
    %dma_wait3A_518 = arith.constant 49 : i32
    %dma_wait3A_519 = arith.constant 0 : i32
    %dma_wait3A_520 = arith.constant 1 : i32
    %dma_wait3A_521 = arith.constant 0 : i32
    %dma_wait3A_522 = tpu.memref_slice %arg14[%dma_wait3A_515, %dma_wait3A_516, %dma_wait3A_521] : memref<2x3x128xf32, #tpu.memory_space<vmem>> -> memref<1x1x128xf32, #tpu.memory_space<vmem>>
    %dma_wait3A_523 = tpu.memref_squeeze %dma_wait3A_522 : memref<1x1x128xf32, #tpu.memory_space<vmem>> -> memref<128xf32, #tpu.memory_space<vmem>>
    %dma_wait3A_524 = arith.constant 0 : i32
    %dma_wait3A_525 = tpu.memref_slice %arg12[%dma_wait3A_517, %dma_wait3A_518, %dma_wait3A_519, %dma_wait3A_524] : memref<3x50x1x128xi32, #tpu.memory_space<vmem>> -> memref<1x1x1x128xi32, #tpu.memory_space<vmem>>
    %dma_wait3A_526 = tpu.memref_squeeze %dma_wait3A_525 : memref<1x1x1x128xi32, #tpu.memory_space<vmem>> -> memref<128xi32, #tpu.memory_space<vmem>>
    %dma_wait3A_527 = arith.constant 0 : i32
    %dma_wait3A_528 = tpu.memref_slice %arg9[%dma_wait3A_527] : memref<100352xf32, #tpu.memory_space<vmem_shared>> -> memref<100352xf32, #tpu.memory_space<vmem_shared>>
    %dma_wait3A_529 = tpu.memref_slice %arg16[%dma_wait3A_520] : memref<2x!tpu.dma_semaphore, #tpu.memory_space<semaphore_mem>> -> memref<1x!tpu.dma_semaphore, #tpu.memory_space<semaphore_mem>>
    %dma_wait3A_530 = tpu.memref_squeeze %dma_wait3A_529 : memref<1x!tpu.dma_semaphore, #tpu.memory_space<semaphore_mem>> -> memref<!tpu.dma_semaphore, #tpu.memory_space<semaphore_mem>>
    tpu.wait_indirect_dma semaphore(%dma_wait3A_530 : memref<!tpu.dma_semaphore, #tpu.memory_space<semaphore_mem>>) src(%dma_wait3A_523 : memref<128xf32, #tpu.memory_space<vmem>>) dst(%dma_wait3A_528 : memref<100352xf32, #tpu.memory_space<vmem_shared>>)
    %dma_wait3A_531 = arith.constant 1 : i32
    %dma_wait3A_532 = arith.constant 1 : i32
    %dma_wait3A_533 = arith.constant 0 : i32
    %dma_wait3A_534 = arith.constant 49 : i32
    %dma_wait3A_535 = arith.constant 0 : i32
    %dma_wait3A_536 = arith.constant 1 : i32
    %dma_wait3A_537 = arith.constant 0 : i32
    %dma_wait3A_538 = tpu.memref_slice %arg14[%dma_wait3A_531, %dma_wait3A_532, %dma_wait3A_537] : memref<2x3x128xf32, #tpu.memory_space<vmem>> -> memref<1x1x128xf32, #tpu.memory_space<vmem>>
    %dma_wait3A_539 = tpu.memref_squeeze %dma_wait3A_538 : memref<1x1x128xf32, #tpu.memory_space<vmem>> -> memref<128xf32, #tpu.memory_space<vmem>>
    %dma_wait3A_540 = arith.constant 0 : i32
    %dma_wait3A_541 = tpu.memref_slice %arg12[%dma_wait3A_533, %dma_wait3A_534, %dma_wait3A_535, %dma_wait3A_540] : memref<3x50x1x128xi32, #tpu.memory_space<vmem>> -> memref<1x1x1x128xi32, #tpu.memory_space<vmem>>
    %dma_wait3A_542 = tpu.memref_squeeze %dma_wait3A_541 : memref<1x1x1x128xi32, #tpu.memory_space<vmem>> -> memref<128xi32, #tpu.memory_space<vmem>>
    %dma_wait3A_543 = arith.constant 0 : i32
    %dma_wait3A_544 = tpu.memref_slice %arg10[%dma_wait3A_543] : memref<100352xf32, #tpu.memory_space<vmem_shared>> -> memref<100352xf32, #tpu.memory_space<vmem_shared>>
    %dma_wait3A_545 = tpu.memref_slice %arg16[%dma_wait3A_536] : memref<2x!tpu.dma_semaphore, #tpu.memory_space<semaphore_mem>> -> memref<1x!tpu.dma_semaphore, #tpu.memory_space<semaphore_mem>>
    %dma_wait3A_546 = tpu.memref_squeeze %dma_wait3A_545 : memref<1x!tpu.dma_semaphore, #tpu.memory_space<semaphore_mem>> -> memref<!tpu.dma_semaphore, #tpu.memory_space<semaphore_mem>>
    tpu.wait_indirect_dma semaphore(%dma_wait3A_546 : memref<!tpu.dma_semaphore, #tpu.memory_space<semaphore_mem>>) src(%dma_wait3A_539 : memref<128xf32, #tpu.memory_space<vmem>>) dst(%dma_wait3A_544 : memref<100352xf32, #tpu.memory_space<vmem_shared>>)
    %dma_wait3A_547 = arith.constant 1 : i32
    %dma_wait3A_548 = arith.constant 2 : i32
    %dma_wait3A_549 = arith.constant 0 : i32
    %dma_wait3A_550 = arith.constant 49 : i32
    %dma_wait3A_551 = arith.constant 0 : i32
    %dma_wait3A_552 = arith.constant 1 : i32
    %dma_wait3A_553 = arith.constant 0 : i32
    %dma_wait3A_554 = tpu.memref_slice %arg14[%dma_wait3A_547, %dma_wait3A_548, %dma_wait3A_553] : memref<2x3x128xf32, #tpu.memory_space<vmem>> -> memref<1x1x128xf32, #tpu.memory_space<vmem>>
    %dma_wait3A_555 = tpu.memref_squeeze %dma_wait3A_554 : memref<1x1x128xf32, #tpu.memory_space<vmem>> -> memref<128xf32, #tpu.memory_space<vmem>>
    %dma_wait3A_556 = arith.constant 0 : i32
    %dma_wait3A_557 = tpu.memref_slice %arg12[%dma_wait3A_549, %dma_wait3A_550, %dma_wait3A_551, %dma_wait3A_556] : memref<3x50x1x128xi32, #tpu.memory_space<vmem>> -> memref<1x1x1x128xi32, #tpu.memory_space<vmem>>
    %dma_wait3A_558 = tpu.memref_squeeze %dma_wait3A_557 : memref<1x1x1x128xi32, #tpu.memory_space<vmem>> -> memref<128xi32, #tpu.memory_space<vmem>>
    %dma_wait3A_559 = arith.constant 0 : i32
    %dma_wait3A_560 = tpu.memref_slice %arg11[%dma_wait3A_559] : memref<100352xf32, #tpu.memory_space<vmem_shared>> -> memref<100352xf32, #tpu.memory_space<vmem_shared>>
    %dma_wait3A_561 = tpu.memref_slice %arg16[%dma_wait3A_552] : memref<2x!tpu.dma_semaphore, #tpu.memory_space<semaphore_mem>> -> memref<1x!tpu.dma_semaphore, #tpu.memory_space<semaphore_mem>>
    %dma_wait3A_562 = tpu.memref_squeeze %dma_wait3A_561 : memref<1x!tpu.dma_semaphore, #tpu.memory_space<semaphore_mem>> -> memref<!tpu.dma_semaphore, #tpu.memory_space<semaphore_mem>>
    tpu.wait_indirect_dma semaphore(%dma_wait3A_562 : memref<!tpu.dma_semaphore, #tpu.memory_space<semaphore_mem>>) src(%dma_wait3A_555 : memref<128xf32, #tpu.memory_space<vmem>>) dst(%dma_wait3A_560 : memref<100352xf32, #tpu.memory_space<vmem_shared>>)
    %dma_wait3A_563 = arith.constant 1 : i32
    %dma_wait3A_564 = arith.constant 0 : i32
    %dma_wait3A_565 = arith.constant 1 : i32
    %dma_wait3A_566 = arith.constant 49 : i32
    %dma_wait3A_567 = arith.constant 0 : i32
    %dma_wait3A_568 = arith.constant 1 : i32
    %dma_wait3A_569 = arith.constant 0 : i32
    %dma_wait3A_570 = tpu.memref_slice %arg14[%dma_wait3A_563, %dma_wait3A_564, %dma_wait3A_569] : memref<2x3x128xf32, #tpu.memory_space<vmem>> -> memref<1x1x128xf32, #tpu.memory_space<vmem>>
    %dma_wait3A_571 = tpu.memref_squeeze %dma_wait3A_570 : memref<1x1x128xf32, #tpu.memory_space<vmem>> -> memref<128xf32, #tpu.memory_space<vmem>>
    %dma_wait3A_572 = arith.constant 0 : i32
    %dma_wait3A_573 = tpu.memref_slice %arg12[%dma_wait3A_565, %dma_wait3A_566, %dma_wait3A_567, %dma_wait3A_572] : memref<3x50x1x128xi32, #tpu.memory_space<vmem>> -> memref<1x1x1x128xi32, #tpu.memory_space<vmem>>
    %dma_wait3A_574 = tpu.memref_squeeze %dma_wait3A_573 : memref<1x1x1x128xi32, #tpu.memory_space<vmem>> -> memref<128xi32, #tpu.memory_space<vmem>>
    %dma_wait3A_575 = arith.constant 0 : i32
    %dma_wait3A_576 = tpu.memref_slice %arg9[%dma_wait3A_575] : memref<100352xf32, #tpu.memory_space<vmem_shared>> -> memref<100352xf32, #tpu.memory_space<vmem_shared>>
    %dma_wait3A_577 = tpu.memref_slice %arg16[%dma_wait3A_568] : memref<2x!tpu.dma_semaphore, #tpu.memory_space<semaphore_mem>> -> memref<1x!tpu.dma_semaphore, #tpu.memory_space<semaphore_mem>>
    %dma_wait3A_578 = tpu.memref_squeeze %dma_wait3A_577 : memref<1x!tpu.dma_semaphore, #tpu.memory_space<semaphore_mem>> -> memref<!tpu.dma_semaphore, #tpu.memory_space<semaphore_mem>>
    tpu.wait_indirect_dma semaphore(%dma_wait3A_578 : memref<!tpu.dma_semaphore, #tpu.memory_space<semaphore_mem>>) src(%dma_wait3A_571 : memref<128xf32, #tpu.memory_space<vmem>>) dst(%dma_wait3A_576 : memref<100352xf32, #tpu.memory_space<vmem_shared>>)
    %dma_wait3A_579 = arith.constant 1 : i32
    %dma_wait3A_580 = arith.constant 1 : i32
    %dma_wait3A_581 = arith.constant 1 : i32
    %dma_wait3A_582 = arith.constant 49 : i32
    %dma_wait3A_583 = arith.constant 0 : i32
    %dma_wait3A_584 = arith.constant 1 : i32
    %dma_wait3A_585 = arith.constant 0 : i32
    %dma_wait3A_586 = tpu.memref_slice %arg14[%dma_wait3A_579, %dma_wait3A_580, %dma_wait3A_585] : memref<2x3x128xf32, #tpu.memory_space<vmem>> -> memref<1x1x128xf32, #tpu.memory_space<vmem>>
    %dma_wait3A_587 = tpu.memref_squeeze %dma_wait3A_586 : memref<1x1x128xf32, #tpu.memory_space<vmem>> -> memref<128xf32, #tpu.memory_space<vmem>>
    %dma_wait3A_588 = arith.constant 0 : i32
    %dma_wait3A_589 = tpu.memref_slice %arg12[%dma_wait3A_581, %dma_wait3A_582, %dma_wait3A_583, %dma_wait3A_588] : memref<3x50x1x128xi32, #tpu.memory_space<vmem>> -> memref<1x1x1x128xi32, #tpu.memory_space<vmem>>
    %dma_wait3A_590 = tpu.memref_squeeze %dma_wait3A_589 : memref<1x1x1x128xi32, #tpu.memory_space<vmem>> -> memref<128xi32, #tpu.memory_space<vmem>>
    %dma_wait3A_591 = arith.constant 0 : i32
    %dma_wait3A_592 = tpu.memref_slice %arg10[%dma_wait3A_591] : memref<100352xf32, #tpu.memory_space<vmem_shared>> -> memref<100352xf32, #tpu.memory_space<vmem_shared>>
    %dma_wait3A_593 = tpu.memref_slice %arg16[%dma_wait3A_584] : memref<2x!tpu.dma_semaphore, #tpu.memory_space<semaphore_mem>> -> memref<1x!tpu.dma_semaphore, #tpu.memory_space<semaphore_mem>>
    %dma_wait3A_594 = tpu.memref_squeeze %dma_wait3A_593 : memref<1x!tpu.dma_semaphore, #tpu.memory_space<semaphore_mem>> -> memref<!tpu.dma_semaphore, #tpu.memory_space<semaphore_mem>>
    tpu.wait_indirect_dma semaphore(%dma_wait3A_594 : memref<!tpu.dma_semaphore, #tpu.memory_space<semaphore_mem>>) src(%dma_wait3A_587 : memref<128xf32, #tpu.memory_space<vmem>>) dst(%dma_wait3A_592 : memref<100352xf32, #tpu.memory_space<vmem_shared>>)
    %dma_wait3A_595 = arith.constant 1 : i32
    %dma_wait3A_596 = arith.constant 2 : i32
    %dma_wait3A_597 = arith.constant 1 : i32
    %dma_wait3A_598 = arith.constant 49 : i32
    %dma_wait3A_599 = arith.constant 0 : i32
    %dma_wait3A_600 = arith.constant 1 : i32
    %dma_wait3A_601 = arith.constant 0 : i32
    %dma_wait3A_602 = tpu.memref_slice %arg14[%dma_wait3A_595, %dma_wait3A_596, %dma_wait3A_601] : memref<2x3x128xf32, #tpu.memory_space<vmem>> -> memref<1x1x128xf32, #tpu.memory_space<vmem>>
    %dma_wait3A_603 = tpu.memref_squeeze %dma_wait3A_602 : memref<1x1x128xf32, #tpu.memory_space<vmem>> -> memref<128xf32, #tpu.memory_space<vmem>>
    %dma_wait3A_604 = arith.constant 0 : i32
    %dma_wait3A_605 = tpu.memref_slice %arg12[%dma_wait3A_597, %dma_wait3A_598, %dma_wait3A_599, %dma_wait3A_604] : memref<3x50x1x128xi32, #tpu.memory_space<vmem>> -> memref<1x1x1x128xi32, #tpu.memory_space<vmem>>
    %dma_wait3A_606 = tpu.memref_squeeze %dma_wait3A_605 : memref<1x1x1x128xi32, #tpu.memory_space<vmem>> -> memref<128xi32, #tpu.memory_space<vmem>>
    %dma_wait3A_607 = arith.constant 0 : i32
    %dma_wait3A_608 = tpu.memref_slice %arg11[%dma_wait3A_607] : memref<100352xf32, #tpu.memory_space<vmem_shared>> -> memref<100352xf32, #tpu.memory_space<vmem_shared>>
    %dma_wait3A_609 = tpu.memref_slice %arg16[%dma_wait3A_600] : memref<2x!tpu.dma_semaphore, #tpu.memory_space<semaphore_mem>> -> memref<1x!tpu.dma_semaphore, #tpu.memory_space<semaphore_mem>>
    %dma_wait3A_610 = tpu.memref_squeeze %dma_wait3A_609 : memref<1x!tpu.dma_semaphore, #tpu.memory_space<semaphore_mem>> -> memref<!tpu.dma_semaphore, #tpu.memory_space<semaphore_mem>>
    tpu.wait_indirect_dma semaphore(%dma_wait3A_610 : memref<!tpu.dma_semaphore, #tpu.memory_space<semaphore_mem>>) src(%dma_wait3A_603 : memref<128xf32, #tpu.memory_space<vmem>>) dst(%dma_wait3A_608 : memref<100352xf32, #tpu.memory_space<vmem_shared>>)
    %dma_wait3A_611 = arith.constant 1 : i32
    %dma_wait3A_612 = arith.constant 0 : i32
    %dma_wait3A_613 = arith.constant 2 : i32
    %dma_wait3A_614 = arith.constant 49 : i32
    %dma_wait3A_615 = arith.constant 0 : i32
    %dma_wait3A_616 = arith.constant 1 : i32
    %dma_wait3A_617 = arith.constant 0 : i32
    %dma_wait3A_618 = tpu.memref_slice %arg14[%dma_wait3A_611, %dma_wait3A_612, %dma_wait3A_617] : memref<2x3x128xf32, #tpu.memory_space<vmem>> -> memref<1x1x128xf32, #tpu.memory_space<vmem>>
    %dma_wait3A_619 = tpu.memref_squeeze %dma_wait3A_618 : memref<1x1x128xf32, #tpu.memory_space<vmem>> -> memref<128xf32, #tpu.memory_space<vmem>>
    %dma_wait3A_620 = arith.constant 0 : i32
    %dma_wait3A_621 = tpu.memref_slice %arg12[%dma_wait3A_613, %dma_wait3A_614, %dma_wait3A_615, %dma_wait3A_620] : memref<3x50x1x128xi32, #tpu.memory_space<vmem>> -> memref<1x1x1x128xi32, #tpu.memory_space<vmem>>
    %dma_wait3A_622 = tpu.memref_squeeze %dma_wait3A_621 : memref<1x1x1x128xi32, #tpu.memory_space<vmem>> -> memref<128xi32, #tpu.memory_space<vmem>>
    %dma_wait3A_623 = arith.constant 0 : i32
    %dma_wait3A_624 = tpu.memref_slice %arg9[%dma_wait3A_623] : memref<100352xf32, #tpu.memory_space<vmem_shared>> -> memref<100352xf32, #tpu.memory_space<vmem_shared>>
    %dma_wait3A_625 = tpu.memref_slice %arg16[%dma_wait3A_616] : memref<2x!tpu.dma_semaphore, #tpu.memory_space<semaphore_mem>> -> memref<1x!tpu.dma_semaphore, #tpu.memory_space<semaphore_mem>>
    %dma_wait3A_626 = tpu.memref_squeeze %dma_wait3A_625 : memref<1x!tpu.dma_semaphore, #tpu.memory_space<semaphore_mem>> -> memref<!tpu.dma_semaphore, #tpu.memory_space<semaphore_mem>>
    tpu.wait_indirect_dma semaphore(%dma_wait3A_626 : memref<!tpu.dma_semaphore, #tpu.memory_space<semaphore_mem>>) src(%dma_wait3A_619 : memref<128xf32, #tpu.memory_space<vmem>>) dst(%dma_wait3A_624 : memref<100352xf32, #tpu.memory_space<vmem_shared>>)
    %dma_wait3A_627 = arith.constant 1 : i32
    %dma_wait3A_628 = arith.constant 1 : i32
    %dma_wait3A_629 = arith.constant 2 : i32
    %dma_wait3A_630 = arith.constant 49 : i32
    %dma_wait3A_631 = arith.constant 0 : i32
    %dma_wait3A_632 = arith.constant 1 : i32
    %dma_wait3A_633 = arith.constant 0 : i32
    %dma_wait3A_634 = tpu.memref_slice %arg14[%dma_wait3A_627, %dma_wait3A_628, %dma_wait3A_633] : memref<2x3x128xf32, #tpu.memory_space<vmem>> -> memref<1x1x128xf32, #tpu.memory_space<vmem>>
    %dma_wait3A_635 = tpu.memref_squeeze %dma_wait3A_634 : memref<1x1x128xf32, #tpu.memory_space<vmem>> -> memref<128xf32, #tpu.memory_space<vmem>>
    %dma_wait3A_636 = arith.constant 0 : i32
    %dma_wait3A_637 = tpu.memref_slice %arg12[%dma_wait3A_629, %dma_wait3A_630, %dma_wait3A_631, %dma_wait3A_636] : memref<3x50x1x128xi32, #tpu.memory_space<vmem>> -> memref<1x1x1x128xi32, #tpu.memory_space<vmem>>
    %dma_wait3A_638 = tpu.memref_squeeze %dma_wait3A_637 : memref<1x1x1x128xi32, #tpu.memory_space<vmem>> -> memref<128xi32, #tpu.memory_space<vmem>>
    %dma_wait3A_639 = arith.constant 0 : i32
    %dma_wait3A_640 = tpu.memref_slice %arg10[%dma_wait3A_639] : memref<100352xf32, #tpu.memory_space<vmem_shared>> -> memref<100352xf32, #tpu.memory_space<vmem_shared>>
    %dma_wait3A_641 = tpu.memref_slice %arg16[%dma_wait3A_632] : memref<2x!tpu.dma_semaphore, #tpu.memory_space<semaphore_mem>> -> memref<1x!tpu.dma_semaphore, #tpu.memory_space<semaphore_mem>>
    %dma_wait3A_642 = tpu.memref_squeeze %dma_wait3A_641 : memref<1x!tpu.dma_semaphore, #tpu.memory_space<semaphore_mem>> -> memref<!tpu.dma_semaphore, #tpu.memory_space<semaphore_mem>>
    tpu.wait_indirect_dma semaphore(%dma_wait3A_642 : memref<!tpu.dma_semaphore, #tpu.memory_space<semaphore_mem>>) src(%dma_wait3A_635 : memref<128xf32, #tpu.memory_space<vmem>>) dst(%dma_wait3A_640 : memref<100352xf32, #tpu.memory_space<vmem_shared>>)
    %dma_wait3A_643 = arith.constant 1 : i32
    %dma_wait3A_644 = arith.constant 2 : i32
    %dma_wait3A_645 = arith.constant 2 : i32
    %dma_wait3A_646 = arith.constant 49 : i32
    %dma_wait3A_647 = arith.constant 0 : i32
    %dma_wait3A_648 = arith.constant 1 : i32
    %dma_wait3A_649 = arith.constant 0 : i32
    %dma_wait3A_650 = tpu.memref_slice %arg14[%dma_wait3A_643, %dma_wait3A_644, %dma_wait3A_649] : memref<2x3x128xf32, #tpu.memory_space<vmem>> -> memref<1x1x128xf32, #tpu.memory_space<vmem>>
    %dma_wait3A_651 = tpu.memref_squeeze %dma_wait3A_650 : memref<1x1x128xf32, #tpu.memory_space<vmem>> -> memref<128xf32, #tpu.memory_space<vmem>>
    %dma_wait3A_652 = arith.constant 0 : i32
    %dma_wait3A_653 = tpu.memref_slice %arg12[%dma_wait3A_645, %dma_wait3A_646, %dma_wait3A_647, %dma_wait3A_652] : memref<3x50x1x128xi32, #tpu.memory_space<vmem>> -> memref<1x1x1x128xi32, #tpu.memory_space<vmem>>
    %dma_wait3A_654 = tpu.memref_squeeze %dma_wait3A_653 : memref<1x1x1x128xi32, #tpu.memory_space<vmem>> -> memref<128xi32, #tpu.memory_space<vmem>>
    %dma_wait3A_655 = arith.constant 0 : i32
    %dma_wait3A_656 = tpu.memref_slice %arg11[%dma_wait3A_655] : memref<100352xf32, #tpu.memory_space<vmem_shared>> -> memref<100352xf32, #tpu.memory_space<vmem_shared>>
    %dma_wait3A_657 = tpu.memref_slice %arg16[%dma_wait3A_648] : memref<2x!tpu.dma_semaphore, #tpu.memory_space<semaphore_mem>> -> memref<1x!tpu.dma_semaphore, #tpu.memory_space<semaphore_mem>>
    %dma_wait3A_658 = tpu.memref_squeeze %dma_wait3A_657 : memref<1x!tpu.dma_semaphore, #tpu.memory_space<semaphore_mem>> -> memref<!tpu.dma_semaphore, #tpu.memory_space<semaphore_mem>>
    tpu.wait_indirect_dma semaphore(%dma_wait3A_658 : memref<!tpu.dma_semaphore, #tpu.memory_space<semaphore_mem>>) src(%dma_wait3A_651 : memref<128xf32, #tpu.memory_space<vmem>>) dst(%dma_wait3A_656 : memref<100352xf32, #tpu.memory_space<vmem_shared>>)
    %barrier3A_659 = arith.constant 0 : index
    tpu.barrier barrier_id(%barrier3A_659)
    %dma_start3A_660 = arith.constant 0 : i32
    %dma_start3A_661 = arith.constant 0 : i32
    %dma_start3A_662 = arith.constant 0 : i32
    %dma_start3A_663 = tpu.memref_slice %arg15[%dma_start3A_662] : memref<2x!tpu.dma_semaphore, #tpu.memory_space<semaphore_mem>> -> memref<1x!tpu.dma_semaphore, #tpu.memory_space<semaphore_mem>>
    %dma_start3A_664 = tpu.memref_squeeze %dma_start3A_663 : memref<1x!tpu.dma_semaphore, #tpu.memory_space<semaphore_mem>> -> memref<!tpu.dma_semaphore, #tpu.memory_space<semaphore_mem>>
    %dma_start3A_665 = tpu.memref_slice %arg5[%arg0, %dma_start3A_660, %dma_start3A_661, %mul3A_2] : memref<2x3x1x100352xf32, #tpu.memory_space<hbm>> -> memref<1x1x1x6272xf32, #tpu.memory_space<hbm>>
    %dma_start3A_666 = tpu.memref_squeeze %dma_start3A_665 : memref<1x1x1x6272xf32, #tpu.memory_space<hbm>> -> memref<6272xf32, #tpu.memory_space<hbm>>
    %dma_start3A_667 = tpu.memref_slice %arg9[%mul3A_2] : memref<100352xf32, #tpu.memory_space<vmem_shared>> -> memref<6272xf32, #tpu.memory_space<vmem_shared>>
    tpu.enqueue_dma source(%dma_start3A_667 : memref<6272xf32, #tpu.memory_space<vmem_shared>>) target(%dma_start3A_666 : memref<6272xf32, #tpu.memory_space<hbm>>) target_semaphore(%dma_start3A_664 : memref<!tpu.dma_semaphore, #tpu.memory_space<semaphore_mem>>)
    %dma_start3A_668 = arith.constant 1 : i32
    %dma_start3A_669 = arith.constant 0 : i32
    %dma_start3A_670 = arith.constant 0 : i32
    %dma_start3A_671 = tpu.memref_slice %arg15[%dma_start3A_670] : memref<2x!tpu.dma_semaphore, #tpu.memory_space<semaphore_mem>> -> memref<1x!tpu.dma_semaphore, #tpu.memory_space<semaphore_mem>>
    %dma_start3A_672 = tpu.memref_squeeze %dma_start3A_671 : memref<1x!tpu.dma_semaphore, #tpu.memory_space<semaphore_mem>> -> memref<!tpu.dma_semaphore, #tpu.memory_space<semaphore_mem>>
    %dma_start3A_673 = tpu.memref_slice %arg5[%arg0, %dma_start3A_668, %dma_start3A_669, %mul3A_2] : memref<2x3x1x100352xf32, #tpu.memory_space<hbm>> -> memref<1x1x1x6272xf32, #tpu.memory_space<hbm>>
    %dma_start3A_674 = tpu.memref_squeeze %dma_start3A_673 : memref<1x1x1x6272xf32, #tpu.memory_space<hbm>> -> memref<6272xf32, #tpu.memory_space<hbm>>
    %dma_start3A_675 = tpu.memref_slice %arg10[%mul3A_2] : memref<100352xf32, #tpu.memory_space<vmem_shared>> -> memref<6272xf32, #tpu.memory_space<vmem_shared>>
    tpu.enqueue_dma source(%dma_start3A_675 : memref<6272xf32, #tpu.memory_space<vmem_shared>>) target(%dma_start3A_674 : memref<6272xf32, #tpu.memory_space<hbm>>) target_semaphore(%dma_start3A_672 : memref<!tpu.dma_semaphore, #tpu.memory_space<semaphore_mem>>)
    %dma_start3A_676 = arith.constant 2 : i32
    %dma_start3A_677 = arith.constant 0 : i32
    %dma_start3A_678 = arith.constant 0 : i32
    %dma_start3A_679 = tpu.memref_slice %arg15[%dma_start3A_678] : memref<2x!tpu.dma_semaphore, #tpu.memory_space<semaphore_mem>> -> memref<1x!tpu.dma_semaphore, #tpu.memory_space<semaphore_mem>>
    %dma_start3A_680 = tpu.memref_squeeze %dma_start3A_679 : memref<1x!tpu.dma_semaphore, #tpu.memory_space<semaphore_mem>> -> memref<!tpu.dma_semaphore, #tpu.memory_space<semaphore_mem>>
    %dma_start3A_681 = tpu.memref_slice %arg5[%arg0, %dma_start3A_676, %dma_start3A_677, %mul3A_2] : memref<2x3x1x100352xf32, #tpu.memory_space<hbm>> -> memref<1x1x1x6272xf32, #tpu.memory_space<hbm>>
    %dma_start3A_682 = tpu.memref_squeeze %dma_start3A_681 : memref<1x1x1x6272xf32, #tpu.memory_space<hbm>> -> memref<6272xf32, #tpu.memory_space<hbm>>
    %dma_start3A_683 = tpu.memref_slice %arg11[%mul3A_2] : memref<100352xf32, #tpu.memory_space<vmem_shared>> -> memref<6272xf32, #tpu.memory_space<vmem_shared>>
    tpu.enqueue_dma source(%dma_start3A_683 : memref<6272xf32, #tpu.memory_space<vmem_shared>>) target(%dma_start3A_682 : memref<6272xf32, #tpu.memory_space<hbm>>) target_semaphore(%dma_start3A_680 : memref<!tpu.dma_semaphore, #tpu.memory_space<semaphore_mem>>)
    %dma_wait3A_684 = arith.constant 0 : i32
    %dma_wait3A_685 = arith.constant 0 : i32
    %dma_wait3A_686 = arith.constant 0 : i32
    %dma_wait3A_687 = tpu.memref_slice %arg15[%dma_wait3A_686] : memref<2x!tpu.dma_semaphore, #tpu.memory_space<semaphore_mem>> -> memref<1x!tpu.dma_semaphore, #tpu.memory_space<semaphore_mem>>
    %dma_wait3A_688 = tpu.memref_squeeze %dma_wait3A_687 : memref<1x!tpu.dma_semaphore, #tpu.memory_space<semaphore_mem>> -> memref<!tpu.dma_semaphore, #tpu.memory_space<semaphore_mem>>
    %dma_wait3A_689 = tpu.memref_slice %arg5[%arg0, %dma_wait3A_684, %dma_wait3A_685, %mul3A_2] : memref<2x3x1x100352xf32, #tpu.memory_space<hbm>> -> memref<1x1x1x6272xf32, #tpu.memory_space<hbm>>
    %dma_wait3A_690 = tpu.memref_squeeze %dma_wait3A_689 : memref<1x1x1x6272xf32, #tpu.memory_space<hbm>> -> memref<6272xf32, #tpu.memory_space<hbm>>
    %dma_wait3A_691 = tpu.memref_slice %arg9[%mul3A_2] : memref<100352xf32, #tpu.memory_space<vmem_shared>> -> memref<6272xf32, #tpu.memory_space<vmem_shared>>
    tpu.wait_dma2 semaphore(%dma_wait3A_688 : memref<!tpu.dma_semaphore, #tpu.memory_space<semaphore_mem>>) src(%dma_wait3A_691 : memref<6272xf32, #tpu.memory_space<vmem_shared>>) dst(%dma_wait3A_690 : memref<6272xf32, #tpu.memory_space<hbm>>)
    %dma_wait3A_692 = arith.constant 1 : i32
    %dma_wait3A_693 = arith.constant 0 : i32
    %dma_wait3A_694 = arith.constant 0 : i32
    %dma_wait3A_695 = tpu.memref_slice %arg15[%dma_wait3A_694] : memref<2x!tpu.dma_semaphore, #tpu.memory_space<semaphore_mem>> -> memref<1x!tpu.dma_semaphore, #tpu.memory_space<semaphore_mem>>
    %dma_wait3A_696 = tpu.memref_squeeze %dma_wait3A_695 : memref<1x!tpu.dma_semaphore, #tpu.memory_space<semaphore_mem>> -> memref<!tpu.dma_semaphore, #tpu.memory_space<semaphore_mem>>
    %dma_wait3A_697 = tpu.memref_slice %arg5[%arg0, %dma_wait3A_692, %dma_wait3A_693, %mul3A_2] : memref<2x3x1x100352xf32, #tpu.memory_space<hbm>> -> memref<1x1x1x6272xf32, #tpu.memory_space<hbm>>
    %dma_wait3A_698 = tpu.memref_squeeze %dma_wait3A_697 : memref<1x1x1x6272xf32, #tpu.memory_space<hbm>> -> memref<6272xf32, #tpu.memory_space<hbm>>
    %dma_wait3A_699 = tpu.memref_slice %arg10[%mul3A_2] : memref<100352xf32, #tpu.memory_space<vmem_shared>> -> memref<6272xf32, #tpu.memory_space<vmem_shared>>
    tpu.wait_dma2 semaphore(%dma_wait3A_696 : memref<!tpu.dma_semaphore, #tpu.memory_space<semaphore_mem>>) src(%dma_wait3A_699 : memref<6272xf32, #tpu.memory_space<vmem_shared>>) dst(%dma_wait3A_698 : memref<6272xf32, #tpu.memory_space<hbm>>)
    %dma_wait3A_700 = arith.constant 2 : i32
    %dma_wait3A_701 = arith.constant 0 : i32
    %dma_wait3A_702 = arith.constant 0 : i32
    %dma_wait3A_703 = tpu.memref_slice %arg15[%dma_wait3A_702] : memref<2x!tpu.dma_semaphore, #tpu.memory_space<semaphore_mem>> -> memref<1x!tpu.dma_semaphore, #tpu.memory_space<semaphore_mem>>
    %dma_wait3A_704 = tpu.memref_squeeze %dma_wait3A_703 : memref<1x!tpu.dma_semaphore, #tpu.memory_space<semaphore_mem>> -> memref<!tpu.dma_semaphore, #tpu.memory_space<semaphore_mem>>
    %dma_wait3A_705 = tpu.memref_slice %arg5[%arg0, %dma_wait3A_700, %dma_wait3A_701, %mul3A_2] : memref<2x3x1x100352xf32, #tpu.memory_space<hbm>> -> memref<1x1x1x6272xf32, #tpu.memory_space<hbm>>
    %dma_wait3A_706 = tpu.memref_squeeze %dma_wait3A_705 : memref<1x1x1x6272xf32, #tpu.memory_space<hbm>> -> memref<6272xf32, #tpu.memory_space<hbm>>
    %dma_wait3A_707 = tpu.memref_slice %arg11[%mul3A_2] : memref<100352xf32, #tpu.memory_space<vmem_shared>> -> memref<6272xf32, #tpu.memory_space<vmem_shared>>
    tpu.wait_dma2 semaphore(%dma_wait3A_704 : memref<!tpu.dma_semaphore, #tpu.memory_space<semaphore_mem>>) src(%dma_wait3A_707 : memref<6272xf32, #tpu.memory_space<vmem_shared>>) dst(%dma_wait3A_706 : memref<6272xf32, #tpu.memory_space<hbm>>)
    return
  }
}

module attributes {stable_mosaic.version = 14 : i64} {
  func.func @_tc_finish_body(%arg0: i32, %arg1: memref<2x3x2048xf32, #tpu.memory_space<vmem>>, %arg2: memref<3x2048xf32, #tpu.memory_space<vmem>>) attributes {dimension_semantics = [#tpu.dimension_semantics<arbitrary>], iteration_bounds = array<i64: 49>, scalar_prefetch = 0 : i64, scratch_operands = 0 : i64, tpu.core_type = #tpu.core_type<tc>, window_params = [{transform_indices = @transform_0, window_bounds = array<i64: 2, 3, 2048>}, {transform_indices = @transform_1, window_bounds = array<i64: 3, 2048>}]} {
    %get3A = arith.constant 0 : index
    %get3A_0 = arith.constant 0 : index
    %get3A_1 = arith.constant 0 : index
    %get3A_2 = vector.load %arg1[%get3A, %get3A_0, %get3A_1] : memref<2x3x2048xf32, #tpu.memory_space<vmem>>, vector<2x3x2048xf32>
    %slice3A = vector.extract_strided_slice %get3A_2 {offsets = [0, 0, 0], sizes = [1, 3, 2048], strides = [1, 1, 1]} : vector<2x3x2048xf32> to vector<1x3x2048xf32>
    %squeeze3A = vector.shape_cast %slice3A : vector<1x3x2048xf32> to vector<3x2048xf32>
    %slice3A_3 = vector.extract_strided_slice %get3A_2 {offsets = [1, 0, 0], sizes = [1, 3, 2048], strides = [1, 1, 1]} : vector<2x3x2048xf32> to vector<1x3x2048xf32>
    %squeeze3A_4 = vector.shape_cast %slice3A_3 : vector<1x3x2048xf32> to vector<3x2048xf32>
    %add3A = arith.addf %squeeze3A, %squeeze3A_4 : vector<3x2048xf32>
    %mul3A = arith.mulf %add3A, %add3A : vector<3x2048xf32>
    %reduce_sum3A = arith.constant dense<0.000000e+00> : vector<2048xf32>
    %reduce_sum3A_5 = vector.multi_reduction <add>, %mul3A, %reduce_sum3A [0] : vector<3x2048xf32> to vector<2048xf32>
    %broadcast_in_dim3A = vector.shape_cast %reduce_sum3A_5 : vector<2048xf32> to vector<1x2048xf32>
    %sqrt3A = math.sqrt %broadcast_in_dim3A : vector<1x2048xf32>
    %max3A = arith.constant 9.99999996E-13 : f32
    %max3A_6 = vector.broadcast %max3A : f32 to vector<1x2048xf32>
    %max3A_7 = arith.maximumf %sqrt3A, %max3A_6 : vector<1x2048xf32>
    %div3A = vector.broadcast %max3A_7 : vector<1x2048xf32> to vector<3x2048xf32>
    %div3A_8 = arith.divf %add3A, %div3A : vector<3x2048xf32>
    %gt3A = arith.constant 9.99999968E-21 : f32
    %gt3A_9 = vector.broadcast %gt3A : f32 to vector<1x2048xf32>
    %gt3A_10 = arith.cmpf ogt, %broadcast_in_dim3A, %gt3A_9 : vector<1x2048xf32>
    %iota3A = tpu.iota {dimensions = array<i32: 0>} : vector<3x1xi32>
    %eq3A = arith.constant 2 : i32
    %eq3A_11 = vector.broadcast %eq3A : i32 to vector<3x1xi32>
    %eq3A_12 = arith.cmpi eq, %iota3A, %eq3A_11 : vector<3x1xi32>
    %jit3A = arith.constant 1.000000e+00 : f32
    %jit3A_13 = arith.constant 0.000000e+00 : f32
    %broadcast_in_dim3A_14 = vector.broadcast %jit3A : f32 to vector<3x1xf32>
    %broadcast_in_dim3A_15 = vector.broadcast %jit3A_13 : f32 to vector<3x1xf32>
    %select_n3A = arith.select %eq3A_12, %broadcast_in_dim3A_14, %broadcast_in_dim3A_15 : vector<3x1xi1>, vector<3x1xf32>
    %broadcast_in_dim3A_16 = vector.shape_cast %gt3A_10 : vector<1x2048xi1> to vector<1x2048xi1>
    %broadcast_in_dim3A_17 = vector.broadcast %broadcast_in_dim3A_16 : vector<1x2048xi1> to vector<3x2048xi1>
    %broadcast_in_dim3A_18 = vector.shape_cast %select_n3A : vector<3x1xf32> to vector<3x1xf32>
    %broadcast_in_dim3A_19 = vector.broadcast %broadcast_in_dim3A_18 : vector<3x1xf32> to vector<3x2048xf32>
    %select_n3A_20 = arith.select %broadcast_in_dim3A_17, %div3A_8, %broadcast_in_dim3A_19 : vector<3x2048xi1>, vector<3x2048xf32>
    %swap3A = arith.constant 0 : index
    %swap3A_21 = arith.constant 0 : index
    %swap3A_22 = vector.load %arg2[%swap3A, %swap3A_21] : memref<3x2048xf32, #tpu.memory_space<vmem>>, vector<3x2048xf32>
    tpu.vector_store %arg2[%swap3A, %swap3A_21], %select_n3A_20 {strides = array<i32>} : memref<3x2048xf32, #tpu.memory_space<vmem>>, vector<3x2048xf32>,
    return
  }
  func.func @transform_0(%arg0: i32) -> (i32, i32, i32) {
    %c0_i32 = arith.constant 0 : i32
    %c0_i32_0 = arith.constant 0 : i32
    %c0_i32_1 = arith.constant 0 : i32
    return %c0_i32, %c0_i32_0, %arg0 : i32, i32, i32
  }
  func.func @transform_1(%arg0: i32) -> (i32, i32) {
    %c0_i32 = arith.constant 0 : i32
    %c0_i32_0 = arith.constant 0 : i32
    return %c0_i32, %arg0 : i32, i32
  }
}

</mosaic_0001>

<sc_bundles>
// kernel: kernel.4.cloned.1.call-start
scs
__scs_entry_jumppad:
0x0: {  	(pc) =	sbr.rel $0x88, $3  }
0x1: {  	(tag) =	ssettag $0x0;
	lr =	simm.s32 $0x1  }
0x2: {  	[smem:$0x3F9F] =	sst lr;
	_ =	strace $0xD0000000  }
0x3: {  	_ = 	snop  }
0x4: {  	_ = 	snop  }
0x5: {  	_ = 	snop  }
0x6: {  	_ = 	snop  }
0x7: {  	_ = 	snop  }
__scs_overlays_trampoline_lowered:
0x8: {  	[smem:$0x3FAE] =	sst s0  }
0x9: {  	[smem:$0x3FAF] =	sst s1  }
0xa: {  	[smem:$0x3FB0] =	sst s2  }
0xb: {  	[smem:$0x3FB1] =	sst s3  }
0xc: {  	[smem:$0x3FB2] =	sst s4  }
0xd: {  	[smem:$0x3FB3] =	sst s5  }
0xe: {  	[smem:$0x3FB4] =	sst s6  }
0xf: {  	[smem:$0x3FB5] =	sst s7  }
0x10: {  	[smem:$0x3FB6] =	sst s8  }
0x11: {  	[smem:$0x3FB7] =	sst s9;
	s0 =	simm.s32 @!p0 $0x0  }
0x12: {  	s1 =	sld [smem:$0x3F9D];
	s0 =	simm.s32 @p0 $0x1  }
0x13: {  	[smem:$0x3FB8] =	sst s0;
	s0 =	simm.s32 @!p1 $0x0  }
0x14: {  	s2 =	sld [smem:$0x3F9C];
	s0 =	simm.s32 @p1 $0x1  }
0x15: {  	[smem:$0x3FB9] =	sst s0;
	s0 =	simm.s32 @!p2 $0x0  }
0x16: {  	s3 =	sld [smem:$0x3FDB];
	s0 =	simm.s32 @p2 $0x1  }
0x17: {  	s4 =	simm.s32 $0x1BF5;
	[smem:$0x3FBB] =	sst s0  }
0x18: {  	s0 =	sld [smem:$0x3F9E];
	_ =	swait.ge [sflag:s4], $0x0  }
0x19: {  	s7 =	sld [smem:$0x3F9F]  }
0x1a: {  	s8 =	sadd.s32 $0xFFFFE003, lr  }
0x1b: {  	s9 =	sadd.s32 $0xFFFFFEF7, lr;
	s5 =	simm.s32 $0xFFFFFFFF;
	p2 =	slt.u32 s8, $0xFFFFF086  }
0x1c: {  	p1 =	slt.u32 s9, $0xF7A;
	s5 =	simm.s32 @!p2 $0x0  }
0x1d: {  	s5 =	simm.s32 @p1 $0x1;
	p0 =	seq.s32 s7, s2  }
0x1e: {  	s7 =	smul.u32 @!p0 $0xF7A, s2;
	p2 =	seq.s32 @!p0 s5, $0x0  }
0x1f: {  	s9 =	smul.u32 $0xF7A, s1;
	s8 =	simm.s32 @!p0 $0x1BF5;
	p2 =	por !p2, p0  }
0x20: {  	[sflag:s8] =	ssyncset.s32 @!p0 $0xFFFFF086;
	s6 =	sadd.s32 @!p0 s3, s7;
	s7 =	simm.s32 @!p0 $0x108  }
0x21: {  	s3 =	sadd.s32 s3, s9;
	s6 =	sadd.s32 @!p0 $0x88, s6;
	s7 =	simm.s32 @p2 $0x1082  }
0x22: {  	[simem:s7], [sflag:s8] =	dma.local @!p0 [hbm:s6], $0xF7A  }
0x23: {  	s9 =	sor.u32 $0xD0000000, s2;
	s6 =	simm.s32 $0x108;
	_ =	swait.ge @!p0 [sflag:s8], $0x0  }
0x24: {  	s3 =	sadd.s32 $0x88, s3;
	s6 =	simm.s32 @!p1 $0x1082;
	[sflag:s4] =	ssyncset.s32 $0xFFFFF086  }
0x25: {  	[simem:s6], [sflag:s4] =	dma.local [hbm:s3], $0xF7A  }
0x26: {  	[smem:$0x3F9F] =	sst s1;
	(tag) =	ssettag s2;
	_ =	strace s9  }
0x27: {  	s1 =	sld [smem:$0x3FAF]  }
0x28: {  	s2 =	sld [smem:$0x3FB0]  }
0x29: {  	s4 =	sld [smem:$0x3FB2]  }
0x2a: {  	p0 =	seq.s32 s5, $0x0;
	s5 =	sld [smem:$0x3FB3]  }
0x2b: {  	s6 =	sld [smem:$0x3FB4]  }
0x2c: {  	s7 =	sld [smem:$0x3FB5]  }
0x2d: {  	s3 =	simm.s32 $0x108;
	s8 =	sld [smem:$0x3FB6]  }
0x2e: {  	s3 =	simm.s32 @!p0 $0x1082;
	s9 =	sld [smem:$0x3FB7]  }
0x2f: {  	lr =	sadd.s32 s0, s3;
	s0 =	sld [smem:$0x3FAE]  }
0x30: {  	s3 =	sld [smem:$0x3FB1]  }
0x31: {  	[smem:$0x3FBA] =	sst s10  }
0x32: {  	s10 =	sld [smem:$0x3FB8];
	_ =	sdelay $0x3  }
0x33: {  	p0 =	seq.s32 s10, $0x1;
	s10 =	sld [smem:$0x3FBA];
	_ =	sdelay $0x3  }
0x34: {  	[smem:$0x3FBA] =	sst s10  }
0x35: {  	s10 =	sld [smem:$0x3FB9];
	_ =	sdelay $0x3  }
0x36: {  	p1 =	seq.s32 s10, $0x1;
	s10 =	sld [smem:$0x3FBA];
	_ =	sdelay $0x3  }
0x37: {  	[smem:$0x3FBA] =	sst s10  }
0x38: {  	s10 =	sld [smem:$0x3FBB]  }
0x39: {  	_ = 	snop;
	(pc) =	sbr.ind lr, $3  }
0x3a: {  	_ = 	snop  }
0x3b: {  	_ = 	snop  }
0x3c: {  	p2 =	seq.s32 s10, $0x1;
	s10 =	sld [smem:$0x3FBA]  }
0x3d: {  	_ =	shalt  }
0x3e: {  	_ =	shalt  }
0x3f: {  	_ =	shalt  }
0x40: {  	_ =	shalt  }
0x41: {  	_ =	shalt  }
0x42: {  	_ =	shalt  }
0x43: {  	_ =	shalt  }
0x44: {  	_ =	shalt  }
0x45: {  	_ =	shalt  }
0x46: {  	_ =	shalt  }
0x47: {  	_ =	shalt  }
0x48: {  	_ =	shalt  }
0x49: {  	_ =	shalt  }
0x4a: {  	_ =	shalt  }
0x4b: {  	_ =	shalt  }
0x4c: {  	_ =	shalt  }
0x4d: {  	_ =	shalt  }
0x4e: {  	_ =	shalt  }
0x4f: {  	_ =	shalt  }
0x50: {  	_ =	shalt  }
0x51: {  	_ =	shalt  }
0x52: {  	_ =	shalt  }
0x53: {  	_ =	shalt  }
0x54: {  	_ =	shalt  }
0x55: {  	_ =	shalt  }
0x56: {  	_ =	shalt  }
0x57: {  	_ =	shalt  }
0x58: {  	_ =	shalt  }
0x59: {  	_ =	shalt  }
0x5a: {  	_ =	shalt  }
0x5b: {  	_ =	shalt  }
0x5c: {  	_ =	shalt  }
0x5d: {  	_ =	shalt  }
0x5e: {  	_ =	shalt  }
0x5f: {  	_ =	shalt  }
0x60: {  	_ =	shalt  }
0x61: {  	_ =	shalt  }
0x62: {  	_ =	shalt  }
0x63: {  	_ =	shalt  }
0x64: {  	_ =	shalt  }
0x65: {  	_ =	shalt  }
0x66: {  	_ =	shalt  }
0x67: {  	_ =	shalt  }
0x68: {  	_ =	shalt  }
0x69: {  	_ =	shalt  }
0x6a: {  	_ =	shalt  }
0x6b: {  	_ =	shalt  }
0x6c: {  	_ =	shalt  }
0x6d: {  	_ =	shalt  }
0x6e: {  	_ =	shalt  }
0x6f: {  	_ =	shalt  }
0x70: {  	_ =	shalt  }
0x71: {  	_ =	shalt  }
0x72: {  	_ =	shalt  }
0x73: {  	_ =	shalt  }
0x74: {  	_ =	shalt  }
0x75: {  	_ =	shalt  }
0x76: {  	_ =	shalt  }
0x77: {  	_ =	shalt  }
0x78: {  	_ =	shalt  }
0x79: {  	_ =	shalt  }
0x7a: {  	_ =	shalt  }
0x7b: {  	_ =	shalt  }
0x7c: {  	_ =	shalt  }
0x7d: {  	_ =	shalt  }
0x7e: {  	_ =	shalt  }
0x7f: {  	_ =	shalt  }
0x80: {  	_ =	shalt  }
0x81: {  	_ =	shalt  }
0x82: {  	_ =	shalt  }
0x83: {  	_ =	shalt  }
0x84: {  	_ =	shalt  }
0x85: {  	_ =	shalt  }
0x86: {  	_ =	shalt  }
0x87: {  	_ =	shalt  }
.Lfunc_end0:
.L_simem_size_0:
called_computation_lowered:
.L_overlay_start_0:
0x88: {  	s2 =	sld [smem:$0x3FD9]  }
0x89: {  	s3 =	sld [smem:$0x3FFE];
	_ =	sdelay $0x1  }
0x8a: {  	s1 =	srdreg.scid  }
0x8b: {  	s0 =	sand.u32 $0x1, s1  }
0x8c: {  	s17 =	sshll.u32 s0, $0xA;
	s2 =	sadd.s32 s3, s2  }
0x8d: {  	s2 =	sadd.s32 s2, s17  }
0x8e: {  	[smem:$0x3FC6] =	sst s2  }
0x8f: {  	_ = 	snop  }
0x90: {  	s2 =	sld [smem:$0x3FD0];
	(tm) =	ssettm $0x1  }
0x91: {  	s18 =	sld [smem:$0x3FFB];
	_ =	sdelay $0x3  }
0x92: {  	_ =	strace s18  }
0x93: {  	s3 =	sld [smem:$0x3FFC];
	_ =	sdelay $0x3  }
0x94: {  	_ =	strace s3  }
0x95: {  	s3 =	sld [smem:$0x3FFD];
	_ =	sdelay $0x3  }
0x96: {  	_ =	strace s3  }
0x97: {  	_ =	strace $0x8FFFFFFF  }
0x98: {  	s19 =	sld [smem:$0x3FDB];
	_ =	sdelay $0x1  }
0x99: {  	s4 =	simm.s32 $_scs_section_size  }
0x9a: {  	s5 =	simm.s32 $_size__tile_overlayer_lowered;
	s6 =	simm.s32 $_tile_overlayer_lowered  }
0x9b: {  	s22 =	simm.s32 $0x1BFF;
	s21 =	sshll.u32 s6, $0x1;
	s3 =	sadd.s32 s4, s19  }
0x9c: {  	s7 =	simm.s32 $0x0;
	s20 =	sshll.u32 s5, $0x1;
	s5 =	sadd.s32 s21, s3  }
0x9d: {  	[timem:s7], [sflag:s22] =	dma.local [hbm:s5], s20  }
0x9e: {  	_ =	swait.ge [sflag:s22], s20  }
0x9f: {  	s4 =	ssub.s32 $0x0, s20;
	[sflag:s22] =	ssyncset.done $0x0  }
0xa0: {  	[sflag:s22] =	ssyncadd.s32 s4;
	_ =	sdelay $0x1  }
0xa1: {  	s23 =	simm.s32 $0x1B8B  }
0xa2: {  	_ =	swait.ge [sflag:s23], $0x1  }
0xa3: {  	[sflag:s23] =	ssyncset.done $0x0  }
0xa4: {  	s25 =	simm.s32 $0x1B8E;
	s24 =	sld [smem:$0x3FFE];
	[sflag:s23] =	ssyncadd.s32 $0xFFFFFFFF  }
0xa5: {  	s26 =	simm.s32 $execute0_lowered;
	[smem:$0x3FD2] =	sst s25  }
0xa6: {  	s5 =	sshll.u32 s26, $0x1;
	_ =	strace $0x80000046;
	[dreg:$0x1] =	wrdreg $0xFFFFFFFF  }
0xa7: {  	s28 =	simm.s32 $_size_execute0_lowered;
	s3 =	sadd.s32 s3, s5;
	[dreg:$0x0] =	wrdreg $0x0  }
0xa8: {  	s5 =	sshll.u32 s28, $0x1;
	[dreg:$0x2] =	wrdreg s3  }
0xa9: {  	[dreg:$0x3] =	wrdreg s5  }
0xaa: {  	[dreg:$0x4] =	wrdreg $0xC0  }
0xab: {  	_ =	task [dreg:s7], $0x5FFFF  }
0xac: {  	[dreg:$0x1] =	wrdreg $0xFFFFFFFF  }
0xad: {  	[dreg:$0x0] =	wrdreg $0x60  }
0xae: {  	[dreg:$0x2] =	wrdreg s24  }
0xaf: {  	[dreg:$0x3] =	wrdreg s2  }
0xb0: {  	[dreg:$0x4] =	wrdreg $0x0  }
0xb1: {  	[dreg:$0x5] =	wrdreg $0x18800  }
0xb2: {  	[dreg:$0x6] =	wrdreg $0x31000  }
0xb3: {  	[dreg:$0x7] =	wrdreg $0x49800  }
0xb4: {  	[dreg:$0x8] =	wrdreg $0x62000  }
0xb5: {  	[dreg:$0x9] =	wrdreg $0x7A800  }
0xb6: {  	[dreg:$0xa] =	wrdreg $0x9  }
0xb7: {  	_ =	task.clear_ibuf [dreg:s7], $0xBFFFF;
	_ =	strace $0x90000046  }
0xb8: {  	s29 =	simm.s32 $0x9;
	_ =	strace $0x80000048  }
0xb9: {  	_ =	swait.ge [sflag:s29], $0x1  }
0xba: {  	[sflag:s29] =	ssyncadd.s32 $0xFFFFFFFF  }
0xbb: {  	_ =	strace $0x90000048  }
0xbc: {  	_ =	sfence  }
0xbd: {  	s30 =	sld [smem:$0x0];
	_ =	sdelay $0x2  }
0xbe: {  	s31 =	sshll.u32 s1, $0xD;
	s1 =	sshrl.u32 s1, $0x2  }
0xbf: {  	s3 =	sand.u32 $0x4000, s31;
	s1 =	sadd.s32 s1, s30  }
0xc0: {  	s0 =	sor.u32 s3, s0;
	s1 =	sshll.u32 s1, $0x11  }
0xc1: {  	s0 =	sor.u32 s1, s0  }
0xc2: {  	s0 =	sadd.s32 $0x8F2B, s0  }
0xc3: {  	[sflag:s0] =	ssyncadd.remote.s32 $0x1  }
0xc4: {  	_ =	sfence.sel $0xFFFF  }
0xc5: {  	[dreg:$0x0] =	wrdreg $0xFFFFFFFF;
	(pc) =	sbr.abs _section_cstart, $3  }
0xc6: {  	[dreg:$0x1] =	wrdreg $0xFFFFFFFF  }
0xc7: {  	_ =	task.clear_ibuf [dreg:s7], $0x2FFFF;
	_ =	strace $0x9FFFFFFF  }
0xc8: {  	(tm) =	ssettm $0x7FFFFFFF  }
0xc9: {  	_ =	shalt  }
tec
execute0_lowered:
.L_overlay_start_1:
0x0: {  	(tag) =	ssettag $0x1  }
0x1: {  	s2 =	rddreg [dreg:$0x0]  }
0x2: {  	s5 =	rddreg [dreg:$0x1]  }
0x3: {  	s0 =	rddreg [dreg:$0x2]  }
0x4: {  	s1 =	rddreg [dreg:$0x3]  }
0x5: {  	s4 =	srdreg.scid;
	s3 =	rddreg [dreg:$0x4]  }
0x6: {  	s15 =	stileid.u32;
	s6 =	rddreg [dreg:$0x6]  }
0x7: {  	s11 =	simm.s32 $0x0;
	s8 =	sand.u32 $0x1, s4;
	s4 =	rddreg [dreg:$0x5]  }
0x8: {  	s24 =	simm.s32 $0xE600;
	[smem:$0x7FF] =	sst s11;
	s7 =	sshll.u32 s8, $0x4  }
0x9: {  	s23 =	sshll.u32 s15, $0x6;
	s9 =	sor.u32 s15, s7;
	s7 =	rddreg [dreg:$0x7]  }
0xa: {  	s25 =	simm.s32 $0xE680;
	_ =	strace $0x80000047;
	[dreg:$0x13] =	wrdreg s23  }
0xb: {  	s26 =	simm.s32 $0xE700;
	s29 =	simm.s32 $0xE780;
	[dreg:$0x9] =	wrdreg s24  }
0xc: {  	s30 =	simm.s32 $0xE800;
	s10 =	smul.u32 $0x1880, s15;
	[dreg:$0xa] =	wrdreg s25  }
0xd: {  	s19 =	simm.s32 $0xE900;
	s21 =	smul.u32 $0x49800, s8;
	[dreg:$0xb] =	wrdreg s26  }
0xe: {  	s8 =	ssub.s32 $0x2, s8;
	s22 =	sshrl.u32 s10, $0x3;
	[dreg:$0xc] =	wrdreg s29  }
0xf: {  	s14 =	sadd.s32 s10, s0;
	s15 =	sadd.s32 s10, s3;
	[dreg:$0xd] =	wrdreg s30  }
0x10: {  	s17 =	sadd.s32 s10, s4;
	s28 =	sadd.s32 s10, s6;
	[dreg:$0xf] =	wrdreg s19  }
0x11: {  	s11 =	sadd.s32 s10, s21;
	s16 =	sadd.s32 s5, s22;
	[dreg:$0x14] =	wrdreg s17  }
0x12: {  	s5 =	sadd.s32 s10, s1;
	[dreg:$0x15] =	wrdreg s28;
	s10 =	sadd.s32 s10, s7  }
0x13: {  	s12 =	sshrl.u32 s8, $0x1;
	s17 =	simm.s32 $0xE880;
	[dreg:$0x16] =	wrdreg s10  }
0x14: {  	s8 =	ssub.s32 s8, s12;
	s21 =	simm.s32 $0xE980;
	[dreg:$0xe] =	wrdreg s17  }
0x15: {  	s12 =	sor.u32 $0x1C03, s23;
	s23 =	simm.s32 $0xEA00;
	[dreg:$0x10] =	wrdreg s21  }
0x16: {  	s26 =	sshrl.u32 s14, $0x3;
	[dreg:$0x11] =	wrdreg s23  }
0x17: {  	s19 =	simm.s32 $0xF080;
	s29 =	sshrl.u32 s15, $0x3;
	[dreg:$0x1e] =	wrdreg s26  }
0x18: {  	s9 =	smul.u32 $0x1900, s9;
	s14 =	simm.s32 $0x1;
	[smem:$0x7FB] =	sst s29  }
0x19: {  	s15 =	simm.s32 $0xEE00;
	s25 =	smax.u32 s8, $0x1;
	[dreg:$0x12] =	wrdreg s16  }
0x1a: {  	s28 =	sshrl.u32 s5, $0x3;
	s9 =	sshrl.u32 s9, $0x3;
	[dreg:$0x1d] =	wrdreg s25  }
0x1b: {  	s30 =	sadd.s32 $0x3100, s16;
	[dreg:$0x1f] =	wrdreg s28;
	s13 =	sadd.s32 s9, s2  }
0x1c: {  	s11 =	sshrl.u32 s11, $0x3;
	[smem:$0x7FC] =	sst s30;
	s31 =	sadd.s32 $0x600, s13  }
0x1d: {  	s9 =	sadd.s32 $0x13200, s2;
	s18 =	sadd.s32 $0x6A00, s13;
	[dreg:$0x17] =	wrdreg s31  }
0x1e: {  	s2 =	sadd.s32 s11, s2;
	s20 =	sadd.s32 $0xCE00, s13;
	[dreg:$0x18] =	wrdreg s18  }
0x1f: {  	s5 =	simm.s32 $0x3;
	s22 =	sadd.s32 $0x13600, s2;
	[dreg:$0x19] =	wrdreg s20  }
0x20: {  	s17 =	simm.s32 $0xEF00;
	s24 =	sadd.s32 $0x16700, s2;
	[dreg:$0x1a] =	wrdreg s22  }
0x21: {  	s21 =	simm.s32 $0x0;
	s2 =	sadd.s32 $0x19800, s2;
	[dreg:$0x1b] =	wrdreg s24  }
0x22: {  	s11 =	simm.s32 $0xF000;
	s13 =	simm.s32 $0x80;
	[dreg:$0x1c] =	wrdreg s2  }
0x23: {  	s31 =	sadd.s32 $0x6200, s16;
	s2 =	simm.s32 $0x4;
	s16 =	simm.s32 $0xEE80  }
0x24: {  	s18 =	simm.s32 $0x2;
	s20 =	simm.s32 $0xF100;
	[smem:$0x7FD] =	sst s31  }
.LBB2_1:
0x25: {  	s8 =	rddreg [dreg:$0x12]  }
0x26: {  	s10 =	rddreg [dreg:$0x1e]  }
0x27: {  	[spmem:s10], [sflag:s12] =	dma.local [hbm:s8], $0x310  }
0x28: {  	s10 =	sld [smem:$0x7FC];
	_ =	sdelay $0x1  }
0x29: {  	s8 =	rddreg [dreg:$0x1f]  }
0x2a: {  	[spmem:s8], [sflag:s12] =	dma.local [hbm:s10], $0x310  }
0x2b: {  	s8 =	sld [smem:$0x7FB]  }
0x2c: {  	s10 =	sld [smem:$0x7FD];
	_ =	sdelay $0x2  }
0x2d: {  	[spmem:s8], [sflag:s12] =	dma.local [hbm:s10], $0x310  }
0x2e: {  	s8 =	rddreg [dreg:$0x14]  }
0x2f: {  	s22 =	sshrl.u32 s8, $0x3  }
0x30: {  	[spmem:s22], [sflag:s12] =	dma.local [hbm:s9], $0x310  }
0x31: {  	s26 =	rddreg [dreg:$0x15]  }
0x32: {  	s23 =	sshrl.u32 s26, $0x3  }
0x33: {  	[spmem:s23], [sflag:s12] =	dma.local [hbm:s9], $0x310  }
0x34: {  	s28 =	rddreg [dreg:$0x16]  }
0x35: {  	s24 =	sshrl.u32 s28, $0x3  }
0x36: {  	[spmem:s24], [sflag:s12] =	dma.local [hbm:s9], $0x310  }
0x37: {  	s25 =	simm.s32 $0x9300;
	s8 =	simm.s32 $0x0;
	s29 =	rddreg [dreg:$0x17]  }
0x38: {  	[tilespmem:s25], [sflag:$0x4] =	stream.linear.gather [hbm4b:s29+s8], $0x1900, $0x38;
	[tilespmem:$0xF200] =	vst v63  }
0x39: {  	s26 =	simm.s32 $0xAC00;
	s30 =	rddreg [dreg:$0x18]  }
0x3a: {  	[tilespmem:s26], [sflag:$0x4] =	stream.linear.gather [hbm4b:s30+s8], $0x1900, $0x38;
	[tilespmem:$0xF200] =	vst v63  }
0x3b: {  	s28 =	simm.s32 $0xC500;
	s31 =	rddreg [dreg:$0x19]  }
0x3c: {  	[tilespmem:s28], [sflag:$0x4] =	stream.linear.gather [hbm4b:s31+s8], $0x1900, $0x38;
	[tilespmem:$0xF200] =	vst v63  }
0x3d: {  	_ =	swait.ge [sflag:s5], $0x310  }
0x3e: {  	[sflag:s5] =	ssyncset.done $0x0  }
0x3f: {  	[sflag:s5] =	ssyncadd.s32 $0xFFFFFCF0  }
0x40: {  	_ =	swait.ge [sflag:s5], $0x310  }
0x41: {  	[sflag:s5] =	ssyncset.done $0x0  }
0x42: {  	[sflag:s5] =	ssyncadd.s32 $0xFFFFFCF0  }
0x43: {  	_ =	swait.ge [sflag:s5], $0x310  }
0x44: {  	[sflag:s5] =	ssyncset.done $0x0  }
0x45: {  	[sflag:s5] =	ssyncadd.s32 $0xFFFFFCF0  }
0x46: {  	_ =	swait.ge [sflag:s5], $0x310  }
0x47: {  	[sflag:s5] =	ssyncset.done $0x0  }
0x48: {  	[sflag:s5] =	ssyncadd.s32 $0xFFFFFCF0  }
0x49: {  	_ =	swait.ge [sflag:s5], $0x310  }
0x4a: {  	[sflag:s5] =	ssyncset.done $0x0  }
0x4b: {  	[sflag:s5] =	ssyncadd.s32 $0xFFFFFCF0  }
0x4c: {  	_ =	swait.ge [sflag:s5], $0x310  }
0x4d: {  	[sflag:s5] =	ssyncset.done $0x0  }
0x4e: {  	[sflag:s5] =	ssyncadd.s32 $0xFFFFFCF0  }
0x4f: {  	_ =	swait.ge [sflag:s2], $0x1900  }
0x50: {  	[sflag:s2] =	ssyncset.done $0x0  }
0x51: {  	[sflag:s2] =	ssyncadd.s32 $0xFFFFE700  }
0x52: {  	_ =	swait.ge [sflag:s2], $0x1900  }
0x53: {  	[sflag:s2] =	ssyncset.done $0x0  }
0x54: {  	[sflag:s2] =	ssyncadd.s32 $0xFFFFE700  }
0x55: {  	_ =	swait.ge [sflag:s2], $0x1900  }
0x56: {  	[sflag:s2] =	ssyncset.done $0x0  }
0x57: {  	[sflag:s2] =	ssyncadd.s32 $0xFFFFE700  }
0x58: {  	s10 =	simm.s32 $0xDE00;
	[bflag:$0x0] =	sbarrier.arrive $0xFFFF  }
0x59: {  	[tilespmem:s10], [sflag:$0x1] =	stream.indirect.gather [spmem:s0], $0x1, s25, s13, $0xb8;
	[tilespmem:$0xF200] =	vst v63  }
0x5a: {  	s29 =	simm.s32 $0xDE80  }
0x5b: {  	[tilespmem:s29], [sflag:$0x1] =	stream.indirect.gather [spmem:s1], $0x1, s25, s13, $0xb8;
	[tilespmem:$0xF200] =	vst v63  }
0x5c: {  	s30 =	simm.s32 $0xDF00  }
0x5d: {  	[tilespmem:s30], [sflag:$0x1] =	stream.indirect.gather [spmem:s3], $0x1, s25, s13, $0xb8;
	[tilespmem:$0xF200] =	vst v63  }
0x5e: {  	s31 =	simm.s32 $0xDF80  }
0x5f: {  	[tilespmem:s31], [sflag:$0x1] =	stream.indirect.gather [spmem:s0], $0x1, s26, s13, $0xb8;
	[tilespmem:$0xF200] =	vst v63  }
0x60: {  	s10 =	simm.s32 $0xE000  }
0x61: {  	[tilespmem:s10], [sflag:$0x1] =	stream.indirect.gather [spmem:s1], $0x1, s26, s13, $0xb8;
	[tilespmem:$0xF200] =	vst v63  }
0x62: {  	s25 =	simm.s32 $0xE080  }
0x63: {  	[tilespmem:s25], [sflag:$0x1] =	stream.indirect.gather [spmem:s3], $0x1, s26, s13, $0xb8;
	[tilespmem:$0xF200] =	vst v63  }
0x64: {  	s29 =	simm.s32 $0xE100  }
0x65: {  	[tilespmem:s29], [sflag:$0x1] =	stream.indirect.gather [spmem:s0], $0x1, s28, s13, $0xb8;
	[tilespmem:$0xF200] =	vst v63  }
0x66: {  	s30 =	simm.s32 $0xE180  }
0x67: {  	[tilespmem:s30], [sflag:$0x1] =	stream.indirect.gather [spmem:s1], $0x1, s28, s13, $0xb8;
	[tilespmem:$0xF200] =	vst v63  }
0x68: {  	s31 =	simm.s32 $0xE200;
	s25 =	simm.s32 $0x0  }
0x69: {  	[tilespmem:s31], [sflag:$0x1] =	stream.indirect.gather [spmem:s3], $0x1, s28, s13, $0xb8;
	[tilespmem:$0xF200] =	vst v63  }
.LBB2_2:
0x6a: {  	s8 =	sshra.s32 s25, $0x2  }
0x6b: {  	s10 =	rddreg [dreg:$0x9];
	s26 =	sadd.s32 $0x9380, s8  }
0x6c: {  	[tilespmem:s10], [sflag:$0x2] =	stream.indirect.gather [spmem:s0], $0x1, s26, s13, $0xb8;
	[tilespmem:$0xF200] =	vst v63  }
0x6d: {  	s28 =	rddreg [dreg:$0xa]  }
0x6e: {  	[tilespmem:s28], [sflag:$0x2] =	stream.indirect.gather [spmem:s1], $0x1, s26, s13, $0xb8;
	[tilespmem:$0xF200] =	vst v63  }
0x6f: {  	s31 =	rddreg [dreg:$0xb]  }
0x70: {  	[tilespmem:s31], [sflag:$0x2] =	stream.indirect.gather [spmem:s3], $0x1, s26, s13, $0xb8;
	[tilespmem:$0xF200] =	vst v63  }
0x71: {  	s29 =	rddreg [dreg:$0xc];
	s28 =	sadd.s32 $0xAC80, s8  }
0x72: {  	[tilespmem:s29], [sflag:$0x2] =	stream.indirect.gather [spmem:s0], $0x1, s28, s13, $0xb8;
	[tilespmem:$0xF200] =	vst v63  }
0x73: {  	s30 =	rddreg [dreg:$0xd]  }
0x74: {  	[tilespmem:s30], [sflag:$0x2] =	stream.indirect.gather [spmem:s1], $0x1, s28, s13, $0xb8;
	[tilespmem:$0xF200] =	vst v63  }
0x75: {  	s31 =	rddreg [dreg:$0xe]  }
0x76: {  	[tilespmem:s31], [sflag:$0x2] =	stream.indirect.gather [spmem:s3], $0x1, s28, s13, $0xb8;
	[tilespmem:$0xF200] =	vst v63  }
0x77: {  	s10 =	sadd.s32 $0xC580, s8;
	s30 =	rddreg [dreg:$0xf]  }
0x78: {  	[tilespmem:s30], [sflag:$0x2] =	stream.indirect.gather [spmem:s0], $0x1, s10, s13, $0xb8;
	[tilespmem:$0xF200] =	vst v63  }
0x79: {  	s29 =	rddreg [dreg:$0x10]  }
0x7a: {  	[tilespmem:s29], [sflag:$0x2] =	stream.indirect.gather [spmem:s1], $0x1, s10, s13, $0xb8;
	[tilespmem:$0xF200] =	vst v63  }
0x7b: {  	s31 =	rddreg [dreg:$0x11]  }
0x7c: {  	[tilespmem:s31], [sflag:$0x2] =	stream.indirect.gather [spmem:s3], $0x1, s10, s13, $0xb8;
	[tilespmem:$0xF200] =	vst v63  }
0x7d: {  	_ =	swait.ge [sflag:s14], $0x80  }
0x7e: {  	[sflag:s14] =	ssyncset.done $0x0  }
0x7f: {  	[sflag:s14] =	ssyncadd.s32 $0xFFFFFF80  }
0x80: {  	_ =	swait.ge [sflag:s14], $0x80  }
0x81: {  	[sflag:s14] =	ssyncset.done $0x0  }
0x82: {  	[sflag:s14] =	ssyncadd.s32 $0xFFFFFF80  }
0x83: {  	_ =	swait.ge [sflag:s14], $0x80  }
0x84: {  	[sflag:s14] =	ssyncset.done $0x0  }
0x85: {  	[sflag:s14] =	ssyncadd.s32 $0xFFFFFF80  }
0x86: {  	_ =	swait.ge [sflag:s14], $0x80  }
0x87: {  	[sflag:s14] =	ssyncset.done $0x0  }
0x88: {  	[sflag:s14] =	ssyncadd.s32 $0xFFFFFF80  }
0x89: {  	_ =	swait.ge [sflag:s14], $0x80  }
0x8a: {  	[sflag:s14] =	ssyncset.done $0x0  }
0x8b: {  	[sflag:s14] =	ssyncadd.s32 $0xFFFFFF80  }
0x8c: {  	_ =	swait.ge [sflag:s14], $0x80  }
0x8d: {  	[sflag:s14] =	ssyncset.done $0x0  }
0x8e: {  	[sflag:s14] =	ssyncadd.s32 $0xFFFFFF80  }
0x8f: {  	_ =	swait.ge [sflag:s14], $0x80  }
0x90: {  	[sflag:s14] =	ssyncset.done $0x0  }
0x91: {  	[sflag:s14] =	ssyncadd.s32 $0xFFFFFF80  }
0x92: {  	_ =	swait.ge [sflag:s14], $0x80  }
0x93: {  	[sflag:s14] =	ssyncset.done $0x0  }
0x94: {  	[sflag:s14] =	ssyncadd.s32 $0xFFFFFF80  }
0x95: {  	_ =	swait.ge [sflag:s14], $0x80  }
0x96: {  	p0 =	seq.s32 s25, $0x0;
	[sflag:s14] =	ssyncset.done $0x0  }
0x97: {  	s29 =	simm.s32 @!p0 $0x3;
	[sflag:s14] =	ssyncadd.s32 $0xFFFFFF80  }
0x98: {  	_ =	swait.ge @!p0 [sflag:s29], $0x80  }
0x99: {  	[sflag:s29] =	ssyncset.done @!p0 $0x0  }
0x9a: {  	[sflag:s29] =	ssyncadd.s32 @!p0 $0xFFFFFF80  }
0x9b: {  	_ =	swait.ge @!p0 [sflag:s29], $0x80  }
0x9c: {  	[sflag:s29] =	ssyncset.done @!p0 $0x0  }
0x9d: {  	[sflag:s29] =	ssyncadd.s32 @!p0 $0xFFFFFF80  }
0x9e: {  	_ =	swait.ge @!p0 [sflag:s29], $0x80  }
0x9f: {  	[sflag:s29] =	ssyncset.done @!p0 $0x0  }
0xa0: {  	[sflag:s29] =	ssyncadd.s32 @!p0 $0xFFFFFF80  }
0xa1: {  	_ =	swait.ge @!p0 [sflag:s29], $0x80  }
0xa2: {  	[sflag:s29] =	ssyncset.done @!p0 $0x0  }
0xa3: {  	[sflag:s29] =	ssyncadd.s32 @!p0 $0xFFFFFF80  }
0xa4: {  	_ =	swait.ge @!p0 [sflag:s29], $0x80  }
0xa5: {  	[sflag:s29] =	ssyncset.done @!p0 $0x0  }
0xa6: {  	[sflag:s29] =	ssyncadd.s32 @!p0 $0xFFFFFF80  }
0xa7: {  	_ =	swait.ge @!p0 [sflag:s29], $0x80  }
0xa8: {  	[sflag:s29] =	ssyncset.done @!p0 $0x0  }
0xa9: {  	[sflag:s29] =	ssyncadd.s32 @!p0 $0xFFFFFF80  }
0xaa: {  	_ =	swait.ge @!p0 [sflag:s29], $0x80  }
0xab: {  	[sflag:s29] =	ssyncset.done @!p0 $0x0  }
0xac: {  	[sflag:s29] =	ssyncadd.s32 @!p0 $0xFFFFFF80  }
0xad: {  	_ =	swait.ge @!p0 [sflag:s29], $0x80  }
0xae: {  	[sflag:s29] =	ssyncset.done @!p0 $0x0  }
0xaf: {  	[sflag:s29] =	ssyncadd.s32 @!p0 $0xFFFFFF80  }
0xb0: {  	_ =	swait.ge @!p0 [sflag:s29], $0x80  }
0xb1: {  	[sflag:s29] =	ssyncset.done @!p0 $0x0  }
0xb2: {  	[sflag:s29] =	ssyncadd.s32 @!p0 $0xFFFFFF80  }
0xb3: {  	v0 =	vld [tilespmem:$0xDE00]  }
0xb4: {  	v1 =	vld [tilespmem:$0xDE80]  }
0xb5: {  	v2 =	vld [tilespmem:$0xDF00]  }
0xb6: {  	v3 =	vld [tilespmem:$0xDF80]  }
0xb7: {  	v4 =	vld [tilespmem:$0xE000]  }
0xb8: {  	v5 =	vld [tilespmem:$0xE080]  }
0xb9: {  	v6 =	vld [tilespmem:$0xE100]  }
0xba: {  	v7 =	vld [tilespmem:$0xE180]  }
0xbb: {  	v8 =	vld [tilespmem:$0xE200]  }
0xbc: {  	v9 =	vld [tilespmem:$0xDE10]  }
0xbd: {  	v10 =	vld [tilespmem:$0xDE90]  }
0xbe: {  	v11 =	vld [tilespmem:$0xDF10]  }
0xbf: {  	v12 =	vld [tilespmem:$0xDF90]  }
0xc0: {  	v13 =	vld [tilespmem:$0xE010]  }
0xc1: {  	v14 =	vld [tilespmem:$0xE090]  }
0xc2: {  	v15 =	vld [tilespmem:$0xE110]  }
0xc3: {  	v16 =	vld [tilespmem:$0xE190]  }
0xc4: {  	v17 =	vld [tilespmem:$0xE210]  }
0xc5: {  	v18 =	vld [tilespmem:$0xDE20]  }
0xc6: {  	v19 =	vld [tilespmem:$0xDEA0]  }
0xc7: {  	v20 =	vld [tilespmem:$0xDF20]  }
0xc8: {  	v21 =	vld [tilespmem:$0xDFA0]  }
0xc9: {  	v22 =	vld [tilespmem:$0xE020]  }
0xca: {  	v23 =	vld [tilespmem:$0xE0A0]  }
0xcb: {  	v24 =	vld [tilespmem:$0xE120]  }
0xcc: {  	v25 =	vld [tilespmem:$0xE1A0]  }
0xcd: {  	v26 =	vld [tilespmem:$0xE220]  }
0xce: {  	v27 =	vld [tilespmem:$0xDE30]  }
0xcf: {  	v28 =	vld [tilespmem:$0xDEB0]  }
0xd0: {  	v29 =	vld [tilespmem:$0xDF30]  }
0xd1: {  	v30 =	vld [tilespmem:$0xDFB0]  }
0xd2: {  	v31 =	vld [tilespmem:$0xE030]  }
0xd3: {  	v32 =	vld [tilespmem:$0xE0B0]  }
0xd4: {  	v33 =	vld [tilespmem:$0xE130]  }
0xd5: {  	v34 =	vld [tilespmem:$0xE1B0]  }
0xd6: {  	v35 =	vld [tilespmem:$0xE230]  }
0xd7: {  	v36 =	vld [tilespmem:$0xDE40]  }
0xd8: {  	v37 =	vld [tilespmem:$0xDEC0]  }
0xd9: {  	v39 =	vld [tilespmem:$0xE040];
	v4 =	vsub.f32 v4, v1;
	v5 =	vsub.f32 v5, v2  }
0xda: {  	v40 =	vld [tilespmem:$0xE0C0];
	v1 =	vsub.f32 v7, v1;
	v2 =	vsub.f32 v8, v2  }
0xdb: {  	v43 =	vld [tilespmem:$0xE1C0];
	v6 =	vsub.f32 v6, v0;
	v0 =	vsub.f32 v3, v0  }
0xdc: {  	v47 =	vld [tilespmem:$0xE240];
	v13 =	vsub.f32 v13, v10;
	v14 =	vsub.f32 v14, v11  }
0xdd: {  	v41 =	vld [tilespmem:$0xE0E0];
	v10 =	vsub.f32 v16, v10;
	v11 =	vsub.f32 v17, v11  }
0xde: {  	v7 =	vld [tilespmem:$0xDF40];
	v44 =	vsub.f32 v15, v9;
	v48 =	vsub.f32 v12, v9  }
0xdf: {  	v8 =	vld [tilespmem:$0xDFC0];
	v50 =	vsub.f32 v22, v19;
	v51 =	vsub.f32 v23, v20  }
0xe0: {  	v16 =	vld [tilespmem:$0xE140];
	v19 =	vsub.f32 v25, v19;
	v20 =	vsub.f32 v26, v20  }
0xe1: {  	v9 =	vld [tilespmem:$0xDE50];
	v52 =	vsub.f32 v24, v18;
	v55 =	vsub.f32 v21, v18;
	v63 =	vmul.f32 v2, v4  }
0xe2: {  	v22 =	vld [tilespmem:$0xDF50];
	v56 =	vsub.f32 v31, v28;
	v38 =	vmul.f32 v1, v5;
	v5 =	vmul.f32 v6, v5  }
0xe3: {  	v23 =	vld [tilespmem:$0xDFD0];
	v57 =	vsub.f32 v32, v29;
	v2 =	vmul.f32 v2, v0;
	v0 =	vmul.f32 v1, v0  }
0xe4: {  	v25 =	vld [tilespmem:$0xE0D0];
	v29 =	vsub.f32 v35, v29;
	v42 =	vmul.f32 v6, v4;
	v45 =	vmul.f32 v11, v13  }
0xe5: {  	v18 =	vld [tilespmem:$0xE150];
	v58 =	vsub.f32 v33, v27;
	v46 =	vmul.f32 v10, v14;
	v49 =	vmul.f32 v44, v14  }
0xe6: {  	v24 =	vld [tilespmem:$0xE1D0];
	v28 =	vsub.f32 v34, v28;
	v11 =	vmul.f32 v11, v48;
	v53 =	vmul.f32 v20, v50  }
0xe7: {  	v31 =	vld [tilespmem:$0xE250];
	v59 =	vsub.f32 v30, v27;
	v54 =	vmul.f32 v19, v51;
	v17 =	vmul.f32 v52, v51  }
0xe8: {  	v32 =	vld [tilespmem:$0xDE60];
	v62 =	vsub.f32 v39, v37;
	v20 =	vmul.f32 v20, v55;
	v60 =	vmul.f32 v29, v56  }
0xe9: {  	v30 =	vld [tilespmem:$0xDEE0];
	v61 =	vmul.f32 v28, v57;
	v4 =	vsub.f32 v43, v37;
	v3 =	vsub.f32 v63, v38  }
0xea: {  	v33 =	vld [tilespmem:$0xDF60];
	v26 =	vmul.f32 v58, v57;
	v2 =	vsub.f32 v5, v2;
	v0 =	vsub.f32 v0, v42  }
0xeb: {  	v39 =	vld [tilespmem:$0xDFE0];
	v29 =	vmul.f32 v29, v59;
	v1 =	vsub.f32 v45, v46;
	v11 =	vsub.f32 v49, v11  }
0xec: {  	v34 =	vld [tilespmem:$0xE270];
	v6 =	vmul.f32 v44, v13;
	v13 =	vsub.f32 v53, v54;
	v17 =	vsub.f32 v17, v20  }
0xed: {  	v14 =	vld [tilespmem:$0xDED0];
	v46 =	vsub.f32 v60, v61;
	v49 =	vsub.f32 v26, v29  }
0xee: {  	v12 =	vmul.f32 v52, v50;
	v50 =	vld [tilespmem:$0xE260];
	v63 =	vsub.f32 v40, v7;
	v7 =	vsub.f32 v47, v7  }
0xef: {  	v15 =	vmul.f32 v28, v59;
	v59 =	vld [tilespmem:$0xDF70];
	v8 =	vsub.f32 v8, v36;
	v16 =	vsub.f32 v16, v36  }
0xf0: {  	v28 =	vld [tilespmem:$0xE0F0];
	v5 =	vmul.f32 v10, v48;
	v60 =	vsub.f32 v18, v9;
	v9 =	vsub.f32 v23, v9;
	[tilespmem:$0xEE00] =	vst v3  }
0xf1: {  	v10 =	vld [tilespmem:$0xE050];
	v21 =	vsub.f32 v41, v33;
	v41 =	vsub.f32 v39, v32;
	[tilespmem:$0xEE80] =	vst v2  }
0xf2: {  	v45 =	vld [tilespmem:$0xE160];
	v5 =	vsub.f32 v5, v6;
	v6 =	vmul.f32 v19, v55;
	v19 =	vmul.f32 v58, v56;
	[tilespmem:$0xEF00] =	vst v0  }
0xf3: {  	v48 =	vld [tilespmem:$0xE1E0];
	[tilespmem:$0xEE10] =	vst v1;
	v55 =	vsub.f32 v25, v22;
	v43 =	vmul.f32 v7, v62;
	v44 =	vmul.f32 v4, v63  }
0xf4: {  	v53 =	vld [tilespmem:$0xDE70];
	[tilespmem:$0xEE90] =	vst v11;
	v58 =	vsub.f32 v31, v22;
	v47 =	vmul.f32 v16, v63;
	v7 =	vmul.f32 v7, v8  }
0xf5: {  	v38 =	vld [tilespmem:$0xE170];
	[tilespmem:$0xEE20] =	vst v13;
	v4 =	vmul.f32 v4, v8;
	v57 =	vsub.f32 v24, v14;
	v42 =	vsub.f32 v6, v12  }
0xf6: {  	v40 =	vld [tilespmem:$0xE060];
	[tilespmem:$0xEEA0] =	vst v17;
	v54 =	vmul.f32 v16, v62;
	v15 =	vsub.f32 v15, v19;
	v19 =	vsub.f32 v50, v33  }
0xf7: {  	v56 =	vld [tilespmem:$0xDEF0];
	[tilespmem:$0xEE30] =	vst v46;
	v51 =	vsub.f32 v43, v44;
	v52 =	vsub.f32 v47, v7  }
0xf8: {  	v31 =	vld [tilespmem:$0xE1F0];
	[tilespmem:$0xEEB0] =	vst v49;
	v25 =	vmul.f32 v60, v55;
	v10 =	vsub.f32 v10, v14;
	v4 =	vsub.f32 v4, v54  }
0xf9: {  	v61 =	vld [tilespmem:$0xDFF0];
	[tilespmem:$0xEF10] =	vst v5;
	v29 =	vmul.f32 v58, v9;
	v35 =	vsub.f32 v45, v32;
	v47 =	vsub.f32 v28, v59  }
0xfa: {  	v24 =	vld [tilespmem:$0xE070];
	v5 =	vmul.f32 v57, v9;
	v9 =	vsub.f32 v34, v59;
	v7 =	vsub.f32 v38, v53;
	[tilespmem:$0xEF20] =	vst v42  }
0xfb: {  	v63 =	vmul.f32 v57, v55;
	v26 =	vsub.f32 v40, v30;
	v30 =	vsub.f32 v48, v30;
	[tilespmem:$0xEF30] =	vst v15  }
0xfc: {  	v40 =	vsub.f32 v25, v29;
	v45 =	vmul.f32 v19, v41;
	v62 =	vmul.f32 v58, v10;
	[tilespmem:$0xEE40] =	vst v51  }
0xfd: {  	v8 =	vmul.f32 v60, v10;
	[tilespmem:$0xEEC0] =	vst v52;
	v44 =	vmul.f32 v35, v21;
	v49 =	vsub.f32 v31, v56  }
0xfe: {  	[tilespmem:$0xEF40] =	vst v4;
	v51 =	vsub.f32 v61, v53;
	v36 =	vmul.f32 v19, v26;
	v33 =	vsub.f32 v62, v63  }
0xff: {  	v37 =	vmul.f32 v30, v21;
	v46 =	vsub.f32 v24, v56;
	[tilespmem:$0xEED0] =	vst v40;
	v42 =	vsub.f32 v5, v8  }
0x100: {  	v48 =	vmul.f32 v30, v41;
	v50 =	vmul.f32 v35, v26;
	v52 =	vsub.f32 v44, v45;
	[tilespmem:$0xEE50] =	vst v33  }
0x101: {  	v55 =	vmul.f32 v7, v47;
	v56 =	vmul.f32 v9, v51;
	v43 =	vsub.f32 v36, v37;
	[tilespmem:$0xEF50] =	vst v42  }
0x102: {  	v54 =	vmul.f32 v49, v47;
	v53 =	vmul.f32 v9, v46;
	v0 =	vsub.f32 v48, v50;
	[tilespmem:$0xEEE0] =	vst v52  }
0x103: {  	v2 =	vmul.f32 v49, v51;
	v58 =	vmul.f32 v7, v46;
	v59 =	vsub.f32 v55, v56;
	[tilespmem:$0xEE60] =	vst v43  }
0x104: {  	v57 =	vsub.f32 v53, v54;
	[tilespmem:$0xEF60] =	vst v0  }
0x105: {  	v60 =	vsub.f32 v2, v58;
	[tilespmem:$0xEEF0] =	vst v59  }
0x106: {  	[tilespmem:$0xEE70] =	vst v57  }
0x107: {  	s30 =	sadd.s32 $0x9300, s8;
	[tilespmem:$0xEF70] =	vst v60  }
0x108: {  	[spmem:s4] =	stream.indirect.scatter.add.f32 [tilespmem:s15], [sflag:$0x3], $0x1, s30, s13, $0xb8;
	[tilespmem:$0xF200] =	vst v63  }
0x109: {  	_ = 	snop  }
0x10a: {  	[spmem:s6] =	stream.indirect.scatter.add.f32 [tilespmem:s16], [sflag:$0x3], $0x1, s30, s13, $0xb8;
	[tilespmem:$0xF200] =	vst v63  }
0x10b: {  	_ = 	snop  }
0x10c: {  	[spmem:s7] =	stream.indirect.scatter.add.f32 [tilespmem:s17], [sflag:$0x3], $0x1, s30, s13, $0xb8;
	[tilespmem:$0xF200] =	vst v63  }
0x10d: {  	s31 =	sadd.s32 $0xAC00, s8  }
0x10e: {  	[spmem:s4] =	stream.indirect.scatter.add.f32 [tilespmem:s15], [sflag:$0x3], $0x1, s31, s13, $0xb8;
	[tilespmem:$0xF200] =	vst v63  }
0x10f: {  	_ = 	snop  }
0x110: {  	[spmem:s6] =	stream.indirect.scatter.add.f32 [tilespmem:s16], [sflag:$0x3], $0x1, s31, s13, $0xb8;
	[tilespmem:$0xF200] =	vst v63  }
0x111: {  	_ = 	snop  }
0x112: {  	[spmem:s7] =	stream.indirect.scatter.add.f32 [tilespmem:s17], [sflag:$0x3], $0x1, s31, s13, $0xb8;
	[tilespmem:$0xF200] =	vst v63  }
0x113: {  	s8 =	sadd.s32 $0xC500, s8  }
0x114: {  	[spmem:s4] =	stream.indirect.scatter.add.f32 [tilespmem:s15], [sflag:$0x3], $0x1, s8, s13, $0xb8;
	[tilespmem:$0xF200] =	vst v63  }
0x115: {  	_ = 	snop  }
0x116: {  	[spmem:s6] =	stream.indirect.scatter.add.f32 [tilespmem:s16], [sflag:$0x3], $0x1, s8, s13, $0xb8;
	[tilespmem:$0xF200] =	vst v63  }
0x117: {  	p1 =	seq.s32 s25, $0x6000  }
0x118: {  	[spmem:s7] =	stream.indirect.scatter.add.f32 [tilespmem:s17], [sflag:$0x3], $0x1, s8, s13, $0xb8;
	[tilespmem:$0xF200] =	vst v63  }
0x119: {  	s8 =	sshra.s32 @!p1 s25, $0x2  }
0x11a: {  	s30 =	simm.s32 @!p1 $0x80;
	s31 =	simm.s32 @!p1 $0xDE00;
	s29 =	sadd.s32 @!p1 $0x9400, s8  }
0x11b: {  	[tilespmem:s31], [sflag:$0x1] =	stream.indirect.gather @!p1 [spmem:s0], $0x1, s29, s30, $0xb8;
	[tilespmem:$0xF200] =	vst v63  }
0x11c: {  	s31 =	simm.s32 @!p1 $0xDE80  }
0x11d: {  	[tilespmem:s31], [sflag:$0x1] =	stream.indirect.gather @!p1 [spmem:s1], $0x1, s29, s30, $0xb8;
	[tilespmem:$0xF200] =	vst v63  }
0x11e: {  	s31 =	simm.s32 @!p1 $0xDF00  }
0x11f: {  	[tilespmem:s31], [sflag:$0x1] =	stream.indirect.gather @!p1 [spmem:s3], $0x1, s29, s30, $0xb8;
	[tilespmem:$0xF200] =	vst v63  }
0x120: {  	s29 =	sadd.s32 @!p1 $0xAD00, s8;
	s31 =	simm.s32 @!p1 $0xDF80  }
0x121: {  	[tilespmem:s31], [sflag:$0x1] =	stream.indirect.gather @!p1 [spmem:s0], $0x1, s29, s30, $0xb8;
	[tilespmem:$0xF200] =	vst v63  }
0x122: {  	s31 =	simm.s32 @!p1 $0xE000  }
0x123: {  	[tilespmem:s31], [sflag:$0x1] =	stream.indirect.gather @!p1 [spmem:s1], $0x1, s29, s30, $0xb8;
	[tilespmem:$0xF200] =	vst v63  }
0x124: {  	s31 =	simm.s32 @!p1 $0xE080  }
0x125: {  	[tilespmem:s31], [sflag:$0x1] =	stream.indirect.gather @!p1 [spmem:s3], $0x1, s29, s30, $0xb8;
	[tilespmem:$0xF200] =	vst v63  }
0x126: {  	s8 =	sadd.s32 @!p1 $0xC600, s8;
	s29 =	simm.s32 @!p1 $0xE100  }
0x127: {  	[tilespmem:s29], [sflag:$0x1] =	stream.indirect.gather @!p1 [spmem:s0], $0x1, s8, s30, $0xb8;
	[tilespmem:$0xF200] =	vst v63  }
0x128: {  	s29 =	simm.s32 @!p1 $0xE180  }
0x129: {  	[tilespmem:s29], [sflag:$0x1] =	stream.indirect.gather @!p1 [spmem:s1], $0x1, s8, s30, $0xb8;
	[tilespmem:$0xF200] =	vst v63  }
0x12a: {  	s29 =	simm.s32 @!p1 $0xE200  }
0x12b: {  	[tilespmem:s29], [sflag:$0x1] =	stream.indirect.gather @!p1 [spmem:s3], $0x1, s8, s30, $0xb8;
	[tilespmem:$0xF200] =	vst v63  }
0x12c: {  	_ =	swait.ge [sflag:s18], $0x80  }
0x12d: {  	[sflag:s18] =	ssyncset.done $0x0  }
0x12e: {  	[sflag:s18] =	ssyncadd.s32 $0xFFFFFF80  }
0x12f: {  	_ =	swait.ge [sflag:s18], $0x80  }
0x130: {  	[sflag:s18] =	ssyncset.done $0x0  }
0x131: {  	[sflag:s18] =	ssyncadd.s32 $0xFFFFFF80  }
0x132: {  	_ =	swait.ge [sflag:s18], $0x80  }
0x133: {  	[sflag:s18] =	ssyncset.done $0x0  }
0x134: {  	[sflag:s18] =	ssyncadd.s32 $0xFFFFFF80  }
0x135: {  	_ =	swait.ge [sflag:s18], $0x80  }
0x136: {  	[sflag:s18] =	ssyncset.done $0x0  }
0x137: {  	[sflag:s18] =	ssyncadd.s32 $0xFFFFFF80  }
0x138: {  	_ =	swait.ge [sflag:s18], $0x80  }
0x139: {  	[sflag:s18] =	ssyncset.done $0x0  }
0x13a: {  	[sflag:s18] =	ssyncadd.s32 $0xFFFFFF80  }
0x13b: {  	_ =	swait.ge [sflag:s18], $0x80  }
0x13c: {  	[sflag:s18] =	ssyncset.done $0x0  }
0x13d: {  	[sflag:s18] =	ssyncadd.s32 $0xFFFFFF80  }
0x13e: {  	_ =	swait.ge [sflag:s18], $0x80  }
0x13f: {  	[sflag:s18] =	ssyncset.done $0x0  }
0x140: {  	[sflag:s18] =	ssyncadd.s32 $0xFFFFFF80  }
0x141: {  	_ =	swait.ge [sflag:s18], $0x80  }
0x142: {  	[sflag:s18] =	ssyncset.done $0x0  }
0x143: {  	[sflag:s18] =	ssyncadd.s32 $0xFFFFFF80  }
0x144: {  	_ =	swait.ge [sflag:s18], $0x80  }
0x145: {  	[sflag:s18] =	ssyncset.done $0x0  }
0x146: {  	s8 =	simm.s32 @!p0 $0x4;
	[sflag:s18] =	ssyncadd.s32 $0xFFFFFF80  }
0x147: {  	_ =	swait.ge @!p0 [sflag:s8], $0x80  }
0x148: {  	[sflag:s8] =	ssyncset.done @!p0 $0x0  }
0x149: {  	[sflag:s8] =	ssyncadd.s32 @!p0 $0xFFFFFF80  }
0x14a: {  	_ =	swait.ge @!p0 [sflag:s8], $0x80  }
0x14b: {  	[sflag:s8] =	ssyncset.done @!p0 $0x0  }
0x14c: {  	[sflag:s8] =	ssyncadd.s32 @!p0 $0xFFFFFF80  }
0x14d: {  	_ =	swait.ge @!p0 [sflag:s8], $0x80  }
0x14e: {  	[sflag:s8] =	ssyncset.done @!p0 $0x0  }
0x14f: {  	[sflag:s8] =	ssyncadd.s32 @!p0 $0xFFFFFF80  }
0x150: {  	_ =	swait.ge @!p0 [sflag:s8], $0x80  }
0x151: {  	[sflag:s8] =	ssyncset.done @!p0 $0x0  }
0x152: {  	[sflag:s8] =	ssyncadd.s32 @!p0 $0xFFFFFF80  }
0x153: {  	_ =	swait.ge @!p0 [sflag:s8], $0x80  }
0x154: {  	[sflag:s8] =	ssyncset.done @!p0 $0x0  }
0x155: {  	[sflag:s8] =	ssyncadd.s32 @!p0 $0xFFFFFF80  }
0x156: {  	_ =	swait.ge @!p0 [sflag:s8], $0x80  }
0x157: {  	[sflag:s8] =	ssyncset.done @!p0 $0x0  }
0x158: {  	[sflag:s8] =	ssyncadd.s32 @!p0 $0xFFFFFF80  }
0x159: {  	_ =	swait.ge @!p0 [sflag:s8], $0x80  }
0x15a: {  	[sflag:s8] =	ssyncset.done @!p0 $0x0  }
0x15b: {  	[sflag:s8] =	ssyncadd.s32 @!p0 $0xFFFFFF80  }
0x15c: {  	_ =	swait.ge @!p0 [sflag:s8], $0x80  }
0x15d: {  	[sflag:s8] =	ssyncset.done @!p0 $0x0  }
0x15e: {  	[sflag:s8] =	ssyncadd.s32 @!p0 $0xFFFFFF80  }
0x15f: {  	_ =	swait.ge @!p0 [sflag:s8], $0x80  }
0x160: {  	[sflag:s8] =	ssyncset.done @!p0 $0x0  }
0x161: {  	[sflag:s8] =	ssyncadd.s32 @!p0 $0xFFFFFF80  }
0x162: {  	v0 =	vld [tilespmem:$0xE600]  }
0x163: {  	v61 =	vld [tilespmem:$0xE680]  }
0x164: {  	v62 =	vld [tilespmem:$0xE700]  }
0x165: {  	v63 =	vld [tilespmem:$0xE780]  }
0x166: {  	v39 =	vld [tilespmem:$0xE800]  }
0x167: {  	v40 =	vld [tilespmem:$0xE880]  }
0x168: {  	v41 =	vld [tilespmem:$0xE900]  }
0x169: {  	v42 =	vld [tilespmem:$0xE980]  }
0x16a: {  	v43 =	vld [tilespmem:$0xEA00]  }
0x16b: {  	v9 =	vld [tilespmem:$0xE610]  }
0x16c: {  	v10 =	vld [tilespmem:$0xE690]  }
0x16d: {  	v44 =	vld [tilespmem:$0xE710]  }
0x16e: {  	v45 =	vld [tilespmem:$0xE790]  }
0x16f: {  	v46 =	vld [tilespmem:$0xE810]  }
0x170: {  	v47 =	vld [tilespmem:$0xE890]  }
0x171: {  	v48 =	vld [tilespmem:$0xE910]  }
0x172: {  	v49 =	vld [tilespmem:$0xE990]  }
0x173: {  	v50 =	vld [tilespmem:$0xEA10]  }
0x174: {  	v18 =	vld [tilespmem:$0xE620]  }
0x175: {  	v51 =	vld [tilespmem:$0xE6A0]  }
0x176: {  	v52 =	vld [tilespmem:$0xE720]  }
0x177: {  	v53 =	vld [tilespmem:$0xE7A0]  }
0x178: {  	v54 =	vld [tilespmem:$0xE820]  }
0x179: {  	v55 =	vld [tilespmem:$0xE8A0]  }
0x17a: {  	v56 =	vld [tilespmem:$0xE920]  }
0x17b: {  	v57 =	vld [tilespmem:$0xE9A0]  }
0x17c: {  	v58 =	vld [tilespmem:$0xEA20]  }
0x17d: {  	v27 =	vld [tilespmem:$0xE630]  }
0x17e: {  	v28 =	vld [tilespmem:$0xE6B0]  }
0x17f: {  	v29 =	vld [tilespmem:$0xE730]  }
0x180: {  	v30 =	vld [tilespmem:$0xE7B0]  }
0x181: {  	v59 =	vld [tilespmem:$0xE830]  }
0x182: {  	v32 =	vld [tilespmem:$0xE8B0]  }
0x183: {  	v33 =	vld [tilespmem:$0xE930]  }
0x184: {  	v34 =	vld [tilespmem:$0xE9B0]  }
0x185: {  	v60 =	vld [tilespmem:$0xEA30]  }
0x186: {  	v36 =	vld [tilespmem:$0xE640]  }
0x187: {  	v7 =	vld [tilespmem:$0xE6C0];
	v4 =	vsub.f32 v39, v61;
	v5 =	vsub.f32 v40, v62  }
0x188: {  	v8 =	vld [tilespmem:$0xE740];
	v1 =	vsub.f32 v42, v61;
	v2 =	vsub.f32 v43, v62  }
0x189: {  	v3 =	vld [tilespmem:$0xE840];
	v6 =	vsub.f32 v41, v0;
	v0 =	vsub.f32 v63, v0  }
0x18a: {  	v16 =	vld [tilespmem:$0xE650];
	v12 =	vsub.f32 v45, v9;
	v13 =	vsub.f32 v46, v10  }
0x18b: {  	v22 =	vld [tilespmem:$0xE6D0];
	v17 =	vsub.f32 v50, v44;
	v44 =	vsub.f32 v47, v44  }
0x18c: {  	v23 =	vld [tilespmem:$0xE750];
	v10 =	vsub.f32 v49, v10;
	v9 =	vsub.f32 v48, v9  }
0x18d: {  	v21 =	vld [tilespmem:$0xE7D0];
	v49 =	vsub.f32 v54, v51;
	v50 =	vsub.f32 v55, v52  }
0x18e: {  	v25 =	vld [tilespmem:$0xE850];
	v19 =	vsub.f32 v57, v51;
	v20 =	vsub.f32 v58, v52  }
0x18f: {  	v31 =	vld [tilespmem:$0xE6E0];
	v51 =	vsub.f32 v53, v18;
	v61 =	vmul.f32 v2, v4;
	v62 =	vmul.f32 v1, v5  }
0x190: {  	v11 =	vld [tilespmem:$0xE7E0];
	v18 =	vsub.f32 v56, v18;
	v5 =	vmul.f32 v6, v5;
	v2 =	vmul.f32 v2, v0  }
0x191: {  	v39 =	vld [tilespmem:$0xE7C0];
	v57 =	vsub.f32 v59, v28;
	v0 =	vmul.f32 v1, v0;
	v4 =	vmul.f32 v6, v4  }
0x192: {  	v63 =	vld [tilespmem:$0xE8C0];
	v58 =	vsub.f32 v60, v29;
	v46 =	vmul.f32 v17, v13;
	v14 =	vmul.f32 v10, v44  }
0x193: {  	v40 =	vld [tilespmem:$0xE940];
	v60 =	vsub.f32 v30, v27;
	v48 =	vmul.f32 v17, v12;
	v10 =	vmul.f32 v10, v12  }
0x194: {  	v45 =	vld [tilespmem:$0xE9C0];
	v28 =	vsub.f32 v34, v28;
	v1 =	vmul.f32 v9, v44;
	v9 =	vmul.f32 v9, v13  }
0x195: {  	v47 =	vld [tilespmem:$0xEA40];
	v27 =	vsub.f32 v33, v27;
	v52 =	vmul.f32 v20, v49;
	v53 =	vmul.f32 v19, v50  }
0x196: {  	v56 =	vld [tilespmem:$0xE9D0];
	v3 =	vsub.f32 v3, v7;
	v54 =	vmul.f32 v18, v50;
	v55 =	vmul.f32 v20, v51  }
0x197: {  	v59 =	vld [tilespmem:$0xEA50];
	v13 =	vmul.f32 v19, v51;
	v37 =	vsub.f32 v61, v62;
	v2 =	vsub.f32 v5, v2  }
0x198: {  	v30 =	vld [tilespmem:$0xE660];
	v12 =	vmul.f32 v18, v49;
	v0 =	vsub.f32 v0, v4;
	v5 =	vsub.f32 v46, v14  }
0x199: {  	v43 =	vld [tilespmem:$0xE8E0];
	v19 =	vmul.f32 v28, v60;
	v1 =	vsub.f32 v1, v48;
	v9 =	vsub.f32 v10, v9  }
0x19a: {  	v34 =	vld [tilespmem:$0xE8F0];
	v17 =	vmul.f32 v27, v57;
	v4 =	vsub.f32 v52, v53;
	v14 =	vsub.f32 v54, v55  }
0x19b: {  	v20 =	vld [tilespmem:$0xE8D0];
	v61 =	vsub.f32 v32, v29;
	v12 =	vsub.f32 v13, v12  }
0x19c: {  	v49 =	vld [tilespmem:$0xE9E0];
	v17 =	vsub.f32 v19, v17;
	v54 =	vsub.f32 v25, v22  }
0x19d: {  	v51 =	vld [tilespmem:$0xEA60];
	v7 =	vsub.f32 v45, v7;
	v63 =	vsub.f32 v63, v8  }
0x19e: {  	v24 =	vmul.f32 v58, v60;
	v10 =	vld [tilespmem:$0xE950];
	v6 =	vsub.f32 v47, v8;
	v41 =	vsub.f32 v39, v36;
	[tilespmem:$0xF000] =	vst v37  }
0x19f: {  	v62 =	vmul.f32 v58, v57;
	v32 =	vld [tilespmem:$0xE760];
	v42 =	vsub.f32 v40, v36;
	v15 =	vsub.f32 v56, v22;
	[tilespmem:$0xF080] =	vst v2  }
0x1a0: {  	v46 =	vld [tilespmem:$0xE960];
	v57 =	vsub.f32 v59, v23;
	v28 =	vmul.f32 v28, v61;
	v18 =	vmul.f32 v27, v61;
	[tilespmem:$0xF100] =	vst v0  }
0x1a1: {  	v55 =	vld [tilespmem:$0xE6F0];
	v11 =	vsub.f32 v11, v30;
	[tilespmem:$0xF010] =	vst v5;
	v44 =	vmul.f32 v6, v3;
	v45 =	vmul.f32 v7, v63  }
0x1a2: {  	v58 =	vld [tilespmem:$0xE770];
	[tilespmem:$0xF090] =	vst v1;
	v61 =	vsub.f32 v21, v16;
	v48 =	vmul.f32 v42, v63;
	v6 =	vmul.f32 v6, v41  }
0x1a3: {  	v8 =	vld [tilespmem:$0xE860];
	[tilespmem:$0xF110] =	vst v9;
	v7 =	vmul.f32 v7, v41;
	v56 =	vsub.f32 v20, v23;
	v33 =	vsub.f32 v49, v31  }
0x1a4: {  	v39 =	vld [tilespmem:$0xE9F0];
	[tilespmem:$0xF020] =	vst v4;
	v53 =	vmul.f32 v42, v3;
	v47 =	vsub.f32 v62, v28;
	v50 =	vsub.f32 v18, v24  }
0x1a5: {  	v60 =	vld [tilespmem:$0xE7F0];
	[tilespmem:$0xF0A0] =	vst v14;
	v62 =	vmul.f32 v57, v54;
	v52 =	vsub.f32 v44, v45;
	v6 =	vsub.f32 v48, v6  }
0x1a6: {  	v13 =	vld [tilespmem:$0xE670];
	[tilespmem:$0xF120] =	vst v12;
	v36 =	vmul.f32 v57, v61;
	v1 =	vsub.f32 v7, v53;
	v59 =	vsub.f32 v10, v16  }
0x1a7: {  	[tilespmem:$0xF130] =	vst v17;
	v41 =	vld [tilespmem:$0xEA70];
	v63 =	vmul.f32 v15, v56;
	v38 =	vsub.f32 v43, v32;
	v18 =	vsub.f32 v51, v32  }
0x1a8: {  	v28 =	vld [tilespmem:$0xE870];
	v10 =	vmul.f32 v15, v61;
	v45 =	vsub.f32 v46, v30;
	v51 =	vsub.f32 v34, v58;
	[tilespmem:$0xF030] =	vst v47  }
0x1a9: {  	v44 =	vld [tilespmem:$0xE970];
	v48 =	vmul.f32 v33, v11;
	v8 =	vsub.f32 v8, v31;
	[tilespmem:$0xF0B0] =	vst v50;
	v50 =	vsub.f32 v39, v55  }
0x1aa: {  	v9 =	vmul.f32 v59, v56;
	v40 =	vsub.f32 v62, v63;
	v3 =	vmul.f32 v59, v54;
	[tilespmem:$0xF040] =	vst v52  }
0x1ab: {  	v43 =	vmul.f32 v33, v38;
	[tilespmem:$0xF0C0] =	vst v6;
	v47 =	vmul.f32 v18, v11;
	v54 =	vsub.f32 v60, v13  }
0x1ac: {  	[tilespmem:$0xF140] =	vst v1;
	v52 =	vmul.f32 v45, v38;
	v4 =	vsub.f32 v41, v58;
	v2 =	vsub.f32 v9, v36  }
0x1ad: {  	v42 =	vmul.f32 v18, v8;
	v3 =	vsub.f32 v10, v3;
	v49 =	vsub.f32 v28, v55;
	[tilespmem:$0xF050] =	vst v40  }
0x1ae: {  	v53 =	vmul.f32 v45, v8;
	v56 =	vsub.f32 v52, v47;
	v55 =	vsub.f32 v44, v13;
	[tilespmem:$0xF0D0] =	vst v2  }
0x1af: {  	v58 =	vmul.f32 v50, v51;
	v46 =	vsub.f32 v42, v43;
	[tilespmem:$0xF150] =	vst v3;
	v57 =	vmul.f32 v4, v49  }
0x1b0: {  	v1 =	vsub.f32 v48, v53;
	v59 =	vmul.f32 v4, v54;
	[tilespmem:$0xF0E0] =	vst v56;
	v0 =	vmul.f32 v55, v51  }
0x1b1: {  	v61 =	vmul.f32 v50, v54;
	[tilespmem:$0xF060] =	vst v46;
	v62 =	vmul.f32 v55, v49;
	v60 =	vsub.f32 v57, v58  }
0x1b2: {  	[tilespmem:$0xF160] =	vst v1;
	v0 =	vsub.f32 v0, v59  }
0x1b3: {  	v63 =	vsub.f32 v61, v62;
	[tilespmem:$0xF070] =	vst v60  }
0x1b4: {  	[tilespmem:$0xF0F0] =	vst v0  }
0x1b5: {  	[tilespmem:$0xF170] =	vst v63  }
0x1b6: {  	[spmem:s4] =	stream.indirect.scatter.add.f32 [tilespmem:s11], [sflag:$0x4], $0x1, s26, s13, $0xb8;
	[tilespmem:$0xF200] =	vst v63  }
0x1b7: {  	_ = 	snop  }
0x1b8: {  	[spmem:s6] =	stream.indirect.scatter.add.f32 [tilespmem:s19], [sflag:$0x4], $0x1, s26, s13, $0xb8;
	[tilespmem:$0xF200] =	vst v63  }
0x1b9: {  	_ = 	snop  }
0x1ba: {  	[spmem:s7] =	stream.indirect.scatter.add.f32 [tilespmem:s20], [sflag:$0x4], $0x1, s26, s13, $0xb8;
	[tilespmem:$0xF200] =	vst v63  }
0x1bb: {  	_ = 	snop  }
0x1bc: {  	[spmem:s4] =	stream.indirect.scatter.add.f32 [tilespmem:s11], [sflag:$0x4], $0x1, s28, s13, $0xb8;
	[tilespmem:$0xF200] =	vst v63  }
0x1bd: {  	_ = 	snop  }
0x1be: {  	[spmem:s6] =	stream.indirect.scatter.add.f32 [tilespmem:s19], [sflag:$0x4], $0x1, s28, s13, $0xb8;
	[tilespmem:$0xF200] =	vst v63  }
0x1bf: {  	s25 =	sadd.s32 $0x400, s25  }
0x1c0: {  	[spmem:s7] =	stream.indirect.scatter.add.f32 [tilespmem:s20], [sflag:$0x4], $0x1, s28, s13, $0xb8;
	[tilespmem:$0xF200] =	vst v63  }
0x1c1: {  	p0 =	sne.s32 s25, $0x6400  }
0x1c2: {  	[spmem:s4] =	stream.indirect.scatter.add.f32 [tilespmem:s11], [sflag:$0x4], $0x1, s10, s13, $0xb8;
	[tilespmem:$0xF200] =	vst v63  }
.Ltmp0:
0x1c3: {  	_ = 	snop;
	(pc) =	sbr.rel @p0 .LBB2_2-.Ltmp0, $4  }
0x1c4: {  	_ = 	snop  }
0x1c5: {  	[spmem:s6] =	stream.indirect.scatter.add.f32 [tilespmem:s19], [sflag:$0x4], $0x1, s10, s13, $0xb8;
	[tilespmem:$0xF200] =	vst v63  }
0x1c6: {  	_ = 	snop  }
0x1c7: {  	[spmem:s7] =	stream.indirect.scatter.add.f32 [tilespmem:s20], [sflag:$0x4], $0x1, s10, s13, $0xb8;
	[tilespmem:$0xF200] =	vst v63  }
0x1c8: {  	_ =	swait.ge [sflag:s5], $0x80  }
0x1c9: {  	[sflag:s5] =	ssyncset.done $0x0  }
0x1ca: {  	[sflag:s5] =	ssyncadd.s32 $0xFFFFFF80  }
0x1cb: {  	_ =	swait.ge [sflag:s5], $0x80  }
0x1cc: {  	[sflag:s5] =	ssyncset.done $0x0  }
0x1cd: {  	[sflag:s5] =	ssyncadd.s32 $0xFFFFFF80  }
0x1ce: {  	_ =	swait.ge [sflag:s5], $0x80  }
0x1cf: {  	[sflag:s5] =	ssyncset.done $0x0  }
0x1d0: {  	[sflag:s5] =	ssyncadd.s32 $0xFFFFFF80  }
0x1d1: {  	_ =	swait.ge [sflag:s5], $0x80  }
0x1d2: {  	[sflag:s5] =	ssyncset.done $0x0  }
0x1d3: {  	[sflag:s5] =	ssyncadd.s32 $0xFFFFFF80  }
0x1d4: {  	_ =	swait.ge [sflag:s5], $0x80  }
0x1d5: {  	[sflag:s5] =	ssyncset.done $0x0  }
0x1d6: {  	[sflag:s5] =	ssyncadd.s32 $0xFFFFFF80  }
0x1d7: {  	_ =	swait.ge [sflag:s5], $0x80  }
0x1d8: {  	[sflag:s5] =	ssyncset.done $0x0  }
0x1d9: {  	[sflag:s5] =	ssyncadd.s32 $0xFFFFFF80  }
0x1da: {  	_ =	swait.ge [sflag:s5], $0x80  }
0x1db: {  	[sflag:s5] =	ssyncset.done $0x0  }
0x1dc: {  	[sflag:s5] =	ssyncadd.s32 $0xFFFFFF80  }
0x1dd: {  	_ =	swait.ge [sflag:s5], $0x80  }
0x1de: {  	[sflag:s5] =	ssyncset.done $0x0  }
0x1df: {  	[sflag:s5] =	ssyncadd.s32 $0xFFFFFF80  }
0x1e0: {  	_ =	swait.ge [sflag:s5], $0x80  }
0x1e1: {  	[sflag:s5] =	ssyncset.done $0x0  }
0x1e2: {  	[sflag:s5] =	ssyncadd.s32 $0xFFFFFF80  }
0x1e3: {  	_ =	swait.ge [sflag:s2], $0x80  }
0x1e4: {  	[sflag:s2] =	ssyncset.done $0x0  }
0x1e5: {  	[sflag:s2] =	ssyncadd.s32 $0xFFFFFF80  }
0x1e6: {  	_ =	swait.ge [sflag:s2], $0x80  }
0x1e7: {  	[sflag:s2] =	ssyncset.done $0x0  }
0x1e8: {  	[sflag:s2] =	ssyncadd.s32 $0xFFFFFF80  }
0x1e9: {  	_ =	swait.ge [sflag:s2], $0x80  }
0x1ea: {  	[sflag:s2] =	ssyncset.done $0x0  }
0x1eb: {  	[sflag:s2] =	ssyncadd.s32 $0xFFFFFF80  }
0x1ec: {  	_ =	swait.ge [sflag:s2], $0x80  }
0x1ed: {  	[sflag:s2] =	ssyncset.done $0x0  }
0x1ee: {  	[sflag:s2] =	ssyncadd.s32 $0xFFFFFF80  }
0x1ef: {  	_ =	swait.ge [sflag:s2], $0x80  }
0x1f0: {  	[sflag:s2] =	ssyncset.done $0x0  }
0x1f1: {  	[sflag:s2] =	ssyncadd.s32 $0xFFFFFF80  }
0x1f2: {  	_ =	swait.ge [sflag:s2], $0x80  }
0x1f3: {  	[sflag:s2] =	ssyncset.done $0x0  }
0x1f4: {  	[sflag:s2] =	ssyncadd.s32 $0xFFFFFF80  }
0x1f5: {  	_ =	swait.ge [sflag:s2], $0x80  }
0x1f6: {  	[sflag:s2] =	ssyncset.done $0x0  }
0x1f7: {  	[sflag:s2] =	ssyncadd.s32 $0xFFFFFF80  }
0x1f8: {  	_ =	swait.ge [sflag:s2], $0x80  }
0x1f9: {  	[sflag:s2] =	ssyncset.done $0x0  }
0x1fa: {  	[sflag:s2] =	ssyncadd.s32 $0xFFFFFF80  }
0x1fb: {  	_ =	swait.ge [sflag:s2], $0x80  }
0x1fc: {  	[sflag:s2] =	ssyncset.done $0x0  }
0x1fd: {  	[sflag:s2] =	ssyncadd.s32 $0xFFFFFF80  }
0x1fe: {  	[bflag:$0x0] =	sbarrier.arrive $0xFFFF  }
0x1ff: {  	s8 =	rddreg [dreg:$0x13]  }
0x200: {  	s10 =	rddreg [dreg:$0x1a];
	s8 =	sor.u32 $0x1C01, s8  }
0x201: {  	[hbm:s10], [sflag:s8] =	dma.local [spmem:s22], $0x310  }
0x202: {  	s10 =	rddreg [dreg:$0x1b]  }
0x203: {  	[hbm:s10], [sflag:s8] =	dma.local [spmem:s23], $0x310  }
0x204: {  	s10 =	rddreg [dreg:$0x1c]  }
0x205: {  	[hbm:s10], [sflag:s8] =	dma.local [spmem:s24], $0x310  }
0x206: {  	_ =	swait.ge [sflag:s14], $0x310  }
0x207: {  	[sflag:s14] =	ssyncset.done $0x0  }
0x208: {  	[sflag:s14] =	ssyncadd.s32 $0xFFFFFCF0  }
0x209: {  	_ =	swait.ge [sflag:s14], $0x310  }
0x20a: {  	[sflag:s14] =	ssyncset.done $0x0  }
0x20b: {  	[sflag:s14] =	ssyncadd.s32 $0xFFFFFCF0  }
0x20c: {  	_ =	swait.ge [sflag:s14], $0x310  }
0x20d: {  	s21 =	sadd.s32 $0x1, s21;
	s31 =	rddreg [dreg:$0x1d]  }
0x20e: {  	p0 =	sne.s32 s21, s31  }
.Ltmp1:
0x20f: {  	_ = 	snop;
	(pc) =	sbr.rel @p0 .LBB2_1-.Ltmp1, $3  }
0x210: {  	_ =	sdelay $0x1  }
0x211: {  	[sflag:s14] =	ssyncset.done $0x0  }
0x212: {  	[sflag:s14] =	ssyncadd.s32 $0xFFFFFCF0  }
0x213: {  	_ =	sfence.sel $0x180000  }
0x214: {  	[bflag:$0x0] =	sbarrier.arrive $0xFFFF  }
0x215: {  	_ =	strace $0x90000047  }
0x216: {  	s0 =	stileid.u32;
	[bflag:$0x2] =	sbarrier.arrive $0xFFFF  }
0x217: {  	p0 =	sne.s32 s0, $0x0;
	s0 =	rddreg [dreg:$0x8]  }
0x218: {  	s0 =	sadd.s32 @!p0 $0x100000, s0  }
0x219: {  	[sflag:s0] =	ssyncadd.tile.s32 @!p0 $0x1;
	_ =	shalt  }
.Lfunc_end2:
_tile_overlayer_lowered:
.L_overlay_start_2:
0x21a: {  	(tag) =	ssettag $0x2  }
0x21b: {  	s0 =	rddreg [dreg:$0x0];
	s2 =	stileid.u32  }
0x21c: {  	s1 =	rddreg [dreg:$0x1];
	p0 =	sne.s32 s2, $0x0  }
0x21d: {  	s3 =	rddreg [dreg:$0x2];
	[bflag:$0x3] =	sbarrier.arrive $0xFFFF;
	s2 =	simm.s32 @!p0 $0x1C05  }
0x21e: {  	[timem:s3], [sflag:s2] =	dma.local @!p0 [hbm:s0], s1  }
0x21f: {  	s0 =	simm.s32 @!p0 $0x5  }
0x220: {  	_ =	swait.ge @!p0 [sflag:s0], s1  }
0x221: {  	s1 =	ssub.s32 @!p0 $0x0, s1;
	[sflag:s0] =	ssyncset.done @!p0 $0x0  }
0x222: {  	[sflag:s0] =	ssyncadd.s32 @!p0 s1  }
0x223: {  	[bflag:$0x3] =	sbarrier.arrive $0xFFFF  }
0x224: {  	_ =	shalt  }

</sc_bundles>
